<compile_context>
chip_gen: v7x
topology: tpu7x:2x2x1
jax: 0.10.2.dev20260603
libtpu: 0.0.44.dev20260713+nightly
codegen_flags: <defaults>
</compile_context>

<pallas_src>
import jax
import jax.numpy as jnp
from jax import lax
from jax.experimental import pallas as pl
from jax.experimental.pallas import tpu as pltpu
from jax.experimental.pallas import tpu_sc as plsc

N_NODES = 10000
N_EDGES = 320000
D = 128

NC = 2
NS = 16
DH = D // NC
CH = 64
NCH = 320
EPT = CH * NCH
E_PAD = EPT * NS
ROWS_PER_TILE = 632
N_PAD = ROWS_PER_TILE * NS

NBUF = 8
LEAD = 4
NH = 4
NCH_H = NCH // NH


XROWS = N_NODES // NS


def _agg_body(x_hbm, src_hbm, dst_hbm, out_hbm,
              src_v, dst_v, rows_v, x_sp, acc, *sems):
    cid = lax.axis_index("c")
    sid = lax.axis_index("s")
    slab = pl.ds(sid * ROWS_PER_TILE, ROWS_PER_TILE)
    cols = pl.ds(cid * DH, DH)
    xslab = pl.ds(sid * XROWS, XROWS)

    cpx = pltpu.async_copy(x_hbm.at[xslab, cols], x_sp.at[xslab], sems[0])

    zrow = jnp.zeros((16,), jnp.float32)

    def zero_row(r, carry):
        for c4 in range(DH // 16):
            rows_v[0, r, pl.ds(c4 * 16, 16)] = zrow
        return carry

    lax.fori_loop(0, CH, zero_row, 0)
    for i in range(ROWS_PER_TILE // CH):
        pltpu.sync_copy(rows_v.at[0],
                        acc.at[pl.ds(sid * ROWS_PER_TILE + i * CH, CH)])
    _rem = ROWS_PER_TILE % CH
    if _rem:
        pltpu.sync_copy(
            rows_v.at[0, pl.ds(0, _rem)],
            acc.at[pl.ds(sid * ROWS_PER_TILE + ROWS_PER_TILE - _rem, _rem)])
    cpx.wait()
    plsc.subcore_barrier()

    gsems = sems[:NBUF]
    ssems = sems[NBUF:]

    def wait_gather(k, b):
        pltpu.make_async_copy(
            x_sp.at[src_v.at[k]], rows_v.at[b], gsems[b]).wait()

    def wait_scatter(b):
        pltpu.make_async_copy(
            rows_v.at[b], acc.at[dst_v.at[0]], ssems[b]).wait()

    for h in range(NH):
        pltpu.sync_copy(src_hbm.at[sid, pl.ds(h * NCH_H, NCH_H)], src_v)
        pltpu.sync_copy(dst_hbm.at[sid, pl.ds(h * NCH_H, NCH_H)], dst_v)
        for b in range(LEAD):
            pltpu.async_copy(x_sp.at[src_v.at[b]], rows_v.at[b], gsems[b])

        def ring(j, carry):
            for u in range(NBUF):
                k = j * NBUF + u
                b = u
                wait_gather(k, b)
                pltpu.async_copy(
                    rows_v.at[b], acc.at[dst_v.at[k]], ssems[b], add=True)
                nb = (u + LEAD) % NBUF

                @pl.when(k + LEAD < NCH_H)
                def _():
                    @pl.when(k + LEAD >= NBUF)
                    def _():
                        wait_scatter(nb)
                    pltpu.async_copy(
                        x_sp.at[src_v.at[k + LEAD]], rows_v.at[nb], gsems[nb])
            return carry

        lax.fori_loop(0, NCH_H // NBUF, ring, 0)
        for k in range(NCH_H - NBUF, NCH_H):
            wait_scatter(k % NBUF)
    plsc.subcore_barrier()

    pltpu.sync_copy(acc.at[slab], out_hbm.at[slab, cols])


_agg = pl.kernel(
    _agg_body,
    out_type=jax.ShapeDtypeStruct((N_PAD, D), jnp.float32),
    mesh=plsc.VectorSubcoreMesh(core_axis_name="c", subcore_axis_name="s"),
    scratch_types=[
        pltpu.VMEM((NCH_H, CH), jnp.int32),
        pltpu.VMEM((NCH_H, CH), jnp.int32),
        pltpu.VMEM((NBUF, CH, DH), jnp.float32),
        pltpu.VMEM_SHARED((N_PAD, DH), jnp.float32),
        pltpu.VMEM_SHARED((N_PAD, DH), jnp.float32),
    ] + [pltpu.SemaphoreType.DMA] * (2 * NBUF),
    compiler_params=pltpu.CompilerParams(use_tc_tiling_on_sc=False),
)


def _mm_body(p_ref, w_ref, o_ref):
    o_ref[...] = jnp.dot(p_ref[...], w_ref[...],
                         preferred_element_type=jnp.float32)


_BM = 1000


def _combine_matmul(agg, W):
    return pl.pallas_call(
        _mm_body,
        grid=(N_NODES // _BM,),
        in_specs=[
            pl.BlockSpec((_BM, D), lambda i: (i, 0)),
            pl.BlockSpec((D, D), lambda i: (0, 0)),
        ],
        out_specs=pl.BlockSpec((_BM, D), lambda i: (i, 0)),
        out_shape=jax.ShapeDtypeStruct((N_NODES, D), jnp.float32),
    )(agg, W)


@jax.jit
def kernel(x, edge_index, W):
    src = edge_index[0].astype(jnp.int32)
    dst = edge_index[1].astype(jnp.int32)
    pad = E_PAD - N_EDGES
    src_p = jnp.concatenate([src, jnp.zeros((pad,), jnp.int32)])
    dst_p = jnp.concatenate([dst, jnp.full((pad,), N_NODES, jnp.int32)])
    src_p = src_p.reshape(NS, NCH, CH)
    dst_p = dst_p.reshape(NS, NCH, CH)
    agg = _agg(x, src_p, dst_p)
    return _combine_matmul(agg, W)

# --- scband reference (transcript-rebuilt; emitter-appended) ---
"""Pipeline reference for scband-graph-convolution-61065845015206 (READ-ONLY COPY).

The authoritative reference and input builder live on the scoring server;
editing this copy changes nothing except your own understanding.
"""

import jax, jax.numpy as jnp
import numpy as np

N_NODES = 10000
N_EDGES = 320000
D_IN = 128
D_OUT = 128


def setup_inputs(seed: int = 0) -> dict:
    key = jax.random.key(seed)
    k_x, k_e, k_w = jax.random.split(key, 3)
    x = jax.random.normal(k_x, (N_NODES, D_IN), dtype=jnp.float32)
    edge_index = jax.random.randint(k_e, (2, N_EDGES), 0, N_NODES, dtype=jnp.int64 if jax.config.jax_enable_x64 else jnp.int32)
    # kernel initialized uniform(-stdv, stdv) with stdv = 1/sqrt(output_channels), matching reset_parameters
    stdv = 1.0 / np.sqrt(D_OUT)
    W = jax.random.uniform(k_w, (D_IN, D_OUT), dtype=jnp.float32, minval=-stdv, maxval=stdv)
    return {"x": x, "edge_index": edge_index, "W": W}


def reference(x, edge_index, W):
    # h = torch.spmm(x, kernel)  (x is dense here; plain matmul)
    h = x @ W
    # output = torch.spmm(adj, h) where adj is sparse with unit values at (dst, src):
    # out[dst] += h[src]  -> gather + scatter-add (segment_sum)
    src = edge_index[0]
    dst = edge_index[1]
    msgs = jnp.take(h, src, axis=0)
    out = jax.ops.segment_sum(msgs, dst, num_segments=x.shape[0])
    # use_bias=False, so no bias add
    return out

if __name__ == "__main__":
    import jax
    _d = setup_inputs()
    print(jax.jit(kernel)(*tuple(_d.values())))

</pallas_src>

<mosaic_0001>
#map = affine_map<(d0, d1) -> (0, 0)>
#map1 = affine_map<(d0, d1) -> (0, 0, 0)>
module attributes {stable_mosaic.version = 14 : i64} {
  func.func @_agg_body(%arg0: i32, %arg1: i32, %arg2: memref<10000x128xf32, #tpu.memory_space<hbm>>, %arg3: memref<16x320x64xi32, #tpu.memory_space<hbm>>, %arg4: memref<16x320x64xi32, #tpu.memory_space<hbm>>, %arg5: memref<10112x128xf32, #tpu.memory_space<hbm>>, %arg6: memref<80x64xi32, #tpu.memory_space<vmem>>, %arg7: memref<80x64xi32, #tpu.memory_space<vmem>>, %arg8: memref<8x64x64xf32, #tpu.memory_space<vmem>>, %arg9: memref<10112x64xf32, #tpu.memory_space<vmem_shared>>, %arg10: memref<10112x64xf32, #tpu.memory_space<vmem_shared>>, %arg11: memref<!tpu.dma_semaphore, #tpu.memory_space<semaphore_mem>>, %arg12: memref<!tpu.dma_semaphore, #tpu.memory_space<semaphore_mem>>, %arg13: memref<!tpu.dma_semaphore, #tpu.memory_space<semaphore_mem>>, %arg14: memref<!tpu.dma_semaphore, #tpu.memory_space<semaphore_mem>>, %arg15: memref<!tpu.dma_semaphore, #tpu.memory_space<semaphore_mem>>, %arg16: memref<!tpu.dma_semaphore, #tpu.memory_space<semaphore_mem>>, %arg17: memref<!tpu.dma_semaphore, #tpu.memory_space<semaphore_mem>>, %arg18: memref<!tpu.dma_semaphore, #tpu.memory_space<semaphore_mem>>, %arg19: memref<!tpu.dma_semaphore, #tpu.memory_space<semaphore_mem>>, %arg20: memref<!tpu.dma_semaphore, #tpu.memory_space<semaphore_mem>>, %arg21: memref<!tpu.dma_semaphore, #tpu.memory_space<semaphore_mem>>, %arg22: memref<!tpu.dma_semaphore, #tpu.memory_space<semaphore_mem>>, %arg23: memref<!tpu.dma_semaphore, #tpu.memory_space<semaphore_mem>>, %arg24: memref<!tpu.dma_semaphore, #tpu.memory_space<semaphore_mem>>, %arg25: memref<!tpu.dma_semaphore, #tpu.memory_space<semaphore_mem>>, %arg26: memref<!tpu.dma_semaphore, #tpu.memory_space<semaphore_mem>>) attributes {dimension_semantics = [#tpu.dimension_semantics<core_parallel>, #tpu.dimension_semantics<subcore_parallel>], iteration_bounds = array<i64: 2, 16>, scalar_prefetch = 0 : i64, scratch_operands = 21 : i64, tpu.core_type = #tpu.core_type<sc_vector_subcore>, window_params = [{transform_indices = #map}, {transform_indices = #map1}, {transform_indices = #map1}, {transform_indices = #map}]} {
    %mul3A = arith.constant 632 : i32
    %mul3A_0 = arith.muli %arg1, %mul3A : i32
    %mul3A_1 = arith.constant 64 : i32
    %mul3A_2 = arith.muli %arg0, %mul3A_1 : i32
    %mul3A_3 = arith.constant 625 : i32
    %mul3A_4 = arith.muli %arg1, %mul3A_3 : i32
    %dma_start3A = arith.constant 0 : i32
    %dma_start3A_5 = tpu.memref_slice %arg9[%mul3A_4, %dma_start3A] : memref<10112x64xf32, #tpu.memory_space<vmem_shared>> -> memref<625x64xf32, #tpu.memory_space<vmem_shared>>
    %dma_start3A_6 = tpu.memref_slice %arg2[%mul3A_4, %mul3A_2] : memref<10000x128xf32, #tpu.memory_space<hbm>> -> memref<625x64xf32, #tpu.memory_space<hbm>>
    tpu.enqueue_dma source(%dma_start3A_6 : memref<625x64xf32, #tpu.memory_space<hbm>>) target(%dma_start3A_5 : memref<625x64xf32, #tpu.memory_space<vmem_shared>>) target_semaphore(%arg11 : memref<!tpu.dma_semaphore, #tpu.memory_space<semaphore_mem>>)
    %broadcast_in_dim3A = arith.constant 0.000000e+00 : f32
    %broadcast_in_dim3A_7 = vector.broadcast %broadcast_in_dim3A : f32 to vector<16xf32>
    %scan3A = arith.constant 0 : i32
    %scan3A_8 = arith.constant 0 : i32
    %scan3A_9 = arith.constant 64 : i32
    %scan3A_10 = arith.addi %scan3A_8, %scan3A_9 : i32
    %scan3A_11 = arith.constant 1 : i32
    scf.for %scan3A_665 = %scan3A_8 to %scan3A_10 step %scan3A_11  : i32 {
      %swap3A = arith.constant 0 : i32
      %swap3A_666 = arith.index_cast %swap3A : i32 to index
      %swap3A_667 = arith.index_cast %scan3A_665 : i32 to index
      %swap3A_668 = arith.constant 0 : index
      %swap3A_669 = tpu.vector_load %arg8[%swap3A_666, %swap3A_667, %swap3A_668] {strides = array<i32>} : memref<8x64x64xf32, #tpu.memory_space<vmem>>, vector<1x1x16xf32>,
      %swap3A_670 = vector.shape_cast %swap3A_669 : vector<1x1x16xf32> to vector<16xf32>
      %swap3A_671 = vector.shape_cast %broadcast_in_dim3A_7 : vector<16xf32> to vector<1x1x16xf32>
      tpu.vector_store %arg8[%swap3A_666, %swap3A_667, %swap3A_668], %swap3A_671 {strides = array<i32>} : memref<8x64x64xf32, #tpu.memory_space<vmem>>, vector<1x1x16xf32>,
      %swap3A_672 = arith.constant 0 : i32
      %swap3A_673 = arith.index_cast %swap3A_672 : i32 to index
      %swap3A_674 = arith.index_cast %scan3A_665 : i32 to index
      %swap3A_675 = arith.constant 16 : index
      %swap3A_676 = tpu.vector_load %arg8[%swap3A_673, %swap3A_674, %swap3A_675] {strides = array<i32>} : memref<8x64x64xf32, #tpu.memory_space<vmem>>, vector<1x1x16xf32>,
      %swap3A_677 = vector.shape_cast %swap3A_676 : vector<1x1x16xf32> to vector<16xf32>
      %swap3A_678 = vector.shape_cast %broadcast_in_dim3A_7 : vector<16xf32> to vector<1x1x16xf32>
      tpu.vector_store %arg8[%swap3A_673, %swap3A_674, %swap3A_675], %swap3A_678 {strides = array<i32>} : memref<8x64x64xf32, #tpu.memory_space<vmem>>, vector<1x1x16xf32>,
      %swap3A_679 = arith.constant 0 : i32
      %swap3A_680 = arith.index_cast %swap3A_679 : i32 to index
      %swap3A_681 = arith.index_cast %scan3A_665 : i32 to index
      %swap3A_682 = arith.constant 32 : index
      %swap3A_683 = tpu.vector_load %arg8[%swap3A_680, %swap3A_681, %swap3A_682] {strides = array<i32>} : memref<8x64x64xf32, #tpu.memory_space<vmem>>, vector<1x1x16xf32>,
      %swap3A_684 = vector.shape_cast %swap3A_683 : vector<1x1x16xf32> to vector<16xf32>
      %swap3A_685 = vector.shape_cast %broadcast_in_dim3A_7 : vector<16xf32> to vector<1x1x16xf32>
      tpu.vector_store %arg8[%swap3A_680, %swap3A_681, %swap3A_682], %swap3A_685 {strides = array<i32>} : memref<8x64x64xf32, #tpu.memory_space<vmem>>, vector<1x1x16xf32>,
      %swap3A_686 = arith.constant 0 : i32
      %swap3A_687 = arith.index_cast %swap3A_686 : i32 to index
      %swap3A_688 = arith.index_cast %scan3A_665 : i32 to index
      %swap3A_689 = arith.constant 48 : index
      %swap3A_690 = tpu.vector_load %arg8[%swap3A_687, %swap3A_688, %swap3A_689] {strides = array<i32>} : memref<8x64x64xf32, #tpu.memory_space<vmem>>, vector<1x1x16xf32>,
      %swap3A_691 = vector.shape_cast %swap3A_690 : vector<1x1x16xf32> to vector<16xf32>
      %swap3A_692 = vector.shape_cast %broadcast_in_dim3A_7 : vector<16xf32> to vector<1x1x16xf32>
      tpu.vector_store %arg8[%swap3A_687, %swap3A_688, %swap3A_689], %swap3A_692 {strides = array<i32>} : memref<8x64x64xf32, #tpu.memory_space<vmem>>, vector<1x1x16xf32>,
    }
    %scan3A_12 = arith.constant 64 : i32
    %mul3A_13 = arith.constant 632 : i32
    %mul3A_14 = arith.muli %arg1, %mul3A_13 : i32
    %add3A = arith.constant 0 : i32
    %add3A_15 = arith.addi %mul3A_14, %add3A : i32
    %run_scoped3A = arith.constant 0 : i32
    "tpu.region"() ({
      %run_scoped3A_665 = tpu.sem_alloc : memref<!tpu.dma_semaphore, #tpu.memory_space<semaphore_mem>>
      %dma_start3A_666 = arith.constant 0 : i32
      %dma_start3A_667 = arith.constant 0 : i32
      %dma_start3A_668 = tpu.memref_slice %arg8[%run_scoped3A, %dma_start3A_666, %dma_start3A_667] : memref<8x64x64xf32, #tpu.memory_space<vmem>> -> memref<1x64x64xf32, #tpu.memory_space<vmem>>
      %dma_start3A_669 = tpu.memref_squeeze %dma_start3A_668 : memref<1x64x64xf32, #tpu.memory_space<vmem>> -> memref<64x64xf32, #tpu.memory_space<vmem>>
      %dma_start3A_670 = arith.constant 0 : i32
      %dma_start3A_671 = tpu.memref_slice %arg10[%add3A_15, %dma_start3A_670] : memref<10112x64xf32, #tpu.memory_space<vmem_shared>> -> memref<64x64xf32, #tpu.memory_space<vmem_shared>>
      %dma_start3A_672 = arith.constant 0 : i32
      %dma_start3A_673 = tpu.memref_slice %arg10[%add3A_15, %dma_start3A_672] : memref<10112x64xf32, #tpu.memory_space<vmem_shared>> -> memref<64x64xf32, #tpu.memory_space<vmem_shared>>
      %dma_start3A_674 = arith.constant 0 : i32
      %dma_start3A_675 = arith.constant 0 : i32
      %dma_start3A_676 = tpu.memref_slice %arg8[%run_scoped3A, %dma_start3A_674, %dma_start3A_675] : memref<8x64x64xf32, #tpu.memory_space<vmem>> -> memref<1x64x64xf32, #tpu.memory_space<vmem>>
      %dma_start3A_677 = tpu.memref_squeeze %dma_start3A_676 : memref<1x64x64xf32, #tpu.memory_space<vmem>> -> memref<64x64xf32, #tpu.memory_space<vmem>>
      tpu.enqueue_dma source(%dma_start3A_677 : memref<64x64xf32, #tpu.memory_space<vmem>>) target(%dma_start3A_673 : memref<64x64xf32, #tpu.memory_space<vmem_shared>>) target_semaphore(%run_scoped3A_665 : memref<!tpu.dma_semaphore, #tpu.memory_space<semaphore_mem>>)
      %dma_wait3A_678 = arith.constant 0 : i32
      %dma_wait3A_679 = arith.constant 0 : i32
      %dma_wait3A_680 = tpu.memref_slice %arg8[%run_scoped3A, %dma_wait3A_678, %dma_wait3A_679] : memref<8x64x64xf32, #tpu.memory_space<vmem>> -> memref<1x64x64xf32, #tpu.memory_space<vmem>>
      %dma_wait3A_681 = tpu.memref_squeeze %dma_wait3A_680 : memref<1x64x64xf32, #tpu.memory_space<vmem>> -> memref<64x64xf32, #tpu.memory_space<vmem>>
      %dma_wait3A_682 = arith.constant 0 : i32
      %dma_wait3A_683 = tpu.memref_slice %arg10[%add3A_15, %dma_wait3A_682] : memref<10112x64xf32, #tpu.memory_space<vmem_shared>> -> memref<64x64xf32, #tpu.memory_space<vmem_shared>>
      %dma_wait3A_684 = arith.constant 0 : i32
      %dma_wait3A_685 = tpu.memref_slice %arg10[%add3A_15, %dma_wait3A_684] : memref<10112x64xf32, #tpu.memory_space<vmem_shared>> -> memref<64x64xf32, #tpu.memory_space<vmem_shared>>
      %dma_wait3A_686 = arith.constant 0 : i32
      %dma_wait3A_687 = arith.constant 0 : i32
      %dma_wait3A_688 = tpu.memref_slice %arg8[%run_scoped3A, %dma_wait3A_686, %dma_wait3A_687] : memref<8x64x64xf32, #tpu.memory_space<vmem>> -> memref<1x64x64xf32, #tpu.memory_space<vmem>>
      %dma_wait3A_689 = tpu.memref_squeeze %dma_wait3A_688 : memref<1x64x64xf32, #tpu.memory_space<vmem>> -> memref<64x64xf32, #tpu.memory_space<vmem>>
      tpu.wait_dma2 semaphore(%run_scoped3A_665 : memref<!tpu.dma_semaphore, #tpu.memory_space<semaphore_mem>>) src(%dma_wait3A_689 : memref<64x64xf32, #tpu.memory_space<vmem>>) dst(%dma_wait3A_685 : memref<64x64xf32, #tpu.memory_space<vmem_shared>>)
      tpu.yield
    }) : () -> ()
    %mul3A_16 = arith.constant 632 : i32
    %mul3A_17 = arith.muli %arg1, %mul3A_16 : i32
    %add3A_18 = arith.constant 64 : i32
    %add3A_19 = arith.addi %mul3A_17, %add3A_18 : i32
    %run_scoped3A_20 = arith.constant 0 : i32
    "tpu.region"() ({
      %run_scoped3A_665 = tpu.sem_alloc : memref<!tpu.dma_semaphore, #tpu.memory_space<semaphore_mem>>
      %dma_start3A_666 = arith.constant 0 : i32
      %dma_start3A_667 = arith.constant 0 : i32
      %dma_start3A_668 = tpu.memref_slice %arg8[%run_scoped3A_20, %dma_start3A_666, %dma_start3A_667] : memref<8x64x64xf32, #tpu.memory_space<vmem>> -> memref<1x64x64xf32, #tpu.memory_space<vmem>>
      %dma_start3A_669 = tpu.memref_squeeze %dma_start3A_668 : memref<1x64x64xf32, #tpu.memory_space<vmem>> -> memref<64x64xf32, #tpu.memory_space<vmem>>
      %dma_start3A_670 = arith.constant 0 : i32
      %dma_start3A_671 = tpu.memref_slice %arg10[%add3A_19, %dma_start3A_670] : memref<10112x64xf32, #tpu.memory_space<vmem_shared>> -> memref<64x64xf32, #tpu.memory_space<vmem_shared>>
      %dma_start3A_672 = arith.constant 0 : i32
      %dma_start3A_673 = tpu.memref_slice %arg10[%add3A_19, %dma_start3A_672] : memref<10112x64xf32, #tpu.memory_space<vmem_shared>> -> memref<64x64xf32, #tpu.memory_space<vmem_shared>>
      %dma_start3A_674 = arith.constant 0 : i32
      %dma_start3A_675 = arith.constant 0 : i32
      %dma_start3A_676 = tpu.memref_slice %arg8[%run_scoped3A_20, %dma_start3A_674, %dma_start3A_675] : memref<8x64x64xf32, #tpu.memory_space<vmem>> -> memref<1x64x64xf32, #tpu.memory_space<vmem>>
      %dma_start3A_677 = tpu.memref_squeeze %dma_start3A_676 : memref<1x64x64xf32, #tpu.memory_space<vmem>> -> memref<64x64xf32, #tpu.memory_space<vmem>>
      tpu.enqueue_dma source(%dma_start3A_677 : memref<64x64xf32, #tpu.memory_space<vmem>>) target(%dma_start3A_673 : memref<64x64xf32, #tpu.memory_space<vmem_shared>>) target_semaphore(%run_scoped3A_665 : memref<!tpu.dma_semaphore, #tpu.memory_space<semaphore_mem>>)
      %dma_wait3A_678 = arith.constant 0 : i32
      %dma_wait3A_679 = arith.constant 0 : i32
      %dma_wait3A_680 = tpu.memref_slice %arg8[%run_scoped3A_20, %dma_wait3A_678, %dma_wait3A_679] : memref<8x64x64xf32, #tpu.memory_space<vmem>> -> memref<1x64x64xf32, #tpu.memory_space<vmem>>
      %dma_wait3A_681 = tpu.memref_squeeze %dma_wait3A_680 : memref<1x64x64xf32, #tpu.memory_space<vmem>> -> memref<64x64xf32, #tpu.memory_space<vmem>>
      %dma_wait3A_682 = arith.constant 0 : i32
      %dma_wait3A_683 = tpu.memref_slice %arg10[%add3A_19, %dma_wait3A_682] : memref<10112x64xf32, #tpu.memory_space<vmem_shared>> -> memref<64x64xf32, #tpu.memory_space<vmem_shared>>
      %dma_wait3A_684 = arith.constant 0 : i32
      %dma_wait3A_685 = tpu.memref_slice %arg10[%add3A_19, %dma_wait3A_684] : memref<10112x64xf32, #tpu.memory_space<vmem_shared>> -> memref<64x64xf32, #tpu.memory_space<vmem_shared>>
      %dma_wait3A_686 = arith.constant 0 : i32
      %dma_wait3A_687 = arith.constant 0 : i32
      %dma_wait3A_688 = tpu.memref_slice %arg8[%run_scoped3A_20, %dma_wait3A_686, %dma_wait3A_687] : memref<8x64x64xf32, #tpu.memory_space<vmem>> -> memref<1x64x64xf32, #tpu.memory_space<vmem>>
      %dma_wait3A_689 = tpu.memref_squeeze %dma_wait3A_688 : memref<1x64x64xf32, #tpu.memory_space<vmem>> -> memref<64x64xf32, #tpu.memory_space<vmem>>
      tpu.wait_dma2 semaphore(%run_scoped3A_665 : memref<!tpu.dma_semaphore, #tpu.memory_space<semaphore_mem>>) src(%dma_wait3A_689 : memref<64x64xf32, #tpu.memory_space<vmem>>) dst(%dma_wait3A_685 : memref<64x64xf32, #tpu.memory_space<vmem_shared>>)
      tpu.yield
    }) : () -> ()
    %mul3A_21 = arith.constant 632 : i32
    %mul3A_22 = arith.muli %arg1, %mul3A_21 : i32
    %add3A_23 = arith.constant 128 : i32
    %add3A_24 = arith.addi %mul3A_22, %add3A_23 : i32
    %run_scoped3A_25 = arith.constant 0 : i32
    "tpu.region"() ({
      %run_scoped3A_665 = tpu.sem_alloc : memref<!tpu.dma_semaphore, #tpu.memory_space<semaphore_mem>>
      %dma_start3A_666 = arith.constant 0 : i32
      %dma_start3A_667 = arith.constant 0 : i32
      %dma_start3A_668 = tpu.memref_slice %arg8[%run_scoped3A_25, %dma_start3A_666, %dma_start3A_667] : memref<8x64x64xf32, #tpu.memory_space<vmem>> -> memref<1x64x64xf32, #tpu.memory_space<vmem>>
      %dma_start3A_669 = tpu.memref_squeeze %dma_start3A_668 : memref<1x64x64xf32, #tpu.memory_space<vmem>> -> memref<64x64xf32, #tpu.memory_space<vmem>>
      %dma_start3A_670 = arith.constant 0 : i32
      %dma_start3A_671 = tpu.memref_slice %arg10[%add3A_24, %dma_start3A_670] : memref<10112x64xf32, #tpu.memory_space<vmem_shared>> -> memref<64x64xf32, #tpu.memory_space<vmem_shared>>
      %dma_start3A_672 = arith.constant 0 : i32
      %dma_start3A_673 = tpu.memref_slice %arg10[%add3A_24, %dma_start3A_672] : memref<10112x64xf32, #tpu.memory_space<vmem_shared>> -> memref<64x64xf32, #tpu.memory_space<vmem_shared>>
      %dma_start3A_674 = arith.constant 0 : i32
      %dma_start3A_675 = arith.constant 0 : i32
      %dma_start3A_676 = tpu.memref_slice %arg8[%run_scoped3A_25, %dma_start3A_674, %dma_start3A_675] : memref<8x64x64xf32, #tpu.memory_space<vmem>> -> memref<1x64x64xf32, #tpu.memory_space<vmem>>
      %dma_start3A_677 = tpu.memref_squeeze %dma_start3A_676 : memref<1x64x64xf32, #tpu.memory_space<vmem>> -> memref<64x64xf32, #tpu.memory_space<vmem>>
      tpu.enqueue_dma source(%dma_start3A_677 : memref<64x64xf32, #tpu.memory_space<vmem>>) target(%dma_start3A_673 : memref<64x64xf32, #tpu.memory_space<vmem_shared>>) target_semaphore(%run_scoped3A_665 : memref<!tpu.dma_semaphore, #tpu.memory_space<semaphore_mem>>)
      %dma_wait3A_678 = arith.constant 0 : i32
      %dma_wait3A_679 = arith.constant 0 : i32
      %dma_wait3A_680 = tpu.memref_slice %arg8[%run_scoped3A_25, %dma_wait3A_678, %dma_wait3A_679] : memref<8x64x64xf32, #tpu.memory_space<vmem>> -> memref<1x64x64xf32, #tpu.memory_space<vmem>>
      %dma_wait3A_681 = tpu.memref_squeeze %dma_wait3A_680 : memref<1x64x64xf32, #tpu.memory_space<vmem>> -> memref<64x64xf32, #tpu.memory_space<vmem>>
      %dma_wait3A_682 = arith.constant 0 : i32
      %dma_wait3A_683 = tpu.memref_slice %arg10[%add3A_24, %dma_wait3A_682] : memref<10112x64xf32, #tpu.memory_space<vmem_shared>> -> memref<64x64xf32, #tpu.memory_space<vmem_shared>>
      %dma_wait3A_684 = arith.constant 0 : i32
      %dma_wait3A_685 = tpu.memref_slice %arg10[%add3A_24, %dma_wait3A_684] : memref<10112x64xf32, #tpu.memory_space<vmem_shared>> -> memref<64x64xf32, #tpu.memory_space<vmem_shared>>
      %dma_wait3A_686 = arith.constant 0 : i32
      %dma_wait3A_687 = arith.constant 0 : i32
      %dma_wait3A_688 = tpu.memref_slice %arg8[%run_scoped3A_25, %dma_wait3A_686, %dma_wait3A_687] : memref<8x64x64xf32, #tpu.memory_space<vmem>> -> memref<1x64x64xf32, #tpu.memory_space<vmem>>
      %dma_wait3A_689 = tpu.memref_squeeze %dma_wait3A_688 : memref<1x64x64xf32, #tpu.memory_space<vmem>> -> memref<64x64xf32, #tpu.memory_space<vmem>>
      tpu.wait_dma2 semaphore(%run_scoped3A_665 : memref<!tpu.dma_semaphore, #tpu.memory_space<semaphore_mem>>) src(%dma_wait3A_689 : memref<64x64xf32, #tpu.memory_space<vmem>>) dst(%dma_wait3A_685 : memref<64x64xf32, #tpu.memory_space<vmem_shared>>)
      tpu.yield
    }) : () -> ()
    %mul3A_26 = arith.constant 632 : i32
    %mul3A_27 = arith.muli %arg1, %mul3A_26 : i32
    %add3A_28 = arith.constant 192 : i32
    %add3A_29 = arith.addi %mul3A_27, %add3A_28 : i32
    %run_scoped3A_30 = arith.constant 0 : i32
    "tpu.region"() ({
      %run_scoped3A_665 = tpu.sem_alloc : memref<!tpu.dma_semaphore, #tpu.memory_space<semaphore_mem>>
      %dma_start3A_666 = arith.constant 0 : i32
      %dma_start3A_667 = arith.constant 0 : i32
      %dma_start3A_668 = tpu.memref_slice %arg8[%run_scoped3A_30, %dma_start3A_666, %dma_start3A_667] : memref<8x64x64xf32, #tpu.memory_space<vmem>> -> memref<1x64x64xf32, #tpu.memory_space<vmem>>
      %dma_start3A_669 = tpu.memref_squeeze %dma_start3A_668 : memref<1x64x64xf32, #tpu.memory_space<vmem>> -> memref<64x64xf32, #tpu.memory_space<vmem>>
      %dma_start3A_670 = arith.constant 0 : i32
      %dma_start3A_671 = tpu.memref_slice %arg10[%add3A_29, %dma_start3A_670] : memref<10112x64xf32, #tpu.memory_space<vmem_shared>> -> memref<64x64xf32, #tpu.memory_space<vmem_shared>>
      %dma_start3A_672 = arith.constant 0 : i32
      %dma_start3A_673 = tpu.memref_slice %arg10[%add3A_29, %dma_start3A_672] : memref<10112x64xf32, #tpu.memory_space<vmem_shared>> -> memref<64x64xf32, #tpu.memory_space<vmem_shared>>
      %dma_start3A_674 = arith.constant 0 : i32
      %dma_start3A_675 = arith.constant 0 : i32
      %dma_start3A_676 = tpu.memref_slice %arg8[%run_scoped3A_30, %dma_start3A_674, %dma_start3A_675] : memref<8x64x64xf32, #tpu.memory_space<vmem>> -> memref<1x64x64xf32, #tpu.memory_space<vmem>>
      %dma_start3A_677 = tpu.memref_squeeze %dma_start3A_676 : memref<1x64x64xf32, #tpu.memory_space<vmem>> -> memref<64x64xf32, #tpu.memory_space<vmem>>
      tpu.enqueue_dma source(%dma_start3A_677 : memref<64x64xf32, #tpu.memory_space<vmem>>) target(%dma_start3A_673 : memref<64x64xf32, #tpu.memory_space<vmem_shared>>) target_semaphore(%run_scoped3A_665 : memref<!tpu.dma_semaphore, #tpu.memory_space<semaphore_mem>>)
      %dma_wait3A_678 = arith.constant 0 : i32
      %dma_wait3A_679 = arith.constant 0 : i32
      %dma_wait3A_680 = tpu.memref_slice %arg8[%run_scoped3A_30, %dma_wait3A_678, %dma_wait3A_679] : memref<8x64x64xf32, #tpu.memory_space<vmem>> -> memref<1x64x64xf32, #tpu.memory_space<vmem>>
      %dma_wait3A_681 = tpu.memref_squeeze %dma_wait3A_680 : memref<1x64x64xf32, #tpu.memory_space<vmem>> -> memref<64x64xf32, #tpu.memory_space<vmem>>
      %dma_wait3A_682 = arith.constant 0 : i32
      %dma_wait3A_683 = tpu.memref_slice %arg10[%add3A_29, %dma_wait3A_682] : memref<10112x64xf32, #tpu.memory_space<vmem_shared>> -> memref<64x64xf32, #tpu.memory_space<vmem_shared>>
      %dma_wait3A_684 = arith.constant 0 : i32
      %dma_wait3A_685 = tpu.memref_slice %arg10[%add3A_29, %dma_wait3A_684] : memref<10112x64xf32, #tpu.memory_space<vmem_shared>> -> memref<64x64xf32, #tpu.memory_space<vmem_shared>>
      %dma_wait3A_686 = arith.constant 0 : i32
      %dma_wait3A_687 = arith.constant 0 : i32
      %dma_wait3A_688 = tpu.memref_slice %arg8[%run_scoped3A_30, %dma_wait3A_686, %dma_wait3A_687] : memref<8x64x64xf32, #tpu.memory_space<vmem>> -> memref<1x64x64xf32, #tpu.memory_space<vmem>>
      %dma_wait3A_689 = tpu.memref_squeeze %dma_wait3A_688 : memref<1x64x64xf32, #tpu.memory_space<vmem>> -> memref<64x64xf32, #tpu.memory_space<vmem>>
      tpu.wait_dma2 semaphore(%run_scoped3A_665 : memref<!tpu.dma_semaphore, #tpu.memory_space<semaphore_mem>>) src(%dma_wait3A_689 : memref<64x64xf32, #tpu.memory_space<vmem>>) dst(%dma_wait3A_685 : memref<64x64xf32, #tpu.memory_space<vmem_shared>>)
      tpu.yield
    }) : () -> ()
    %mul3A_31 = arith.constant 632 : i32
    %mul3A_32 = arith.muli %arg1, %mul3A_31 : i32
    %add3A_33 = arith.constant 256 : i32
    %add3A_34 = arith.addi %mul3A_32, %add3A_33 : i32
    %run_scoped3A_35 = arith.constant 0 : i32
    "tpu.region"() ({
      %run_scoped3A_665 = tpu.sem_alloc : memref<!tpu.dma_semaphore, #tpu.memory_space<semaphore_mem>>
      %dma_start3A_666 = arith.constant 0 : i32
      %dma_start3A_667 = arith.constant 0 : i32
      %dma_start3A_668 = tpu.memref_slice %arg8[%run_scoped3A_35, %dma_start3A_666, %dma_start3A_667] : memref<8x64x64xf32, #tpu.memory_space<vmem>> -> memref<1x64x64xf32, #tpu.memory_space<vmem>>
      %dma_start3A_669 = tpu.memref_squeeze %dma_start3A_668 : memref<1x64x64xf32, #tpu.memory_space<vmem>> -> memref<64x64xf32, #tpu.memory_space<vmem>>
      %dma_start3A_670 = arith.constant 0 : i32
      %dma_start3A_671 = tpu.memref_slice %arg10[%add3A_34, %dma_start3A_670] : memref<10112x64xf32, #tpu.memory_space<vmem_shared>> -> memref<64x64xf32, #tpu.memory_space<vmem_shared>>
      %dma_start3A_672 = arith.constant 0 : i32
      %dma_start3A_673 = tpu.memref_slice %arg10[%add3A_34, %dma_start3A_672] : memref<10112x64xf32, #tpu.memory_space<vmem_shared>> -> memref<64x64xf32, #tpu.memory_space<vmem_shared>>
      %dma_start3A_674 = arith.constant 0 : i32
      %dma_start3A_675 = arith.constant 0 : i32
      %dma_start3A_676 = tpu.memref_slice %arg8[%run_scoped3A_35, %dma_start3A_674, %dma_start3A_675] : memref<8x64x64xf32, #tpu.memory_space<vmem>> -> memref<1x64x64xf32, #tpu.memory_space<vmem>>
      %dma_start3A_677 = tpu.memref_squeeze %dma_start3A_676 : memref<1x64x64xf32, #tpu.memory_space<vmem>> -> memref<64x64xf32, #tpu.memory_space<vmem>>
      tpu.enqueue_dma source(%dma_start3A_677 : memref<64x64xf32, #tpu.memory_space<vmem>>) target(%dma_start3A_673 : memref<64x64xf32, #tpu.memory_space<vmem_shared>>) target_semaphore(%run_scoped3A_665 : memref<!tpu.dma_semaphore, #tpu.memory_space<semaphore_mem>>)
      %dma_wait3A_678 = arith.constant 0 : i32
      %dma_wait3A_679 = arith.constant 0 : i32
      %dma_wait3A_680 = tpu.memref_slice %arg8[%run_scoped3A_35, %dma_wait3A_678, %dma_wait3A_679] : memref<8x64x64xf32, #tpu.memory_space<vmem>> -> memref<1x64x64xf32, #tpu.memory_space<vmem>>
      %dma_wait3A_681 = tpu.memref_squeeze %dma_wait3A_680 : memref<1x64x64xf32, #tpu.memory_space<vmem>> -> memref<64x64xf32, #tpu.memory_space<vmem>>
      %dma_wait3A_682 = arith.constant 0 : i32
      %dma_wait3A_683 = tpu.memref_slice %arg10[%add3A_34, %dma_wait3A_682] : memref<10112x64xf32, #tpu.memory_space<vmem_shared>> -> memref<64x64xf32, #tpu.memory_space<vmem_shared>>
      %dma_wait3A_684 = arith.constant 0 : i32
      %dma_wait3A_685 = tpu.memref_slice %arg10[%add3A_34, %dma_wait3A_684] : memref<10112x64xf32, #tpu.memory_space<vmem_shared>> -> memref<64x64xf32, #tpu.memory_space<vmem_shared>>
      %dma_wait3A_686 = arith.constant 0 : i32
      %dma_wait3A_687 = arith.constant 0 : i32
      %dma_wait3A_688 = tpu.memref_slice %arg8[%run_scoped3A_35, %dma_wait3A_686, %dma_wait3A_687] : memref<8x64x64xf32, #tpu.memory_space<vmem>> -> memref<1x64x64xf32, #tpu.memory_space<vmem>>
      %dma_wait3A_689 = tpu.memref_squeeze %dma_wait3A_688 : memref<1x64x64xf32, #tpu.memory_space<vmem>> -> memref<64x64xf32, #tpu.memory_space<vmem>>
      tpu.wait_dma2 semaphore(%run_scoped3A_665 : memref<!tpu.dma_semaphore, #tpu.memory_space<semaphore_mem>>) src(%dma_wait3A_689 : memref<64x64xf32, #tpu.memory_space<vmem>>) dst(%dma_wait3A_685 : memref<64x64xf32, #tpu.memory_space<vmem_shared>>)
      tpu.yield
    }) : () -> ()
    %mul3A_36 = arith.constant 632 : i32
    %mul3A_37 = arith.muli %arg1, %mul3A_36 : i32
    %add3A_38 = arith.constant 320 : i32
    %add3A_39 = arith.addi %mul3A_37, %add3A_38 : i32
    %run_scoped3A_40 = arith.constant 0 : i32
    "tpu.region"() ({
      %run_scoped3A_665 = tpu.sem_alloc : memref<!tpu.dma_semaphore, #tpu.memory_space<semaphore_mem>>
      %dma_start3A_666 = arith.constant 0 : i32
      %dma_start3A_667 = arith.constant 0 : i32
      %dma_start3A_668 = tpu.memref_slice %arg8[%run_scoped3A_40, %dma_start3A_666, %dma_start3A_667] : memref<8x64x64xf32, #tpu.memory_space<vmem>> -> memref<1x64x64xf32, #tpu.memory_space<vmem>>
      %dma_start3A_669 = tpu.memref_squeeze %dma_start3A_668 : memref<1x64x64xf32, #tpu.memory_space<vmem>> -> memref<64x64xf32, #tpu.memory_space<vmem>>
      %dma_start3A_670 = arith.constant 0 : i32
      %dma_start3A_671 = tpu.memref_slice %arg10[%add3A_39, %dma_start3A_670] : memref<10112x64xf32, #tpu.memory_space<vmem_shared>> -> memref<64x64xf32, #tpu.memory_space<vmem_shared>>
      %dma_start3A_672 = arith.constant 0 : i32
      %dma_start3A_673 = tpu.memref_slice %arg10[%add3A_39, %dma_start3A_672] : memref<10112x64xf32, #tpu.memory_space<vmem_shared>> -> memref<64x64xf32, #tpu.memory_space<vmem_shared>>
      %dma_start3A_674 = arith.constant 0 : i32
      %dma_start3A_675 = arith.constant 0 : i32
      %dma_start3A_676 = tpu.memref_slice %arg8[%run_scoped3A_40, %dma_start3A_674, %dma_start3A_675] : memref<8x64x64xf32, #tpu.memory_space<vmem>> -> memref<1x64x64xf32, #tpu.memory_space<vmem>>
      %dma_start3A_677 = tpu.memref_squeeze %dma_start3A_676 : memref<1x64x64xf32, #tpu.memory_space<vmem>> -> memref<64x64xf32, #tpu.memory_space<vmem>>
      tpu.enqueue_dma source(%dma_start3A_677 : memref<64x64xf32, #tpu.memory_space<vmem>>) target(%dma_start3A_673 : memref<64x64xf32, #tpu.memory_space<vmem_shared>>) target_semaphore(%run_scoped3A_665 : memref<!tpu.dma_semaphore, #tpu.memory_space<semaphore_mem>>)
      %dma_wait3A_678 = arith.constant 0 : i32
      %dma_wait3A_679 = arith.constant 0 : i32
      %dma_wait3A_680 = tpu.memref_slice %arg8[%run_scoped3A_40, %dma_wait3A_678, %dma_wait3A_679] : memref<8x64x64xf32, #tpu.memory_space<vmem>> -> memref<1x64x64xf32, #tpu.memory_space<vmem>>
      %dma_wait3A_681 = tpu.memref_squeeze %dma_wait3A_680 : memref<1x64x64xf32, #tpu.memory_space<vmem>> -> memref<64x64xf32, #tpu.memory_space<vmem>>
      %dma_wait3A_682 = arith.constant 0 : i32
      %dma_wait3A_683 = tpu.memref_slice %arg10[%add3A_39, %dma_wait3A_682] : memref<10112x64xf32, #tpu.memory_space<vmem_shared>> -> memref<64x64xf32, #tpu.memory_space<vmem_shared>>
      %dma_wait3A_684 = arith.constant 0 : i32
      %dma_wait3A_685 = tpu.memref_slice %arg10[%add3A_39, %dma_wait3A_684] : memref<10112x64xf32, #tpu.memory_space<vmem_shared>> -> memref<64x64xf32, #tpu.memory_space<vmem_shared>>
      %dma_wait3A_686 = arith.constant 0 : i32
      %dma_wait3A_687 = arith.constant 0 : i32
      %dma_wait3A_688 = tpu.memref_slice %arg8[%run_scoped3A_40, %dma_wait3A_686, %dma_wait3A_687] : memref<8x64x64xf32, #tpu.memory_space<vmem>> -> memref<1x64x64xf32, #tpu.memory_space<vmem>>
      %dma_wait3A_689 = tpu.memref_squeeze %dma_wait3A_688 : memref<1x64x64xf32, #tpu.memory_space<vmem>> -> memref<64x64xf32, #tpu.memory_space<vmem>>
      tpu.wait_dma2 semaphore(%run_scoped3A_665 : memref<!tpu.dma_semaphore, #tpu.memory_space<semaphore_mem>>) src(%dma_wait3A_689 : memref<64x64xf32, #tpu.memory_space<vmem>>) dst(%dma_wait3A_685 : memref<64x64xf32, #tpu.memory_space<vmem_shared>>)
      tpu.yield
    }) : () -> ()
    %mul3A_41 = arith.constant 632 : i32
    %mul3A_42 = arith.muli %arg1, %mul3A_41 : i32
    %add3A_43 = arith.constant 384 : i32
    %add3A_44 = arith.addi %mul3A_42, %add3A_43 : i32
    %run_scoped3A_45 = arith.constant 0 : i32
    "tpu.region"() ({
      %run_scoped3A_665 = tpu.sem_alloc : memref<!tpu.dma_semaphore, #tpu.memory_space<semaphore_mem>>
      %dma_start3A_666 = arith.constant 0 : i32
      %dma_start3A_667 = arith.constant 0 : i32
      %dma_start3A_668 = tpu.memref_slice %arg8[%run_scoped3A_45, %dma_start3A_666, %dma_start3A_667] : memref<8x64x64xf32, #tpu.memory_space<vmem>> -> memref<1x64x64xf32, #tpu.memory_space<vmem>>
      %dma_start3A_669 = tpu.memref_squeeze %dma_start3A_668 : memref<1x64x64xf32, #tpu.memory_space<vmem>> -> memref<64x64xf32, #tpu.memory_space<vmem>>
      %dma_start3A_670 = arith.constant 0 : i32
      %dma_start3A_671 = tpu.memref_slice %arg10[%add3A_44, %dma_start3A_670] : memref<10112x64xf32, #tpu.memory_space<vmem_shared>> -> memref<64x64xf32, #tpu.memory_space<vmem_shared>>
      %dma_start3A_672 = arith.constant 0 : i32
      %dma_start3A_673 = tpu.memref_slice %arg10[%add3A_44, %dma_start3A_672] : memref<10112x64xf32, #tpu.memory_space<vmem_shared>> -> memref<64x64xf32, #tpu.memory_space<vmem_shared>>
      %dma_start3A_674 = arith.constant 0 : i32
      %dma_start3A_675 = arith.constant 0 : i32
      %dma_start3A_676 = tpu.memref_slice %arg8[%run_scoped3A_45, %dma_start3A_674, %dma_start3A_675] : memref<8x64x64xf32, #tpu.memory_space<vmem>> -> memref<1x64x64xf32, #tpu.memory_space<vmem>>
      %dma_start3A_677 = tpu.memref_squeeze %dma_start3A_676 : memref<1x64x64xf32, #tpu.memory_space<vmem>> -> memref<64x64xf32, #tpu.memory_space<vmem>>
      tpu.enqueue_dma source(%dma_start3A_677 : memref<64x64xf32, #tpu.memory_space<vmem>>) target(%dma_start3A_673 : memref<64x64xf32, #tpu.memory_space<vmem_shared>>) target_semaphore(%run_scoped3A_665 : memref<!tpu.dma_semaphore, #tpu.memory_space<semaphore_mem>>)
      %dma_wait3A_678 = arith.constant 0 : i32
      %dma_wait3A_679 = arith.constant 0 : i32
      %dma_wait3A_680 = tpu.memref_slice %arg8[%run_scoped3A_45, %dma_wait3A_678, %dma_wait3A_679] : memref<8x64x64xf32, #tpu.memory_space<vmem>> -> memref<1x64x64xf32, #tpu.memory_space<vmem>>
      %dma_wait3A_681 = tpu.memref_squeeze %dma_wait3A_680 : memref<1x64x64xf32, #tpu.memory_space<vmem>> -> memref<64x64xf32, #tpu.memory_space<vmem>>
      %dma_wait3A_682 = arith.constant 0 : i32
      %dma_wait3A_683 = tpu.memref_slice %arg10[%add3A_44, %dma_wait3A_682] : memref<10112x64xf32, #tpu.memory_space<vmem_shared>> -> memref<64x64xf32, #tpu.memory_space<vmem_shared>>
      %dma_wait3A_684 = arith.constant 0 : i32
      %dma_wait3A_685 = tpu.memref_slice %arg10[%add3A_44, %dma_wait3A_684] : memref<10112x64xf32, #tpu.memory_space<vmem_shared>> -> memref<64x64xf32, #tpu.memory_space<vmem_shared>>
      %dma_wait3A_686 = arith.constant 0 : i32
      %dma_wait3A_687 = arith.constant 0 : i32
      %dma_wait3A_688 = tpu.memref_slice %arg8[%run_scoped3A_45, %dma_wait3A_686, %dma_wait3A_687] : memref<8x64x64xf32, #tpu.memory_space<vmem>> -> memref<1x64x64xf32, #tpu.memory_space<vmem>>
      %dma_wait3A_689 = tpu.memref_squeeze %dma_wait3A_688 : memref<1x64x64xf32, #tpu.memory_space<vmem>> -> memref<64x64xf32, #tpu.memory_space<vmem>>
      tpu.wait_dma2 semaphore(%run_scoped3A_665 : memref<!tpu.dma_semaphore, #tpu.memory_space<semaphore_mem>>) src(%dma_wait3A_689 : memref<64x64xf32, #tpu.memory_space<vmem>>) dst(%dma_wait3A_685 : memref<64x64xf32, #tpu.memory_space<vmem_shared>>)
      tpu.yield
    }) : () -> ()
    %mul3A_46 = arith.constant 632 : i32
    %mul3A_47 = arith.muli %arg1, %mul3A_46 : i32
    %add3A_48 = arith.constant 448 : i32
    %add3A_49 = arith.addi %mul3A_47, %add3A_48 : i32
    %run_scoped3A_50 = arith.constant 0 : i32
    "tpu.region"() ({
      %run_scoped3A_665 = tpu.sem_alloc : memref<!tpu.dma_semaphore, #tpu.memory_space<semaphore_mem>>
      %dma_start3A_666 = arith.constant 0 : i32
      %dma_start3A_667 = arith.constant 0 : i32
      %dma_start3A_668 = tpu.memref_slice %arg8[%run_scoped3A_50, %dma_start3A_666, %dma_start3A_667] : memref<8x64x64xf32, #tpu.memory_space<vmem>> -> memref<1x64x64xf32, #tpu.memory_space<vmem>>
      %dma_start3A_669 = tpu.memref_squeeze %dma_start3A_668 : memref<1x64x64xf32, #tpu.memory_space<vmem>> -> memref<64x64xf32, #tpu.memory_space<vmem>>
      %dma_start3A_670 = arith.constant 0 : i32
      %dma_start3A_671 = tpu.memref_slice %arg10[%add3A_49, %dma_start3A_670] : memref<10112x64xf32, #tpu.memory_space<vmem_shared>> -> memref<64x64xf32, #tpu.memory_space<vmem_shared>>
      %dma_start3A_672 = arith.constant 0 : i32
      %dma_start3A_673 = tpu.memref_slice %arg10[%add3A_49, %dma_start3A_672] : memref<10112x64xf32, #tpu.memory_space<vmem_shared>> -> memref<64x64xf32, #tpu.memory_space<vmem_shared>>
      %dma_start3A_674 = arith.constant 0 : i32
      %dma_start3A_675 = arith.constant 0 : i32
      %dma_start3A_676 = tpu.memref_slice %arg8[%run_scoped3A_50, %dma_start3A_674, %dma_start3A_675] : memref<8x64x64xf32, #tpu.memory_space<vmem>> -> memref<1x64x64xf32, #tpu.memory_space<vmem>>
      %dma_start3A_677 = tpu.memref_squeeze %dma_start3A_676 : memref<1x64x64xf32, #tpu.memory_space<vmem>> -> memref<64x64xf32, #tpu.memory_space<vmem>>
      tpu.enqueue_dma source(%dma_start3A_677 : memref<64x64xf32, #tpu.memory_space<vmem>>) target(%dma_start3A_673 : memref<64x64xf32, #tpu.memory_space<vmem_shared>>) target_semaphore(%run_scoped3A_665 : memref<!tpu.dma_semaphore, #tpu.memory_space<semaphore_mem>>)
      %dma_wait3A_678 = arith.constant 0 : i32
      %dma_wait3A_679 = arith.constant 0 : i32
      %dma_wait3A_680 = tpu.memref_slice %arg8[%run_scoped3A_50, %dma_wait3A_678, %dma_wait3A_679] : memref<8x64x64xf32, #tpu.memory_space<vmem>> -> memref<1x64x64xf32, #tpu.memory_space<vmem>>
      %dma_wait3A_681 = tpu.memref_squeeze %dma_wait3A_680 : memref<1x64x64xf32, #tpu.memory_space<vmem>> -> memref<64x64xf32, #tpu.memory_space<vmem>>
      %dma_wait3A_682 = arith.constant 0 : i32
      %dma_wait3A_683 = tpu.memref_slice %arg10[%add3A_49, %dma_wait3A_682] : memref<10112x64xf32, #tpu.memory_space<vmem_shared>> -> memref<64x64xf32, #tpu.memory_space<vmem_shared>>
      %dma_wait3A_684 = arith.constant 0 : i32
      %dma_wait3A_685 = tpu.memref_slice %arg10[%add3A_49, %dma_wait3A_684] : memref<10112x64xf32, #tpu.memory_space<vmem_shared>> -> memref<64x64xf32, #tpu.memory_space<vmem_shared>>
      %dma_wait3A_686 = arith.constant 0 : i32
      %dma_wait3A_687 = arith.constant 0 : i32
      %dma_wait3A_688 = tpu.memref_slice %arg8[%run_scoped3A_50, %dma_wait3A_686, %dma_wait3A_687] : memref<8x64x64xf32, #tpu.memory_space<vmem>> -> memref<1x64x64xf32, #tpu.memory_space<vmem>>
      %dma_wait3A_689 = tpu.memref_squeeze %dma_wait3A_688 : memref<1x64x64xf32, #tpu.memory_space<vmem>> -> memref<64x64xf32, #tpu.memory_space<vmem>>
      tpu.wait_dma2 semaphore(%run_scoped3A_665 : memref<!tpu.dma_semaphore, #tpu.memory_space<semaphore_mem>>) src(%dma_wait3A_689 : memref<64x64xf32, #tpu.memory_space<vmem>>) dst(%dma_wait3A_685 : memref<64x64xf32, #tpu.memory_space<vmem_shared>>)
      tpu.yield
    }) : () -> ()
    %mul3A_51 = arith.constant 632 : i32
    %mul3A_52 = arith.muli %arg1, %mul3A_51 : i32
    %add3A_53 = arith.constant 512 : i32
    %add3A_54 = arith.addi %mul3A_52, %add3A_53 : i32
    %run_scoped3A_55 = arith.constant 0 : i32
    "tpu.region"() ({
      %run_scoped3A_665 = tpu.sem_alloc : memref<!tpu.dma_semaphore, #tpu.memory_space<semaphore_mem>>
      %dma_start3A_666 = arith.constant 0 : i32
      %dma_start3A_667 = arith.constant 0 : i32
      %dma_start3A_668 = tpu.memref_slice %arg8[%run_scoped3A_55, %dma_start3A_666, %dma_start3A_667] : memref<8x64x64xf32, #tpu.memory_space<vmem>> -> memref<1x64x64xf32, #tpu.memory_space<vmem>>
      %dma_start3A_669 = tpu.memref_squeeze %dma_start3A_668 : memref<1x64x64xf32, #tpu.memory_space<vmem>> -> memref<64x64xf32, #tpu.memory_space<vmem>>
      %dma_start3A_670 = arith.constant 0 : i32
      %dma_start3A_671 = tpu.memref_slice %arg10[%add3A_54, %dma_start3A_670] : memref<10112x64xf32, #tpu.memory_space<vmem_shared>> -> memref<64x64xf32, #tpu.memory_space<vmem_shared>>
      %dma_start3A_672 = arith.constant 0 : i32
      %dma_start3A_673 = tpu.memref_slice %arg10[%add3A_54, %dma_start3A_672] : memref<10112x64xf32, #tpu.memory_space<vmem_shared>> -> memref<64x64xf32, #tpu.memory_space<vmem_shared>>
      %dma_start3A_674 = arith.constant 0 : i32
      %dma_start3A_675 = arith.constant 0 : i32
      %dma_start3A_676 = tpu.memref_slice %arg8[%run_scoped3A_55, %dma_start3A_674, %dma_start3A_675] : memref<8x64x64xf32, #tpu.memory_space<vmem>> -> memref<1x64x64xf32, #tpu.memory_space<vmem>>
      %dma_start3A_677 = tpu.memref_squeeze %dma_start3A_676 : memref<1x64x64xf32, #tpu.memory_space<vmem>> -> memref<64x64xf32, #tpu.memory_space<vmem>>
      tpu.enqueue_dma source(%dma_start3A_677 : memref<64x64xf32, #tpu.memory_space<vmem>>) target(%dma_start3A_673 : memref<64x64xf32, #tpu.memory_space<vmem_shared>>) target_semaphore(%run_scoped3A_665 : memref<!tpu.dma_semaphore, #tpu.memory_space<semaphore_mem>>)
      %dma_wait3A_678 = arith.constant 0 : i32
      %dma_wait3A_679 = arith.constant 0 : i32
      %dma_wait3A_680 = tpu.memref_slice %arg8[%run_scoped3A_55, %dma_wait3A_678, %dma_wait3A_679] : memref<8x64x64xf32, #tpu.memory_space<vmem>> -> memref<1x64x64xf32, #tpu.memory_space<vmem>>
      %dma_wait3A_681 = tpu.memref_squeeze %dma_wait3A_680 : memref<1x64x64xf32, #tpu.memory_space<vmem>> -> memref<64x64xf32, #tpu.memory_space<vmem>>
      %dma_wait3A_682 = arith.constant 0 : i32
      %dma_wait3A_683 = tpu.memref_slice %arg10[%add3A_54, %dma_wait3A_682] : memref<10112x64xf32, #tpu.memory_space<vmem_shared>> -> memref<64x64xf32, #tpu.memory_space<vmem_shared>>
      %dma_wait3A_684 = arith.constant 0 : i32
      %dma_wait3A_685 = tpu.memref_slice %arg10[%add3A_54, %dma_wait3A_684] : memref<10112x64xf32, #tpu.memory_space<vmem_shared>> -> memref<64x64xf32, #tpu.memory_space<vmem_shared>>
      %dma_wait3A_686 = arith.constant 0 : i32
      %dma_wait3A_687 = arith.constant 0 : i32
      %dma_wait3A_688 = tpu.memref_slice %arg8[%run_scoped3A_55, %dma_wait3A_686, %dma_wait3A_687] : memref<8x64x64xf32, #tpu.memory_space<vmem>> -> memref<1x64x64xf32, #tpu.memory_space<vmem>>
      %dma_wait3A_689 = tpu.memref_squeeze %dma_wait3A_688 : memref<1x64x64xf32, #tpu.memory_space<vmem>> -> memref<64x64xf32, #tpu.memory_space<vmem>>
      tpu.wait_dma2 semaphore(%run_scoped3A_665 : memref<!tpu.dma_semaphore, #tpu.memory_space<semaphore_mem>>) src(%dma_wait3A_689 : memref<64x64xf32, #tpu.memory_space<vmem>>) dst(%dma_wait3A_685 : memref<64x64xf32, #tpu.memory_space<vmem_shared>>)
      tpu.yield
    }) : () -> ()
    %mul3A_56 = arith.constant 632 : i32
    %mul3A_57 = arith.muli %arg1, %mul3A_56 : i32
    %add3A_58 = arith.constant 632 : i32
    %add3A_59 = arith.addi %mul3A_57, %add3A_58 : i32
    %sub3A = arith.constant 56 : i32
    %sub3A_60 = arith.subi %add3A_59, %sub3A : i32
    %run_scoped3A_61 = arith.constant 0 : i32
    "tpu.region"() ({
      %run_scoped3A_665 = tpu.sem_alloc : memref<!tpu.dma_semaphore, #tpu.memory_space<semaphore_mem>>
      %dma_start3A_666 = arith.constant 0 : i32
      %dma_start3A_667 = arith.constant 0 : i32
      %dma_start3A_668 = tpu.memref_slice %arg8[%run_scoped3A_61, %dma_start3A_666, %dma_start3A_667] : memref<8x64x64xf32, #tpu.memory_space<vmem>> -> memref<1x56x64xf32, #tpu.memory_space<vmem>>
      %dma_start3A_669 = tpu.memref_squeeze %dma_start3A_668 : memref<1x56x64xf32, #tpu.memory_space<vmem>> -> memref<56x64xf32, #tpu.memory_space<vmem>>
      %dma_start3A_670 = arith.constant 0 : i32
      %dma_start3A_671 = tpu.memref_slice %arg10[%sub3A_60, %dma_start3A_670] : memref<10112x64xf32, #tpu.memory_space<vmem_shared>> -> memref<56x64xf32, #tpu.memory_space<vmem_shared>>
      %dma_start3A_672 = arith.constant 0 : i32
      %dma_start3A_673 = tpu.memref_slice %arg10[%sub3A_60, %dma_start3A_672] : memref<10112x64xf32, #tpu.memory_space<vmem_shared>> -> memref<56x64xf32, #tpu.memory_space<vmem_shared>>
      %dma_start3A_674 = arith.constant 0 : i32
      %dma_start3A_675 = arith.constant 0 : i32
      %dma_start3A_676 = tpu.memref_slice %arg8[%run_scoped3A_61, %dma_start3A_674, %dma_start3A_675] : memref<8x64x64xf32, #tpu.memory_space<vmem>> -> memref<1x56x64xf32, #tpu.memory_space<vmem>>
      %dma_start3A_677 = tpu.memref_squeeze %dma_start3A_676 : memref<1x56x64xf32, #tpu.memory_space<vmem>> -> memref<56x64xf32, #tpu.memory_space<vmem>>
      tpu.enqueue_dma source(%dma_start3A_677 : memref<56x64xf32, #tpu.memory_space<vmem>>) target(%dma_start3A_673 : memref<56x64xf32, #tpu.memory_space<vmem_shared>>) target_semaphore(%run_scoped3A_665 : memref<!tpu.dma_semaphore, #tpu.memory_space<semaphore_mem>>)
      %dma_wait3A_678 = arith.constant 0 : i32
      %dma_wait3A_679 = arith.constant 0 : i32
      %dma_wait3A_680 = tpu.memref_slice %arg8[%run_scoped3A_61, %dma_wait3A_678, %dma_wait3A_679] : memref<8x64x64xf32, #tpu.memory_space<vmem>> -> memref<1x56x64xf32, #tpu.memory_space<vmem>>
      %dma_wait3A_681 = tpu.memref_squeeze %dma_wait3A_680 : memref<1x56x64xf32, #tpu.memory_space<vmem>> -> memref<56x64xf32, #tpu.memory_space<vmem>>
      %dma_wait3A_682 = arith.constant 0 : i32
      %dma_wait3A_683 = tpu.memref_slice %arg10[%sub3A_60, %dma_wait3A_682] : memref<10112x64xf32, #tpu.memory_space<vmem_shared>> -> memref<56x64xf32, #tpu.memory_space<vmem_shared>>
      %dma_wait3A_684 = arith.constant 0 : i32
      %dma_wait3A_685 = tpu.memref_slice %arg10[%sub3A_60, %dma_wait3A_684] : memref<10112x64xf32, #tpu.memory_space<vmem_shared>> -> memref<56x64xf32, #tpu.memory_space<vmem_shared>>
      %dma_wait3A_686 = arith.constant 0 : i32
      %dma_wait3A_687 = arith.constant 0 : i32
      %dma_wait3A_688 = tpu.memref_slice %arg8[%run_scoped3A_61, %dma_wait3A_686, %dma_wait3A_687] : memref<8x64x64xf32, #tpu.memory_space<vmem>> -> memref<1x56x64xf32, #tpu.memory_space<vmem>>
      %dma_wait3A_689 = tpu.memref_squeeze %dma_wait3A_688 : memref<1x56x64xf32, #tpu.memory_space<vmem>> -> memref<56x64xf32, #tpu.memory_space<vmem>>
      tpu.wait_dma2 semaphore(%run_scoped3A_665 : memref<!tpu.dma_semaphore, #tpu.memory_space<semaphore_mem>>) src(%dma_wait3A_689 : memref<56x64xf32, #tpu.memory_space<vmem>>) dst(%dma_wait3A_685 : memref<56x64xf32, #tpu.memory_space<vmem_shared>>)
      tpu.yield
    }) : () -> ()
    %dma_wait3A = arith.constant 0 : i32
    %dma_wait3A_62 = tpu.memref_slice %arg9[%mul3A_4, %dma_wait3A] : memref<10112x64xf32, #tpu.memory_space<vmem_shared>> -> memref<625x64xf32, #tpu.memory_space<vmem_shared>>
    %dma_wait3A_63 = tpu.memref_slice %arg2[%mul3A_4, %mul3A_2] : memref<10000x128xf32, #tpu.memory_space<hbm>> -> memref<625x64xf32, #tpu.memory_space<hbm>>
    tpu.wait_dma2 semaphore(%arg11 : memref<!tpu.dma_semaphore, #tpu.memory_space<semaphore_mem>>) src(%dma_wait3A_63 : memref<625x64xf32, #tpu.memory_space<hbm>>) dst(%dma_wait3A_62 : memref<625x64xf32, #tpu.memory_space<vmem_shared>>)
    %barrier3A = arith.constant 0 : index
    tpu.barrier barrier_id(%barrier3A)
    "tpu.region"() ({
      %run_scoped3A_665 = tpu.sem_alloc : memref<!tpu.dma_semaphore, #tpu.memory_space<semaphore_mem>>
      %dma_start3A_666 = arith.constant 0 : i32
      %dma_start3A_667 = arith.constant 0 : i32
      %dma_start3A_668 = tpu.memref_slice %arg3[%arg1, %dma_start3A_666, %dma_start3A_667] : memref<16x320x64xi32, #tpu.memory_space<hbm>> -> memref<1x80x64xi32, #tpu.memory_space<hbm>>
      %dma_start3A_669 = tpu.memref_squeeze %dma_start3A_668 : memref<1x80x64xi32, #tpu.memory_space<hbm>> -> memref<80x64xi32, #tpu.memory_space<hbm>>
      %dma_start3A_670 = arith.constant 0 : i32
      %dma_start3A_671 = arith.constant 0 : i32
      %dma_start3A_672 = tpu.memref_slice %arg3[%arg1, %dma_start3A_670, %dma_start3A_671] : memref<16x320x64xi32, #tpu.memory_space<hbm>> -> memref<1x80x64xi32, #tpu.memory_space<hbm>>
      %dma_start3A_673 = tpu.memref_squeeze %dma_start3A_672 : memref<1x80x64xi32, #tpu.memory_space<hbm>> -> memref<80x64xi32, #tpu.memory_space<hbm>>
      tpu.enqueue_dma source(%dma_start3A_673 : memref<80x64xi32, #tpu.memory_space<hbm>>) target(%arg6 : memref<80x64xi32, #tpu.memory_space<vmem>>) target_semaphore(%run_scoped3A_665 : memref<!tpu.dma_semaphore, #tpu.memory_space<semaphore_mem>>)
      %dma_wait3A_674 = arith.constant 0 : i32
      %dma_wait3A_675 = arith.constant 0 : i32
      %dma_wait3A_676 = tpu.memref_slice %arg3[%arg1, %dma_wait3A_674, %dma_wait3A_675] : memref<16x320x64xi32, #tpu.memory_space<hbm>> -> memref<1x80x64xi32, #tpu.memory_space<hbm>>
      %dma_wait3A_677 = tpu.memref_squeeze %dma_wait3A_676 : memref<1x80x64xi32, #tpu.memory_space<hbm>> -> memref<80x64xi32, #tpu.memory_space<hbm>>
      %dma_wait3A_678 = arith.constant 0 : i32
      %dma_wait3A_679 = arith.constant 0 : i32
      %dma_wait3A_680 = tpu.memref_slice %arg3[%arg1, %dma_wait3A_678, %dma_wait3A_679] : memref<16x320x64xi32, #tpu.memory_space<hbm>> -> memref<1x80x64xi32, #tpu.memory_space<hbm>>
      %dma_wait3A_681 = tpu.memref_squeeze %dma_wait3A_680 : memref<1x80x64xi32, #tpu.memory_space<hbm>> -> memref<80x64xi32, #tpu.memory_space<hbm>>
      tpu.wait_dma2 semaphore(%run_scoped3A_665 : memref<!tpu.dma_semaphore, #tpu.memory_space<semaphore_mem>>) src(%dma_wait3A_681 : memref<80x64xi32, #tpu.memory_space<hbm>>) dst(%arg6 : memref<80x64xi32, #tpu.memory_space<vmem>>)
      tpu.yield
    }) : () -> ()
    "tpu.region"() ({
      %run_scoped3A_665 = tpu.sem_alloc : memref<!tpu.dma_semaphore, #tpu.memory_space<semaphore_mem>>
      %dma_start3A_666 = arith.constant 0 : i32
      %dma_start3A_667 = arith.constant 0 : i32
      %dma_start3A_668 = tpu.memref_slice %arg4[%arg1, %dma_start3A_666, %dma_start3A_667] : memref<16x320x64xi32, #tpu.memory_space<hbm>> -> memref<1x80x64xi32, #tpu.memory_space<hbm>>
      %dma_start3A_669 = tpu.memref_squeeze %dma_start3A_668 : memref<1x80x64xi32, #tpu.memory_space<hbm>> -> memref<80x64xi32, #tpu.memory_space<hbm>>
      %dma_start3A_670 = arith.constant 0 : i32
      %dma_start3A_671 = arith.constant 0 : i32
      %dma_start3A_672 = tpu.memref_slice %arg4[%arg1, %dma_start3A_670, %dma_start3A_671] : memref<16x320x64xi32, #tpu.memory_space<hbm>> -> memref<1x80x64xi32, #tpu.memory_space<hbm>>
      %dma_start3A_673 = tpu.memref_squeeze %dma_start3A_672 : memref<1x80x64xi32, #tpu.memory_space<hbm>> -> memref<80x64xi32, #tpu.memory_space<hbm>>
      tpu.enqueue_dma source(%dma_start3A_673 : memref<80x64xi32, #tpu.memory_space<hbm>>) target(%arg7 : memref<80x64xi32, #tpu.memory_space<vmem>>) target_semaphore(%run_scoped3A_665 : memref<!tpu.dma_semaphore, #tpu.memory_space<semaphore_mem>>)
      %dma_wait3A_674 = arith.constant 0 : i32
      %dma_wait3A_675 = arith.constant 0 : i32
      %dma_wait3A_676 = tpu.memref_slice %arg4[%arg1, %dma_wait3A_674, %dma_wait3A_675] : memref<16x320x64xi32, #tpu.memory_space<hbm>> -> memref<1x80x64xi32, #tpu.memory_space<hbm>>
      %dma_wait3A_677 = tpu.memref_squeeze %dma_wait3A_676 : memref<1x80x64xi32, #tpu.memory_space<hbm>> -> memref<80x64xi32, #tpu.memory_space<hbm>>
      %dma_wait3A_678 = arith.constant 0 : i32
      %dma_wait3A_679 = arith.constant 0 : i32
      %dma_wait3A_680 = tpu.memref_slice %arg4[%arg1, %dma_wait3A_678, %dma_wait3A_679] : memref<16x320x64xi32, #tpu.memory_space<hbm>> -> memref<1x80x64xi32, #tpu.memory_space<hbm>>
      %dma_wait3A_681 = tpu.memref_squeeze %dma_wait3A_680 : memref<1x80x64xi32, #tpu.memory_space<hbm>> -> memref<80x64xi32, #tpu.memory_space<hbm>>
      tpu.wait_dma2 semaphore(%run_scoped3A_665 : memref<!tpu.dma_semaphore, #tpu.memory_space<semaphore_mem>>) src(%dma_wait3A_681 : memref<80x64xi32, #tpu.memory_space<hbm>>) dst(%arg7 : memref<80x64xi32, #tpu.memory_space<vmem>>)
      tpu.yield
    }) : () -> ()
    %dma_start3A_64 = arith.constant 0 : i32
    %dma_start3A_65 = arith.constant 0 : i32
    %dma_start3A_66 = arith.constant 0 : i32
    %dma_start3A_67 = arith.constant 0 : i32
    %dma_start3A_68 = tpu.memref_slice %arg8[%dma_start3A_65, %dma_start3A_66, %dma_start3A_67] : memref<8x64x64xf32, #tpu.memory_space<vmem>> -> memref<1x64x64xf32, #tpu.memory_space<vmem>>
    %dma_start3A_69 = tpu.memref_squeeze %dma_start3A_68 : memref<1x64x64xf32, #tpu.memory_space<vmem>> -> memref<64x64xf32, #tpu.memory_space<vmem>>
    %dma_start3A_70 = arith.constant 0 : i32
    %dma_start3A_71 = tpu.memref_slice %arg6[%dma_start3A_64, %dma_start3A_70] : memref<80x64xi32, #tpu.memory_space<vmem>> -> memref<1x64xi32, #tpu.memory_space<vmem>>
    %dma_start3A_72 = tpu.memref_squeeze %dma_start3A_71 : memref<1x64xi32, #tpu.memory_space<vmem>> -> memref<64xi32, #tpu.memory_space<vmem>>
    %dma_start3A_73 = arith.constant 0 : i32
    %dma_start3A_74 = arith.constant 0 : i32
    %dma_start3A_75 = tpu.memref_slice %arg9[%dma_start3A_73, %dma_start3A_74] : memref<10112x64xf32, #tpu.memory_space<vmem_shared>> -> memref<10112x64xf32, #tpu.memory_space<vmem_shared>>
    tpu.enqueue_indirect_dma source(%dma_start3A_75 : memref<10112x64xf32, #tpu.memory_space<vmem_shared>>) target(%dma_start3A_69 : memref<64x64xf32, #tpu.memory_space<vmem>>) offsets(%dma_start3A_72 : memref<64xi32, #tpu.memory_space<vmem>>) semaphore(%arg11 : memref<!tpu.dma_semaphore, #tpu.memory_space<semaphore_mem>>)
    %dma_start3A_76 = arith.constant 1 : i32
    %dma_start3A_77 = arith.constant 1 : i32
    %dma_start3A_78 = arith.constant 0 : i32
    %dma_start3A_79 = arith.constant 0 : i32
    %dma_start3A_80 = tpu.memref_slice %arg8[%dma_start3A_77, %dma_start3A_78, %dma_start3A_79] : memref<8x64x64xf32, #tpu.memory_space<vmem>> -> memref<1x64x64xf32, #tpu.memory_space<vmem>>
    %dma_start3A_81 = tpu.memref_squeeze %dma_start3A_80 : memref<1x64x64xf32, #tpu.memory_space<vmem>> -> memref<64x64xf32, #tpu.memory_space<vmem>>
    %dma_start3A_82 = arith.constant 0 : i32
    %dma_start3A_83 = tpu.memref_slice %arg6[%dma_start3A_76, %dma_start3A_82] : memref<80x64xi32, #tpu.memory_space<vmem>> -> memref<1x64xi32, #tpu.memory_space<vmem>>
    %dma_start3A_84 = tpu.memref_squeeze %dma_start3A_83 : memref<1x64xi32, #tpu.memory_space<vmem>> -> memref<64xi32, #tpu.memory_space<vmem>>
    %dma_start3A_85 = arith.constant 0 : i32
    %dma_start3A_86 = arith.constant 0 : i32
    %dma_start3A_87 = tpu.memref_slice %arg9[%dma_start3A_85, %dma_start3A_86] : memref<10112x64xf32, #tpu.memory_space<vmem_shared>> -> memref<10112x64xf32, #tpu.memory_space<vmem_shared>>
    tpu.enqueue_indirect_dma source(%dma_start3A_87 : memref<10112x64xf32, #tpu.memory_space<vmem_shared>>) target(%dma_start3A_81 : memref<64x64xf32, #tpu.memory_space<vmem>>) offsets(%dma_start3A_84 : memref<64xi32, #tpu.memory_space<vmem>>) semaphore(%arg12 : memref<!tpu.dma_semaphore, #tpu.memory_space<semaphore_mem>>)
    %dma_start3A_88 = arith.constant 2 : i32
    %dma_start3A_89 = arith.constant 2 : i32
    %dma_start3A_90 = arith.constant 0 : i32
    %dma_start3A_91 = arith.constant 0 : i32
    %dma_start3A_92 = tpu.memref_slice %arg8[%dma_start3A_89, %dma_start3A_90, %dma_start3A_91] : memref<8x64x64xf32, #tpu.memory_space<vmem>> -> memref<1x64x64xf32, #tpu.memory_space<vmem>>
    %dma_start3A_93 = tpu.memref_squeeze %dma_start3A_92 : memref<1x64x64xf32, #tpu.memory_space<vmem>> -> memref<64x64xf32, #tpu.memory_space<vmem>>
    %dma_start3A_94 = arith.constant 0 : i32
    %dma_start3A_95 = tpu.memref_slice %arg6[%dma_start3A_88, %dma_start3A_94] : memref<80x64xi32, #tpu.memory_space<vmem>> -> memref<1x64xi32, #tpu.memory_space<vmem>>
    %dma_start3A_96 = tpu.memref_squeeze %dma_start3A_95 : memref<1x64xi32, #tpu.memory_space<vmem>> -> memref<64xi32, #tpu.memory_space<vmem>>
    %dma_start3A_97 = arith.constant 0 : i32
    %dma_start3A_98 = arith.constant 0 : i32
    %dma_start3A_99 = tpu.memref_slice %arg9[%dma_start3A_97, %dma_start3A_98] : memref<10112x64xf32, #tpu.memory_space<vmem_shared>> -> memref<10112x64xf32, #tpu.memory_space<vmem_shared>>
    tpu.enqueue_indirect_dma source(%dma_start3A_99 : memref<10112x64xf32, #tpu.memory_space<vmem_shared>>) target(%dma_start3A_93 : memref<64x64xf32, #tpu.memory_space<vmem>>) offsets(%dma_start3A_96 : memref<64xi32, #tpu.memory_space<vmem>>) semaphore(%arg13 : memref<!tpu.dma_semaphore, #tpu.memory_space<semaphore_mem>>)
    %dma_start3A_100 = arith.constant 3 : i32
    %dma_start3A_101 = arith.constant 3 : i32
    %dma_start3A_102 = arith.constant 0 : i32
    %dma_start3A_103 = arith.constant 0 : i32
    %dma_start3A_104 = tpu.memref_slice %arg8[%dma_start3A_101, %dma_start3A_102, %dma_start3A_103] : memref<8x64x64xf32, #tpu.memory_space<vmem>> -> memref<1x64x64xf32, #tpu.memory_space<vmem>>
    %dma_start3A_105 = tpu.memref_squeeze %dma_start3A_104 : memref<1x64x64xf32, #tpu.memory_space<vmem>> -> memref<64x64xf32, #tpu.memory_space<vmem>>
    %dma_start3A_106 = arith.constant 0 : i32
    %dma_start3A_107 = tpu.memref_slice %arg6[%dma_start3A_100, %dma_start3A_106] : memref<80x64xi32, #tpu.memory_space<vmem>> -> memref<1x64xi32, #tpu.memory_space<vmem>>
    %dma_start3A_108 = tpu.memref_squeeze %dma_start3A_107 : memref<1x64xi32, #tpu.memory_space<vmem>> -> memref<64xi32, #tpu.memory_space<vmem>>
    %dma_start3A_109 = arith.constant 0 : i32
    %dma_start3A_110 = arith.constant 0 : i32
    %dma_start3A_111 = tpu.memref_slice %arg9[%dma_start3A_109, %dma_start3A_110] : memref<10112x64xf32, #tpu.memory_space<vmem_shared>> -> memref<10112x64xf32, #tpu.memory_space<vmem_shared>>
    tpu.enqueue_indirect_dma source(%dma_start3A_111 : memref<10112x64xf32, #tpu.memory_space<vmem_shared>>) target(%dma_start3A_105 : memref<64x64xf32, #tpu.memory_space<vmem>>) offsets(%dma_start3A_108 : memref<64xi32, #tpu.memory_space<vmem>>) semaphore(%arg14 : memref<!tpu.dma_semaphore, #tpu.memory_space<semaphore_mem>>)
    %scan3A_112 = arith.constant 0 : i32
    %scan3A_113 = arith.constant 0 : i32
    %scan3A_114 = arith.constant 10 : i32
    %scan3A_115 = arith.addi %scan3A_113, %scan3A_114 : i32
    %scan3A_116 = arith.constant 1 : i32
    scf.for %scan3A_665 = %scan3A_113 to %scan3A_115 step %scan3A_116  : i32 {
      %mul3A_666 = arith.constant 8 : i32
      %mul3A_667 = arith.muli %scan3A_665, %mul3A_666 : i32
      %add3A_668 = arith.constant 0 : i32
      %add3A_669 = arith.addi %mul3A_667, %add3A_668 : i32
      %dma_wait3A_670 = arith.constant 0 : i32
      %dma_wait3A_671 = arith.constant 0 : i32
      %dma_wait3A_672 = arith.constant 0 : i32
      %dma_wait3A_673 = tpu.memref_slice %arg8[%dma_wait3A_670, %dma_wait3A_671, %dma_wait3A_672] : memref<8x64x64xf32, #tpu.memory_space<vmem>> -> memref<1x64x64xf32, #tpu.memory_space<vmem>>
      %dma_wait3A_674 = tpu.memref_squeeze %dma_wait3A_673 : memref<1x64x64xf32, #tpu.memory_space<vmem>> -> memref<64x64xf32, #tpu.memory_space<vmem>>
      %dma_wait3A_675 = arith.constant 0 : i32
      %dma_wait3A_676 = tpu.memref_slice %arg6[%add3A_669, %dma_wait3A_675] : memref<80x64xi32, #tpu.memory_space<vmem>> -> memref<1x64xi32, #tpu.memory_space<vmem>>
      %dma_wait3A_677 = tpu.memref_squeeze %dma_wait3A_676 : memref<1x64xi32, #tpu.memory_space<vmem>> -> memref<64xi32, #tpu.memory_space<vmem>>
      %dma_wait3A_678 = arith.constant 0 : i32
      %dma_wait3A_679 = arith.constant 0 : i32
      %dma_wait3A_680 = tpu.memref_slice %arg9[%dma_wait3A_678, %dma_wait3A_679] : memref<10112x64xf32, #tpu.memory_space<vmem_shared>> -> memref<10112x64xf32, #tpu.memory_space<vmem_shared>>
      tpu.wait_indirect_dma semaphore(%arg11 : memref<!tpu.dma_semaphore, #tpu.memory_space<semaphore_mem>>) src(%dma_wait3A_680 : memref<10112x64xf32, #tpu.memory_space<vmem_shared>>) dst(%dma_wait3A_674 : memref<64x64xf32, #tpu.memory_space<vmem>>)
      %dma_start3A_681 = arith.constant 0 : i32
      %dma_start3A_682 = arith.constant 0 : i32
      %dma_start3A_683 = arith.constant 0 : i32
      %dma_start3A_684 = tpu.memref_slice %arg8[%dma_start3A_681, %dma_start3A_682, %dma_start3A_683] : memref<8x64x64xf32, #tpu.memory_space<vmem>> -> memref<1x64x64xf32, #tpu.memory_space<vmem>>
      %dma_start3A_685 = tpu.memref_squeeze %dma_start3A_684 : memref<1x64x64xf32, #tpu.memory_space<vmem>> -> memref<64x64xf32, #tpu.memory_space<vmem>>
      %dma_start3A_686 = arith.constant 0 : i32
      %dma_start3A_687 = tpu.memref_slice %arg7[%add3A_669, %dma_start3A_686] : memref<80x64xi32, #tpu.memory_space<vmem>> -> memref<1x64xi32, #tpu.memory_space<vmem>>
      %dma_start3A_688 = tpu.memref_squeeze %dma_start3A_687 : memref<1x64xi32, #tpu.memory_space<vmem>> -> memref<64xi32, #tpu.memory_space<vmem>>
      %dma_start3A_689 = arith.constant 0 : i32
      %dma_start3A_690 = arith.constant 0 : i32
      %dma_start3A_691 = tpu.memref_slice %arg10[%dma_start3A_689, %dma_start3A_690] : memref<10112x64xf32, #tpu.memory_space<vmem_shared>> -> memref<10112x64xf32, #tpu.memory_space<vmem_shared>>
      tpu.enqueue_indirect_dma source(%dma_start3A_685 : memref<64x64xf32, #tpu.memory_space<vmem>>) target(%dma_start3A_691 : memref<10112x64xf32, #tpu.memory_space<vmem_shared>>) offsets(%dma_start3A_688 : memref<64xi32, #tpu.memory_space<vmem>>) semaphore(%arg19 : memref<!tpu.dma_semaphore, #tpu.memory_space<semaphore_mem>>) {add = true}
      %add3A_692 = arith.constant 4 : i32
      %add3A_693 = arith.addi %add3A_669, %add3A_692 : i32
      %lt3A = arith.constant 80 : i32
      %lt3A_694 = arith.cmpi slt, %add3A_693, %lt3A : i32
      %convert_element_type3A = arith.extui %lt3A_694 : i1 to i32
      %cond3A = arith.constant 0 : i32
      %cond3A_695 = arith.cmpi ne, %convert_element_type3A, %cond3A : i32
      scf.if %cond3A_695 {
        %add3A_927 = arith.constant 4 : i32
        %add3A_928 = arith.addi %add3A_669, %add3A_927 : i32
        %ge3A = arith.constant 8 : i32
        %ge3A_929 = arith.cmpi sge, %add3A_928, %ge3A : i32
        %convert_element_type3A_930 = arith.extui %ge3A_929 : i1 to i32
        %cond3A_931 = arith.constant 0 : i32
        %cond3A_932 = arith.cmpi ne, %convert_element_type3A_930, %cond3A_931 : i32
        scf.if %cond3A_932 {
          %dma_wait3A_946 = arith.constant 4 : i32
          %dma_wait3A_947 = arith.constant 0 : i32
          %dma_wait3A_948 = arith.constant 0 : i32
          %dma_wait3A_949 = arith.constant 0 : i32
          %dma_wait3A_950 = tpu.memref_slice %arg8[%dma_wait3A_946, %dma_wait3A_948, %dma_wait3A_949] : memref<8x64x64xf32, #tpu.memory_space<vmem>> -> memref<1x64x64xf32, #tpu.memory_space<vmem>>
          %dma_wait3A_951 = tpu.memref_squeeze %dma_wait3A_950 : memref<1x64x64xf32, #tpu.memory_space<vmem>> -> memref<64x64xf32, #tpu.memory_space<vmem>>
          %dma_wait3A_952 = arith.constant 0 : i32
          %dma_wait3A_953 = tpu.memref_slice %arg7[%dma_wait3A_947, %dma_wait3A_952] : memref<80x64xi32, #tpu.memory_space<vmem>> -> memref<1x64xi32, #tpu.memory_space<vmem>>
          %dma_wait3A_954 = tpu.memref_squeeze %dma_wait3A_953 : memref<1x64xi32, #tpu.memory_space<vmem>> -> memref<64xi32, #tpu.memory_space<vmem>>
          %dma_wait3A_955 = arith.constant 0 : i32
          %dma_wait3A_956 = arith.constant 0 : i32
          %dma_wait3A_957 = tpu.memref_slice %arg10[%dma_wait3A_955, %dma_wait3A_956] : memref<10112x64xf32, #tpu.memory_space<vmem_shared>> -> memref<10112x64xf32, #tpu.memory_space<vmem_shared>>
          tpu.wait_indirect_dma semaphore(%arg23 : memref<!tpu.dma_semaphore, #tpu.memory_space<semaphore_mem>>) src(%dma_wait3A_951 : memref<64x64xf32, #tpu.memory_space<vmem>>) dst(%dma_wait3A_957 : memref<10112x64xf32, #tpu.memory_space<vmem_shared>>)
        } else {
        }
        %add3A_933 = arith.constant 4 : i32
        %add3A_934 = arith.addi %add3A_669, %add3A_933 : i32
        %dma_start3A_935 = arith.constant 4 : i32
        %dma_start3A_936 = arith.constant 0 : i32
        %dma_start3A_937 = arith.constant 0 : i32
        %dma_start3A_938 = tpu.memref_slice %arg8[%dma_start3A_935, %dma_start3A_936, %dma_start3A_937] : memref<8x64x64xf32, #tpu.memory_space<vmem>> -> memref<1x64x64xf32, #tpu.memory_space<vmem>>
        %dma_start3A_939 = tpu.memref_squeeze %dma_start3A_938 : memref<1x64x64xf32, #tpu.memory_space<vmem>> -> memref<64x64xf32, #tpu.memory_space<vmem>>
        %dma_start3A_940 = arith.constant 0 : i32
        %dma_start3A_941 = tpu.memref_slice %arg6[%add3A_934, %dma_start3A_940] : memref<80x64xi32, #tpu.memory_space<vmem>> -> memref<1x64xi32, #tpu.memory_space<vmem>>
        %dma_start3A_942 = tpu.memref_squeeze %dma_start3A_941 : memref<1x64xi32, #tpu.memory_space<vmem>> -> memref<64xi32, #tpu.memory_space<vmem>>
        %dma_start3A_943 = arith.constant 0 : i32
        %dma_start3A_944 = arith.constant 0 : i32
        %dma_start3A_945 = tpu.memref_slice %arg9[%dma_start3A_943, %dma_start3A_944] : memref<10112x64xf32, #tpu.memory_space<vmem_shared>> -> memref<10112x64xf32, #tpu.memory_space<vmem_shared>>
        tpu.enqueue_indirect_dma source(%dma_start3A_945 : memref<10112x64xf32, #tpu.memory_space<vmem_shared>>) target(%dma_start3A_939 : memref<64x64xf32, #tpu.memory_space<vmem>>) offsets(%dma_start3A_942 : memref<64xi32, #tpu.memory_space<vmem>>) semaphore(%arg15 : memref<!tpu.dma_semaphore, #tpu.memory_space<semaphore_mem>>)
      } else {
      }
      %mul3A_696 = arith.constant 8 : i32
      %mul3A_697 = arith.muli %scan3A_665, %mul3A_696 : i32
      %add3A_698 = arith.constant 1 : i32
      %add3A_699 = arith.addi %mul3A_697, %add3A_698 : i32
      %dma_wait3A_700 = arith.constant 1 : i32
      %dma_wait3A_701 = arith.constant 0 : i32
      %dma_wait3A_702 = arith.constant 0 : i32
      %dma_wait3A_703 = tpu.memref_slice %arg8[%dma_wait3A_700, %dma_wait3A_701, %dma_wait3A_702] : memref<8x64x64xf32, #tpu.memory_space<vmem>> -> memref<1x64x64xf32, #tpu.memory_space<vmem>>
      %dma_wait3A_704 = tpu.memref_squeeze %dma_wait3A_703 : memref<1x64x64xf32, #tpu.memory_space<vmem>> -> memref<64x64xf32, #tpu.memory_space<vmem>>
      %dma_wait3A_705 = arith.constant 0 : i32
      %dma_wait3A_706 = tpu.memref_slice %arg6[%add3A_699, %dma_wait3A_705] : memref<80x64xi32, #tpu.memory_space<vmem>> -> memref<1x64xi32, #tpu.memory_space<vmem>>
      %dma_wait3A_707 = tpu.memref_squeeze %dma_wait3A_706 : memref<1x64xi32, #tpu.memory_space<vmem>> -> memref<64xi32, #tpu.memory_space<vmem>>
      %dma_wait3A_708 = arith.constant 0 : i32
      %dma_wait3A_709 = arith.constant 0 : i32
      %dma_wait3A_710 = tpu.memref_slice %arg9[%dma_wait3A_708, %dma_wait3A_709] : memref<10112x64xf32, #tpu.memory_space<vmem_shared>> -> memref<10112x64xf32, #tpu.memory_space<vmem_shared>>
      tpu.wait_indirect_dma semaphore(%arg12 : memref<!tpu.dma_semaphore, #tpu.memory_space<semaphore_mem>>) src(%dma_wait3A_710 : memref<10112x64xf32, #tpu.memory_space<vmem_shared>>) dst(%dma_wait3A_704 : memref<64x64xf32, #tpu.memory_space<vmem>>)
      %dma_start3A_711 = arith.constant 1 : i32
      %dma_start3A_712 = arith.constant 0 : i32
      %dma_start3A_713 = arith.constant 0 : i32
      %dma_start3A_714 = tpu.memref_slice %arg8[%dma_start3A_711, %dma_start3A_712, %dma_start3A_713] : memref<8x64x64xf32, #tpu.memory_space<vmem>> -> memref<1x64x64xf32, #tpu.memory_space<vmem>>
      %dma_start3A_715 = tpu.memref_squeeze %dma_start3A_714 : memref<1x64x64xf32, #tpu.memory_space<vmem>> -> memref<64x64xf32, #tpu.memory_space<vmem>>
      %dma_start3A_716 = arith.constant 0 : i32
      %dma_start3A_717 = tpu.memref_slice %arg7[%add3A_699, %dma_start3A_716] : memref<80x64xi32, #tpu.memory_space<vmem>> -> memref<1x64xi32, #tpu.memory_space<vmem>>
      %dma_start3A_718 = tpu.memref_squeeze %dma_start3A_717 : memref<1x64xi32, #tpu.memory_space<vmem>> -> memref<64xi32, #tpu.memory_space<vmem>>
      %dma_start3A_719 = arith.constant 0 : i32
      %dma_start3A_720 = arith.constant 0 : i32
      %dma_start3A_721 = tpu.memref_slice %arg10[%dma_start3A_719, %dma_start3A_720] : memref<10112x64xf32, #tpu.memory_space<vmem_shared>> -> memref<10112x64xf32, #tpu.memory_space<vmem_shared>>
      tpu.enqueue_indirect_dma source(%dma_start3A_715 : memref<64x64xf32, #tpu.memory_space<vmem>>) target(%dma_start3A_721 : memref<10112x64xf32, #tpu.memory_space<vmem_shared>>) offsets(%dma_start3A_718 : memref<64xi32, #tpu.memory_space<vmem>>) semaphore(%arg20 : memref<!tpu.dma_semaphore, #tpu.memory_space<semaphore_mem>>) {add = true}
      %add3A_722 = arith.constant 4 : i32
      %add3A_723 = arith.addi %add3A_699, %add3A_722 : i32
      %lt3A_724 = arith.constant 80 : i32
      %lt3A_725 = arith.cmpi slt, %add3A_723, %lt3A_724 : i32
      %convert_element_type3A_726 = arith.extui %lt3A_725 : i1 to i32
      %cond3A_727 = arith.constant 0 : i32
      %cond3A_728 = arith.cmpi ne, %convert_element_type3A_726, %cond3A_727 : i32
      scf.if %cond3A_728 {
        %add3A_927 = arith.constant 4 : i32
        %add3A_928 = arith.addi %add3A_699, %add3A_927 : i32
        %ge3A = arith.constant 8 : i32
        %ge3A_929 = arith.cmpi sge, %add3A_928, %ge3A : i32
        %convert_element_type3A_930 = arith.extui %ge3A_929 : i1 to i32
        %cond3A_931 = arith.constant 0 : i32
        %cond3A_932 = arith.cmpi ne, %convert_element_type3A_930, %cond3A_931 : i32
        scf.if %cond3A_932 {
          %dma_wait3A_946 = arith.constant 5 : i32
          %dma_wait3A_947 = arith.constant 0 : i32
          %dma_wait3A_948 = arith.constant 0 : i32
          %dma_wait3A_949 = arith.constant 0 : i32
          %dma_wait3A_950 = tpu.memref_slice %arg8[%dma_wait3A_946, %dma_wait3A_948, %dma_wait3A_949] : memref<8x64x64xf32, #tpu.memory_space<vmem>> -> memref<1x64x64xf32, #tpu.memory_space<vmem>>
          %dma_wait3A_951 = tpu.memref_squeeze %dma_wait3A_950 : memref<1x64x64xf32, #tpu.memory_space<vmem>> -> memref<64x64xf32, #tpu.memory_space<vmem>>
          %dma_wait3A_952 = arith.constant 0 : i32
          %dma_wait3A_953 = tpu.memref_slice %arg7[%dma_wait3A_947, %dma_wait3A_952] : memref<80x64xi32, #tpu.memory_space<vmem>> -> memref<1x64xi32, #tpu.memory_space<vmem>>
          %dma_wait3A_954 = tpu.memref_squeeze %dma_wait3A_953 : memref<1x64xi32, #tpu.memory_space<vmem>> -> memref<64xi32, #tpu.memory_space<vmem>>
          %dma_wait3A_955 = arith.constant 0 : i32
          %dma_wait3A_956 = arith.constant 0 : i32
          %dma_wait3A_957 = tpu.memref_slice %arg10[%dma_wait3A_955, %dma_wait3A_956] : memref<10112x64xf32, #tpu.memory_space<vmem_shared>> -> memref<10112x64xf32, #tpu.memory_space<vmem_shared>>
          tpu.wait_indirect_dma semaphore(%arg24 : memref<!tpu.dma_semaphore, #tpu.memory_space<semaphore_mem>>) src(%dma_wait3A_951 : memref<64x64xf32, #tpu.memory_space<vmem>>) dst(%dma_wait3A_957 : memref<10112x64xf32, #tpu.memory_space<vmem_shared>>)
        } else {
        }
        %add3A_933 = arith.constant 4 : i32
        %add3A_934 = arith.addi %add3A_699, %add3A_933 : i32
        %dma_start3A_935 = arith.constant 5 : i32
        %dma_start3A_936 = arith.constant 0 : i32
        %dma_start3A_937 = arith.constant 0 : i32
        %dma_start3A_938 = tpu.memref_slice %arg8[%dma_start3A_935, %dma_start3A_936, %dma_start3A_937] : memref<8x64x64xf32, #tpu.memory_space<vmem>> -> memref<1x64x64xf32, #tpu.memory_space<vmem>>
        %dma_start3A_939 = tpu.memref_squeeze %dma_start3A_938 : memref<1x64x64xf32, #tpu.memory_space<vmem>> -> memref<64x64xf32, #tpu.memory_space<vmem>>
        %dma_start3A_940 = arith.constant 0 : i32
        %dma_start3A_941 = tpu.memref_slice %arg6[%add3A_934, %dma_start3A_940] : memref<80x64xi32, #tpu.memory_space<vmem>> -> memref<1x64xi32, #tpu.memory_space<vmem>>
        %dma_start3A_942 = tpu.memref_squeeze %dma_start3A_941 : memref<1x64xi32, #tpu.memory_space<vmem>> -> memref<64xi32, #tpu.memory_space<vmem>>
        %dma_start3A_943 = arith.constant 0 : i32
        %dma_start3A_944 = arith.constant 0 : i32
        %dma_start3A_945 = tpu.memref_slice %arg9[%dma_start3A_943, %dma_start3A_944] : memref<10112x64xf32, #tpu.memory_space<vmem_shared>> -> memref<10112x64xf32, #tpu.memory_space<vmem_shared>>
        tpu.enqueue_indirect_dma source(%dma_start3A_945 : memref<10112x64xf32, #tpu.memory_space<vmem_shared>>) target(%dma_start3A_939 : memref<64x64xf32, #tpu.memory_space<vmem>>) offsets(%dma_start3A_942 : memref<64xi32, #tpu.memory_space<vmem>>) semaphore(%arg16 : memref<!tpu.dma_semaphore, #tpu.memory_space<semaphore_mem>>)
      } else {
      }
      %mul3A_729 = arith.constant 8 : i32
      %mul3A_730 = arith.muli %scan3A_665, %mul3A_729 : i32
      %add3A_731 = arith.constant 2 : i32
      %add3A_732 = arith.addi %mul3A_730, %add3A_731 : i32
      %dma_wait3A_733 = arith.constant 2 : i32
      %dma_wait3A_734 = arith.constant 0 : i32
      %dma_wait3A_735 = arith.constant 0 : i32
      %dma_wait3A_736 = tpu.memref_slice %arg8[%dma_wait3A_733, %dma_wait3A_734, %dma_wait3A_735] : memref<8x64x64xf32, #tpu.memory_space<vmem>> -> memref<1x64x64xf32, #tpu.memory_space<vmem>>
      %dma_wait3A_737 = tpu.memref_squeeze %dma_wait3A_736 : memref<1x64x64xf32, #tpu.memory_space<vmem>> -> memref<64x64xf32, #tpu.memory_space<vmem>>
      %dma_wait3A_738 = arith.constant 0 : i32
      %dma_wait3A_739 = tpu.memref_slice %arg6[%add3A_732, %dma_wait3A_738] : memref<80x64xi32, #tpu.memory_space<vmem>> -> memref<1x64xi32, #tpu.memory_space<vmem>>
      %dma_wait3A_740 = tpu.memref_squeeze %dma_wait3A_739 : memref<1x64xi32, #tpu.memory_space<vmem>> -> memref<64xi32, #tpu.memory_space<vmem>>
      %dma_wait3A_741 = arith.constant 0 : i32
      %dma_wait3A_742 = arith.constant 0 : i32
      %dma_wait3A_743 = tpu.memref_slice %arg9[%dma_wait3A_741, %dma_wait3A_742] : memref<10112x64xf32, #tpu.memory_space<vmem_shared>> -> memref<10112x64xf32, #tpu.memory_space<vmem_shared>>
      tpu.wait_indirect_dma semaphore(%arg13 : memref<!tpu.dma_semaphore, #tpu.memory_space<semaphore_mem>>) src(%dma_wait3A_743 : memref<10112x64xf32, #tpu.memory_space<vmem_shared>>) dst(%dma_wait3A_737 : memref<64x64xf32, #tpu.memory_space<vmem>>)
      %dma_start3A_744 = arith.constant 2 : i32
      %dma_start3A_745 = arith.constant 0 : i32
      %dma_start3A_746 = arith.constant 0 : i32
      %dma_start3A_747 = tpu.memref_slice %arg8[%dma_start3A_744, %dma_start3A_745, %dma_start3A_746] : memref<8x64x64xf32, #tpu.memory_space<vmem>> -> memref<1x64x64xf32, #tpu.memory_space<vmem>>
      %dma_start3A_748 = tpu.memref_squeeze %dma_start3A_747 : memref<1x64x64xf32, #tpu.memory_space<vmem>> -> memref<64x64xf32, #tpu.memory_space<vmem>>
      %dma_start3A_749 = arith.constant 0 : i32
      %dma_start3A_750 = tpu.memref_slice %arg7[%add3A_732, %dma_start3A_749] : memref<80x64xi32, #tpu.memory_space<vmem>> -> memref<1x64xi32, #tpu.memory_space<vmem>>
      %dma_start3A_751 = tpu.memref_squeeze %dma_start3A_750 : memref<1x64xi32, #tpu.memory_space<vmem>> -> memref<64xi32, #tpu.memory_space<vmem>>
      %dma_start3A_752 = arith.constant 0 : i32
      %dma_start3A_753 = arith.constant 0 : i32
      %dma_start3A_754 = tpu.memref_slice %arg10[%dma_start3A_752, %dma_start3A_753] : memref<10112x64xf32, #tpu.memory_space<vmem_shared>> -> memref<10112x64xf32, #tpu.memory_space<vmem_shared>>
      tpu.enqueue_indirect_dma source(%dma_start3A_748 : memref<64x64xf32, #tpu.memory_space<vmem>>) target(%dma_start3A_754 : memref<10112x64xf32, #tpu.memory_space<vmem_shared>>) offsets(%dma_start3A_751 : memref<64xi32, #tpu.memory_space<vmem>>) semaphore(%arg21 : memref<!tpu.dma_semaphore, #tpu.memory_space<semaphore_mem>>) {add = true}
      %add3A_755 = arith.constant 4 : i32
      %add3A_756 = arith.addi %add3A_732, %add3A_755 : i32
      %lt3A_757 = arith.constant 80 : i32
      %lt3A_758 = arith.cmpi slt, %add3A_756, %lt3A_757 : i32
      %convert_element_type3A_759 = arith.extui %lt3A_758 : i1 to i32
      %cond3A_760 = arith.constant 0 : i32
      %cond3A_761 = arith.cmpi ne, %convert_element_type3A_759, %cond3A_760 : i32
      scf.if %cond3A_761 {
        %add3A_927 = arith.constant 4 : i32
        %add3A_928 = arith.addi %add3A_732, %add3A_927 : i32
        %ge3A = arith.constant 8 : i32
        %ge3A_929 = arith.cmpi sge, %add3A_928, %ge3A : i32
        %convert_element_type3A_930 = arith.extui %ge3A_929 : i1 to i32
        %cond3A_931 = arith.constant 0 : i32
        %cond3A_932 = arith.cmpi ne, %convert_element_type3A_930, %cond3A_931 : i32
        scf.if %cond3A_932 {
          %dma_wait3A_946 = arith.constant 6 : i32
          %dma_wait3A_947 = arith.constant 0 : i32
          %dma_wait3A_948 = arith.constant 0 : i32
          %dma_wait3A_949 = arith.constant 0 : i32
          %dma_wait3A_950 = tpu.memref_slice %arg8[%dma_wait3A_946, %dma_wait3A_948, %dma_wait3A_949] : memref<8x64x64xf32, #tpu.memory_space<vmem>> -> memref<1x64x64xf32, #tpu.memory_space<vmem>>
          %dma_wait3A_951 = tpu.memref_squeeze %dma_wait3A_950 : memref<1x64x64xf32, #tpu.memory_space<vmem>> -> memref<64x64xf32, #tpu.memory_space<vmem>>
          %dma_wait3A_952 = arith.constant 0 : i32
          %dma_wait3A_953 = tpu.memref_slice %arg7[%dma_wait3A_947, %dma_wait3A_952] : memref<80x64xi32, #tpu.memory_space<vmem>> -> memref<1x64xi32, #tpu.memory_space<vmem>>
          %dma_wait3A_954 = tpu.memref_squeeze %dma_wait3A_953 : memref<1x64xi32, #tpu.memory_space<vmem>> -> memref<64xi32, #tpu.memory_space<vmem>>
          %dma_wait3A_955 = arith.constant 0 : i32
          %dma_wait3A_956 = arith.constant 0 : i32
          %dma_wait3A_957 = tpu.memref_slice %arg10[%dma_wait3A_955, %dma_wait3A_956] : memref<10112x64xf32, #tpu.memory_space<vmem_shared>> -> memref<10112x64xf32, #tpu.memory_space<vmem_shared>>
          tpu.wait_indirect_dma semaphore(%arg25 : memref<!tpu.dma_semaphore, #tpu.memory_space<semaphore_mem>>) src(%dma_wait3A_951 : memref<64x64xf32, #tpu.memory_space<vmem>>) dst(%dma_wait3A_957 : memref<10112x64xf32, #tpu.memory_space<vmem_shared>>)
        } else {
        }
        %add3A_933 = arith.constant 4 : i32
        %add3A_934 = arith.addi %add3A_732, %add3A_933 : i32
        %dma_start3A_935 = arith.constant 6 : i32
        %dma_start3A_936 = arith.constant 0 : i32
        %dma_start3A_937 = arith.constant 0 : i32
        %dma_start3A_938 = tpu.memref_slice %arg8[%dma_start3A_935, %dma_start3A_936, %dma_start3A_937] : memref<8x64x64xf32, #tpu.memory_space<vmem>> -> memref<1x64x64xf32, #tpu.memory_space<vmem>>
        %dma_start3A_939 = tpu.memref_squeeze %dma_start3A_938 : memref<1x64x64xf32, #tpu.memory_space<vmem>> -> memref<64x64xf32, #tpu.memory_space<vmem>>
        %dma_start3A_940 = arith.constant 0 : i32
        %dma_start3A_941 = tpu.memref_slice %arg6[%add3A_934, %dma_start3A_940] : memref<80x64xi32, #tpu.memory_space<vmem>> -> memref<1x64xi32, #tpu.memory_space<vmem>>
        %dma_start3A_942 = tpu.memref_squeeze %dma_start3A_941 : memref<1x64xi32, #tpu.memory_space<vmem>> -> memref<64xi32, #tpu.memory_space<vmem>>
        %dma_start3A_943 = arith.constant 0 : i32
        %dma_start3A_944 = arith.constant 0 : i32
        %dma_start3A_945 = tpu.memref_slice %arg9[%dma_start3A_943, %dma_start3A_944] : memref<10112x64xf32, #tpu.memory_space<vmem_shared>> -> memref<10112x64xf32, #tpu.memory_space<vmem_shared>>
        tpu.enqueue_indirect_dma source(%dma_start3A_945 : memref<10112x64xf32, #tpu.memory_space<vmem_shared>>) target(%dma_start3A_939 : memref<64x64xf32, #tpu.memory_space<vmem>>) offsets(%dma_start3A_942 : memref<64xi32, #tpu.memory_space<vmem>>) semaphore(%arg17 : memref<!tpu.dma_semaphore, #tpu.memory_space<semaphore_mem>>)
      } else {
      }
      %mul3A_762 = arith.constant 8 : i32
      %mul3A_763 = arith.muli %scan3A_665, %mul3A_762 : i32
      %add3A_764 = arith.constant 3 : i32
      %add3A_765 = arith.addi %mul3A_763, %add3A_764 : i32
      %dma_wait3A_766 = arith.constant 3 : i32
      %dma_wait3A_767 = arith.constant 0 : i32
      %dma_wait3A_768 = arith.constant 0 : i32
      %dma_wait3A_769 = tpu.memref_slice %arg8[%dma_wait3A_766, %dma_wait3A_767, %dma_wait3A_768] : memref<8x64x64xf32, #tpu.memory_space<vmem>> -> memref<1x64x64xf32, #tpu.memory_space<vmem>>
      %dma_wait3A_770 = tpu.memref_squeeze %dma_wait3A_769 : memref<1x64x64xf32, #tpu.memory_space<vmem>> -> memref<64x64xf32, #tpu.memory_space<vmem>>
      %dma_wait3A_771 = arith.constant 0 : i32
      %dma_wait3A_772 = tpu.memref_slice %arg6[%add3A_765, %dma_wait3A_771] : memref<80x64xi32, #tpu.memory_space<vmem>> -> memref<1x64xi32, #tpu.memory_space<vmem>>
      %dma_wait3A_773 = tpu.memref_squeeze %dma_wait3A_772 : memref<1x64xi32, #tpu.memory_space<vmem>> -> memref<64xi32, #tpu.memory_space<vmem>>
      %dma_wait3A_774 = arith.constant 0 : i32
      %dma_wait3A_775 = arith.constant 0 : i32
      %dma_wait3A_776 = tpu.memref_slice %arg9[%dma_wait3A_774, %dma_wait3A_775] : memref<10112x64xf32, #tpu.memory_space<vmem_shared>> -> memref<10112x64xf32, #tpu.memory_space<vmem_shared>>
      tpu.wait_indirect_dma semaphore(%arg14 : memref<!tpu.dma_semaphore, #tpu.memory_space<semaphore_mem>>) src(%dma_wait3A_776 : memref<10112x64xf32, #tpu.memory_space<vmem_shared>>) dst(%dma_wait3A_770 : memref<64x64xf32, #tpu.memory_space<vmem>>)
      %dma_start3A_777 = arith.constant 3 : i32
      %dma_start3A_778 = arith.constant 0 : i32
      %dma_start3A_779 = arith.constant 0 : i32
      %dma_start3A_780 = tpu.memref_slice %arg8[%dma_start3A_777, %dma_start3A_778, %dma_start3A_779] : memref<8x64x64xf32, #tpu.memory_space<vmem>> -> memref<1x64x64xf32, #tpu.memory_space<vmem>>
      %dma_start3A_781 = tpu.memref_squeeze %dma_start3A_780 : memref<1x64x64xf32, #tpu.memory_space<vmem>> -> memref<64x64xf32, #tpu.memory_space<vmem>>
      %dma_start3A_782 = arith.constant 0 : i32
      %dma_start3A_783 = tpu.memref_slice %arg7[%add3A_765, %dma_start3A_782] : memref<80x64xi32, #tpu.memory_space<vmem>> -> memref<1x64xi32, #tpu.memory_space<vmem>>
      %dma_start3A_784 = tpu.memref_squeeze %dma_start3A_783 : memref<1x64xi32, #tpu.memory_space<vmem>> -> memref<64xi32, #tpu.memory_space<vmem>>
      %dma_start3A_785 = arith.constant 0 : i32
      %dma_start3A_786 = arith.constant 0 : i32
      %dma_start3A_787 = tpu.memref_slice %arg10[%dma_start3A_785, %dma_start3A_786] : memref<10112x64xf32, #tpu.memory_space<vmem_shared>> -> memref<10112x64xf32, #tpu.memory_space<vmem_shared>>
      tpu.enqueue_indirect_dma source(%dma_start3A_781 : memref<64x64xf32, #tpu.memory_space<vmem>>) target(%dma_start3A_787 : memref<10112x64xf32, #tpu.memory_space<vmem_shared>>) offsets(%dma_start3A_784 : memref<64xi32, #tpu.memory_space<vmem>>) semaphore(%arg22 : memref<!tpu.dma_semaphore, #tpu.memory_space<semaphore_mem>>) {add = true}
      %add3A_788 = arith.constant 4 : i32
      %add3A_789 = arith.addi %add3A_765, %add3A_788 : i32
      %lt3A_790 = arith.constant 80 : i32
      %lt3A_791 = arith.cmpi slt, %add3A_789, %lt3A_790 : i32
      %convert_element_type3A_792 = arith.extui %lt3A_791 : i1 to i32
      %cond3A_793 = arith.constant 0 : i32
      %cond3A_794 = arith.cmpi ne, %convert_element_type3A_792, %cond3A_793 : i32
      scf.if %cond3A_794 {
        %add3A_927 = arith.constant 4 : i32
        %add3A_928 = arith.addi %add3A_765, %add3A_927 : i32
        %ge3A = arith.constant 8 : i32
        %ge3A_929 = arith.cmpi sge, %add3A_928, %ge3A : i32
        %convert_element_type3A_930 = arith.extui %ge3A_929 : i1 to i32
        %cond3A_931 = arith.constant 0 : i32
        %cond3A_932 = arith.cmpi ne, %convert_element_type3A_930, %cond3A_931 : i32
        scf.if %cond3A_932 {
          %dma_wait3A_946 = arith.constant 7 : i32
          %dma_wait3A_947 = arith.constant 0 : i32
          %dma_wait3A_948 = arith.constant 0 : i32
          %dma_wait3A_949 = arith.constant 0 : i32
          %dma_wait3A_950 = tpu.memref_slice %arg8[%dma_wait3A_946, %dma_wait3A_948, %dma_wait3A_949] : memref<8x64x64xf32, #tpu.memory_space<vmem>> -> memref<1x64x64xf32, #tpu.memory_space<vmem>>
          %dma_wait3A_951 = tpu.memref_squeeze %dma_wait3A_950 : memref<1x64x64xf32, #tpu.memory_space<vmem>> -> memref<64x64xf32, #tpu.memory_space<vmem>>
          %dma_wait3A_952 = arith.constant 0 : i32
          %dma_wait3A_953 = tpu.memref_slice %arg7[%dma_wait3A_947, %dma_wait3A_952] : memref<80x64xi32, #tpu.memory_space<vmem>> -> memref<1x64xi32, #tpu.memory_space<vmem>>
          %dma_wait3A_954 = tpu.memref_squeeze %dma_wait3A_953 : memref<1x64xi32, #tpu.memory_space<vmem>> -> memref<64xi32, #tpu.memory_space<vmem>>
          %dma_wait3A_955 = arith.constant 0 : i32
          %dma_wait3A_956 = arith.constant 0 : i32
          %dma_wait3A_957 = tpu.memref_slice %arg10[%dma_wait3A_955, %dma_wait3A_956] : memref<10112x64xf32, #tpu.memory_space<vmem_shared>> -> memref<10112x64xf32, #tpu.memory_space<vmem_shared>>
          tpu.wait_indirect_dma semaphore(%arg26 : memref<!tpu.dma_semaphore, #tpu.memory_space<semaphore_mem>>) src(%dma_wait3A_951 : memref<64x64xf32, #tpu.memory_space<vmem>>) dst(%dma_wait3A_957 : memref<10112x64xf32, #tpu.memory_space<vmem_shared>>)
        } else {
        }
        %add3A_933 = arith.constant 4 : i32
        %add3A_934 = arith.addi %add3A_765, %add3A_933 : i32
        %dma_start3A_935 = arith.constant 7 : i32
        %dma_start3A_936 = arith.constant 0 : i32
        %dma_start3A_937 = arith.constant 0 : i32
        %dma_start3A_938 = tpu.memref_slice %arg8[%dma_start3A_935, %dma_start3A_936, %dma_start3A_937] : memref<8x64x64xf32, #tpu.memory_space<vmem>> -> memref<1x64x64xf32, #tpu.memory_space<vmem>>
        %dma_start3A_939 = tpu.memref_squeeze %dma_start3A_938 : memref<1x64x64xf32, #tpu.memory_space<vmem>> -> memref<64x64xf32, #tpu.memory_space<vmem>>
        %dma_start3A_940 = arith.constant 0 : i32
        %dma_start3A_941 = tpu.memref_slice %arg6[%add3A_934, %dma_start3A_940] : memref<80x64xi32, #tpu.memory_space<vmem>> -> memref<1x64xi32, #tpu.memory_space<vmem>>
        %dma_start3A_942 = tpu.memref_squeeze %dma_start3A_941 : memref<1x64xi32, #tpu.memory_space<vmem>> -> memref<64xi32, #tpu.memory_space<vmem>>
        %dma_start3A_943 = arith.constant 0 : i32
        %dma_start3A_944 = arith.constant 0 : i32
        %dma_start3A_945 = tpu.memref_slice %arg9[%dma_start3A_943, %dma_start3A_944] : memref<10112x64xf32, #tpu.memory_space<vmem_shared>> -> memref<10112x64xf32, #tpu.memory_space<vmem_shared>>
        tpu.enqueue_indirect_dma source(%dma_start3A_945 : memref<10112x64xf32, #tpu.memory_space<vmem_shared>>) target(%dma_start3A_939 : memref<64x64xf32, #tpu.memory_space<vmem>>) offsets(%dma_start3A_942 : memref<64xi32, #tpu.memory_space<vmem>>) semaphore(%arg18 : memref<!tpu.dma_semaphore, #tpu.memory_space<semaphore_mem>>)
      } else {
      }
      %mul3A_795 = arith.constant 8 : i32
      %mul3A_796 = arith.muli %scan3A_665, %mul3A_795 : i32
      %add3A_797 = arith.constant 4 : i32
      %add3A_798 = arith.addi %mul3A_796, %add3A_797 : i32
      %dma_wait3A_799 = arith.constant 4 : i32
      %dma_wait3A_800 = arith.constant 0 : i32
      %dma_wait3A_801 = arith.constant 0 : i32
      %dma_wait3A_802 = tpu.memref_slice %arg8[%dma_wait3A_799, %dma_wait3A_800, %dma_wait3A_801] : memref<8x64x64xf32, #tpu.memory_space<vmem>> -> memref<1x64x64xf32, #tpu.memory_space<vmem>>
      %dma_wait3A_803 = tpu.memref_squeeze %dma_wait3A_802 : memref<1x64x64xf32, #tpu.memory_space<vmem>> -> memref<64x64xf32, #tpu.memory_space<vmem>>
      %dma_wait3A_804 = arith.constant 0 : i32
      %dma_wait3A_805 = tpu.memref_slice %arg6[%add3A_798, %dma_wait3A_804] : memref<80x64xi32, #tpu.memory_space<vmem>> -> memref<1x64xi32, #tpu.memory_space<vmem>>
      %dma_wait3A_806 = tpu.memref_squeeze %dma_wait3A_805 : memref<1x64xi32, #tpu.memory_space<vmem>> -> memref<64xi32, #tpu.memory_space<vmem>>
      %dma_wait3A_807 = arith.constant 0 : i32
      %dma_wait3A_808 = arith.constant 0 : i32
      %dma_wait3A_809 = tpu.memref_slice %arg9[%dma_wait3A_807, %dma_wait3A_808] : memref<10112x64xf32, #tpu.memory_space<vmem_shared>> -> memref<10112x64xf32, #tpu.memory_space<vmem_shared>>
      tpu.wait_indirect_dma semaphore(%arg15 : memref<!tpu.dma_semaphore, #tpu.memory_space<semaphore_mem>>) src(%dma_wait3A_809 : memref<10112x64xf32, #tpu.memory_space<vmem_shared>>) dst(%dma_wait3A_803 : memref<64x64xf32, #tpu.memory_space<vmem>>)
      %dma_start3A_810 = arith.constant 4 : i32
      %dma_start3A_811 = arith.constant 0 : i32
      %dma_start3A_812 = arith.constant 0 : i32
      %dma_start3A_813 = tpu.memref_slice %arg8[%dma_start3A_810, %dma_start3A_811, %dma_start3A_812] : memref<8x64x64xf32, #tpu.memory_space<vmem>> -> memref<1x64x64xf32, #tpu.memory_space<vmem>>
      %dma_start3A_814 = tpu.memref_squeeze %dma_start3A_813 : memref<1x64x64xf32, #tpu.memory_space<vmem>> -> memref<64x64xf32, #tpu.memory_space<vmem>>
      %dma_start3A_815 = arith.constant 0 : i32
      %dma_start3A_816 = tpu.memref_slice %arg7[%add3A_798, %dma_start3A_815] : memref<80x64xi32, #tpu.memory_space<vmem>> -> memref<1x64xi32, #tpu.memory_space<vmem>>
      %dma_start3A_817 = tpu.memref_squeeze %dma_start3A_816 : memref<1x64xi32, #tpu.memory_space<vmem>> -> memref<64xi32, #tpu.memory_space<vmem>>
      %dma_start3A_818 = arith.constant 0 : i32
      %dma_start3A_819 = arith.constant 0 : i32
      %dma_start3A_820 = tpu.memref_slice %arg10[%dma_start3A_818, %dma_start3A_819] : memref<10112x64xf32, #tpu.memory_space<vmem_shared>> -> memref<10112x64xf32, #tpu.memory_space<vmem_shared>>
      tpu.enqueue_indirect_dma source(%dma_start3A_814 : memref<64x64xf32, #tpu.memory_space<vmem>>) target(%dma_start3A_820 : memref<10112x64xf32, #tpu.memory_space<vmem_shared>>) offsets(%dma_start3A_817 : memref<64xi32, #tpu.memory_space<vmem>>) semaphore(%arg23 : memref<!tpu.dma_semaphore, #tpu.memory_space<semaphore_mem>>) {add = true}
      %add3A_821 = arith.constant 4 : i32
      %add3A_822 = arith.addi %add3A_798, %add3A_821 : i32
      %lt3A_823 = arith.constant 80 : i32
      %lt3A_824 = arith.cmpi slt, %add3A_822, %lt3A_823 : i32
      %convert_element_type3A_825 = arith.extui %lt3A_824 : i1 to i32
      %cond3A_826 = arith.constant 0 : i32
      %cond3A_827 = arith.cmpi ne, %convert_element_type3A_825, %cond3A_826 : i32
      scf.if %cond3A_827 {
        %add3A_927 = arith.constant 4 : i32
        %add3A_928 = arith.addi %add3A_798, %add3A_927 : i32
        %ge3A = arith.constant 8 : i32
        %ge3A_929 = arith.cmpi sge, %add3A_928, %ge3A : i32
        %convert_element_type3A_930 = arith.extui %ge3A_929 : i1 to i32
        %cond3A_931 = arith.constant 0 : i32
        %cond3A_932 = arith.cmpi ne, %convert_element_type3A_930, %cond3A_931 : i32
        scf.if %cond3A_932 {
          %dma_wait3A_946 = arith.constant 0 : i32
          %dma_wait3A_947 = arith.constant 0 : i32
          %dma_wait3A_948 = arith.constant 0 : i32
          %dma_wait3A_949 = arith.constant 0 : i32
          %dma_wait3A_950 = tpu.memref_slice %arg8[%dma_wait3A_946, %dma_wait3A_948, %dma_wait3A_949] : memref<8x64x64xf32, #tpu.memory_space<vmem>> -> memref<1x64x64xf32, #tpu.memory_space<vmem>>
          %dma_wait3A_951 = tpu.memref_squeeze %dma_wait3A_950 : memref<1x64x64xf32, #tpu.memory_space<vmem>> -> memref<64x64xf32, #tpu.memory_space<vmem>>
          %dma_wait3A_952 = arith.constant 0 : i32
          %dma_wait3A_953 = tpu.memref_slice %arg7[%dma_wait3A_947, %dma_wait3A_952] : memref<80x64xi32, #tpu.memory_space<vmem>> -> memref<1x64xi32, #tpu.memory_space<vmem>>
          %dma_wait3A_954 = tpu.memref_squeeze %dma_wait3A_953 : memref<1x64xi32, #tpu.memory_space<vmem>> -> memref<64xi32, #tpu.memory_space<vmem>>
          %dma_wait3A_955 = arith.constant 0 : i32
          %dma_wait3A_956 = arith.constant 0 : i32
          %dma_wait3A_957 = tpu.memref_slice %arg10[%dma_wait3A_955, %dma_wait3A_956] : memref<10112x64xf32, #tpu.memory_space<vmem_shared>> -> memref<10112x64xf32, #tpu.memory_space<vmem_shared>>
          tpu.wait_indirect_dma semaphore(%arg19 : memref<!tpu.dma_semaphore, #tpu.memory_space<semaphore_mem>>) src(%dma_wait3A_951 : memref<64x64xf32, #tpu.memory_space<vmem>>) dst(%dma_wait3A_957 : memref<10112x64xf32, #tpu.memory_space<vmem_shared>>)
        } else {
        }
        %add3A_933 = arith.constant 4 : i32
        %add3A_934 = arith.addi %add3A_798, %add3A_933 : i32
        %dma_start3A_935 = arith.constant 0 : i32
        %dma_start3A_936 = arith.constant 0 : i32
        %dma_start3A_937 = arith.constant 0 : i32
        %dma_start3A_938 = tpu.memref_slice %arg8[%dma_start3A_935, %dma_start3A_936, %dma_start3A_937] : memref<8x64x64xf32, #tpu.memory_space<vmem>> -> memref<1x64x64xf32, #tpu.memory_space<vmem>>
        %dma_start3A_939 = tpu.memref_squeeze %dma_start3A_938 : memref<1x64x64xf32, #tpu.memory_space<vmem>> -> memref<64x64xf32, #tpu.memory_space<vmem>>
        %dma_start3A_940 = arith.constant 0 : i32
        %dma_start3A_941 = tpu.memref_slice %arg6[%add3A_934, %dma_start3A_940] : memref<80x64xi32, #tpu.memory_space<vmem>> -> memref<1x64xi32, #tpu.memory_space<vmem>>
        %dma_start3A_942 = tpu.memref_squeeze %dma_start3A_941 : memref<1x64xi32, #tpu.memory_space<vmem>> -> memref<64xi32, #tpu.memory_space<vmem>>
        %dma_start3A_943 = arith.constant 0 : i32
        %dma_start3A_944 = arith.constant 0 : i32
        %dma_start3A_945 = tpu.memref_slice %arg9[%dma_start3A_943, %dma_start3A_944] : memref<10112x64xf32, #tpu.memory_space<vmem_shared>> -> memref<10112x64xf32, #tpu.memory_space<vmem_shared>>
        tpu.enqueue_indirect_dma source(%dma_start3A_945 : memref<10112x64xf32, #tpu.memory_space<vmem_shared>>) target(%dma_start3A_939 : memref<64x64xf32, #tpu.memory_space<vmem>>) offsets(%dma_start3A_942 : memref<64xi32, #tpu.memory_space<vmem>>) semaphore(%arg11 : memref<!tpu.dma_semaphore, #tpu.memory_space<semaphore_mem>>)
      } else {
      }
      %mul3A_828 = arith.constant 8 : i32
      %mul3A_829 = arith.muli %scan3A_665, %mul3A_828 : i32
      %add3A_830 = arith.constant 5 : i32
      %add3A_831 = arith.addi %mul3A_829, %add3A_830 : i32
      %dma_wait3A_832 = arith.constant 5 : i32
      %dma_wait3A_833 = arith.constant 0 : i32
      %dma_wait3A_834 = arith.constant 0 : i32
      %dma_wait3A_835 = tpu.memref_slice %arg8[%dma_wait3A_832, %dma_wait3A_833, %dma_wait3A_834] : memref<8x64x64xf32, #tpu.memory_space<vmem>> -> memref<1x64x64xf32, #tpu.memory_space<vmem>>
      %dma_wait3A_836 = tpu.memref_squeeze %dma_wait3A_835 : memref<1x64x64xf32, #tpu.memory_space<vmem>> -> memref<64x64xf32, #tpu.memory_space<vmem>>
      %dma_wait3A_837 = arith.constant 0 : i32
      %dma_wait3A_838 = tpu.memref_slice %arg6[%add3A_831, %dma_wait3A_837] : memref<80x64xi32, #tpu.memory_space<vmem>> -> memref<1x64xi32, #tpu.memory_space<vmem>>
      %dma_wait3A_839 = tpu.memref_squeeze %dma_wait3A_838 : memref<1x64xi32, #tpu.memory_space<vmem>> -> memref<64xi32, #tpu.memory_space<vmem>>
      %dma_wait3A_840 = arith.constant 0 : i32
      %dma_wait3A_841 = arith.constant 0 : i32
      %dma_wait3A_842 = tpu.memref_slice %arg9[%dma_wait3A_840, %dma_wait3A_841] : memref<10112x64xf32, #tpu.memory_space<vmem_shared>> -> memref<10112x64xf32, #tpu.memory_space<vmem_shared>>
      tpu.wait_indirect_dma semaphore(%arg16 : memref<!tpu.dma_semaphore, #tpu.memory_space<semaphore_mem>>) src(%dma_wait3A_842 : memref<10112x64xf32, #tpu.memory_space<vmem_shared>>) dst(%dma_wait3A_836 : memref<64x64xf32, #tpu.memory_space<vmem>>)
      %dma_start3A_843 = arith.constant 5 : i32
      %dma_start3A_844 = arith.constant 0 : i32
      %dma_start3A_845 = arith.constant 0 : i32
      %dma_start3A_846 = tpu.memref_slice %arg8[%dma_start3A_843, %dma_start3A_844, %dma_start3A_845] : memref<8x64x64xf32, #tpu.memory_space<vmem>> -> memref<1x64x64xf32, #tpu.memory_space<vmem>>
      %dma_start3A_847 = tpu.memref_squeeze %dma_start3A_846 : memref<1x64x64xf32, #tpu.memory_space<vmem>> -> memref<64x64xf32, #tpu.memory_space<vmem>>
      %dma_start3A_848 = arith.constant 0 : i32
      %dma_start3A_849 = tpu.memref_slice %arg7[%add3A_831, %dma_start3A_848] : memref<80x64xi32, #tpu.memory_space<vmem>> -> memref<1x64xi32, #tpu.memory_space<vmem>>
      %dma_start3A_850 = tpu.memref_squeeze %dma_start3A_849 : memref<1x64xi32, #tpu.memory_space<vmem>> -> memref<64xi32, #tpu.memory_space<vmem>>
      %dma_start3A_851 = arith.constant 0 : i32
      %dma_start3A_852 = arith.constant 0 : i32
      %dma_start3A_853 = tpu.memref_slice %arg10[%dma_start3A_851, %dma_start3A_852] : memref<10112x64xf32, #tpu.memory_space<vmem_shared>> -> memref<10112x64xf32, #tpu.memory_space<vmem_shared>>
      tpu.enqueue_indirect_dma source(%dma_start3A_847 : memref<64x64xf32, #tpu.memory_space<vmem>>) target(%dma_start3A_853 : memref<10112x64xf32, #tpu.memory_space<vmem_shared>>) offsets(%dma_start3A_850 : memref<64xi32, #tpu.memory_space<vmem>>) semaphore(%arg24 : memref<!tpu.dma_semaphore, #tpu.memory_space<semaphore_mem>>) {add = true}
      %add3A_854 = arith.constant 4 : i32
      %add3A_855 = arith.addi %add3A_831, %add3A_854 : i32
      %lt3A_856 = arith.constant 80 : i32
      %lt3A_857 = arith.cmpi slt, %add3A_855, %lt3A_856 : i32
      %convert_element_type3A_858 = arith.extui %lt3A_857 : i1 to i32
      %cond3A_859 = arith.constant 0 : i32
      %cond3A_860 = arith.cmpi ne, %convert_element_type3A_858, %cond3A_859 : i32
      scf.if %cond3A_860 {
        %add3A_927 = arith.constant 4 : i32
        %add3A_928 = arith.addi %add3A_831, %add3A_927 : i32
        %ge3A = arith.constant 8 : i32
        %ge3A_929 = arith.cmpi sge, %add3A_928, %ge3A : i32
        %convert_element_type3A_930 = arith.extui %ge3A_929 : i1 to i32
        %cond3A_931 = arith.constant 0 : i32
        %cond3A_932 = arith.cmpi ne, %convert_element_type3A_930, %cond3A_931 : i32
        scf.if %cond3A_932 {
          %dma_wait3A_946 = arith.constant 1 : i32
          %dma_wait3A_947 = arith.constant 0 : i32
          %dma_wait3A_948 = arith.constant 0 : i32
          %dma_wait3A_949 = arith.constant 0 : i32
          %dma_wait3A_950 = tpu.memref_slice %arg8[%dma_wait3A_946, %dma_wait3A_948, %dma_wait3A_949] : memref<8x64x64xf32, #tpu.memory_space<vmem>> -> memref<1x64x64xf32, #tpu.memory_space<vmem>>
          %dma_wait3A_951 = tpu.memref_squeeze %dma_wait3A_950 : memref<1x64x64xf32, #tpu.memory_space<vmem>> -> memref<64x64xf32, #tpu.memory_space<vmem>>
          %dma_wait3A_952 = arith.constant 0 : i32
          %dma_wait3A_953 = tpu.memref_slice %arg7[%dma_wait3A_947, %dma_wait3A_952] : memref<80x64xi32, #tpu.memory_space<vmem>> -> memref<1x64xi32, #tpu.memory_space<vmem>>
          %dma_wait3A_954 = tpu.memref_squeeze %dma_wait3A_953 : memref<1x64xi32, #tpu.memory_space<vmem>> -> memref<64xi32, #tpu.memory_space<vmem>>
          %dma_wait3A_955 = arith.constant 0 : i32
          %dma_wait3A_956 = arith.constant 0 : i32
          %dma_wait3A_957 = tpu.memref_slice %arg10[%dma_wait3A_955, %dma_wait3A_956] : memref<10112x64xf32, #tpu.memory_space<vmem_shared>> -> memref<10112x64xf32, #tpu.memory_space<vmem_shared>>
          tpu.wait_indirect_dma semaphore(%arg20 : memref<!tpu.dma_semaphore, #tpu.memory_space<semaphore_mem>>) src(%dma_wait3A_951 : memref<64x64xf32, #tpu.memory_space<vmem>>) dst(%dma_wait3A_957 : memref<10112x64xf32, #tpu.memory_space<vmem_shared>>)
        } else {
        }
        %add3A_933 = arith.constant 4 : i32
        %add3A_934 = arith.addi %add3A_831, %add3A_933 : i32
        %dma_start3A_935 = arith.constant 1 : i32
        %dma_start3A_936 = arith.constant 0 : i32
        %dma_start3A_937 = arith.constant 0 : i32
        %dma_start3A_938 = tpu.memref_slice %arg8[%dma_start3A_935, %dma_start3A_936, %dma_start3A_937] : memref<8x64x64xf32, #tpu.memory_space<vmem>> -> memref<1x64x64xf32, #tpu.memory_space<vmem>>
        %dma_start3A_939 = tpu.memref_squeeze %dma_start3A_938 : memref<1x64x64xf32, #tpu.memory_space<vmem>> -> memref<64x64xf32, #tpu.memory_space<vmem>>
        %dma_start3A_940 = arith.constant 0 : i32
        %dma_start3A_941 = tpu.memref_slice %arg6[%add3A_934, %dma_start3A_940] : memref<80x64xi32, #tpu.memory_space<vmem>> -> memref<1x64xi32, #tpu.memory_space<vmem>>
        %dma_start3A_942 = tpu.memref_squeeze %dma_start3A_941 : memref<1x64xi32, #tpu.memory_space<vmem>> -> memref<64xi32, #tpu.memory_space<vmem>>
        %dma_start3A_943 = arith.constant 0 : i32
        %dma_start3A_944 = arith.constant 0 : i32
        %dma_start3A_945 = tpu.memref_slice %arg9[%dma_start3A_943, %dma_start3A_944] : memref<10112x64xf32, #tpu.memory_space<vmem_shared>> -> memref<10112x64xf32, #tpu.memory_space<vmem_shared>>
        tpu.enqueue_indirect_dma source(%dma_start3A_945 : memref<10112x64xf32, #tpu.memory_space<vmem_shared>>) target(%dma_start3A_939 : memref<64x64xf32, #tpu.memory_space<vmem>>) offsets(%dma_start3A_942 : memref<64xi32, #tpu.memory_space<vmem>>) semaphore(%arg12 : memref<!tpu.dma_semaphore, #tpu.memory_space<semaphore_mem>>)
      } else {
      }
      %mul3A_861 = arith.constant 8 : i32
      %mul3A_862 = arith.muli %scan3A_665, %mul3A_861 : i32
      %add3A_863 = arith.constant 6 : i32
      %add3A_864 = arith.addi %mul3A_862, %add3A_863 : i32
      %dma_wait3A_865 = arith.constant 6 : i32
      %dma_wait3A_866 = arith.constant 0 : i32
      %dma_wait3A_867 = arith.constant 0 : i32
      %dma_wait3A_868 = tpu.memref_slice %arg8[%dma_wait3A_865, %dma_wait3A_866, %dma_wait3A_867] : memref<8x64x64xf32, #tpu.memory_space<vmem>> -> memref<1x64x64xf32, #tpu.memory_space<vmem>>
      %dma_wait3A_869 = tpu.memref_squeeze %dma_wait3A_868 : memref<1x64x64xf32, #tpu.memory_space<vmem>> -> memref<64x64xf32, #tpu.memory_space<vmem>>
      %dma_wait3A_870 = arith.constant 0 : i32
      %dma_wait3A_871 = tpu.memref_slice %arg6[%add3A_864, %dma_wait3A_870] : memref<80x64xi32, #tpu.memory_space<vmem>> -> memref<1x64xi32, #tpu.memory_space<vmem>>
      %dma_wait3A_872 = tpu.memref_squeeze %dma_wait3A_871 : memref<1x64xi32, #tpu.memory_space<vmem>> -> memref<64xi32, #tpu.memory_space<vmem>>
      %dma_wait3A_873 = arith.constant 0 : i32
      %dma_wait3A_874 = arith.constant 0 : i32
      %dma_wait3A_875 = tpu.memref_slice %arg9[%dma_wait3A_873, %dma_wait3A_874] : memref<10112x64xf32, #tpu.memory_space<vmem_shared>> -> memref<10112x64xf32, #tpu.memory_space<vmem_shared>>
      tpu.wait_indirect_dma semaphore(%arg17 : memref<!tpu.dma_semaphore, #tpu.memory_space<semaphore_mem>>) src(%dma_wait3A_875 : memref<10112x64xf32, #tpu.memory_space<vmem_shared>>) dst(%dma_wait3A_869 : memref<64x64xf32, #tpu.memory_space<vmem>>)
      %dma_start3A_876 = arith.constant 6 : i32
      %dma_start3A_877 = arith.constant 0 : i32
      %dma_start3A_878 = arith.constant 0 : i32
      %dma_start3A_879 = tpu.memref_slice %arg8[%dma_start3A_876, %dma_start3A_877, %dma_start3A_878] : memref<8x64x64xf32, #tpu.memory_space<vmem>> -> memref<1x64x64xf32, #tpu.memory_space<vmem>>
      %dma_start3A_880 = tpu.memref_squeeze %dma_start3A_879 : memref<1x64x64xf32, #tpu.memory_space<vmem>> -> memref<64x64xf32, #tpu.memory_space<vmem>>
      %dma_start3A_881 = arith.constant 0 : i32
      %dma_start3A_882 = tpu.memref_slice %arg7[%add3A_864, %dma_start3A_881] : memref<80x64xi32, #tpu.memory_space<vmem>> -> memref<1x64xi32, #tpu.memory_space<vmem>>
      %dma_start3A_883 = tpu.memref_squeeze %dma_start3A_882 : memref<1x64xi32, #tpu.memory_space<vmem>> -> memref<64xi32, #tpu.memory_space<vmem>>
      %dma_start3A_884 = arith.constant 0 : i32
      %dma_start3A_885 = arith.constant 0 : i32
      %dma_start3A_886 = tpu.memref_slice %arg10[%dma_start3A_884, %dma_start3A_885] : memref<10112x64xf32, #tpu.memory_space<vmem_shared>> -> memref<10112x64xf32, #tpu.memory_space<vmem_shared>>
      tpu.enqueue_indirect_dma source(%dma_start3A_880 : memref<64x64xf32, #tpu.memory_space<vmem>>) target(%dma_start3A_886 : memref<10112x64xf32, #tpu.memory_space<vmem_shared>>) offsets(%dma_start3A_883 : memref<64xi32, #tpu.memory_space<vmem>>) semaphore(%arg25 : memref<!tpu.dma_semaphore, #tpu.memory_space<semaphore_mem>>) {add = true}
      %add3A_887 = arith.constant 4 : i32
      %add3A_888 = arith.addi %add3A_864, %add3A_887 : i32
      %lt3A_889 = arith.constant 80 : i32
      %lt3A_890 = arith.cmpi slt, %add3A_888, %lt3A_889 : i32
      %convert_element_type3A_891 = arith.extui %lt3A_890 : i1 to i32
      %cond3A_892 = arith.constant 0 : i32
      %cond3A_893 = arith.cmpi ne, %convert_element_type3A_891, %cond3A_892 : i32
      scf.if %cond3A_893 {
        %add3A_927 = arith.constant 4 : i32
        %add3A_928 = arith.addi %add3A_864, %add3A_927 : i32
        %ge3A = arith.constant 8 : i32
        %ge3A_929 = arith.cmpi sge, %add3A_928, %ge3A : i32
        %convert_element_type3A_930 = arith.extui %ge3A_929 : i1 to i32
        %cond3A_931 = arith.constant 0 : i32
        %cond3A_932 = arith.cmpi ne, %convert_element_type3A_930, %cond3A_931 : i32
        scf.if %cond3A_932 {
          %dma_wait3A_946 = arith.constant 2 : i32
          %dma_wait3A_947 = arith.constant 0 : i32
          %dma_wait3A_948 = arith.constant 0 : i32
          %dma_wait3A_949 = arith.constant 0 : i32
          %dma_wait3A_950 = tpu.memref_slice %arg8[%dma_wait3A_946, %dma_wait3A_948, %dma_wait3A_949] : memref<8x64x64xf32, #tpu.memory_space<vmem>> -> memref<1x64x64xf32, #tpu.memory_space<vmem>>
          %dma_wait3A_951 = tpu.memref_squeeze %dma_wait3A_950 : memref<1x64x64xf32, #tpu.memory_space<vmem>> -> memref<64x64xf32, #tpu.memory_space<vmem>>
          %dma_wait3A_952 = arith.constant 0 : i32
          %dma_wait3A_953 = tpu.memref_slice %arg7[%dma_wait3A_947, %dma_wait3A_952] : memref<80x64xi32, #tpu.memory_space<vmem>> -> memref<1x64xi32, #tpu.memory_space<vmem>>
          %dma_wait3A_954 = tpu.memref_squeeze %dma_wait3A_953 : memref<1x64xi32, #tpu.memory_space<vmem>> -> memref<64xi32, #tpu.memory_space<vmem>>
          %dma_wait3A_955 = arith.constant 0 : i32
          %dma_wait3A_956 = arith.constant 0 : i32
          %dma_wait3A_957 = tpu.memref_slice %arg10[%dma_wait3A_955, %dma_wait3A_956] : memref<10112x64xf32, #tpu.memory_space<vmem_shared>> -> memref<10112x64xf32, #tpu.memory_space<vmem_shared>>
          tpu.wait_indirect_dma semaphore(%arg21 : memref<!tpu.dma_semaphore, #tpu.memory_space<semaphore_mem>>) src(%dma_wait3A_951 : memref<64x64xf32, #tpu.memory_space<vmem>>) dst(%dma_wait3A_957 : memref<10112x64xf32, #tpu.memory_space<vmem_shared>>)
        } else {
        }
        %add3A_933 = arith.constant 4 : i32
        %add3A_934 = arith.addi %add3A_864, %add3A_933 : i32
        %dma_start3A_935 = arith.constant 2 : i32
        %dma_start3A_936 = arith.constant 0 : i32
        %dma_start3A_937 = arith.constant 0 : i32
        %dma_start3A_938 = tpu.memref_slice %arg8[%dma_start3A_935, %dma_start3A_936, %dma_start3A_937] : memref<8x64x64xf32, #tpu.memory_space<vmem>> -> memref<1x64x64xf32, #tpu.memory_space<vmem>>
        %dma_start3A_939 = tpu.memref_squeeze %dma_start3A_938 : memref<1x64x64xf32, #tpu.memory_space<vmem>> -> memref<64x64xf32, #tpu.memory_space<vmem>>
        %dma_start3A_940 = arith.constant 0 : i32
        %dma_start3A_941 = tpu.memref_slice %arg6[%add3A_934, %dma_start3A_940] : memref<80x64xi32, #tpu.memory_space<vmem>> -> memref<1x64xi32, #tpu.memory_space<vmem>>
        %dma_start3A_942 = tpu.memref_squeeze %dma_start3A_941 : memref<1x64xi32, #tpu.memory_space<vmem>> -> memref<64xi32, #tpu.memory_space<vmem>>
        %dma_start3A_943 = arith.constant 0 : i32
        %dma_start3A_944 = arith.constant 0 : i32
        %dma_start3A_945 = tpu.memref_slice %arg9[%dma_start3A_943, %dma_start3A_944] : memref<10112x64xf32, #tpu.memory_space<vmem_shared>> -> memref<10112x64xf32, #tpu.memory_space<vmem_shared>>
        tpu.enqueue_indirect_dma source(%dma_start3A_945 : memref<10112x64xf32, #tpu.memory_space<vmem_shared>>) target(%dma_start3A_939 : memref<64x64xf32, #tpu.memory_space<vmem>>) offsets(%dma_start3A_942 : memref<64xi32, #tpu.memory_space<vmem>>) semaphore(%arg13 : memref<!tpu.dma_semaphore, #tpu.memory_space<semaphore_mem>>)
      } else {
      }
      %mul3A_894 = arith.constant 8 : i32
      %mul3A_895 = arith.muli %scan3A_665, %mul3A_894 : i32
      %add3A_896 = arith.constant 7 : i32
      %add3A_897 = arith.addi %mul3A_895, %add3A_896 : i32
      %dma_wait3A_898 = arith.constant 7 : i32
      %dma_wait3A_899 = arith.constant 0 : i32
      %dma_wait3A_900 = arith.constant 0 : i32
      %dma_wait3A_901 = tpu.memref_slice %arg8[%dma_wait3A_898, %dma_wait3A_899, %dma_wait3A_900] : memref<8x64x64xf32, #tpu.memory_space<vmem>> -> memref<1x64x64xf32, #tpu.memory_space<vmem>>
      %dma_wait3A_902 = tpu.memref_squeeze %dma_wait3A_901 : memref<1x64x64xf32, #tpu.memory_space<vmem>> -> memref<64x64xf32, #tpu.memory_space<vmem>>
      %dma_wait3A_903 = arith.constant 0 : i32
      %dma_wait3A_904 = tpu.memref_slice %arg6[%add3A_897, %dma_wait3A_903] : memref<80x64xi32, #tpu.memory_space<vmem>> -> memref<1x64xi32, #tpu.memory_space<vmem>>
      %dma_wait3A_905 = tpu.memref_squeeze %dma_wait3A_904 : memref<1x64xi32, #tpu.memory_space<vmem>> -> memref<64xi32, #tpu.memory_space<vmem>>
      %dma_wait3A_906 = arith.constant 0 : i32
      %dma_wait3A_907 = arith.constant 0 : i32
      %dma_wait3A_908 = tpu.memref_slice %arg9[%dma_wait3A_906, %dma_wait3A_907] : memref<10112x64xf32, #tpu.memory_space<vmem_shared>> -> memref<10112x64xf32, #tpu.memory_space<vmem_shared>>
      tpu.wait_indirect_dma semaphore(%arg18 : memref<!tpu.dma_semaphore, #tpu.memory_space<semaphore_mem>>) src(%dma_wait3A_908 : memref<10112x64xf32, #tpu.memory_space<vmem_shared>>) dst(%dma_wait3A_902 : memref<64x64xf32, #tpu.memory_space<vmem>>)
      %dma_start3A_909 = arith.constant 7 : i32
      %dma_start3A_910 = arith.constant 0 : i32
      %dma_start3A_911 = arith.constant 0 : i32
      %dma_start3A_912 = tpu.memref_slice %arg8[%dma_start3A_909, %dma_start3A_910, %dma_start3A_911] : memref<8x64x64xf32, #tpu.memory_space<vmem>> -> memref<1x64x64xf32, #tpu.memory_space<vmem>>
      %dma_start3A_913 = tpu.memref_squeeze %dma_start3A_912 : memref<1x64x64xf32, #tpu.memory_space<vmem>> -> memref<64x64xf32, #tpu.memory_space<vmem>>
      %dma_start3A_914 = arith.constant 0 : i32
      %dma_start3A_915 = tpu.memref_slice %arg7[%add3A_897, %dma_start3A_914] : memref<80x64xi32, #tpu.memory_space<vmem>> -> memref<1x64xi32, #tpu.memory_space<vmem>>
      %dma_start3A_916 = tpu.memref_squeeze %dma_start3A_915 : memref<1x64xi32, #tpu.memory_space<vmem>> -> memref<64xi32, #tpu.memory_space<vmem>>
      %dma_start3A_917 = arith.constant 0 : i32
      %dma_start3A_918 = arith.constant 0 : i32
      %dma_start3A_919 = tpu.memref_slice %arg10[%dma_start3A_917, %dma_start3A_918] : memref<10112x64xf32, #tpu.memory_space<vmem_shared>> -> memref<10112x64xf32, #tpu.memory_space<vmem_shared>>
      tpu.enqueue_indirect_dma source(%dma_start3A_913 : memref<64x64xf32, #tpu.memory_space<vmem>>) target(%dma_start3A_919 : memref<10112x64xf32, #tpu.memory_space<vmem_shared>>) offsets(%dma_start3A_916 : memref<64xi32, #tpu.memory_space<vmem>>) semaphore(%arg26 : memref<!tpu.dma_semaphore, #tpu.memory_space<semaphore_mem>>) {add = true}
      %add3A_920 = arith.constant 4 : i32
      %add3A_921 = arith.addi %add3A_897, %add3A_920 : i32
      %lt3A_922 = arith.constant 80 : i32
      %lt3A_923 = arith.cmpi slt, %add3A_921, %lt3A_922 : i32
      %convert_element_type3A_924 = arith.extui %lt3A_923 : i1 to i32
      %cond3A_925 = arith.constant 0 : i32
      %cond3A_926 = arith.cmpi ne, %convert_element_type3A_924, %cond3A_925 : i32
      scf.if %cond3A_926 {
        %add3A_927 = arith.constant 4 : i32
        %add3A_928 = arith.addi %add3A_897, %add3A_927 : i32
        %ge3A = arith.constant 8 : i32
        %ge3A_929 = arith.cmpi sge, %add3A_928, %ge3A : i32
        %convert_element_type3A_930 = arith.extui %ge3A_929 : i1 to i32
        %cond3A_931 = arith.constant 0 : i32
        %cond3A_932 = arith.cmpi ne, %convert_element_type3A_930, %cond3A_931 : i32
        scf.if %cond3A_932 {
          %dma_wait3A_946 = arith.constant 3 : i32
          %dma_wait3A_947 = arith.constant 0 : i32
          %dma_wait3A_948 = arith.constant 0 : i32
          %dma_wait3A_949 = arith.constant 0 : i32
          %dma_wait3A_950 = tpu.memref_slice %arg8[%dma_wait3A_946, %dma_wait3A_948, %dma_wait3A_949] : memref<8x64x64xf32, #tpu.memory_space<vmem>> -> memref<1x64x64xf32, #tpu.memory_space<vmem>>
          %dma_wait3A_951 = tpu.memref_squeeze %dma_wait3A_950 : memref<1x64x64xf32, #tpu.memory_space<vmem>> -> memref<64x64xf32, #tpu.memory_space<vmem>>
          %dma_wait3A_952 = arith.constant 0 : i32
          %dma_wait3A_953 = tpu.memref_slice %arg7[%dma_wait3A_947, %dma_wait3A_952] : memref<80x64xi32, #tpu.memory_space<vmem>> -> memref<1x64xi32, #tpu.memory_space<vmem>>
          %dma_wait3A_954 = tpu.memref_squeeze %dma_wait3A_953 : memref<1x64xi32, #tpu.memory_space<vmem>> -> memref<64xi32, #tpu.memory_space<vmem>>
          %dma_wait3A_955 = arith.constant 0 : i32
          %dma_wait3A_956 = arith.constant 0 : i32
          %dma_wait3A_957 = tpu.memref_slice %arg10[%dma_wait3A_955, %dma_wait3A_956] : memref<10112x64xf32, #tpu.memory_space<vmem_shared>> -> memref<10112x64xf32, #tpu.memory_space<vmem_shared>>
          tpu.wait_indirect_dma semaphore(%arg22 : memref<!tpu.dma_semaphore, #tpu.memory_space<semaphore_mem>>) src(%dma_wait3A_951 : memref<64x64xf32, #tpu.memory_space<vmem>>) dst(%dma_wait3A_957 : memref<10112x64xf32, #tpu.memory_space<vmem_shared>>)
        } else {
        }
        %add3A_933 = arith.constant 4 : i32
        %add3A_934 = arith.addi %add3A_897, %add3A_933 : i32
        %dma_start3A_935 = arith.constant 3 : i32
        %dma_start3A_936 = arith.constant 0 : i32
        %dma_start3A_937 = arith.constant 0 : i32
        %dma_start3A_938 = tpu.memref_slice %arg8[%dma_start3A_935, %dma_start3A_936, %dma_start3A_937] : memref<8x64x64xf32, #tpu.memory_space<vmem>> -> memref<1x64x64xf32, #tpu.memory_space<vmem>>
        %dma_start3A_939 = tpu.memref_squeeze %dma_start3A_938 : memref<1x64x64xf32, #tpu.memory_space<vmem>> -> memref<64x64xf32, #tpu.memory_space<vmem>>
        %dma_start3A_940 = arith.constant 0 : i32
        %dma_start3A_941 = tpu.memref_slice %arg6[%add3A_934, %dma_start3A_940] : memref<80x64xi32, #tpu.memory_space<vmem>> -> memref<1x64xi32, #tpu.memory_space<vmem>>
        %dma_start3A_942 = tpu.memref_squeeze %dma_start3A_941 : memref<1x64xi32, #tpu.memory_space<vmem>> -> memref<64xi32, #tpu.memory_space<vmem>>
        %dma_start3A_943 = arith.constant 0 : i32
        %dma_start3A_944 = arith.constant 0 : i32
        %dma_start3A_945 = tpu.memref_slice %arg9[%dma_start3A_943, %dma_start3A_944] : memref<10112x64xf32, #tpu.memory_space<vmem_shared>> -> memref<10112x64xf32, #tpu.memory_space<vmem_shared>>
        tpu.enqueue_indirect_dma source(%dma_start3A_945 : memref<10112x64xf32, #tpu.memory_space<vmem_shared>>) target(%dma_start3A_939 : memref<64x64xf32, #tpu.memory_space<vmem>>) offsets(%dma_start3A_942 : memref<64xi32, #tpu.memory_space<vmem>>) semaphore(%arg14 : memref<!tpu.dma_semaphore, #tpu.memory_space<semaphore_mem>>)
      } else {
      }
    }
    %scan3A_117 = arith.constant 10 : i32
    %dma_wait3A_118 = arith.constant 0 : i32
    %dma_wait3A_119 = arith.constant 0 : i32
    %dma_wait3A_120 = arith.constant 0 : i32
    %dma_wait3A_121 = arith.constant 0 : i32
    %dma_wait3A_122 = tpu.memref_slice %arg8[%dma_wait3A_118, %dma_wait3A_120, %dma_wait3A_121] : memref<8x64x64xf32, #tpu.memory_space<vmem>> -> memref<1x64x64xf32, #tpu.memory_space<vmem>>
    %dma_wait3A_123 = tpu.memref_squeeze %dma_wait3A_122 : memref<1x64x64xf32, #tpu.memory_space<vmem>> -> memref<64x64xf32, #tpu.memory_space<vmem>>
    %dma_wait3A_124 = arith.constant 0 : i32
    %dma_wait3A_125 = tpu.memref_slice %arg7[%dma_wait3A_119, %dma_wait3A_124] : memref<80x64xi32, #tpu.memory_space<vmem>> -> memref<1x64xi32, #tpu.memory_space<vmem>>
    %dma_wait3A_126 = tpu.memref_squeeze %dma_wait3A_125 : memref<1x64xi32, #tpu.memory_space<vmem>> -> memref<64xi32, #tpu.memory_space<vmem>>
    %dma_wait3A_127 = arith.constant 0 : i32
    %dma_wait3A_128 = arith.constant 0 : i32
    %dma_wait3A_129 = tpu.memref_slice %arg10[%dma_wait3A_127, %dma_wait3A_128] : memref<10112x64xf32, #tpu.memory_space<vmem_shared>> -> memref<10112x64xf32, #tpu.memory_space<vmem_shared>>
    tpu.wait_indirect_dma semaphore(%arg19 : memref<!tpu.dma_semaphore, #tpu.memory_space<semaphore_mem>>) src(%dma_wait3A_123 : memref<64x64xf32, #tpu.memory_space<vmem>>) dst(%dma_wait3A_129 : memref<10112x64xf32, #tpu.memory_space<vmem_shared>>)
    %dma_wait3A_130 = arith.constant 1 : i32
    %dma_wait3A_131 = arith.constant 0 : i32
    %dma_wait3A_132 = arith.constant 0 : i32
    %dma_wait3A_133 = arith.constant 0 : i32
    %dma_wait3A_134 = tpu.memref_slice %arg8[%dma_wait3A_130, %dma_wait3A_132, %dma_wait3A_133] : memref<8x64x64xf32, #tpu.memory_space<vmem>> -> memref<1x64x64xf32, #tpu.memory_space<vmem>>
    %dma_wait3A_135 = tpu.memref_squeeze %dma_wait3A_134 : memref<1x64x64xf32, #tpu.memory_space<vmem>> -> memref<64x64xf32, #tpu.memory_space<vmem>>
    %dma_wait3A_136 = arith.constant 0 : i32
    %dma_wait3A_137 = tpu.memref_slice %arg7[%dma_wait3A_131, %dma_wait3A_136] : memref<80x64xi32, #tpu.memory_space<vmem>> -> memref<1x64xi32, #tpu.memory_space<vmem>>
    %dma_wait3A_138 = tpu.memref_squeeze %dma_wait3A_137 : memref<1x64xi32, #tpu.memory_space<vmem>> -> memref<64xi32, #tpu.memory_space<vmem>>
    %dma_wait3A_139 = arith.constant 0 : i32
    %dma_wait3A_140 = arith.constant 0 : i32
    %dma_wait3A_141 = tpu.memref_slice %arg10[%dma_wait3A_139, %dma_wait3A_140] : memref<10112x64xf32, #tpu.memory_space<vmem_shared>> -> memref<10112x64xf32, #tpu.memory_space<vmem_shared>>
    tpu.wait_indirect_dma semaphore(%arg20 : memref<!tpu.dma_semaphore, #tpu.memory_space<semaphore_mem>>) src(%dma_wait3A_135 : memref<64x64xf32, #tpu.memory_space<vmem>>) dst(%dma_wait3A_141 : memref<10112x64xf32, #tpu.memory_space<vmem_shared>>)
    %dma_wait3A_142 = arith.constant 2 : i32
    %dma_wait3A_143 = arith.constant 0 : i32
    %dma_wait3A_144 = arith.constant 0 : i32
    %dma_wait3A_145 = arith.constant 0 : i32
    %dma_wait3A_146 = tpu.memref_slice %arg8[%dma_wait3A_142, %dma_wait3A_144, %dma_wait3A_145] : memref<8x64x64xf32, #tpu.memory_space<vmem>> -> memref<1x64x64xf32, #tpu.memory_space<vmem>>
    %dma_wait3A_147 = tpu.memref_squeeze %dma_wait3A_146 : memref<1x64x64xf32, #tpu.memory_space<vmem>> -> memref<64x64xf32, #tpu.memory_space<vmem>>
    %dma_wait3A_148 = arith.constant 0 : i32
    %dma_wait3A_149 = tpu.memref_slice %arg7[%dma_wait3A_143, %dma_wait3A_148] : memref<80x64xi32, #tpu.memory_space<vmem>> -> memref<1x64xi32, #tpu.memory_space<vmem>>
    %dma_wait3A_150 = tpu.memref_squeeze %dma_wait3A_149 : memref<1x64xi32, #tpu.memory_space<vmem>> -> memref<64xi32, #tpu.memory_space<vmem>>
    %dma_wait3A_151 = arith.constant 0 : i32
    %dma_wait3A_152 = arith.constant 0 : i32
    %dma_wait3A_153 = tpu.memref_slice %arg10[%dma_wait3A_151, %dma_wait3A_152] : memref<10112x64xf32, #tpu.memory_space<vmem_shared>> -> memref<10112x64xf32, #tpu.memory_space<vmem_shared>>
    tpu.wait_indirect_dma semaphore(%arg21 : memref<!tpu.dma_semaphore, #tpu.memory_space<semaphore_mem>>) src(%dma_wait3A_147 : memref<64x64xf32, #tpu.memory_space<vmem>>) dst(%dma_wait3A_153 : memref<10112x64xf32, #tpu.memory_space<vmem_shared>>)
    %dma_wait3A_154 = arith.constant 3 : i32
    %dma_wait3A_155 = arith.constant 0 : i32
    %dma_wait3A_156 = arith.constant 0 : i32
    %dma_wait3A_157 = arith.constant 0 : i32
    %dma_wait3A_158 = tpu.memref_slice %arg8[%dma_wait3A_154, %dma_wait3A_156, %dma_wait3A_157] : memref<8x64x64xf32, #tpu.memory_space<vmem>> -> memref<1x64x64xf32, #tpu.memory_space<vmem>>
    %dma_wait3A_159 = tpu.memref_squeeze %dma_wait3A_158 : memref<1x64x64xf32, #tpu.memory_space<vmem>> -> memref<64x64xf32, #tpu.memory_space<vmem>>
    %dma_wait3A_160 = arith.constant 0 : i32
    %dma_wait3A_161 = tpu.memref_slice %arg7[%dma_wait3A_155, %dma_wait3A_160] : memref<80x64xi32, #tpu.memory_space<vmem>> -> memref<1x64xi32, #tpu.memory_space<vmem>>
    %dma_wait3A_162 = tpu.memref_squeeze %dma_wait3A_161 : memref<1x64xi32, #tpu.memory_space<vmem>> -> memref<64xi32, #tpu.memory_space<vmem>>
    %dma_wait3A_163 = arith.constant 0 : i32
    %dma_wait3A_164 = arith.constant 0 : i32
    %dma_wait3A_165 = tpu.memref_slice %arg10[%dma_wait3A_163, %dma_wait3A_164] : memref<10112x64xf32, #tpu.memory_space<vmem_shared>> -> memref<10112x64xf32, #tpu.memory_space<vmem_shared>>
    tpu.wait_indirect_dma semaphore(%arg22 : memref<!tpu.dma_semaphore, #tpu.memory_space<semaphore_mem>>) src(%dma_wait3A_159 : memref<64x64xf32, #tpu.memory_space<vmem>>) dst(%dma_wait3A_165 : memref<10112x64xf32, #tpu.memory_space<vmem_shared>>)
    %dma_wait3A_166 = arith.constant 4 : i32
    %dma_wait3A_167 = arith.constant 0 : i32
    %dma_wait3A_168 = arith.constant 0 : i32
    %dma_wait3A_169 = arith.constant 0 : i32
    %dma_wait3A_170 = tpu.memref_slice %arg8[%dma_wait3A_166, %dma_wait3A_168, %dma_wait3A_169] : memref<8x64x64xf32, #tpu.memory_space<vmem>> -> memref<1x64x64xf32, #tpu.memory_space<vmem>>
    %dma_wait3A_171 = tpu.memref_squeeze %dma_wait3A_170 : memref<1x64x64xf32, #tpu.memory_space<vmem>> -> memref<64x64xf32, #tpu.memory_space<vmem>>
    %dma_wait3A_172 = arith.constant 0 : i32
    %dma_wait3A_173 = tpu.memref_slice %arg7[%dma_wait3A_167, %dma_wait3A_172] : memref<80x64xi32, #tpu.memory_space<vmem>> -> memref<1x64xi32, #tpu.memory_space<vmem>>
    %dma_wait3A_174 = tpu.memref_squeeze %dma_wait3A_173 : memref<1x64xi32, #tpu.memory_space<vmem>> -> memref<64xi32, #tpu.memory_space<vmem>>
    %dma_wait3A_175 = arith.constant 0 : i32
    %dma_wait3A_176 = arith.constant 0 : i32
    %dma_wait3A_177 = tpu.memref_slice %arg10[%dma_wait3A_175, %dma_wait3A_176] : memref<10112x64xf32, #tpu.memory_space<vmem_shared>> -> memref<10112x64xf32, #tpu.memory_space<vmem_shared>>
    tpu.wait_indirect_dma semaphore(%arg23 : memref<!tpu.dma_semaphore, #tpu.memory_space<semaphore_mem>>) src(%dma_wait3A_171 : memref<64x64xf32, #tpu.memory_space<vmem>>) dst(%dma_wait3A_177 : memref<10112x64xf32, #tpu.memory_space<vmem_shared>>)
    %dma_wait3A_178 = arith.constant 5 : i32
    %dma_wait3A_179 = arith.constant 0 : i32
    %dma_wait3A_180 = arith.constant 0 : i32
    %dma_wait3A_181 = arith.constant 0 : i32
    %dma_wait3A_182 = tpu.memref_slice %arg8[%dma_wait3A_178, %dma_wait3A_180, %dma_wait3A_181] : memref<8x64x64xf32, #tpu.memory_space<vmem>> -> memref<1x64x64xf32, #tpu.memory_space<vmem>>
    %dma_wait3A_183 = tpu.memref_squeeze %dma_wait3A_182 : memref<1x64x64xf32, #tpu.memory_space<vmem>> -> memref<64x64xf32, #tpu.memory_space<vmem>>
    %dma_wait3A_184 = arith.constant 0 : i32
    %dma_wait3A_185 = tpu.memref_slice %arg7[%dma_wait3A_179, %dma_wait3A_184] : memref<80x64xi32, #tpu.memory_space<vmem>> -> memref<1x64xi32, #tpu.memory_space<vmem>>
    %dma_wait3A_186 = tpu.memref_squeeze %dma_wait3A_185 : memref<1x64xi32, #tpu.memory_space<vmem>> -> memref<64xi32, #tpu.memory_space<vmem>>
    %dma_wait3A_187 = arith.constant 0 : i32
    %dma_wait3A_188 = arith.constant 0 : i32
    %dma_wait3A_189 = tpu.memref_slice %arg10[%dma_wait3A_187, %dma_wait3A_188] : memref<10112x64xf32, #tpu.memory_space<vmem_shared>> -> memref<10112x64xf32, #tpu.memory_space<vmem_shared>>
    tpu.wait_indirect_dma semaphore(%arg24 : memref<!tpu.dma_semaphore, #tpu.memory_space<semaphore_mem>>) src(%dma_wait3A_183 : memref<64x64xf32, #tpu.memory_space<vmem>>) dst(%dma_wait3A_189 : memref<10112x64xf32, #tpu.memory_space<vmem_shared>>)
    %dma_wait3A_190 = arith.constant 6 : i32
    %dma_wait3A_191 = arith.constant 0 : i32
    %dma_wait3A_192 = arith.constant 0 : i32
    %dma_wait3A_193 = arith.constant 0 : i32
    %dma_wait3A_194 = tpu.memref_slice %arg8[%dma_wait3A_190, %dma_wait3A_192, %dma_wait3A_193] : memref<8x64x64xf32, #tpu.memory_space<vmem>> -> memref<1x64x64xf32, #tpu.memory_space<vmem>>
    %dma_wait3A_195 = tpu.memref_squeeze %dma_wait3A_194 : memref<1x64x64xf32, #tpu.memory_space<vmem>> -> memref<64x64xf32, #tpu.memory_space<vmem>>
    %dma_wait3A_196 = arith.constant 0 : i32
    %dma_wait3A_197 = tpu.memref_slice %arg7[%dma_wait3A_191, %dma_wait3A_196] : memref<80x64xi32, #tpu.memory_space<vmem>> -> memref<1x64xi32, #tpu.memory_space<vmem>>
    %dma_wait3A_198 = tpu.memref_squeeze %dma_wait3A_197 : memref<1x64xi32, #tpu.memory_space<vmem>> -> memref<64xi32, #tpu.memory_space<vmem>>
    %dma_wait3A_199 = arith.constant 0 : i32
    %dma_wait3A_200 = arith.constant 0 : i32
    %dma_wait3A_201 = tpu.memref_slice %arg10[%dma_wait3A_199, %dma_wait3A_200] : memref<10112x64xf32, #tpu.memory_space<vmem_shared>> -> memref<10112x64xf32, #tpu.memory_space<vmem_shared>>
    tpu.wait_indirect_dma semaphore(%arg25 : memref<!tpu.dma_semaphore, #tpu.memory_space<semaphore_mem>>) src(%dma_wait3A_195 : memref<64x64xf32, #tpu.memory_space<vmem>>) dst(%dma_wait3A_201 : memref<10112x64xf32, #tpu.memory_space<vmem_shared>>)
    %dma_wait3A_202 = arith.constant 7 : i32
    %dma_wait3A_203 = arith.constant 0 : i32
    %dma_wait3A_204 = arith.constant 0 : i32
    %dma_wait3A_205 = arith.constant 0 : i32
    %dma_wait3A_206 = tpu.memref_slice %arg8[%dma_wait3A_202, %dma_wait3A_204, %dma_wait3A_205] : memref<8x64x64xf32, #tpu.memory_space<vmem>> -> memref<1x64x64xf32, #tpu.memory_space<vmem>>
    %dma_wait3A_207 = tpu.memref_squeeze %dma_wait3A_206 : memref<1x64x64xf32, #tpu.memory_space<vmem>> -> memref<64x64xf32, #tpu.memory_space<vmem>>
    %dma_wait3A_208 = arith.constant 0 : i32
    %dma_wait3A_209 = tpu.memref_slice %arg7[%dma_wait3A_203, %dma_wait3A_208] : memref<80x64xi32, #tpu.memory_space<vmem>> -> memref<1x64xi32, #tpu.memory_space<vmem>>
    %dma_wait3A_210 = tpu.memref_squeeze %dma_wait3A_209 : memref<1x64xi32, #tpu.memory_space<vmem>> -> memref<64xi32, #tpu.memory_space<vmem>>
    %dma_wait3A_211 = arith.constant 0 : i32
    %dma_wait3A_212 = arith.constant 0 : i32
    %dma_wait3A_213 = tpu.memref_slice %arg10[%dma_wait3A_211, %dma_wait3A_212] : memref<10112x64xf32, #tpu.memory_space<vmem_shared>> -> memref<10112x64xf32, #tpu.memory_space<vmem_shared>>
    tpu.wait_indirect_dma semaphore(%arg26 : memref<!tpu.dma_semaphore, #tpu.memory_space<semaphore_mem>>) src(%dma_wait3A_207 : memref<64x64xf32, #tpu.memory_space<vmem>>) dst(%dma_wait3A_213 : memref<10112x64xf32, #tpu.memory_space<vmem_shared>>)
    "tpu.region"() ({
      %run_scoped3A_665 = tpu.sem_alloc : memref<!tpu.dma_semaphore, #tpu.memory_space<semaphore_mem>>
      %dma_start3A_666 = arith.constant 80 : i32
      %dma_start3A_667 = arith.constant 0 : i32
      %dma_start3A_668 = tpu.memref_slice %arg3[%arg1, %dma_start3A_666, %dma_start3A_667] : memref<16x320x64xi32, #tpu.memory_space<hbm>> -> memref<1x80x64xi32, #tpu.memory_space<hbm>>
      %dma_start3A_669 = tpu.memref_squeeze %dma_start3A_668 : memref<1x80x64xi32, #tpu.memory_space<hbm>> -> memref<80x64xi32, #tpu.memory_space<hbm>>
      %dma_start3A_670 = arith.constant 80 : i32
      %dma_start3A_671 = arith.constant 0 : i32
      %dma_start3A_672 = tpu.memref_slice %arg3[%arg1, %dma_start3A_670, %dma_start3A_671] : memref<16x320x64xi32, #tpu.memory_space<hbm>> -> memref<1x80x64xi32, #tpu.memory_space<hbm>>
      %dma_start3A_673 = tpu.memref_squeeze %dma_start3A_672 : memref<1x80x64xi32, #tpu.memory_space<hbm>> -> memref<80x64xi32, #tpu.memory_space<hbm>>
      tpu.enqueue_dma source(%dma_start3A_673 : memref<80x64xi32, #tpu.memory_space<hbm>>) target(%arg6 : memref<80x64xi32, #tpu.memory_space<vmem>>) target_semaphore(%run_scoped3A_665 : memref<!tpu.dma_semaphore, #tpu.memory_space<semaphore_mem>>)
      %dma_wait3A_674 = arith.constant 80 : i32
      %dma_wait3A_675 = arith.constant 0 : i32
      %dma_wait3A_676 = tpu.memref_slice %arg3[%arg1, %dma_wait3A_674, %dma_wait3A_675] : memref<16x320x64xi32, #tpu.memory_space<hbm>> -> memref<1x80x64xi32, #tpu.memory_space<hbm>>
      %dma_wait3A_677 = tpu.memref_squeeze %dma_wait3A_676 : memref<1x80x64xi32, #tpu.memory_space<hbm>> -> memref<80x64xi32, #tpu.memory_space<hbm>>
      %dma_wait3A_678 = arith.constant 80 : i32
      %dma_wait3A_679 = arith.constant 0 : i32
      %dma_wait3A_680 = tpu.memref_slice %arg3[%arg1, %dma_wait3A_678, %dma_wait3A_679] : memref<16x320x64xi32, #tpu.memory_space<hbm>> -> memref<1x80x64xi32, #tpu.memory_space<hbm>>
      %dma_wait3A_681 = tpu.memref_squeeze %dma_wait3A_680 : memref<1x80x64xi32, #tpu.memory_space<hbm>> -> memref<80x64xi32, #tpu.memory_space<hbm>>
      tpu.wait_dma2 semaphore(%run_scoped3A_665 : memref<!tpu.dma_semaphore, #tpu.memory_space<semaphore_mem>>) src(%dma_wait3A_681 : memref<80x64xi32, #tpu.memory_space<hbm>>) dst(%arg6 : memref<80x64xi32, #tpu.memory_space<vmem>>)
      tpu.yield
    }) : () -> ()
    "tpu.region"() ({
      %run_scoped3A_665 = tpu.sem_alloc : memref<!tpu.dma_semaphore, #tpu.memory_space<semaphore_mem>>
      %dma_start3A_666 = arith.constant 80 : i32
      %dma_start3A_667 = arith.constant 0 : i32
      %dma_start3A_668 = tpu.memref_slice %arg4[%arg1, %dma_start3A_666, %dma_start3A_667] : memref<16x320x64xi32, #tpu.memory_space<hbm>> -> memref<1x80x64xi32, #tpu.memory_space<hbm>>
      %dma_start3A_669 = tpu.memref_squeeze %dma_start3A_668 : memref<1x80x64xi32, #tpu.memory_space<hbm>> -> memref<80x64xi32, #tpu.memory_space<hbm>>
      %dma_start3A_670 = arith.constant 80 : i32
      %dma_start3A_671 = arith.constant 0 : i32
      %dma_start3A_672 = tpu.memref_slice %arg4[%arg1, %dma_start3A_670, %dma_start3A_671] : memref<16x320x64xi32, #tpu.memory_space<hbm>> -> memref<1x80x64xi32, #tpu.memory_space<hbm>>
      %dma_start3A_673 = tpu.memref_squeeze %dma_start3A_672 : memref<1x80x64xi32, #tpu.memory_space<hbm>> -> memref<80x64xi32, #tpu.memory_space<hbm>>
      tpu.enqueue_dma source(%dma_start3A_673 : memref<80x64xi32, #tpu.memory_space<hbm>>) target(%arg7 : memref<80x64xi32, #tpu.memory_space<vmem>>) target_semaphore(%run_scoped3A_665 : memref<!tpu.dma_semaphore, #tpu.memory_space<semaphore_mem>>)
      %dma_wait3A_674 = arith.constant 80 : i32
      %dma_wait3A_675 = arith.constant 0 : i32
      %dma_wait3A_676 = tpu.memref_slice %arg4[%arg1, %dma_wait3A_674, %dma_wait3A_675] : memref<16x320x64xi32, #tpu.memory_space<hbm>> -> memref<1x80x64xi32, #tpu.memory_space<hbm>>
      %dma_wait3A_677 = tpu.memref_squeeze %dma_wait3A_676 : memref<1x80x64xi32, #tpu.memory_space<hbm>> -> memref<80x64xi32, #tpu.memory_space<hbm>>
      %dma_wait3A_678 = arith.constant 80 : i32
      %dma_wait3A_679 = arith.constant 0 : i32
      %dma_wait3A_680 = tpu.memref_slice %arg4[%arg1, %dma_wait3A_678, %dma_wait3A_679] : memref<16x320x64xi32, #tpu.memory_space<hbm>> -> memref<1x80x64xi32, #tpu.memory_space<hbm>>
      %dma_wait3A_681 = tpu.memref_squeeze %dma_wait3A_680 : memref<1x80x64xi32, #tpu.memory_space<hbm>> -> memref<80x64xi32, #tpu.memory_space<hbm>>
      tpu.wait_dma2 semaphore(%run_scoped3A_665 : memref<!tpu.dma_semaphore, #tpu.memory_space<semaphore_mem>>) src(%dma_wait3A_681 : memref<80x64xi32, #tpu.memory_space<hbm>>) dst(%arg7 : memref<80x64xi32, #tpu.memory_space<vmem>>)
      tpu.yield
    }) : () -> ()
    %dma_start3A_214 = arith.constant 0 : i32
    %dma_start3A_215 = arith.constant 0 : i32
    %dma_start3A_216 = arith.constant 0 : i32
    %dma_start3A_217 = arith.constant 0 : i32
    %dma_start3A_218 = tpu.memref_slice %arg8[%dma_start3A_215, %dma_start3A_216, %dma_start3A_217] : memref<8x64x64xf32, #tpu.memory_space<vmem>> -> memref<1x64x64xf32, #tpu.memory_space<vmem>>
    %dma_start3A_219 = tpu.memref_squeeze %dma_start3A_218 : memref<1x64x64xf32, #tpu.memory_space<vmem>> -> memref<64x64xf32, #tpu.memory_space<vmem>>
    %dma_start3A_220 = arith.constant 0 : i32
    %dma_start3A_221 = tpu.memref_slice %arg6[%dma_start3A_214, %dma_start3A_220] : memref<80x64xi32, #tpu.memory_space<vmem>> -> memref<1x64xi32, #tpu.memory_space<vmem>>
    %dma_start3A_222 = tpu.memref_squeeze %dma_start3A_221 : memref<1x64xi32, #tpu.memory_space<vmem>> -> memref<64xi32, #tpu.memory_space<vmem>>
    %dma_start3A_223 = arith.constant 0 : i32
    %dma_start3A_224 = arith.constant 0 : i32
    %dma_start3A_225 = tpu.memref_slice %arg9[%dma_start3A_223, %dma_start3A_224] : memref<10112x64xf32, #tpu.memory_space<vmem_shared>> -> memref<10112x64xf32, #tpu.memory_space<vmem_shared>>
    tpu.enqueue_indirect_dma source(%dma_start3A_225 : memref<10112x64xf32, #tpu.memory_space<vmem_shared>>) target(%dma_start3A_219 : memref<64x64xf32, #tpu.memory_space<vmem>>) offsets(%dma_start3A_222 : memref<64xi32, #tpu.memory_space<vmem>>) semaphore(%arg11 : memref<!tpu.dma_semaphore, #tpu.memory_space<semaphore_mem>>)
    %dma_start3A_226 = arith.constant 1 : i32
    %dma_start3A_227 = arith.constant 1 : i32
    %dma_start3A_228 = arith.constant 0 : i32
    %dma_start3A_229 = arith.constant 0 : i32
    %dma_start3A_230 = tpu.memref_slice %arg8[%dma_start3A_227, %dma_start3A_228, %dma_start3A_229] : memref<8x64x64xf32, #tpu.memory_space<vmem>> -> memref<1x64x64xf32, #tpu.memory_space<vmem>>
    %dma_start3A_231 = tpu.memref_squeeze %dma_start3A_230 : memref<1x64x64xf32, #tpu.memory_space<vmem>> -> memref<64x64xf32, #tpu.memory_space<vmem>>
    %dma_start3A_232 = arith.constant 0 : i32
    %dma_start3A_233 = tpu.memref_slice %arg6[%dma_start3A_226, %dma_start3A_232] : memref<80x64xi32, #tpu.memory_space<vmem>> -> memref<1x64xi32, #tpu.memory_space<vmem>>
    %dma_start3A_234 = tpu.memref_squeeze %dma_start3A_233 : memref<1x64xi32, #tpu.memory_space<vmem>> -> memref<64xi32, #tpu.memory_space<vmem>>
    %dma_start3A_235 = arith.constant 0 : i32
    %dma_start3A_236 = arith.constant 0 : i32
    %dma_start3A_237 = tpu.memref_slice %arg9[%dma_start3A_235, %dma_start3A_236] : memref<10112x64xf32, #tpu.memory_space<vmem_shared>> -> memref<10112x64xf32, #tpu.memory_space<vmem_shared>>
    tpu.enqueue_indirect_dma source(%dma_start3A_237 : memref<10112x64xf32, #tpu.memory_space<vmem_shared>>) target(%dma_start3A_231 : memref<64x64xf32, #tpu.memory_space<vmem>>) offsets(%dma_start3A_234 : memref<64xi32, #tpu.memory_space<vmem>>) semaphore(%arg12 : memref<!tpu.dma_semaphore, #tpu.memory_space<semaphore_mem>>)
    %dma_start3A_238 = arith.constant 2 : i32
    %dma_start3A_239 = arith.constant 2 : i32
    %dma_start3A_240 = arith.constant 0 : i32
    %dma_start3A_241 = arith.constant 0 : i32
    %dma_start3A_242 = tpu.memref_slice %arg8[%dma_start3A_239, %dma_start3A_240, %dma_start3A_241] : memref<8x64x64xf32, #tpu.memory_space<vmem>> -> memref<1x64x64xf32, #tpu.memory_space<vmem>>
    %dma_start3A_243 = tpu.memref_squeeze %dma_start3A_242 : memref<1x64x64xf32, #tpu.memory_space<vmem>> -> memref<64x64xf32, #tpu.memory_space<vmem>>
    %dma_start3A_244 = arith.constant 0 : i32
    %dma_start3A_245 = tpu.memref_slice %arg6[%dma_start3A_238, %dma_start3A_244] : memref<80x64xi32, #tpu.memory_space<vmem>> -> memref<1x64xi32, #tpu.memory_space<vmem>>
    %dma_start3A_246 = tpu.memref_squeeze %dma_start3A_245 : memref<1x64xi32, #tpu.memory_space<vmem>> -> memref<64xi32, #tpu.memory_space<vmem>>
    %dma_start3A_247 = arith.constant 0 : i32
    %dma_start3A_248 = arith.constant 0 : i32
    %dma_start3A_249 = tpu.memref_slice %arg9[%dma_start3A_247, %dma_start3A_248] : memref<10112x64xf32, #tpu.memory_space<vmem_shared>> -> memref<10112x64xf32, #tpu.memory_space<vmem_shared>>
    tpu.enqueue_indirect_dma source(%dma_start3A_249 : memref<10112x64xf32, #tpu.memory_space<vmem_shared>>) target(%dma_start3A_243 : memref<64x64xf32, #tpu.memory_space<vmem>>) offsets(%dma_start3A_246 : memref<64xi32, #tpu.memory_space<vmem>>) semaphore(%arg13 : memref<!tpu.dma_semaphore, #tpu.memory_space<semaphore_mem>>)
    %dma_start3A_250 = arith.constant 3 : i32
    %dma_start3A_251 = arith.constant 3 : i32
    %dma_start3A_252 = arith.constant 0 : i32
    %dma_start3A_253 = arith.constant 0 : i32
    %dma_start3A_254 = tpu.memref_slice %arg8[%dma_start3A_251, %dma_start3A_252, %dma_start3A_253] : memref<8x64x64xf32, #tpu.memory_space<vmem>> -> memref<1x64x64xf32, #tpu.memory_space<vmem>>
    %dma_start3A_255 = tpu.memref_squeeze %dma_start3A_254 : memref<1x64x64xf32, #tpu.memory_space<vmem>> -> memref<64x64xf32, #tpu.memory_space<vmem>>
    %dma_start3A_256 = arith.constant 0 : i32
    %dma_start3A_257 = tpu.memref_slice %arg6[%dma_start3A_250, %dma_start3A_256] : memref<80x64xi32, #tpu.memory_space<vmem>> -> memref<1x64xi32, #tpu.memory_space<vmem>>
    %dma_start3A_258 = tpu.memref_squeeze %dma_start3A_257 : memref<1x64xi32, #tpu.memory_space<vmem>> -> memref<64xi32, #tpu.memory_space<vmem>>
    %dma_start3A_259 = arith.constant 0 : i32
    %dma_start3A_260 = arith.constant 0 : i32
    %dma_start3A_261 = tpu.memref_slice %arg9[%dma_start3A_259, %dma_start3A_260] : memref<10112x64xf32, #tpu.memory_space<vmem_shared>> -> memref<10112x64xf32, #tpu.memory_space<vmem_shared>>
    tpu.enqueue_indirect_dma source(%dma_start3A_261 : memref<10112x64xf32, #tpu.memory_space<vmem_shared>>) target(%dma_start3A_255 : memref<64x64xf32, #tpu.memory_space<vmem>>) offsets(%dma_start3A_258 : memref<64xi32, #tpu.memory_space<vmem>>) semaphore(%arg14 : memref<!tpu.dma_semaphore, #tpu.memory_space<semaphore_mem>>)
    %scan3A_262 = arith.constant 0 : i32
    %scan3A_263 = arith.constant 0 : i32
    %scan3A_264 = arith.constant 10 : i32
    %scan3A_265 = arith.addi %scan3A_263, %scan3A_264 : i32
    %scan3A_266 = arith.constant 1 : i32
    scf.for %scan3A_665 = %scan3A_263 to %scan3A_265 step %scan3A_266  : i32 {
      %mul3A_666 = arith.constant 8 : i32
      %mul3A_667 = arith.muli %scan3A_665, %mul3A_666 : i32
      %add3A_668 = arith.constant 0 : i32
      %add3A_669 = arith.addi %mul3A_667, %add3A_668 : i32
      %dma_wait3A_670 = arith.constant 0 : i32
      %dma_wait3A_671 = arith.constant 0 : i32
      %dma_wait3A_672 = arith.constant 0 : i32
      %dma_wait3A_673 = tpu.memref_slice %arg8[%dma_wait3A_670, %dma_wait3A_671, %dma_wait3A_672] : memref<8x64x64xf32, #tpu.memory_space<vmem>> -> memref<1x64x64xf32, #tpu.memory_space<vmem>>
      %dma_wait3A_674 = tpu.memref_squeeze %dma_wait3A_673 : memref<1x64x64xf32, #tpu.memory_space<vmem>> -> memref<64x64xf32, #tpu.memory_space<vmem>>
      %dma_wait3A_675 = arith.constant 0 : i32
      %dma_wait3A_676 = tpu.memref_slice %arg6[%add3A_669, %dma_wait3A_675] : memref<80x64xi32, #tpu.memory_space<vmem>> -> memref<1x64xi32, #tpu.memory_space<vmem>>
      %dma_wait3A_677 = tpu.memref_squeeze %dma_wait3A_676 : memref<1x64xi32, #tpu.memory_space<vmem>> -> memref<64xi32, #tpu.memory_space<vmem>>
      %dma_wait3A_678 = arith.constant 0 : i32
      %dma_wait3A_679 = arith.constant 0 : i32
      %dma_wait3A_680 = tpu.memref_slice %arg9[%dma_wait3A_678, %dma_wait3A_679] : memref<10112x64xf32, #tpu.memory_space<vmem_shared>> -> memref<10112x64xf32, #tpu.memory_space<vmem_shared>>
      tpu.wait_indirect_dma semaphore(%arg11 : memref<!tpu.dma_semaphore, #tpu.memory_space<semaphore_mem>>) src(%dma_wait3A_680 : memref<10112x64xf32, #tpu.memory_space<vmem_shared>>) dst(%dma_wait3A_674 : memref<64x64xf32, #tpu.memory_space<vmem>>)
      %dma_start3A_681 = arith.constant 0 : i32
      %dma_start3A_682 = arith.constant 0 : i32
      %dma_start3A_683 = arith.constant 0 : i32
      %dma_start3A_684 = tpu.memref_slice %arg8[%dma_start3A_681, %dma_start3A_682, %dma_start3A_683] : memref<8x64x64xf32, #tpu.memory_space<vmem>> -> memref<1x64x64xf32, #tpu.memory_space<vmem>>
      %dma_start3A_685 = tpu.memref_squeeze %dma_start3A_684 : memref<1x64x64xf32, #tpu.memory_space<vmem>> -> memref<64x64xf32, #tpu.memory_space<vmem>>
      %dma_start3A_686 = arith.constant 0 : i32
      %dma_start3A_687 = tpu.memref_slice %arg7[%add3A_669, %dma_start3A_686] : memref<80x64xi32, #tpu.memory_space<vmem>> -> memref<1x64xi32, #tpu.memory_space<vmem>>
      %dma_start3A_688 = tpu.memref_squeeze %dma_start3A_687 : memref<1x64xi32, #tpu.memory_space<vmem>> -> memref<64xi32, #tpu.memory_space<vmem>>
      %dma_start3A_689 = arith.constant 0 : i32
      %dma_start3A_690 = arith.constant 0 : i32
      %dma_start3A_691 = tpu.memref_slice %arg10[%dma_start3A_689, %dma_start3A_690] : memref<10112x64xf32, #tpu.memory_space<vmem_shared>> -> memref<10112x64xf32, #tpu.memory_space<vmem_shared>>
      tpu.enqueue_indirect_dma source(%dma_start3A_685 : memref<64x64xf32, #tpu.memory_space<vmem>>) target(%dma_start3A_691 : memref<10112x64xf32, #tpu.memory_space<vmem_shared>>) offsets(%dma_start3A_688 : memref<64xi32, #tpu.memory_space<vmem>>) semaphore(%arg19 : memref<!tpu.dma_semaphore, #tpu.memory_space<semaphore_mem>>) {add = true}
      %add3A_692 = arith.constant 4 : i32
      %add3A_693 = arith.addi %add3A_669, %add3A_692 : i32
      %lt3A = arith.constant 80 : i32
      %lt3A_694 = arith.cmpi slt, %add3A_693, %lt3A : i32
      %convert_element_type3A = arith.extui %lt3A_694 : i1 to i32
      %cond3A = arith.constant 0 : i32
      %cond3A_695 = arith.cmpi ne, %convert_element_type3A, %cond3A : i32
      scf.if %cond3A_695 {
        %add3A_927 = arith.constant 4 : i32
        %add3A_928 = arith.addi %add3A_669, %add3A_927 : i32
        %ge3A = arith.constant 8 : i32
        %ge3A_929 = arith.cmpi sge, %add3A_928, %ge3A : i32
        %convert_element_type3A_930 = arith.extui %ge3A_929 : i1 to i32
        %cond3A_931 = arith.constant 0 : i32
        %cond3A_932 = arith.cmpi ne, %convert_element_type3A_930, %cond3A_931 : i32
        scf.if %cond3A_932 {
          %dma_wait3A_946 = arith.constant 4 : i32
          %dma_wait3A_947 = arith.constant 0 : i32
          %dma_wait3A_948 = arith.constant 0 : i32
          %dma_wait3A_949 = arith.constant 0 : i32
          %dma_wait3A_950 = tpu.memref_slice %arg8[%dma_wait3A_946, %dma_wait3A_948, %dma_wait3A_949] : memref<8x64x64xf32, #tpu.memory_space<vmem>> -> memref<1x64x64xf32, #tpu.memory_space<vmem>>
          %dma_wait3A_951 = tpu.memref_squeeze %dma_wait3A_950 : memref<1x64x64xf32, #tpu.memory_space<vmem>> -> memref<64x64xf32, #tpu.memory_space<vmem>>
          %dma_wait3A_952 = arith.constant 0 : i32
          %dma_wait3A_953 = tpu.memref_slice %arg7[%dma_wait3A_947, %dma_wait3A_952] : memref<80x64xi32, #tpu.memory_space<vmem>> -> memref<1x64xi32, #tpu.memory_space<vmem>>
          %dma_wait3A_954 = tpu.memref_squeeze %dma_wait3A_953 : memref<1x64xi32, #tpu.memory_space<vmem>> -> memref<64xi32, #tpu.memory_space<vmem>>
          %dma_wait3A_955 = arith.constant 0 : i32
          %dma_wait3A_956 = arith.constant 0 : i32
          %dma_wait3A_957 = tpu.memref_slice %arg10[%dma_wait3A_955, %dma_wait3A_956] : memref<10112x64xf32, #tpu.memory_space<vmem_shared>> -> memref<10112x64xf32, #tpu.memory_space<vmem_shared>>
          tpu.wait_indirect_dma semaphore(%arg23 : memref<!tpu.dma_semaphore, #tpu.memory_space<semaphore_mem>>) src(%dma_wait3A_951 : memref<64x64xf32, #tpu.memory_space<vmem>>) dst(%dma_wait3A_957 : memref<10112x64xf32, #tpu.memory_space<vmem_shared>>)
        } else {
        }
        %add3A_933 = arith.constant 4 : i32
        %add3A_934 = arith.addi %add3A_669, %add3A_933 : i32
        %dma_start3A_935 = arith.constant 4 : i32
        %dma_start3A_936 = arith.constant 0 : i32
        %dma_start3A_937 = arith.constant 0 : i32
        %dma_start3A_938 = tpu.memref_slice %arg8[%dma_start3A_935, %dma_start3A_936, %dma_start3A_937] : memref<8x64x64xf32, #tpu.memory_space<vmem>> -> memref<1x64x64xf32, #tpu.memory_space<vmem>>
        %dma_start3A_939 = tpu.memref_squeeze %dma_start3A_938 : memref<1x64x64xf32, #tpu.memory_space<vmem>> -> memref<64x64xf32, #tpu.memory_space<vmem>>
        %dma_start3A_940 = arith.constant 0 : i32
        %dma_start3A_941 = tpu.memref_slice %arg6[%add3A_934, %dma_start3A_940] : memref<80x64xi32, #tpu.memory_space<vmem>> -> memref<1x64xi32, #tpu.memory_space<vmem>>
        %dma_start3A_942 = tpu.memref_squeeze %dma_start3A_941 : memref<1x64xi32, #tpu.memory_space<vmem>> -> memref<64xi32, #tpu.memory_space<vmem>>
        %dma_start3A_943 = arith.constant 0 : i32
        %dma_start3A_944 = arith.constant 0 : i32
        %dma_start3A_945 = tpu.memref_slice %arg9[%dma_start3A_943, %dma_start3A_944] : memref<10112x64xf32, #tpu.memory_space<vmem_shared>> -> memref<10112x64xf32, #tpu.memory_space<vmem_shared>>
        tpu.enqueue_indirect_dma source(%dma_start3A_945 : memref<10112x64xf32, #tpu.memory_space<vmem_shared>>) target(%dma_start3A_939 : memref<64x64xf32, #tpu.memory_space<vmem>>) offsets(%dma_start3A_942 : memref<64xi32, #tpu.memory_space<vmem>>) semaphore(%arg15 : memref<!tpu.dma_semaphore, #tpu.memory_space<semaphore_mem>>)
      } else {
      }
      %mul3A_696 = arith.constant 8 : i32
      %mul3A_697 = arith.muli %scan3A_665, %mul3A_696 : i32
      %add3A_698 = arith.constant 1 : i32
      %add3A_699 = arith.addi %mul3A_697, %add3A_698 : i32
      %dma_wait3A_700 = arith.constant 1 : i32
      %dma_wait3A_701 = arith.constant 0 : i32
      %dma_wait3A_702 = arith.constant 0 : i32
      %dma_wait3A_703 = tpu.memref_slice %arg8[%dma_wait3A_700, %dma_wait3A_701, %dma_wait3A_702] : memref<8x64x64xf32, #tpu.memory_space<vmem>> -> memref<1x64x64xf32, #tpu.memory_space<vmem>>
      %dma_wait3A_704 = tpu.memref_squeeze %dma_wait3A_703 : memref<1x64x64xf32, #tpu.memory_space<vmem>> -> memref<64x64xf32, #tpu.memory_space<vmem>>
      %dma_wait3A_705 = arith.constant 0 : i32
      %dma_wait3A_706 = tpu.memref_slice %arg6[%add3A_699, %dma_wait3A_705] : memref<80x64xi32, #tpu.memory_space<vmem>> -> memref<1x64xi32, #tpu.memory_space<vmem>>
      %dma_wait3A_707 = tpu.memref_squeeze %dma_wait3A_706 : memref<1x64xi32, #tpu.memory_space<vmem>> -> memref<64xi32, #tpu.memory_space<vmem>>
      %dma_wait3A_708 = arith.constant 0 : i32
      %dma_wait3A_709 = arith.constant 0 : i32
      %dma_wait3A_710 = tpu.memref_slice %arg9[%dma_wait3A_708, %dma_wait3A_709] : memref<10112x64xf32, #tpu.memory_space<vmem_shared>> -> memref<10112x64xf32, #tpu.memory_space<vmem_shared>>
      tpu.wait_indirect_dma semaphore(%arg12 : memref<!tpu.dma_semaphore, #tpu.memory_space<semaphore_mem>>) src(%dma_wait3A_710 : memref<10112x64xf32, #tpu.memory_space<vmem_shared>>) dst(%dma_wait3A_704 : memref<64x64xf32, #tpu.memory_space<vmem>>)
      %dma_start3A_711 = arith.constant 1 : i32
      %dma_start3A_712 = arith.constant 0 : i32
      %dma_start3A_713 = arith.constant 0 : i32
      %dma_start3A_714 = tpu.memref_slice %arg8[%dma_start3A_711, %dma_start3A_712, %dma_start3A_713] : memref<8x64x64xf32, #tpu.memory_space<vmem>> -> memref<1x64x64xf32, #tpu.memory_space<vmem>>
      %dma_start3A_715 = tpu.memref_squeeze %dma_start3A_714 : memref<1x64x64xf32, #tpu.memory_space<vmem>> -> memref<64x64xf32, #tpu.memory_space<vmem>>
      %dma_start3A_716 = arith.constant 0 : i32
      %dma_start3A_717 = tpu.memref_slice %arg7[%add3A_699, %dma_start3A_716] : memref<80x64xi32, #tpu.memory_space<vmem>> -> memref<1x64xi32, #tpu.memory_space<vmem>>
      %dma_start3A_718 = tpu.memref_squeeze %dma_start3A_717 : memref<1x64xi32, #tpu.memory_space<vmem>> -> memref<64xi32, #tpu.memory_space<vmem>>
      %dma_start3A_719 = arith.constant 0 : i32
      %dma_start3A_720 = arith.constant 0 : i32
      %dma_start3A_721 = tpu.memref_slice %arg10[%dma_start3A_719, %dma_start3A_720] : memref<10112x64xf32, #tpu.memory_space<vmem_shared>> -> memref<10112x64xf32, #tpu.memory_space<vmem_shared>>
      tpu.enqueue_indirect_dma source(%dma_start3A_715 : memref<64x64xf32, #tpu.memory_space<vmem>>) target(%dma_start3A_721 : memref<10112x64xf32, #tpu.memory_space<vmem_shared>>) offsets(%dma_start3A_718 : memref<64xi32, #tpu.memory_space<vmem>>) semaphore(%arg20 : memref<!tpu.dma_semaphore, #tpu.memory_space<semaphore_mem>>) {add = true}
      %add3A_722 = arith.constant 4 : i32
      %add3A_723 = arith.addi %add3A_699, %add3A_722 : i32
      %lt3A_724 = arith.constant 80 : i32
      %lt3A_725 = arith.cmpi slt, %add3A_723, %lt3A_724 : i32
      %convert_element_type3A_726 = arith.extui %lt3A_725 : i1 to i32
      %cond3A_727 = arith.constant 0 : i32
      %cond3A_728 = arith.cmpi ne, %convert_element_type3A_726, %cond3A_727 : i32
      scf.if %cond3A_728 {
        %add3A_927 = arith.constant 4 : i32
        %add3A_928 = arith.addi %add3A_699, %add3A_927 : i32
        %ge3A = arith.constant 8 : i32
        %ge3A_929 = arith.cmpi sge, %add3A_928, %ge3A : i32
        %convert_element_type3A_930 = arith.extui %ge3A_929 : i1 to i32
        %cond3A_931 = arith.constant 0 : i32
        %cond3A_932 = arith.cmpi ne, %convert_element_type3A_930, %cond3A_931 : i32
        scf.if %cond3A_932 {
          %dma_wait3A_946 = arith.constant 5 : i32
          %dma_wait3A_947 = arith.constant 0 : i32
          %dma_wait3A_948 = arith.constant 0 : i32
          %dma_wait3A_949 = arith.constant 0 : i32
          %dma_wait3A_950 = tpu.memref_slice %arg8[%dma_wait3A_946, %dma_wait3A_948, %dma_wait3A_949] : memref<8x64x64xf32, #tpu.memory_space<vmem>> -> memref<1x64x64xf32, #tpu.memory_space<vmem>>
          %dma_wait3A_951 = tpu.memref_squeeze %dma_wait3A_950 : memref<1x64x64xf32, #tpu.memory_space<vmem>> -> memref<64x64xf32, #tpu.memory_space<vmem>>
          %dma_wait3A_952 = arith.constant 0 : i32
          %dma_wait3A_953 = tpu.memref_slice %arg7[%dma_wait3A_947, %dma_wait3A_952] : memref<80x64xi32, #tpu.memory_space<vmem>> -> memref<1x64xi32, #tpu.memory_space<vmem>>
          %dma_wait3A_954 = tpu.memref_squeeze %dma_wait3A_953 : memref<1x64xi32, #tpu.memory_space<vmem>> -> memref<64xi32, #tpu.memory_space<vmem>>
          %dma_wait3A_955 = arith.constant 0 : i32
          %dma_wait3A_956 = arith.constant 0 : i32
          %dma_wait3A_957 = tpu.memref_slice %arg10[%dma_wait3A_955, %dma_wait3A_956] : memref<10112x64xf32, #tpu.memory_space<vmem_shared>> -> memref<10112x64xf32, #tpu.memory_space<vmem_shared>>
          tpu.wait_indirect_dma semaphore(%arg24 : memref<!tpu.dma_semaphore, #tpu.memory_space<semaphore_mem>>) src(%dma_wait3A_951 : memref<64x64xf32, #tpu.memory_space<vmem>>) dst(%dma_wait3A_957 : memref<10112x64xf32, #tpu.memory_space<vmem_shared>>)
        } else {
        }
        %add3A_933 = arith.constant 4 : i32
        %add3A_934 = arith.addi %add3A_699, %add3A_933 : i32
        %dma_start3A_935 = arith.constant 5 : i32
        %dma_start3A_936 = arith.constant 0 : i32
        %dma_start3A_937 = arith.constant 0 : i32
        %dma_start3A_938 = tpu.memref_slice %arg8[%dma_start3A_935, %dma_start3A_936, %dma_start3A_937] : memref<8x64x64xf32, #tpu.memory_space<vmem>> -> memref<1x64x64xf32, #tpu.memory_space<vmem>>
        %dma_start3A_939 = tpu.memref_squeeze %dma_start3A_938 : memref<1x64x64xf32, #tpu.memory_space<vmem>> -> memref<64x64xf32, #tpu.memory_space<vmem>>
        %dma_start3A_940 = arith.constant 0 : i32
        %dma_start3A_941 = tpu.memref_slice %arg6[%add3A_934, %dma_start3A_940] : memref<80x64xi32, #tpu.memory_space<vmem>> -> memref<1x64xi32, #tpu.memory_space<vmem>>
        %dma_start3A_942 = tpu.memref_squeeze %dma_start3A_941 : memref<1x64xi32, #tpu.memory_space<vmem>> -> memref<64xi32, #tpu.memory_space<vmem>>
        %dma_start3A_943 = arith.constant 0 : i32
        %dma_start3A_944 = arith.constant 0 : i32
        %dma_start3A_945 = tpu.memref_slice %arg9[%dma_start3A_943, %dma_start3A_944] : memref<10112x64xf32, #tpu.memory_space<vmem_shared>> -> memref<10112x64xf32, #tpu.memory_space<vmem_shared>>
        tpu.enqueue_indirect_dma source(%dma_start3A_945 : memref<10112x64xf32, #tpu.memory_space<vmem_shared>>) target(%dma_start3A_939 : memref<64x64xf32, #tpu.memory_space<vmem>>) offsets(%dma_start3A_942 : memref<64xi32, #tpu.memory_space<vmem>>) semaphore(%arg16 : memref<!tpu.dma_semaphore, #tpu.memory_space<semaphore_mem>>)
      } else {
      }
      %mul3A_729 = arith.constant 8 : i32
      %mul3A_730 = arith.muli %scan3A_665, %mul3A_729 : i32
      %add3A_731 = arith.constant 2 : i32
      %add3A_732 = arith.addi %mul3A_730, %add3A_731 : i32
      %dma_wait3A_733 = arith.constant 2 : i32
      %dma_wait3A_734 = arith.constant 0 : i32
      %dma_wait3A_735 = arith.constant 0 : i32
      %dma_wait3A_736 = tpu.memref_slice %arg8[%dma_wait3A_733, %dma_wait3A_734, %dma_wait3A_735] : memref<8x64x64xf32, #tpu.memory_space<vmem>> -> memref<1x64x64xf32, #tpu.memory_space<vmem>>
      %dma_wait3A_737 = tpu.memref_squeeze %dma_wait3A_736 : memref<1x64x64xf32, #tpu.memory_space<vmem>> -> memref<64x64xf32, #tpu.memory_space<vmem>>
      %dma_wait3A_738 = arith.constant 0 : i32
      %dma_wait3A_739 = tpu.memref_slice %arg6[%add3A_732, %dma_wait3A_738] : memref<80x64xi32, #tpu.memory_space<vmem>> -> memref<1x64xi32, #tpu.memory_space<vmem>>
      %dma_wait3A_740 = tpu.memref_squeeze %dma_wait3A_739 : memref<1x64xi32, #tpu.memory_space<vmem>> -> memref<64xi32, #tpu.memory_space<vmem>>
      %dma_wait3A_741 = arith.constant 0 : i32
      %dma_wait3A_742 = arith.constant 0 : i32
      %dma_wait3A_743 = tpu.memref_slice %arg9[%dma_wait3A_741, %dma_wait3A_742] : memref<10112x64xf32, #tpu.memory_space<vmem_shared>> -> memref<10112x64xf32, #tpu.memory_space<vmem_shared>>
      tpu.wait_indirect_dma semaphore(%arg13 : memref<!tpu.dma_semaphore, #tpu.memory_space<semaphore_mem>>) src(%dma_wait3A_743 : memref<10112x64xf32, #tpu.memory_space<vmem_shared>>) dst(%dma_wait3A_737 : memref<64x64xf32, #tpu.memory_space<vmem>>)
      %dma_start3A_744 = arith.constant 2 : i32
      %dma_start3A_745 = arith.constant 0 : i32
      %dma_start3A_746 = arith.constant 0 : i32
      %dma_start3A_747 = tpu.memref_slice %arg8[%dma_start3A_744, %dma_start3A_745, %dma_start3A_746] : memref<8x64x64xf32, #tpu.memory_space<vmem>> -> memref<1x64x64xf32, #tpu.memory_space<vmem>>
      %dma_start3A_748 = tpu.memref_squeeze %dma_start3A_747 : memref<1x64x64xf32, #tpu.memory_space<vmem>> -> memref<64x64xf32, #tpu.memory_space<vmem>>
      %dma_start3A_749 = arith.constant 0 : i32
      %dma_start3A_750 = tpu.memref_slice %arg7[%add3A_732, %dma_start3A_749] : memref<80x64xi32, #tpu.memory_space<vmem>> -> memref<1x64xi32, #tpu.memory_space<vmem>>
      %dma_start3A_751 = tpu.memref_squeeze %dma_start3A_750 : memref<1x64xi32, #tpu.memory_space<vmem>> -> memref<64xi32, #tpu.memory_space<vmem>>
      %dma_start3A_752 = arith.constant 0 : i32
      %dma_start3A_753 = arith.constant 0 : i32
      %dma_start3A_754 = tpu.memref_slice %arg10[%dma_start3A_752, %dma_start3A_753] : memref<10112x64xf32, #tpu.memory_space<vmem_shared>> -> memref<10112x64xf32, #tpu.memory_space<vmem_shared>>
      tpu.enqueue_indirect_dma source(%dma_start3A_748 : memref<64x64xf32, #tpu.memory_space<vmem>>) target(%dma_start3A_754 : memref<10112x64xf32, #tpu.memory_space<vmem_shared>>) offsets(%dma_start3A_751 : memref<64xi32, #tpu.memory_space<vmem>>) semaphore(%arg21 : memref<!tpu.dma_semaphore, #tpu.memory_space<semaphore_mem>>) {add = true}
      %add3A_755 = arith.constant 4 : i32
      %add3A_756 = arith.addi %add3A_732, %add3A_755 : i32
      %lt3A_757 = arith.constant 80 : i32
      %lt3A_758 = arith.cmpi slt, %add3A_756, %lt3A_757 : i32
      %convert_element_type3A_759 = arith.extui %lt3A_758 : i1 to i32
      %cond3A_760 = arith.constant 0 : i32
      %cond3A_761 = arith.cmpi ne, %convert_element_type3A_759, %cond3A_760 : i32
      scf.if %cond3A_761 {
        %add3A_927 = arith.constant 4 : i32
        %add3A_928 = arith.addi %add3A_732, %add3A_927 : i32
        %ge3A = arith.constant 8 : i32
        %ge3A_929 = arith.cmpi sge, %add3A_928, %ge3A : i32
        %convert_element_type3A_930 = arith.extui %ge3A_929 : i1 to i32
        %cond3A_931 = arith.constant 0 : i32
        %cond3A_932 = arith.cmpi ne, %convert_element_type3A_930, %cond3A_931 : i32
        scf.if %cond3A_932 {
          %dma_wait3A_946 = arith.constant 6 : i32
          %dma_wait3A_947 = arith.constant 0 : i32
          %dma_wait3A_948 = arith.constant 0 : i32
          %dma_wait3A_949 = arith.constant 0 : i32
          %dma_wait3A_950 = tpu.memref_slice %arg8[%dma_wait3A_946, %dma_wait3A_948, %dma_wait3A_949] : memref<8x64x64xf32, #tpu.memory_space<vmem>> -> memref<1x64x64xf32, #tpu.memory_space<vmem>>
          %dma_wait3A_951 = tpu.memref_squeeze %dma_wait3A_950 : memref<1x64x64xf32, #tpu.memory_space<vmem>> -> memref<64x64xf32, #tpu.memory_space<vmem>>
          %dma_wait3A_952 = arith.constant 0 : i32
          %dma_wait3A_953 = tpu.memref_slice %arg7[%dma_wait3A_947, %dma_wait3A_952] : memref<80x64xi32, #tpu.memory_space<vmem>> -> memref<1x64xi32, #tpu.memory_space<vmem>>
          %dma_wait3A_954 = tpu.memref_squeeze %dma_wait3A_953 : memref<1x64xi32, #tpu.memory_space<vmem>> -> memref<64xi32, #tpu.memory_space<vmem>>
          %dma_wait3A_955 = arith.constant 0 : i32
          %dma_wait3A_956 = arith.constant 0 : i32
          %dma_wait3A_957 = tpu.memref_slice %arg10[%dma_wait3A_955, %dma_wait3A_956] : memref<10112x64xf32, #tpu.memory_space<vmem_shared>> -> memref<10112x64xf32, #tpu.memory_space<vmem_shared>>
          tpu.wait_indirect_dma semaphore(%arg25 : memref<!tpu.dma_semaphore, #tpu.memory_space<semaphore_mem>>) src(%dma_wait3A_951 : memref<64x64xf32, #tpu.memory_space<vmem>>) dst(%dma_wait3A_957 : memref<10112x64xf32, #tpu.memory_space<vmem_shared>>)
        } else {
        }
        %add3A_933 = arith.constant 4 : i32
        %add3A_934 = arith.addi %add3A_732, %add3A_933 : i32
        %dma_start3A_935 = arith.constant 6 : i32
        %dma_start3A_936 = arith.constant 0 : i32
        %dma_start3A_937 = arith.constant 0 : i32
        %dma_start3A_938 = tpu.memref_slice %arg8[%dma_start3A_935, %dma_start3A_936, %dma_start3A_937] : memref<8x64x64xf32, #tpu.memory_space<vmem>> -> memref<1x64x64xf32, #tpu.memory_space<vmem>>
        %dma_start3A_939 = tpu.memref_squeeze %dma_start3A_938 : memref<1x64x64xf32, #tpu.memory_space<vmem>> -> memref<64x64xf32, #tpu.memory_space<vmem>>
        %dma_start3A_940 = arith.constant 0 : i32
        %dma_start3A_941 = tpu.memref_slice %arg6[%add3A_934, %dma_start3A_940] : memref<80x64xi32, #tpu.memory_space<vmem>> -> memref<1x64xi32, #tpu.memory_space<vmem>>
        %dma_start3A_942 = tpu.memref_squeeze %dma_start3A_941 : memref<1x64xi32, #tpu.memory_space<vmem>> -> memref<64xi32, #tpu.memory_space<vmem>>
        %dma_start3A_943 = arith.constant 0 : i32
        %dma_start3A_944 = arith.constant 0 : i32
        %dma_start3A_945 = tpu.memref_slice %arg9[%dma_start3A_943, %dma_start3A_944] : memref<10112x64xf32, #tpu.memory_space<vmem_shared>> -> memref<10112x64xf32, #tpu.memory_space<vmem_shared>>
        tpu.enqueue_indirect_dma source(%dma_start3A_945 : memref<10112x64xf32, #tpu.memory_space<vmem_shared>>) target(%dma_start3A_939 : memref<64x64xf32, #tpu.memory_space<vmem>>) offsets(%dma_start3A_942 : memref<64xi32, #tpu.memory_space<vmem>>) semaphore(%arg17 : memref<!tpu.dma_semaphore, #tpu.memory_space<semaphore_mem>>)
      } else {
      }
      %mul3A_762 = arith.constant 8 : i32
      %mul3A_763 = arith.muli %scan3A_665, %mul3A_762 : i32
      %add3A_764 = arith.constant 3 : i32
      %add3A_765 = arith.addi %mul3A_763, %add3A_764 : i32
      %dma_wait3A_766 = arith.constant 3 : i32
      %dma_wait3A_767 = arith.constant 0 : i32
      %dma_wait3A_768 = arith.constant 0 : i32
      %dma_wait3A_769 = tpu.memref_slice %arg8[%dma_wait3A_766, %dma_wait3A_767, %dma_wait3A_768] : memref<8x64x64xf32, #tpu.memory_space<vmem>> -> memref<1x64x64xf32, #tpu.memory_space<vmem>>
      %dma_wait3A_770 = tpu.memref_squeeze %dma_wait3A_769 : memref<1x64x64xf32, #tpu.memory_space<vmem>> -> memref<64x64xf32, #tpu.memory_space<vmem>>
      %dma_wait3A_771 = arith.constant 0 : i32
      %dma_wait3A_772 = tpu.memref_slice %arg6[%add3A_765, %dma_wait3A_771] : memref<80x64xi32, #tpu.memory_space<vmem>> -> memref<1x64xi32, #tpu.memory_space<vmem>>
      %dma_wait3A_773 = tpu.memref_squeeze %dma_wait3A_772 : memref<1x64xi32, #tpu.memory_space<vmem>> -> memref<64xi32, #tpu.memory_space<vmem>>
      %dma_wait3A_774 = arith.constant 0 : i32
      %dma_wait3A_775 = arith.constant 0 : i32
      %dma_wait3A_776 = tpu.memref_slice %arg9[%dma_wait3A_774, %dma_wait3A_775] : memref<10112x64xf32, #tpu.memory_space<vmem_shared>> -> memref<10112x64xf32, #tpu.memory_space<vmem_shared>>
      tpu.wait_indirect_dma semaphore(%arg14 : memref<!tpu.dma_semaphore, #tpu.memory_space<semaphore_mem>>) src(%dma_wait3A_776 : memref<10112x64xf32, #tpu.memory_space<vmem_shared>>) dst(%dma_wait3A_770 : memref<64x64xf32, #tpu.memory_space<vmem>>)
      %dma_start3A_777 = arith.constant 3 : i32
      %dma_start3A_778 = arith.constant 0 : i32
      %dma_start3A_779 = arith.constant 0 : i32
      %dma_start3A_780 = tpu.memref_slice %arg8[%dma_start3A_777, %dma_start3A_778, %dma_start3A_779] : memref<8x64x64xf32, #tpu.memory_space<vmem>> -> memref<1x64x64xf32, #tpu.memory_space<vmem>>
      %dma_start3A_781 = tpu.memref_squeeze %dma_start3A_780 : memref<1x64x64xf32, #tpu.memory_space<vmem>> -> memref<64x64xf32, #tpu.memory_space<vmem>>
      %dma_start3A_782 = arith.constant 0 : i32
      %dma_start3A_783 = tpu.memref_slice %arg7[%add3A_765, %dma_start3A_782] : memref<80x64xi32, #tpu.memory_space<vmem>> -> memref<1x64xi32, #tpu.memory_space<vmem>>
      %dma_start3A_784 = tpu.memref_squeeze %dma_start3A_783 : memref<1x64xi32, #tpu.memory_space<vmem>> -> memref<64xi32, #tpu.memory_space<vmem>>
      %dma_start3A_785 = arith.constant 0 : i32
      %dma_start3A_786 = arith.constant 0 : i32
      %dma_start3A_787 = tpu.memref_slice %arg10[%dma_start3A_785, %dma_start3A_786] : memref<10112x64xf32, #tpu.memory_space<vmem_shared>> -> memref<10112x64xf32, #tpu.memory_space<vmem_shared>>
      tpu.enqueue_indirect_dma source(%dma_start3A_781 : memref<64x64xf32, #tpu.memory_space<vmem>>) target(%dma_start3A_787 : memref<10112x64xf32, #tpu.memory_space<vmem_shared>>) offsets(%dma_start3A_784 : memref<64xi32, #tpu.memory_space<vmem>>) semaphore(%arg22 : memref<!tpu.dma_semaphore, #tpu.memory_space<semaphore_mem>>) {add = true}
      %add3A_788 = arith.constant 4 : i32
      %add3A_789 = arith.addi %add3A_765, %add3A_788 : i32
      %lt3A_790 = arith.constant 80 : i32
      %lt3A_791 = arith.cmpi slt, %add3A_789, %lt3A_790 : i32
      %convert_element_type3A_792 = arith.extui %lt3A_791 : i1 to i32
      %cond3A_793 = arith.constant 0 : i32
      %cond3A_794 = arith.cmpi ne, %convert_element_type3A_792, %cond3A_793 : i32
      scf.if %cond3A_794 {
        %add3A_927 = arith.constant 4 : i32
        %add3A_928 = arith.addi %add3A_765, %add3A_927 : i32
        %ge3A = arith.constant 8 : i32
        %ge3A_929 = arith.cmpi sge, %add3A_928, %ge3A : i32
        %convert_element_type3A_930 = arith.extui %ge3A_929 : i1 to i32
        %cond3A_931 = arith.constant 0 : i32
        %cond3A_932 = arith.cmpi ne, %convert_element_type3A_930, %cond3A_931 : i32
        scf.if %cond3A_932 {
          %dma_wait3A_946 = arith.constant 7 : i32
          %dma_wait3A_947 = arith.constant 0 : i32
          %dma_wait3A_948 = arith.constant 0 : i32
          %dma_wait3A_949 = arith.constant 0 : i32
          %dma_wait3A_950 = tpu.memref_slice %arg8[%dma_wait3A_946, %dma_wait3A_948, %dma_wait3A_949] : memref<8x64x64xf32, #tpu.memory_space<vmem>> -> memref<1x64x64xf32, #tpu.memory_space<vmem>>
          %dma_wait3A_951 = tpu.memref_squeeze %dma_wait3A_950 : memref<1x64x64xf32, #tpu.memory_space<vmem>> -> memref<64x64xf32, #tpu.memory_space<vmem>>
          %dma_wait3A_952 = arith.constant 0 : i32
          %dma_wait3A_953 = tpu.memref_slice %arg7[%dma_wait3A_947, %dma_wait3A_952] : memref<80x64xi32, #tpu.memory_space<vmem>> -> memref<1x64xi32, #tpu.memory_space<vmem>>
          %dma_wait3A_954 = tpu.memref_squeeze %dma_wait3A_953 : memref<1x64xi32, #tpu.memory_space<vmem>> -> memref<64xi32, #tpu.memory_space<vmem>>
          %dma_wait3A_955 = arith.constant 0 : i32
          %dma_wait3A_956 = arith.constant 0 : i32
          %dma_wait3A_957 = tpu.memref_slice %arg10[%dma_wait3A_955, %dma_wait3A_956] : memref<10112x64xf32, #tpu.memory_space<vmem_shared>> -> memref<10112x64xf32, #tpu.memory_space<vmem_shared>>
          tpu.wait_indirect_dma semaphore(%arg26 : memref<!tpu.dma_semaphore, #tpu.memory_space<semaphore_mem>>) src(%dma_wait3A_951 : memref<64x64xf32, #tpu.memory_space<vmem>>) dst(%dma_wait3A_957 : memref<10112x64xf32, #tpu.memory_space<vmem_shared>>)
        } else {
        }
        %add3A_933 = arith.constant 4 : i32
        %add3A_934 = arith.addi %add3A_765, %add3A_933 : i32
        %dma_start3A_935 = arith.constant 7 : i32
        %dma_start3A_936 = arith.constant 0 : i32
        %dma_start3A_937 = arith.constant 0 : i32
        %dma_start3A_938 = tpu.memref_slice %arg8[%dma_start3A_935, %dma_start3A_936, %dma_start3A_937] : memref<8x64x64xf32, #tpu.memory_space<vmem>> -> memref<1x64x64xf32, #tpu.memory_space<vmem>>
        %dma_start3A_939 = tpu.memref_squeeze %dma_start3A_938 : memref<1x64x64xf32, #tpu.memory_space<vmem>> -> memref<64x64xf32, #tpu.memory_space<vmem>>
        %dma_start3A_940 = arith.constant 0 : i32
        %dma_start3A_941 = tpu.memref_slice %arg6[%add3A_934, %dma_start3A_940] : memref<80x64xi32, #tpu.memory_space<vmem>> -> memref<1x64xi32, #tpu.memory_space<vmem>>
        %dma_start3A_942 = tpu.memref_squeeze %dma_start3A_941 : memref<1x64xi32, #tpu.memory_space<vmem>> -> memref<64xi32, #tpu.memory_space<vmem>>
        %dma_start3A_943 = arith.constant 0 : i32
        %dma_start3A_944 = arith.constant 0 : i32
        %dma_start3A_945 = tpu.memref_slice %arg9[%dma_start3A_943, %dma_start3A_944] : memref<10112x64xf32, #tpu.memory_space<vmem_shared>> -> memref<10112x64xf32, #tpu.memory_space<vmem_shared>>
        tpu.enqueue_indirect_dma source(%dma_start3A_945 : memref<10112x64xf32, #tpu.memory_space<vmem_shared>>) target(%dma_start3A_939 : memref<64x64xf32, #tpu.memory_space<vmem>>) offsets(%dma_start3A_942 : memref<64xi32, #tpu.memory_space<vmem>>) semaphore(%arg18 : memref<!tpu.dma_semaphore, #tpu.memory_space<semaphore_mem>>)
      } else {
      }
      %mul3A_795 = arith.constant 8 : i32
      %mul3A_796 = arith.muli %scan3A_665, %mul3A_795 : i32
      %add3A_797 = arith.constant 4 : i32
      %add3A_798 = arith.addi %mul3A_796, %add3A_797 : i32
      %dma_wait3A_799 = arith.constant 4 : i32
      %dma_wait3A_800 = arith.constant 0 : i32
      %dma_wait3A_801 = arith.constant 0 : i32
      %dma_wait3A_802 = tpu.memref_slice %arg8[%dma_wait3A_799, %dma_wait3A_800, %dma_wait3A_801] : memref<8x64x64xf32, #tpu.memory_space<vmem>> -> memref<1x64x64xf32, #tpu.memory_space<vmem>>
      %dma_wait3A_803 = tpu.memref_squeeze %dma_wait3A_802 : memref<1x64x64xf32, #tpu.memory_space<vmem>> -> memref<64x64xf32, #tpu.memory_space<vmem>>
      %dma_wait3A_804 = arith.constant 0 : i32
      %dma_wait3A_805 = tpu.memref_slice %arg6[%add3A_798, %dma_wait3A_804] : memref<80x64xi32, #tpu.memory_space<vmem>> -> memref<1x64xi32, #tpu.memory_space<vmem>>
      %dma_wait3A_806 = tpu.memref_squeeze %dma_wait3A_805 : memref<1x64xi32, #tpu.memory_space<vmem>> -> memref<64xi32, #tpu.memory_space<vmem>>
      %dma_wait3A_807 = arith.constant 0 : i32
      %dma_wait3A_808 = arith.constant 0 : i32
      %dma_wait3A_809 = tpu.memref_slice %arg9[%dma_wait3A_807, %dma_wait3A_808] : memref<10112x64xf32, #tpu.memory_space<vmem_shared>> -> memref<10112x64xf32, #tpu.memory_space<vmem_shared>>
      tpu.wait_indirect_dma semaphore(%arg15 : memref<!tpu.dma_semaphore, #tpu.memory_space<semaphore_mem>>) src(%dma_wait3A_809 : memref<10112x64xf32, #tpu.memory_space<vmem_shared>>) dst(%dma_wait3A_803 : memref<64x64xf32, #tpu.memory_space<vmem>>)
      %dma_start3A_810 = arith.constant 4 : i32
      %dma_start3A_811 = arith.constant 0 : i32
      %dma_start3A_812 = arith.constant 0 : i32
      %dma_start3A_813 = tpu.memref_slice %arg8[%dma_start3A_810, %dma_start3A_811, %dma_start3A_812] : memref<8x64x64xf32, #tpu.memory_space<vmem>> -> memref<1x64x64xf32, #tpu.memory_space<vmem>>
      %dma_start3A_814 = tpu.memref_squeeze %dma_start3A_813 : memref<1x64x64xf32, #tpu.memory_space<vmem>> -> memref<64x64xf32, #tpu.memory_space<vmem>>
      %dma_start3A_815 = arith.constant 0 : i32
      %dma_start3A_816 = tpu.memref_slice %arg7[%add3A_798, %dma_start3A_815] : memref<80x64xi32, #tpu.memory_space<vmem>> -> memref<1x64xi32, #tpu.memory_space<vmem>>
      %dma_start3A_817 = tpu.memref_squeeze %dma_start3A_816 : memref<1x64xi32, #tpu.memory_space<vmem>> -> memref<64xi32, #tpu.memory_space<vmem>>
      %dma_start3A_818 = arith.constant 0 : i32
      %dma_start3A_819 = arith.constant 0 : i32
      %dma_start3A_820 = tpu.memref_slice %arg10[%dma_start3A_818, %dma_start3A_819] : memref<10112x64xf32, #tpu.memory_space<vmem_shared>> -> memref<10112x64xf32, #tpu.memory_space<vmem_shared>>
      tpu.enqueue_indirect_dma source(%dma_start3A_814 : memref<64x64xf32, #tpu.memory_space<vmem>>) target(%dma_start3A_820 : memref<10112x64xf32, #tpu.memory_space<vmem_shared>>) offsets(%dma_start3A_817 : memref<64xi32, #tpu.memory_space<vmem>>) semaphore(%arg23 : memref<!tpu.dma_semaphore, #tpu.memory_space<semaphore_mem>>) {add = true}
      %add3A_821 = arith.constant 4 : i32
      %add3A_822 = arith.addi %add3A_798, %add3A_821 : i32
      %lt3A_823 = arith.constant 80 : i32
      %lt3A_824 = arith.cmpi slt, %add3A_822, %lt3A_823 : i32
      %convert_element_type3A_825 = arith.extui %lt3A_824 : i1 to i32
      %cond3A_826 = arith.constant 0 : i32
      %cond3A_827 = arith.cmpi ne, %convert_element_type3A_825, %cond3A_826 : i32
      scf.if %cond3A_827 {
        %add3A_927 = arith.constant 4 : i32
        %add3A_928 = arith.addi %add3A_798, %add3A_927 : i32
        %ge3A = arith.constant 8 : i32
        %ge3A_929 = arith.cmpi sge, %add3A_928, %ge3A : i32
        %convert_element_type3A_930 = arith.extui %ge3A_929 : i1 to i32
        %cond3A_931 = arith.constant 0 : i32
        %cond3A_932 = arith.cmpi ne, %convert_element_type3A_930, %cond3A_931 : i32
        scf.if %cond3A_932 {
          %dma_wait3A_946 = arith.constant 0 : i32
          %dma_wait3A_947 = arith.constant 0 : i32
          %dma_wait3A_948 = arith.constant 0 : i32
          %dma_wait3A_949 = arith.constant 0 : i32
          %dma_wait3A_950 = tpu.memref_slice %arg8[%dma_wait3A_946, %dma_wait3A_948, %dma_wait3A_949] : memref<8x64x64xf32, #tpu.memory_space<vmem>> -> memref<1x64x64xf32, #tpu.memory_space<vmem>>
          %dma_wait3A_951 = tpu.memref_squeeze %dma_wait3A_950 : memref<1x64x64xf32, #tpu.memory_space<vmem>> -> memref<64x64xf32, #tpu.memory_space<vmem>>
          %dma_wait3A_952 = arith.constant 0 : i32
          %dma_wait3A_953 = tpu.memref_slice %arg7[%dma_wait3A_947, %dma_wait3A_952] : memref<80x64xi32, #tpu.memory_space<vmem>> -> memref<1x64xi32, #tpu.memory_space<vmem>>
          %dma_wait3A_954 = tpu.memref_squeeze %dma_wait3A_953 : memref<1x64xi32, #tpu.memory_space<vmem>> -> memref<64xi32, #tpu.memory_space<vmem>>
          %dma_wait3A_955 = arith.constant 0 : i32
          %dma_wait3A_956 = arith.constant 0 : i32
          %dma_wait3A_957 = tpu.memref_slice %arg10[%dma_wait3A_955, %dma_wait3A_956] : memref<10112x64xf32, #tpu.memory_space<vmem_shared>> -> memref<10112x64xf32, #tpu.memory_space<vmem_shared>>
          tpu.wait_indirect_dma semaphore(%arg19 : memref<!tpu.dma_semaphore, #tpu.memory_space<semaphore_mem>>) src(%dma_wait3A_951 : memref<64x64xf32, #tpu.memory_space<vmem>>) dst(%dma_wait3A_957 : memref<10112x64xf32, #tpu.memory_space<vmem_shared>>)
        } else {
        }
        %add3A_933 = arith.constant 4 : i32
        %add3A_934 = arith.addi %add3A_798, %add3A_933 : i32
        %dma_start3A_935 = arith.constant 0 : i32
        %dma_start3A_936 = arith.constant 0 : i32
        %dma_start3A_937 = arith.constant 0 : i32
        %dma_start3A_938 = tpu.memref_slice %arg8[%dma_start3A_935, %dma_start3A_936, %dma_start3A_937] : memref<8x64x64xf32, #tpu.memory_space<vmem>> -> memref<1x64x64xf32, #tpu.memory_space<vmem>>
        %dma_start3A_939 = tpu.memref_squeeze %dma_start3A_938 : memref<1x64x64xf32, #tpu.memory_space<vmem>> -> memref<64x64xf32, #tpu.memory_space<vmem>>
        %dma_start3A_940 = arith.constant 0 : i32
        %dma_start3A_941 = tpu.memref_slice %arg6[%add3A_934, %dma_start3A_940] : memref<80x64xi32, #tpu.memory_space<vmem>> -> memref<1x64xi32, #tpu.memory_space<vmem>>
        %dma_start3A_942 = tpu.memref_squeeze %dma_start3A_941 : memref<1x64xi32, #tpu.memory_space<vmem>> -> memref<64xi32, #tpu.memory_space<vmem>>
        %dma_start3A_943 = arith.constant 0 : i32
        %dma_start3A_944 = arith.constant 0 : i32
        %dma_start3A_945 = tpu.memref_slice %arg9[%dma_start3A_943, %dma_start3A_944] : memref<10112x64xf32, #tpu.memory_space<vmem_shared>> -> memref<10112x64xf32, #tpu.memory_space<vmem_shared>>
        tpu.enqueue_indirect_dma source(%dma_start3A_945 : memref<10112x64xf32, #tpu.memory_space<vmem_shared>>) target(%dma_start3A_939 : memref<64x64xf32, #tpu.memory_space<vmem>>) offsets(%dma_start3A_942 : memref<64xi32, #tpu.memory_space<vmem>>) semaphore(%arg11 : memref<!tpu.dma_semaphore, #tpu.memory_space<semaphore_mem>>)
      } else {
      }
      %mul3A_828 = arith.constant 8 : i32
      %mul3A_829 = arith.muli %scan3A_665, %mul3A_828 : i32
      %add3A_830 = arith.constant 5 : i32
      %add3A_831 = arith.addi %mul3A_829, %add3A_830 : i32
      %dma_wait3A_832 = arith.constant 5 : i32
      %dma_wait3A_833 = arith.constant 0 : i32
      %dma_wait3A_834 = arith.constant 0 : i32
      %dma_wait3A_835 = tpu.memref_slice %arg8[%dma_wait3A_832, %dma_wait3A_833, %dma_wait3A_834] : memref<8x64x64xf32, #tpu.memory_space<vmem>> -> memref<1x64x64xf32, #tpu.memory_space<vmem>>
      %dma_wait3A_836 = tpu.memref_squeeze %dma_wait3A_835 : memref<1x64x64xf32, #tpu.memory_space<vmem>> -> memref<64x64xf32, #tpu.memory_space<vmem>>
      %dma_wait3A_837 = arith.constant 0 : i32
      %dma_wait3A_838 = tpu.memref_slice %arg6[%add3A_831, %dma_wait3A_837] : memref<80x64xi32, #tpu.memory_space<vmem>> -> memref<1x64xi32, #tpu.memory_space<vmem>>
      %dma_wait3A_839 = tpu.memref_squeeze %dma_wait3A_838 : memref<1x64xi32, #tpu.memory_space<vmem>> -> memref<64xi32, #tpu.memory_space<vmem>>
      %dma_wait3A_840 = arith.constant 0 : i32
      %dma_wait3A_841 = arith.constant 0 : i32
      %dma_wait3A_842 = tpu.memref_slice %arg9[%dma_wait3A_840, %dma_wait3A_841] : memref<10112x64xf32, #tpu.memory_space<vmem_shared>> -> memref<10112x64xf32, #tpu.memory_space<vmem_shared>>
      tpu.wait_indirect_dma semaphore(%arg16 : memref<!tpu.dma_semaphore, #tpu.memory_space<semaphore_mem>>) src(%dma_wait3A_842 : memref<10112x64xf32, #tpu.memory_space<vmem_shared>>) dst(%dma_wait3A_836 : memref<64x64xf32, #tpu.memory_space<vmem>>)
      %dma_start3A_843 = arith.constant 5 : i32
      %dma_start3A_844 = arith.constant 0 : i32
      %dma_start3A_845 = arith.constant 0 : i32
      %dma_start3A_846 = tpu.memref_slice %arg8[%dma_start3A_843, %dma_start3A_844, %dma_start3A_845] : memref<8x64x64xf32, #tpu.memory_space<vmem>> -> memref<1x64x64xf32, #tpu.memory_space<vmem>>
      %dma_start3A_847 = tpu.memref_squeeze %dma_start3A_846 : memref<1x64x64xf32, #tpu.memory_space<vmem>> -> memref<64x64xf32, #tpu.memory_space<vmem>>
      %dma_start3A_848 = arith.constant 0 : i32
      %dma_start3A_849 = tpu.memref_slice %arg7[%add3A_831, %dma_start3A_848] : memref<80x64xi32, #tpu.memory_space<vmem>> -> memref<1x64xi32, #tpu.memory_space<vmem>>
      %dma_start3A_850 = tpu.memref_squeeze %dma_start3A_849 : memref<1x64xi32, #tpu.memory_space<vmem>> -> memref<64xi32, #tpu.memory_space<vmem>>
      %dma_start3A_851 = arith.constant 0 : i32
      %dma_start3A_852 = arith.constant 0 : i32
      %dma_start3A_853 = tpu.memref_slice %arg10[%dma_start3A_851, %dma_start3A_852] : memref<10112x64xf32, #tpu.memory_space<vmem_shared>> -> memref<10112x64xf32, #tpu.memory_space<vmem_shared>>
      tpu.enqueue_indirect_dma source(%dma_start3A_847 : memref<64x64xf32, #tpu.memory_space<vmem>>) target(%dma_start3A_853 : memref<10112x64xf32, #tpu.memory_space<vmem_shared>>) offsets(%dma_start3A_850 : memref<64xi32, #tpu.memory_space<vmem>>) semaphore(%arg24 : memref<!tpu.dma_semaphore, #tpu.memory_space<semaphore_mem>>) {add = true}
      %add3A_854 = arith.constant 4 : i32
      %add3A_855 = arith.addi %add3A_831, %add3A_854 : i32
      %lt3A_856 = arith.constant 80 : i32
      %lt3A_857 = arith.cmpi slt, %add3A_855, %lt3A_856 : i32
      %convert_element_type3A_858 = arith.extui %lt3A_857 : i1 to i32
      %cond3A_859 = arith.constant 0 : i32
      %cond3A_860 = arith.cmpi ne, %convert_element_type3A_858, %cond3A_859 : i32
      scf.if %cond3A_860 {
        %add3A_927 = arith.constant 4 : i32
        %add3A_928 = arith.addi %add3A_831, %add3A_927 : i32
        %ge3A = arith.constant 8 : i32
        %ge3A_929 = arith.cmpi sge, %add3A_928, %ge3A : i32
        %convert_element_type3A_930 = arith.extui %ge3A_929 : i1 to i32
        %cond3A_931 = arith.constant 0 : i32
        %cond3A_932 = arith.cmpi ne, %convert_element_type3A_930, %cond3A_931 : i32
        scf.if %cond3A_932 {
          %dma_wait3A_946 = arith.constant 1 : i32
          %dma_wait3A_947 = arith.constant 0 : i32
          %dma_wait3A_948 = arith.constant 0 : i32
          %dma_wait3A_949 = arith.constant 0 : i32
          %dma_wait3A_950 = tpu.memref_slice %arg8[%dma_wait3A_946, %dma_wait3A_948, %dma_wait3A_949] : memref<8x64x64xf32, #tpu.memory_space<vmem>> -> memref<1x64x64xf32, #tpu.memory_space<vmem>>
          %dma_wait3A_951 = tpu.memref_squeeze %dma_wait3A_950 : memref<1x64x64xf32, #tpu.memory_space<vmem>> -> memref<64x64xf32, #tpu.memory_space<vmem>>
          %dma_wait3A_952 = arith.constant 0 : i32
          %dma_wait3A_953 = tpu.memref_slice %arg7[%dma_wait3A_947, %dma_wait3A_952] : memref<80x64xi32, #tpu.memory_space<vmem>> -> memref<1x64xi32, #tpu.memory_space<vmem>>
          %dma_wait3A_954 = tpu.memref_squeeze %dma_wait3A_953 : memref<1x64xi32, #tpu.memory_space<vmem>> -> memref<64xi32, #tpu.memory_space<vmem>>
          %dma_wait3A_955 = arith.constant 0 : i32
          %dma_wait3A_956 = arith.constant 0 : i32
          %dma_wait3A_957 = tpu.memref_slice %arg10[%dma_wait3A_955, %dma_wait3A_956] : memref<10112x64xf32, #tpu.memory_space<vmem_shared>> -> memref<10112x64xf32, #tpu.memory_space<vmem_shared>>
          tpu.wait_indirect_dma semaphore(%arg20 : memref<!tpu.dma_semaphore, #tpu.memory_space<semaphore_mem>>) src(%dma_wait3A_951 : memref<64x64xf32, #tpu.memory_space<vmem>>) dst(%dma_wait3A_957 : memref<10112x64xf32, #tpu.memory_space<vmem_shared>>)
        } else {
        }
        %add3A_933 = arith.constant 4 : i32
        %add3A_934 = arith.addi %add3A_831, %add3A_933 : i32
        %dma_start3A_935 = arith.constant 1 : i32
        %dma_start3A_936 = arith.constant 0 : i32
        %dma_start3A_937 = arith.constant 0 : i32
        %dma_start3A_938 = tpu.memref_slice %arg8[%dma_start3A_935, %dma_start3A_936, %dma_start3A_937] : memref<8x64x64xf32, #tpu.memory_space<vmem>> -> memref<1x64x64xf32, #tpu.memory_space<vmem>>
        %dma_start3A_939 = tpu.memref_squeeze %dma_start3A_938 : memref<1x64x64xf32, #tpu.memory_space<vmem>> -> memref<64x64xf32, #tpu.memory_space<vmem>>
        %dma_start3A_940 = arith.constant 0 : i32
        %dma_start3A_941 = tpu.memref_slice %arg6[%add3A_934, %dma_start3A_940] : memref<80x64xi32, #tpu.memory_space<vmem>> -> memref<1x64xi32, #tpu.memory_space<vmem>>
        %dma_start3A_942 = tpu.memref_squeeze %dma_start3A_941 : memref<1x64xi32, #tpu.memory_space<vmem>> -> memref<64xi32, #tpu.memory_space<vmem>>
        %dma_start3A_943 = arith.constant 0 : i32
        %dma_start3A_944 = arith.constant 0 : i32
        %dma_start3A_945 = tpu.memref_slice %arg9[%dma_start3A_943, %dma_start3A_944] : memref<10112x64xf32, #tpu.memory_space<vmem_shared>> -> memref<10112x64xf32, #tpu.memory_space<vmem_shared>>
        tpu.enqueue_indirect_dma source(%dma_start3A_945 : memref<10112x64xf32, #tpu.memory_space<vmem_shared>>) target(%dma_start3A_939 : memref<64x64xf32, #tpu.memory_space<vmem>>) offsets(%dma_start3A_942 : memref<64xi32, #tpu.memory_space<vmem>>) semaphore(%arg12 : memref<!tpu.dma_semaphore, #tpu.memory_space<semaphore_mem>>)
      } else {
      }
      %mul3A_861 = arith.constant 8 : i32
      %mul3A_862 = arith.muli %scan3A_665, %mul3A_861 : i32
      %add3A_863 = arith.constant 6 : i32
      %add3A_864 = arith.addi %mul3A_862, %add3A_863 : i32
      %dma_wait3A_865 = arith.constant 6 : i32
      %dma_wait3A_866 = arith.constant 0 : i32
      %dma_wait3A_867 = arith.constant 0 : i32
      %dma_wait3A_868 = tpu.memref_slice %arg8[%dma_wait3A_865, %dma_wait3A_866, %dma_wait3A_867] : memref<8x64x64xf32, #tpu.memory_space<vmem>> -> memref<1x64x64xf32, #tpu.memory_space<vmem>>
      %dma_wait3A_869 = tpu.memref_squeeze %dma_wait3A_868 : memref<1x64x64xf32, #tpu.memory_space<vmem>> -> memref<64x64xf32, #tpu.memory_space<vmem>>
      %dma_wait3A_870 = arith.constant 0 : i32
      %dma_wait3A_871 = tpu.memref_slice %arg6[%add3A_864, %dma_wait3A_870] : memref<80x64xi32, #tpu.memory_space<vmem>> -> memref<1x64xi32, #tpu.memory_space<vmem>>
      %dma_wait3A_872 = tpu.memref_squeeze %dma_wait3A_871 : memref<1x64xi32, #tpu.memory_space<vmem>> -> memref<64xi32, #tpu.memory_space<vmem>>
      %dma_wait3A_873 = arith.constant 0 : i32
      %dma_wait3A_874 = arith.constant 0 : i32
      %dma_wait3A_875 = tpu.memref_slice %arg9[%dma_wait3A_873, %dma_wait3A_874] : memref<10112x64xf32, #tpu.memory_space<vmem_shared>> -> memref<10112x64xf32, #tpu.memory_space<vmem_shared>>
      tpu.wait_indirect_dma semaphore(%arg17 : memref<!tpu.dma_semaphore, #tpu.memory_space<semaphore_mem>>) src(%dma_wait3A_875 : memref<10112x64xf32, #tpu.memory_space<vmem_shared>>) dst(%dma_wait3A_869 : memref<64x64xf32, #tpu.memory_space<vmem>>)
      %dma_start3A_876 = arith.constant 6 : i32
      %dma_start3A_877 = arith.constant 0 : i32
      %dma_start3A_878 = arith.constant 0 : i32
      %dma_start3A_879 = tpu.memref_slice %arg8[%dma_start3A_876, %dma_start3A_877, %dma_start3A_878] : memref<8x64x64xf32, #tpu.memory_space<vmem>> -> memref<1x64x64xf32, #tpu.memory_space<vmem>>
      %dma_start3A_880 = tpu.memref_squeeze %dma_start3A_879 : memref<1x64x64xf32, #tpu.memory_space<vmem>> -> memref<64x64xf32, #tpu.memory_space<vmem>>
      %dma_start3A_881 = arith.constant 0 : i32
      %dma_start3A_882 = tpu.memref_slice %arg7[%add3A_864, %dma_start3A_881] : memref<80x64xi32, #tpu.memory_space<vmem>> -> memref<1x64xi32, #tpu.memory_space<vmem>>
      %dma_start3A_883 = tpu.memref_squeeze %dma_start3A_882 : memref<1x64xi32, #tpu.memory_space<vmem>> -> memref<64xi32, #tpu.memory_space<vmem>>
      %dma_start3A_884 = arith.constant 0 : i32
      %dma_start3A_885 = arith.constant 0 : i32
      %dma_start3A_886 = tpu.memref_slice %arg10[%dma_start3A_884, %dma_start3A_885] : memref<10112x64xf32, #tpu.memory_space<vmem_shared>> -> memref<10112x64xf32, #tpu.memory_space<vmem_shared>>
      tpu.enqueue_indirect_dma source(%dma_start3A_880 : memref<64x64xf32, #tpu.memory_space<vmem>>) target(%dma_start3A_886 : memref<10112x64xf32, #tpu.memory_space<vmem_shared>>) offsets(%dma_start3A_883 : memref<64xi32, #tpu.memory_space<vmem>>) semaphore(%arg25 : memref<!tpu.dma_semaphore, #tpu.memory_space<semaphore_mem>>) {add = true}
      %add3A_887 = arith.constant 4 : i32
      %add3A_888 = arith.addi %add3A_864, %add3A_887 : i32
      %lt3A_889 = arith.constant 80 : i32
      %lt3A_890 = arith.cmpi slt, %add3A_888, %lt3A_889 : i32
      %convert_element_type3A_891 = arith.extui %lt3A_890 : i1 to i32
      %cond3A_892 = arith.constant 0 : i32
      %cond3A_893 = arith.cmpi ne, %convert_element_type3A_891, %cond3A_892 : i32
      scf.if %cond3A_893 {
        %add3A_927 = arith.constant 4 : i32
        %add3A_928 = arith.addi %add3A_864, %add3A_927 : i32
        %ge3A = arith.constant 8 : i32
        %ge3A_929 = arith.cmpi sge, %add3A_928, %ge3A : i32
        %convert_element_type3A_930 = arith.extui %ge3A_929 : i1 to i32
        %cond3A_931 = arith.constant 0 : i32
        %cond3A_932 = arith.cmpi ne, %convert_element_type3A_930, %cond3A_931 : i32
        scf.if %cond3A_932 {
          %dma_wait3A_946 = arith.constant 2 : i32
          %dma_wait3A_947 = arith.constant 0 : i32
          %dma_wait3A_948 = arith.constant 0 : i32
          %dma_wait3A_949 = arith.constant 0 : i32
          %dma_wait3A_950 = tpu.memref_slice %arg8[%dma_wait3A_946, %dma_wait3A_948, %dma_wait3A_949] : memref<8x64x64xf32, #tpu.memory_space<vmem>> -> memref<1x64x64xf32, #tpu.memory_space<vmem>>
          %dma_wait3A_951 = tpu.memref_squeeze %dma_wait3A_950 : memref<1x64x64xf32, #tpu.memory_space<vmem>> -> memref<64x64xf32, #tpu.memory_space<vmem>>
          %dma_wait3A_952 = arith.constant 0 : i32
          %dma_wait3A_953 = tpu.memref_slice %arg7[%dma_wait3A_947, %dma_wait3A_952] : memref<80x64xi32, #tpu.memory_space<vmem>> -> memref<1x64xi32, #tpu.memory_space<vmem>>
          %dma_wait3A_954 = tpu.memref_squeeze %dma_wait3A_953 : memref<1x64xi32, #tpu.memory_space<vmem>> -> memref<64xi32, #tpu.memory_space<vmem>>
          %dma_wait3A_955 = arith.constant 0 : i32
          %dma_wait3A_956 = arith.constant 0 : i32
          %dma_wait3A_957 = tpu.memref_slice %arg10[%dma_wait3A_955, %dma_wait3A_956] : memref<10112x64xf32, #tpu.memory_space<vmem_shared>> -> memref<10112x64xf32, #tpu.memory_space<vmem_shared>>
          tpu.wait_indirect_dma semaphore(%arg21 : memref<!tpu.dma_semaphore, #tpu.memory_space<semaphore_mem>>) src(%dma_wait3A_951 : memref<64x64xf32, #tpu.memory_space<vmem>>) dst(%dma_wait3A_957 : memref<10112x64xf32, #tpu.memory_space<vmem_shared>>)
        } else {
        }
        %add3A_933 = arith.constant 4 : i32
        %add3A_934 = arith.addi %add3A_864, %add3A_933 : i32
        %dma_start3A_935 = arith.constant 2 : i32
        %dma_start3A_936 = arith.constant 0 : i32
        %dma_start3A_937 = arith.constant 0 : i32
        %dma_start3A_938 = tpu.memref_slice %arg8[%dma_start3A_935, %dma_start3A_936, %dma_start3A_937] : memref<8x64x64xf32, #tpu.memory_space<vmem>> -> memref<1x64x64xf32, #tpu.memory_space<vmem>>
        %dma_start3A_939 = tpu.memref_squeeze %dma_start3A_938 : memref<1x64x64xf32, #tpu.memory_space<vmem>> -> memref<64x64xf32, #tpu.memory_space<vmem>>
        %dma_start3A_940 = arith.constant 0 : i32
        %dma_start3A_941 = tpu.memref_slice %arg6[%add3A_934, %dma_start3A_940] : memref<80x64xi32, #tpu.memory_space<vmem>> -> memref<1x64xi32, #tpu.memory_space<vmem>>
        %dma_start3A_942 = tpu.memref_squeeze %dma_start3A_941 : memref<1x64xi32, #tpu.memory_space<vmem>> -> memref<64xi32, #tpu.memory_space<vmem>>
        %dma_start3A_943 = arith.constant 0 : i32
        %dma_start3A_944 = arith.constant 0 : i32
        %dma_start3A_945 = tpu.memref_slice %arg9[%dma_start3A_943, %dma_start3A_944] : memref<10112x64xf32, #tpu.memory_space<vmem_shared>> -> memref<10112x64xf32, #tpu.memory_space<vmem_shared>>
        tpu.enqueue_indirect_dma source(%dma_start3A_945 : memref<10112x64xf32, #tpu.memory_space<vmem_shared>>) target(%dma_start3A_939 : memref<64x64xf32, #tpu.memory_space<vmem>>) offsets(%dma_start3A_942 : memref<64xi32, #tpu.memory_space<vmem>>) semaphore(%arg13 : memref<!tpu.dma_semaphore, #tpu.memory_space<semaphore_mem>>)
      } else {
      }
      %mul3A_894 = arith.constant 8 : i32
      %mul3A_895 = arith.muli %scan3A_665, %mul3A_894 : i32
      %add3A_896 = arith.constant 7 : i32
      %add3A_897 = arith.addi %mul3A_895, %add3A_896 : i32
      %dma_wait3A_898 = arith.constant 7 : i32
      %dma_wait3A_899 = arith.constant 0 : i32
      %dma_wait3A_900 = arith.constant 0 : i32
      %dma_wait3A_901 = tpu.memref_slice %arg8[%dma_wait3A_898, %dma_wait3A_899, %dma_wait3A_900] : memref<8x64x64xf32, #tpu.memory_space<vmem>> -> memref<1x64x64xf32, #tpu.memory_space<vmem>>
      %dma_wait3A_902 = tpu.memref_squeeze %dma_wait3A_901 : memref<1x64x64xf32, #tpu.memory_space<vmem>> -> memref<64x64xf32, #tpu.memory_space<vmem>>
      %dma_wait3A_903 = arith.constant 0 : i32
      %dma_wait3A_904 = tpu.memref_slice %arg6[%add3A_897, %dma_wait3A_903] : memref<80x64xi32, #tpu.memory_space<vmem>> -> memref<1x64xi32, #tpu.memory_space<vmem>>
      %dma_wait3A_905 = tpu.memref_squeeze %dma_wait3A_904 : memref<1x64xi32, #tpu.memory_space<vmem>> -> memref<64xi32, #tpu.memory_space<vmem>>
      %dma_wait3A_906 = arith.constant 0 : i32
      %dma_wait3A_907 = arith.constant 0 : i32
      %dma_wait3A_908 = tpu.memref_slice %arg9[%dma_wait3A_906, %dma_wait3A_907] : memref<10112x64xf32, #tpu.memory_space<vmem_shared>> -> memref<10112x64xf32, #tpu.memory_space<vmem_shared>>
      tpu.wait_indirect_dma semaphore(%arg18 : memref<!tpu.dma_semaphore, #tpu.memory_space<semaphore_mem>>) src(%dma_wait3A_908 : memref<10112x64xf32, #tpu.memory_space<vmem_shared>>) dst(%dma_wait3A_902 : memref<64x64xf32, #tpu.memory_space<vmem>>)
      %dma_start3A_909 = arith.constant 7 : i32
      %dma_start3A_910 = arith.constant 0 : i32
      %dma_start3A_911 = arith.constant 0 : i32
      %dma_start3A_912 = tpu.memref_slice %arg8[%dma_start3A_909, %dma_start3A_910, %dma_start3A_911] : memref<8x64x64xf32, #tpu.memory_space<vmem>> -> memref<1x64x64xf32, #tpu.memory_space<vmem>>
      %dma_start3A_913 = tpu.memref_squeeze %dma_start3A_912 : memref<1x64x64xf32, #tpu.memory_space<vmem>> -> memref<64x64xf32, #tpu.memory_space<vmem>>
      %dma_start3A_914 = arith.constant 0 : i32
      %dma_start3A_915 = tpu.memref_slice %arg7[%add3A_897, %dma_start3A_914] : memref<80x64xi32, #tpu.memory_space<vmem>> -> memref<1x64xi32, #tpu.memory_space<vmem>>
      %dma_start3A_916 = tpu.memref_squeeze %dma_start3A_915 : memref<1x64xi32, #tpu.memory_space<vmem>> -> memref<64xi32, #tpu.memory_space<vmem>>
      %dma_start3A_917 = arith.constant 0 : i32
      %dma_start3A_918 = arith.constant 0 : i32
      %dma_start3A_919 = tpu.memref_slice %arg10[%dma_start3A_917, %dma_start3A_918] : memref<10112x64xf32, #tpu.memory_space<vmem_shared>> -> memref<10112x64xf32, #tpu.memory_space<vmem_shared>>
      tpu.enqueue_indirect_dma source(%dma_start3A_913 : memref<64x64xf32, #tpu.memory_space<vmem>>) target(%dma_start3A_919 : memref<10112x64xf32, #tpu.memory_space<vmem_shared>>) offsets(%dma_start3A_916 : memref<64xi32, #tpu.memory_space<vmem>>) semaphore(%arg26 : memref<!tpu.dma_semaphore, #tpu.memory_space<semaphore_mem>>) {add = true}
      %add3A_920 = arith.constant 4 : i32
      %add3A_921 = arith.addi %add3A_897, %add3A_920 : i32
      %lt3A_922 = arith.constant 80 : i32
      %lt3A_923 = arith.cmpi slt, %add3A_921, %lt3A_922 : i32
      %convert_element_type3A_924 = arith.extui %lt3A_923 : i1 to i32
      %cond3A_925 = arith.constant 0 : i32
      %cond3A_926 = arith.cmpi ne, %convert_element_type3A_924, %cond3A_925 : i32
      scf.if %cond3A_926 {
        %add3A_927 = arith.constant 4 : i32
        %add3A_928 = arith.addi %add3A_897, %add3A_927 : i32
        %ge3A = arith.constant 8 : i32
        %ge3A_929 = arith.cmpi sge, %add3A_928, %ge3A : i32
        %convert_element_type3A_930 = arith.extui %ge3A_929 : i1 to i32
        %cond3A_931 = arith.constant 0 : i32
        %cond3A_932 = arith.cmpi ne, %convert_element_type3A_930, %cond3A_931 : i32
        scf.if %cond3A_932 {
          %dma_wait3A_946 = arith.constant 3 : i32
          %dma_wait3A_947 = arith.constant 0 : i32
          %dma_wait3A_948 = arith.constant 0 : i32
          %dma_wait3A_949 = arith.constant 0 : i32
          %dma_wait3A_950 = tpu.memref_slice %arg8[%dma_wait3A_946, %dma_wait3A_948, %dma_wait3A_949] : memref<8x64x64xf32, #tpu.memory_space<vmem>> -> memref<1x64x64xf32, #tpu.memory_space<vmem>>
          %dma_wait3A_951 = tpu.memref_squeeze %dma_wait3A_950 : memref<1x64x64xf32, #tpu.memory_space<vmem>> -> memref<64x64xf32, #tpu.memory_space<vmem>>
          %dma_wait3A_952 = arith.constant 0 : i32
          %dma_wait3A_953 = tpu.memref_slice %arg7[%dma_wait3A_947, %dma_wait3A_952] : memref<80x64xi32, #tpu.memory_space<vmem>> -> memref<1x64xi32, #tpu.memory_space<vmem>>
          %dma_wait3A_954 = tpu.memref_squeeze %dma_wait3A_953 : memref<1x64xi32, #tpu.memory_space<vmem>> -> memref<64xi32, #tpu.memory_space<vmem>>
          %dma_wait3A_955 = arith.constant 0 : i32
          %dma_wait3A_956 = arith.constant 0 : i32
          %dma_wait3A_957 = tpu.memref_slice %arg10[%dma_wait3A_955, %dma_wait3A_956] : memref<10112x64xf32, #tpu.memory_space<vmem_shared>> -> memref<10112x64xf32, #tpu.memory_space<vmem_shared>>
          tpu.wait_indirect_dma semaphore(%arg22 : memref<!tpu.dma_semaphore, #tpu.memory_space<semaphore_mem>>) src(%dma_wait3A_951 : memref<64x64xf32, #tpu.memory_space<vmem>>) dst(%dma_wait3A_957 : memref<10112x64xf32, #tpu.memory_space<vmem_shared>>)
        } else {
        }
        %add3A_933 = arith.constant 4 : i32
        %add3A_934 = arith.addi %add3A_897, %add3A_933 : i32
        %dma_start3A_935 = arith.constant 3 : i32
        %dma_start3A_936 = arith.constant 0 : i32
        %dma_start3A_937 = arith.constant 0 : i32
        %dma_start3A_938 = tpu.memref_slice %arg8[%dma_start3A_935, %dma_start3A_936, %dma_start3A_937] : memref<8x64x64xf32, #tpu.memory_space<vmem>> -> memref<1x64x64xf32, #tpu.memory_space<vmem>>
        %dma_start3A_939 = tpu.memref_squeeze %dma_start3A_938 : memref<1x64x64xf32, #tpu.memory_space<vmem>> -> memref<64x64xf32, #tpu.memory_space<vmem>>
        %dma_start3A_940 = arith.constant 0 : i32
        %dma_start3A_941 = tpu.memref_slice %arg6[%add3A_934, %dma_start3A_940] : memref<80x64xi32, #tpu.memory_space<vmem>> -> memref<1x64xi32, #tpu.memory_space<vmem>>
        %dma_start3A_942 = tpu.memref_squeeze %dma_start3A_941 : memref<1x64xi32, #tpu.memory_space<vmem>> -> memref<64xi32, #tpu.memory_space<vmem>>
        %dma_start3A_943 = arith.constant 0 : i32
        %dma_start3A_944 = arith.constant 0 : i32
        %dma_start3A_945 = tpu.memref_slice %arg9[%dma_start3A_943, %dma_start3A_944] : memref<10112x64xf32, #tpu.memory_space<vmem_shared>> -> memref<10112x64xf32, #tpu.memory_space<vmem_shared>>
        tpu.enqueue_indirect_dma source(%dma_start3A_945 : memref<10112x64xf32, #tpu.memory_space<vmem_shared>>) target(%dma_start3A_939 : memref<64x64xf32, #tpu.memory_space<vmem>>) offsets(%dma_start3A_942 : memref<64xi32, #tpu.memory_space<vmem>>) semaphore(%arg14 : memref<!tpu.dma_semaphore, #tpu.memory_space<semaphore_mem>>)
      } else {
      }
    }
    %scan3A_267 = arith.constant 10 : i32
    %dma_wait3A_268 = arith.constant 0 : i32
    %dma_wait3A_269 = arith.constant 0 : i32
    %dma_wait3A_270 = arith.constant 0 : i32
    %dma_wait3A_271 = arith.constant 0 : i32
    %dma_wait3A_272 = tpu.memref_slice %arg8[%dma_wait3A_268, %dma_wait3A_270, %dma_wait3A_271] : memref<8x64x64xf32, #tpu.memory_space<vmem>> -> memref<1x64x64xf32, #tpu.memory_space<vmem>>
    %dma_wait3A_273 = tpu.memref_squeeze %dma_wait3A_272 : memref<1x64x64xf32, #tpu.memory_space<vmem>> -> memref<64x64xf32, #tpu.memory_space<vmem>>
    %dma_wait3A_274 = arith.constant 0 : i32
    %dma_wait3A_275 = tpu.memref_slice %arg7[%dma_wait3A_269, %dma_wait3A_274] : memref<80x64xi32, #tpu.memory_space<vmem>> -> memref<1x64xi32, #tpu.memory_space<vmem>>
    %dma_wait3A_276 = tpu.memref_squeeze %dma_wait3A_275 : memref<1x64xi32, #tpu.memory_space<vmem>> -> memref<64xi32, #tpu.memory_space<vmem>>
    %dma_wait3A_277 = arith.constant 0 : i32
    %dma_wait3A_278 = arith.constant 0 : i32
    %dma_wait3A_279 = tpu.memref_slice %arg10[%dma_wait3A_277, %dma_wait3A_278] : memref<10112x64xf32, #tpu.memory_space<vmem_shared>> -> memref<10112x64xf32, #tpu.memory_space<vmem_shared>>
    tpu.wait_indirect_dma semaphore(%arg19 : memref<!tpu.dma_semaphore, #tpu.memory_space<semaphore_mem>>) src(%dma_wait3A_273 : memref<64x64xf32, #tpu.memory_space<vmem>>) dst(%dma_wait3A_279 : memref<10112x64xf32, #tpu.memory_space<vmem_shared>>)
    %dma_wait3A_280 = arith.constant 1 : i32
    %dma_wait3A_281 = arith.constant 0 : i32
    %dma_wait3A_282 = arith.constant 0 : i32
    %dma_wait3A_283 = arith.constant 0 : i32
    %dma_wait3A_284 = tpu.memref_slice %arg8[%dma_wait3A_280, %dma_wait3A_282, %dma_wait3A_283] : memref<8x64x64xf32, #tpu.memory_space<vmem>> -> memref<1x64x64xf32, #tpu.memory_space<vmem>>
    %dma_wait3A_285 = tpu.memref_squeeze %dma_wait3A_284 : memref<1x64x64xf32, #tpu.memory_space<vmem>> -> memref<64x64xf32, #tpu.memory_space<vmem>>
    %dma_wait3A_286 = arith.constant 0 : i32
    %dma_wait3A_287 = tpu.memref_slice %arg7[%dma_wait3A_281, %dma_wait3A_286] : memref<80x64xi32, #tpu.memory_space<vmem>> -> memref<1x64xi32, #tpu.memory_space<vmem>>
    %dma_wait3A_288 = tpu.memref_squeeze %dma_wait3A_287 : memref<1x64xi32, #tpu.memory_space<vmem>> -> memref<64xi32, #tpu.memory_space<vmem>>
    %dma_wait3A_289 = arith.constant 0 : i32
    %dma_wait3A_290 = arith.constant 0 : i32
    %dma_wait3A_291 = tpu.memref_slice %arg10[%dma_wait3A_289, %dma_wait3A_290] : memref<10112x64xf32, #tpu.memory_space<vmem_shared>> -> memref<10112x64xf32, #tpu.memory_space<vmem_shared>>
    tpu.wait_indirect_dma semaphore(%arg20 : memref<!tpu.dma_semaphore, #tpu.memory_space<semaphore_mem>>) src(%dma_wait3A_285 : memref<64x64xf32, #tpu.memory_space<vmem>>) dst(%dma_wait3A_291 : memref<10112x64xf32, #tpu.memory_space<vmem_shared>>)
    %dma_wait3A_292 = arith.constant 2 : i32
    %dma_wait3A_293 = arith.constant 0 : i32
    %dma_wait3A_294 = arith.constant 0 : i32
    %dma_wait3A_295 = arith.constant 0 : i32
    %dma_wait3A_296 = tpu.memref_slice %arg8[%dma_wait3A_292, %dma_wait3A_294, %dma_wait3A_295] : memref<8x64x64xf32, #tpu.memory_space<vmem>> -> memref<1x64x64xf32, #tpu.memory_space<vmem>>
    %dma_wait3A_297 = tpu.memref_squeeze %dma_wait3A_296 : memref<1x64x64xf32, #tpu.memory_space<vmem>> -> memref<64x64xf32, #tpu.memory_space<vmem>>
    %dma_wait3A_298 = arith.constant 0 : i32
    %dma_wait3A_299 = tpu.memref_slice %arg7[%dma_wait3A_293, %dma_wait3A_298] : memref<80x64xi32, #tpu.memory_space<vmem>> -> memref<1x64xi32, #tpu.memory_space<vmem>>
    %dma_wait3A_300 = tpu.memref_squeeze %dma_wait3A_299 : memref<1x64xi32, #tpu.memory_space<vmem>> -> memref<64xi32, #tpu.memory_space<vmem>>
    %dma_wait3A_301 = arith.constant 0 : i32
    %dma_wait3A_302 = arith.constant 0 : i32
    %dma_wait3A_303 = tpu.memref_slice %arg10[%dma_wait3A_301, %dma_wait3A_302] : memref<10112x64xf32, #tpu.memory_space<vmem_shared>> -> memref<10112x64xf32, #tpu.memory_space<vmem_shared>>
    tpu.wait_indirect_dma semaphore(%arg21 : memref<!tpu.dma_semaphore, #tpu.memory_space<semaphore_mem>>) src(%dma_wait3A_297 : memref<64x64xf32, #tpu.memory_space<vmem>>) dst(%dma_wait3A_303 : memref<10112x64xf32, #tpu.memory_space<vmem_shared>>)
    %dma_wait3A_304 = arith.constant 3 : i32
    %dma_wait3A_305 = arith.constant 0 : i32
    %dma_wait3A_306 = arith.constant 0 : i32
    %dma_wait3A_307 = arith.constant 0 : i32
    %dma_wait3A_308 = tpu.memref_slice %arg8[%dma_wait3A_304, %dma_wait3A_306, %dma_wait3A_307] : memref<8x64x64xf32, #tpu.memory_space<vmem>> -> memref<1x64x64xf32, #tpu.memory_space<vmem>>
    %dma_wait3A_309 = tpu.memref_squeeze %dma_wait3A_308 : memref<1x64x64xf32, #tpu.memory_space<vmem>> -> memref<64x64xf32, #tpu.memory_space<vmem>>
    %dma_wait3A_310 = arith.constant 0 : i32
    %dma_wait3A_311 = tpu.memref_slice %arg7[%dma_wait3A_305, %dma_wait3A_310] : memref<80x64xi32, #tpu.memory_space<vmem>> -> memref<1x64xi32, #tpu.memory_space<vmem>>
    %dma_wait3A_312 = tpu.memref_squeeze %dma_wait3A_311 : memref<1x64xi32, #tpu.memory_space<vmem>> -> memref<64xi32, #tpu.memory_space<vmem>>
    %dma_wait3A_313 = arith.constant 0 : i32
    %dma_wait3A_314 = arith.constant 0 : i32
    %dma_wait3A_315 = tpu.memref_slice %arg10[%dma_wait3A_313, %dma_wait3A_314] : memref<10112x64xf32, #tpu.memory_space<vmem_shared>> -> memref<10112x64xf32, #tpu.memory_space<vmem_shared>>
    tpu.wait_indirect_dma semaphore(%arg22 : memref<!tpu.dma_semaphore, #tpu.memory_space<semaphore_mem>>) src(%dma_wait3A_309 : memref<64x64xf32, #tpu.memory_space<vmem>>) dst(%dma_wait3A_315 : memref<10112x64xf32, #tpu.memory_space<vmem_shared>>)
    %dma_wait3A_316 = arith.constant 4 : i32
    %dma_wait3A_317 = arith.constant 0 : i32
    %dma_wait3A_318 = arith.constant 0 : i32
    %dma_wait3A_319 = arith.constant 0 : i32
    %dma_wait3A_320 = tpu.memref_slice %arg8[%dma_wait3A_316, %dma_wait3A_318, %dma_wait3A_319] : memref<8x64x64xf32, #tpu.memory_space<vmem>> -> memref<1x64x64xf32, #tpu.memory_space<vmem>>
    %dma_wait3A_321 = tpu.memref_squeeze %dma_wait3A_320 : memref<1x64x64xf32, #tpu.memory_space<vmem>> -> memref<64x64xf32, #tpu.memory_space<vmem>>
    %dma_wait3A_322 = arith.constant 0 : i32
    %dma_wait3A_323 = tpu.memref_slice %arg7[%dma_wait3A_317, %dma_wait3A_322] : memref<80x64xi32, #tpu.memory_space<vmem>> -> memref<1x64xi32, #tpu.memory_space<vmem>>
    %dma_wait3A_324 = tpu.memref_squeeze %dma_wait3A_323 : memref<1x64xi32, #tpu.memory_space<vmem>> -> memref<64xi32, #tpu.memory_space<vmem>>
    %dma_wait3A_325 = arith.constant 0 : i32
    %dma_wait3A_326 = arith.constant 0 : i32
    %dma_wait3A_327 = tpu.memref_slice %arg10[%dma_wait3A_325, %dma_wait3A_326] : memref<10112x64xf32, #tpu.memory_space<vmem_shared>> -> memref<10112x64xf32, #tpu.memory_space<vmem_shared>>
    tpu.wait_indirect_dma semaphore(%arg23 : memref<!tpu.dma_semaphore, #tpu.memory_space<semaphore_mem>>) src(%dma_wait3A_321 : memref<64x64xf32, #tpu.memory_space<vmem>>) dst(%dma_wait3A_327 : memref<10112x64xf32, #tpu.memory_space<vmem_shared>>)
    %dma_wait3A_328 = arith.constant 5 : i32
    %dma_wait3A_329 = arith.constant 0 : i32
    %dma_wait3A_330 = arith.constant 0 : i32
    %dma_wait3A_331 = arith.constant 0 : i32
    %dma_wait3A_332 = tpu.memref_slice %arg8[%dma_wait3A_328, %dma_wait3A_330, %dma_wait3A_331] : memref<8x64x64xf32, #tpu.memory_space<vmem>> -> memref<1x64x64xf32, #tpu.memory_space<vmem>>
    %dma_wait3A_333 = tpu.memref_squeeze %dma_wait3A_332 : memref<1x64x64xf32, #tpu.memory_space<vmem>> -> memref<64x64xf32, #tpu.memory_space<vmem>>
    %dma_wait3A_334 = arith.constant 0 : i32
    %dma_wait3A_335 = tpu.memref_slice %arg7[%dma_wait3A_329, %dma_wait3A_334] : memref<80x64xi32, #tpu.memory_space<vmem>> -> memref<1x64xi32, #tpu.memory_space<vmem>>
    %dma_wait3A_336 = tpu.memref_squeeze %dma_wait3A_335 : memref<1x64xi32, #tpu.memory_space<vmem>> -> memref<64xi32, #tpu.memory_space<vmem>>
    %dma_wait3A_337 = arith.constant 0 : i32
    %dma_wait3A_338 = arith.constant 0 : i32
    %dma_wait3A_339 = tpu.memref_slice %arg10[%dma_wait3A_337, %dma_wait3A_338] : memref<10112x64xf32, #tpu.memory_space<vmem_shared>> -> memref<10112x64xf32, #tpu.memory_space<vmem_shared>>
    tpu.wait_indirect_dma semaphore(%arg24 : memref<!tpu.dma_semaphore, #tpu.memory_space<semaphore_mem>>) src(%dma_wait3A_333 : memref<64x64xf32, #tpu.memory_space<vmem>>) dst(%dma_wait3A_339 : memref<10112x64xf32, #tpu.memory_space<vmem_shared>>)
    %dma_wait3A_340 = arith.constant 6 : i32
    %dma_wait3A_341 = arith.constant 0 : i32
    %dma_wait3A_342 = arith.constant 0 : i32
    %dma_wait3A_343 = arith.constant 0 : i32
    %dma_wait3A_344 = tpu.memref_slice %arg8[%dma_wait3A_340, %dma_wait3A_342, %dma_wait3A_343] : memref<8x64x64xf32, #tpu.memory_space<vmem>> -> memref<1x64x64xf32, #tpu.memory_space<vmem>>
    %dma_wait3A_345 = tpu.memref_squeeze %dma_wait3A_344 : memref<1x64x64xf32, #tpu.memory_space<vmem>> -> memref<64x64xf32, #tpu.memory_space<vmem>>
    %dma_wait3A_346 = arith.constant 0 : i32
    %dma_wait3A_347 = tpu.memref_slice %arg7[%dma_wait3A_341, %dma_wait3A_346] : memref<80x64xi32, #tpu.memory_space<vmem>> -> memref<1x64xi32, #tpu.memory_space<vmem>>
    %dma_wait3A_348 = tpu.memref_squeeze %dma_wait3A_347 : memref<1x64xi32, #tpu.memory_space<vmem>> -> memref<64xi32, #tpu.memory_space<vmem>>
    %dma_wait3A_349 = arith.constant 0 : i32
    %dma_wait3A_350 = arith.constant 0 : i32
    %dma_wait3A_351 = tpu.memref_slice %arg10[%dma_wait3A_349, %dma_wait3A_350] : memref<10112x64xf32, #tpu.memory_space<vmem_shared>> -> memref<10112x64xf32, #tpu.memory_space<vmem_shared>>
    tpu.wait_indirect_dma semaphore(%arg25 : memref<!tpu.dma_semaphore, #tpu.memory_space<semaphore_mem>>) src(%dma_wait3A_345 : memref<64x64xf32, #tpu.memory_space<vmem>>) dst(%dma_wait3A_351 : memref<10112x64xf32, #tpu.memory_space<vmem_shared>>)
    %dma_wait3A_352 = arith.constant 7 : i32
    %dma_wait3A_353 = arith.constant 0 : i32
    %dma_wait3A_354 = arith.constant 0 : i32
    %dma_wait3A_355 = arith.constant 0 : i32
    %dma_wait3A_356 = tpu.memref_slice %arg8[%dma_wait3A_352, %dma_wait3A_354, %dma_wait3A_355] : memref<8x64x64xf32, #tpu.memory_space<vmem>> -> memref<1x64x64xf32, #tpu.memory_space<vmem>>
    %dma_wait3A_357 = tpu.memref_squeeze %dma_wait3A_356 : memref<1x64x64xf32, #tpu.memory_space<vmem>> -> memref<64x64xf32, #tpu.memory_space<vmem>>
    %dma_wait3A_358 = arith.constant 0 : i32
    %dma_wait3A_359 = tpu.memref_slice %arg7[%dma_wait3A_353, %dma_wait3A_358] : memref<80x64xi32, #tpu.memory_space<vmem>> -> memref<1x64xi32, #tpu.memory_space<vmem>>
    %dma_wait3A_360 = tpu.memref_squeeze %dma_wait3A_359 : memref<1x64xi32, #tpu.memory_space<vmem>> -> memref<64xi32, #tpu.memory_space<vmem>>
    %dma_wait3A_361 = arith.constant 0 : i32
    %dma_wait3A_362 = arith.constant 0 : i32
    %dma_wait3A_363 = tpu.memref_slice %arg10[%dma_wait3A_361, %dma_wait3A_362] : memref<10112x64xf32, #tpu.memory_space<vmem_shared>> -> memref<10112x64xf32, #tpu.memory_space<vmem_shared>>
    tpu.wait_indirect_dma semaphore(%arg26 : memref<!tpu.dma_semaphore, #tpu.memory_space<semaphore_mem>>) src(%dma_wait3A_357 : memref<64x64xf32, #tpu.memory_space<vmem>>) dst(%dma_wait3A_363 : memref<10112x64xf32, #tpu.memory_space<vmem_shared>>)
    "tpu.region"() ({
      %run_scoped3A_665 = tpu.sem_alloc : memref<!tpu.dma_semaphore, #tpu.memory_space<semaphore_mem>>
      %dma_start3A_666 = arith.constant 160 : i32
      %dma_start3A_667 = arith.constant 0 : i32
      %dma_start3A_668 = tpu.memref_slice %arg3[%arg1, %dma_start3A_666, %dma_start3A_667] : memref<16x320x64xi32, #tpu.memory_space<hbm>> -> memref<1x80x64xi32, #tpu.memory_space<hbm>>
      %dma_start3A_669 = tpu.memref_squeeze %dma_start3A_668 : memref<1x80x64xi32, #tpu.memory_space<hbm>> -> memref<80x64xi32, #tpu.memory_space<hbm>>
      %dma_start3A_670 = arith.constant 160 : i32
      %dma_start3A_671 = arith.constant 0 : i32
      %dma_start3A_672 = tpu.memref_slice %arg3[%arg1, %dma_start3A_670, %dma_start3A_671] : memref<16x320x64xi32, #tpu.memory_space<hbm>> -> memref<1x80x64xi32, #tpu.memory_space<hbm>>
      %dma_start3A_673 = tpu.memref_squeeze %dma_start3A_672 : memref<1x80x64xi32, #tpu.memory_space<hbm>> -> memref<80x64xi32, #tpu.memory_space<hbm>>
      tpu.enqueue_dma source(%dma_start3A_673 : memref<80x64xi32, #tpu.memory_space<hbm>>) target(%arg6 : memref<80x64xi32, #tpu.memory_space<vmem>>) target_semaphore(%run_scoped3A_665 : memref<!tpu.dma_semaphore, #tpu.memory_space<semaphore_mem>>)
      %dma_wait3A_674 = arith.constant 160 : i32
      %dma_wait3A_675 = arith.constant 0 : i32
      %dma_wait3A_676 = tpu.memref_slice %arg3[%arg1, %dma_wait3A_674, %dma_wait3A_675] : memref<16x320x64xi32, #tpu.memory_space<hbm>> -> memref<1x80x64xi32, #tpu.memory_space<hbm>>
      %dma_wait3A_677 = tpu.memref_squeeze %dma_wait3A_676 : memref<1x80x64xi32, #tpu.memory_space<hbm>> -> memref<80x64xi32, #tpu.memory_space<hbm>>
      %dma_wait3A_678 = arith.constant 160 : i32
      %dma_wait3A_679 = arith.constant 0 : i32
      %dma_wait3A_680 = tpu.memref_slice %arg3[%arg1, %dma_wait3A_678, %dma_wait3A_679] : memref<16x320x64xi32, #tpu.memory_space<hbm>> -> memref<1x80x64xi32, #tpu.memory_space<hbm>>
      %dma_wait3A_681 = tpu.memref_squeeze %dma_wait3A_680 : memref<1x80x64xi32, #tpu.memory_space<hbm>> -> memref<80x64xi32, #tpu.memory_space<hbm>>
      tpu.wait_dma2 semaphore(%run_scoped3A_665 : memref<!tpu.dma_semaphore, #tpu.memory_space<semaphore_mem>>) src(%dma_wait3A_681 : memref<80x64xi32, #tpu.memory_space<hbm>>) dst(%arg6 : memref<80x64xi32, #tpu.memory_space<vmem>>)
      tpu.yield
    }) : () -> ()
    "tpu.region"() ({
      %run_scoped3A_665 = tpu.sem_alloc : memref<!tpu.dma_semaphore, #tpu.memory_space<semaphore_mem>>
      %dma_start3A_666 = arith.constant 160 : i32
      %dma_start3A_667 = arith.constant 0 : i32
      %dma_start3A_668 = tpu.memref_slice %arg4[%arg1, %dma_start3A_666, %dma_start3A_667] : memref<16x320x64xi32, #tpu.memory_space<hbm>> -> memref<1x80x64xi32, #tpu.memory_space<hbm>>
      %dma_start3A_669 = tpu.memref_squeeze %dma_start3A_668 : memref<1x80x64xi32, #tpu.memory_space<hbm>> -> memref<80x64xi32, #tpu.memory_space<hbm>>
      %dma_start3A_670 = arith.constant 160 : i32
      %dma_start3A_671 = arith.constant 0 : i32
      %dma_start3A_672 = tpu.memref_slice %arg4[%arg1, %dma_start3A_670, %dma_start3A_671] : memref<16x320x64xi32, #tpu.memory_space<hbm>> -> memref<1x80x64xi32, #tpu.memory_space<hbm>>
      %dma_start3A_673 = tpu.memref_squeeze %dma_start3A_672 : memref<1x80x64xi32, #tpu.memory_space<hbm>> -> memref<80x64xi32, #tpu.memory_space<hbm>>
      tpu.enqueue_dma source(%dma_start3A_673 : memref<80x64xi32, #tpu.memory_space<hbm>>) target(%arg7 : memref<80x64xi32, #tpu.memory_space<vmem>>) target_semaphore(%run_scoped3A_665 : memref<!tpu.dma_semaphore, #tpu.memory_space<semaphore_mem>>)
      %dma_wait3A_674 = arith.constant 160 : i32
      %dma_wait3A_675 = arith.constant 0 : i32
      %dma_wait3A_676 = tpu.memref_slice %arg4[%arg1, %dma_wait3A_674, %dma_wait3A_675] : memref<16x320x64xi32, #tpu.memory_space<hbm>> -> memref<1x80x64xi32, #tpu.memory_space<hbm>>
      %dma_wait3A_677 = tpu.memref_squeeze %dma_wait3A_676 : memref<1x80x64xi32, #tpu.memory_space<hbm>> -> memref<80x64xi32, #tpu.memory_space<hbm>>
      %dma_wait3A_678 = arith.constant 160 : i32
      %dma_wait3A_679 = arith.constant 0 : i32
      %dma_wait3A_680 = tpu.memref_slice %arg4[%arg1, %dma_wait3A_678, %dma_wait3A_679] : memref<16x320x64xi32, #tpu.memory_space<hbm>> -> memref<1x80x64xi32, #tpu.memory_space<hbm>>
      %dma_wait3A_681 = tpu.memref_squeeze %dma_wait3A_680 : memref<1x80x64xi32, #tpu.memory_space<hbm>> -> memref<80x64xi32, #tpu.memory_space<hbm>>
      tpu.wait_dma2 semaphore(%run_scoped3A_665 : memref<!tpu.dma_semaphore, #tpu.memory_space<semaphore_mem>>) src(%dma_wait3A_681 : memref<80x64xi32, #tpu.memory_space<hbm>>) dst(%arg7 : memref<80x64xi32, #tpu.memory_space<vmem>>)
      tpu.yield
    }) : () -> ()
    %dma_start3A_364 = arith.constant 0 : i32
    %dma_start3A_365 = arith.constant 0 : i32
    %dma_start3A_366 = arith.constant 0 : i32
    %dma_start3A_367 = arith.constant 0 : i32
    %dma_start3A_368 = tpu.memref_slice %arg8[%dma_start3A_365, %dma_start3A_366, %dma_start3A_367] : memref<8x64x64xf32, #tpu.memory_space<vmem>> -> memref<1x64x64xf32, #tpu.memory_space<vmem>>
    %dma_start3A_369 = tpu.memref_squeeze %dma_start3A_368 : memref<1x64x64xf32, #tpu.memory_space<vmem>> -> memref<64x64xf32, #tpu.memory_space<vmem>>
    %dma_start3A_370 = arith.constant 0 : i32
    %dma_start3A_371 = tpu.memref_slice %arg6[%dma_start3A_364, %dma_start3A_370] : memref<80x64xi32, #tpu.memory_space<vmem>> -> memref<1x64xi32, #tpu.memory_space<vmem>>
    %dma_start3A_372 = tpu.memref_squeeze %dma_start3A_371 : memref<1x64xi32, #tpu.memory_space<vmem>> -> memref<64xi32, #tpu.memory_space<vmem>>
    %dma_start3A_373 = arith.constant 0 : i32
    %dma_start3A_374 = arith.constant 0 : i32
    %dma_start3A_375 = tpu.memref_slice %arg9[%dma_start3A_373, %dma_start3A_374] : memref<10112x64xf32, #tpu.memory_space<vmem_shared>> -> memref<10112x64xf32, #tpu.memory_space<vmem_shared>>
    tpu.enqueue_indirect_dma source(%dma_start3A_375 : memref<10112x64xf32, #tpu.memory_space<vmem_shared>>) target(%dma_start3A_369 : memref<64x64xf32, #tpu.memory_space<vmem>>) offsets(%dma_start3A_372 : memref<64xi32, #tpu.memory_space<vmem>>) semaphore(%arg11 : memref<!tpu.dma_semaphore, #tpu.memory_space<semaphore_mem>>)
    %dma_start3A_376 = arith.constant 1 : i32
    %dma_start3A_377 = arith.constant 1 : i32
    %dma_start3A_378 = arith.constant 0 : i32
    %dma_start3A_379 = arith.constant 0 : i32
    %dma_start3A_380 = tpu.memref_slice %arg8[%dma_start3A_377, %dma_start3A_378, %dma_start3A_379] : memref<8x64x64xf32, #tpu.memory_space<vmem>> -> memref<1x64x64xf32, #tpu.memory_space<vmem>>
    %dma_start3A_381 = tpu.memref_squeeze %dma_start3A_380 : memref<1x64x64xf32, #tpu.memory_space<vmem>> -> memref<64x64xf32, #tpu.memory_space<vmem>>
    %dma_start3A_382 = arith.constant 0 : i32
    %dma_start3A_383 = tpu.memref_slice %arg6[%dma_start3A_376, %dma_start3A_382] : memref<80x64xi32, #tpu.memory_space<vmem>> -> memref<1x64xi32, #tpu.memory_space<vmem>>
    %dma_start3A_384 = tpu.memref_squeeze %dma_start3A_383 : memref<1x64xi32, #tpu.memory_space<vmem>> -> memref<64xi32, #tpu.memory_space<vmem>>
    %dma_start3A_385 = arith.constant 0 : i32
    %dma_start3A_386 = arith.constant 0 : i32
    %dma_start3A_387 = tpu.memref_slice %arg9[%dma_start3A_385, %dma_start3A_386] : memref<10112x64xf32, #tpu.memory_space<vmem_shared>> -> memref<10112x64xf32, #tpu.memory_space<vmem_shared>>
    tpu.enqueue_indirect_dma source(%dma_start3A_387 : memref<10112x64xf32, #tpu.memory_space<vmem_shared>>) target(%dma_start3A_381 : memref<64x64xf32, #tpu.memory_space<vmem>>) offsets(%dma_start3A_384 : memref<64xi32, #tpu.memory_space<vmem>>) semaphore(%arg12 : memref<!tpu.dma_semaphore, #tpu.memory_space<semaphore_mem>>)
    %dma_start3A_388 = arith.constant 2 : i32
    %dma_start3A_389 = arith.constant 2 : i32
    %dma_start3A_390 = arith.constant 0 : i32
    %dma_start3A_391 = arith.constant 0 : i32
    %dma_start3A_392 = tpu.memref_slice %arg8[%dma_start3A_389, %dma_start3A_390, %dma_start3A_391] : memref<8x64x64xf32, #tpu.memory_space<vmem>> -> memref<1x64x64xf32, #tpu.memory_space<vmem>>
    %dma_start3A_393 = tpu.memref_squeeze %dma_start3A_392 : memref<1x64x64xf32, #tpu.memory_space<vmem>> -> memref<64x64xf32, #tpu.memory_space<vmem>>
    %dma_start3A_394 = arith.constant 0 : i32
    %dma_start3A_395 = tpu.memref_slice %arg6[%dma_start3A_388, %dma_start3A_394] : memref<80x64xi32, #tpu.memory_space<vmem>> -> memref<1x64xi32, #tpu.memory_space<vmem>>
    %dma_start3A_396 = tpu.memref_squeeze %dma_start3A_395 : memref<1x64xi32, #tpu.memory_space<vmem>> -> memref<64xi32, #tpu.memory_space<vmem>>
    %dma_start3A_397 = arith.constant 0 : i32
    %dma_start3A_398 = arith.constant 0 : i32
    %dma_start3A_399 = tpu.memref_slice %arg9[%dma_start3A_397, %dma_start3A_398] : memref<10112x64xf32, #tpu.memory_space<vmem_shared>> -> memref<10112x64xf32, #tpu.memory_space<vmem_shared>>
    tpu.enqueue_indirect_dma source(%dma_start3A_399 : memref<10112x64xf32, #tpu.memory_space<vmem_shared>>) target(%dma_start3A_393 : memref<64x64xf32, #tpu.memory_space<vmem>>) offsets(%dma_start3A_396 : memref<64xi32, #tpu.memory_space<vmem>>) semaphore(%arg13 : memref<!tpu.dma_semaphore, #tpu.memory_space<semaphore_mem>>)
    %dma_start3A_400 = arith.constant 3 : i32
    %dma_start3A_401 = arith.constant 3 : i32
    %dma_start3A_402 = arith.constant 0 : i32
    %dma_start3A_403 = arith.constant 0 : i32
    %dma_start3A_404 = tpu.memref_slice %arg8[%dma_start3A_401, %dma_start3A_402, %dma_start3A_403] : memref<8x64x64xf32, #tpu.memory_space<vmem>> -> memref<1x64x64xf32, #tpu.memory_space<vmem>>
    %dma_start3A_405 = tpu.memref_squeeze %dma_start3A_404 : memref<1x64x64xf32, #tpu.memory_space<vmem>> -> memref<64x64xf32, #tpu.memory_space<vmem>>
    %dma_start3A_406 = arith.constant 0 : i32
    %dma_start3A_407 = tpu.memref_slice %arg6[%dma_start3A_400, %dma_start3A_406] : memref<80x64xi32, #tpu.memory_space<vmem>> -> memref<1x64xi32, #tpu.memory_space<vmem>>
    %dma_start3A_408 = tpu.memref_squeeze %dma_start3A_407 : memref<1x64xi32, #tpu.memory_space<vmem>> -> memref<64xi32, #tpu.memory_space<vmem>>
    %dma_start3A_409 = arith.constant 0 : i32
    %dma_start3A_410 = arith.constant 0 : i32
    %dma_start3A_411 = tpu.memref_slice %arg9[%dma_start3A_409, %dma_start3A_410] : memref<10112x64xf32, #tpu.memory_space<vmem_shared>> -> memref<10112x64xf32, #tpu.memory_space<vmem_shared>>
    tpu.enqueue_indirect_dma source(%dma_start3A_411 : memref<10112x64xf32, #tpu.memory_space<vmem_shared>>) target(%dma_start3A_405 : memref<64x64xf32, #tpu.memory_space<vmem>>) offsets(%dma_start3A_408 : memref<64xi32, #tpu.memory_space<vmem>>) semaphore(%arg14 : memref<!tpu.dma_semaphore, #tpu.memory_space<semaphore_mem>>)
    %scan3A_412 = arith.constant 0 : i32
    %scan3A_413 = arith.constant 0 : i32
    %scan3A_414 = arith.constant 10 : i32
    %scan3A_415 = arith.addi %scan3A_413, %scan3A_414 : i32
    %scan3A_416 = arith.constant 1 : i32
    scf.for %scan3A_665 = %scan3A_413 to %scan3A_415 step %scan3A_416  : i32 {
      %mul3A_666 = arith.constant 8 : i32
      %mul3A_667 = arith.muli %scan3A_665, %mul3A_666 : i32
      %add3A_668 = arith.constant 0 : i32
      %add3A_669 = arith.addi %mul3A_667, %add3A_668 : i32
      %dma_wait3A_670 = arith.constant 0 : i32
      %dma_wait3A_671 = arith.constant 0 : i32
      %dma_wait3A_672 = arith.constant 0 : i32
      %dma_wait3A_673 = tpu.memref_slice %arg8[%dma_wait3A_670, %dma_wait3A_671, %dma_wait3A_672] : memref<8x64x64xf32, #tpu.memory_space<vmem>> -> memref<1x64x64xf32, #tpu.memory_space<vmem>>
      %dma_wait3A_674 = tpu.memref_squeeze %dma_wait3A_673 : memref<1x64x64xf32, #tpu.memory_space<vmem>> -> memref<64x64xf32, #tpu.memory_space<vmem>>
      %dma_wait3A_675 = arith.constant 0 : i32
      %dma_wait3A_676 = tpu.memref_slice %arg6[%add3A_669, %dma_wait3A_675] : memref<80x64xi32, #tpu.memory_space<vmem>> -> memref<1x64xi32, #tpu.memory_space<vmem>>
      %dma_wait3A_677 = tpu.memref_squeeze %dma_wait3A_676 : memref<1x64xi32, #tpu.memory_space<vmem>> -> memref<64xi32, #tpu.memory_space<vmem>>
      %dma_wait3A_678 = arith.constant 0 : i32
      %dma_wait3A_679 = arith.constant 0 : i32
      %dma_wait3A_680 = tpu.memref_slice %arg9[%dma_wait3A_678, %dma_wait3A_679] : memref<10112x64xf32, #tpu.memory_space<vmem_shared>> -> memref<10112x64xf32, #tpu.memory_space<vmem_shared>>
      tpu.wait_indirect_dma semaphore(%arg11 : memref<!tpu.dma_semaphore, #tpu.memory_space<semaphore_mem>>) src(%dma_wait3A_680 : memref<10112x64xf32, #tpu.memory_space<vmem_shared>>) dst(%dma_wait3A_674 : memref<64x64xf32, #tpu.memory_space<vmem>>)
      %dma_start3A_681 = arith.constant 0 : i32
      %dma_start3A_682 = arith.constant 0 : i32
      %dma_start3A_683 = arith.constant 0 : i32
      %dma_start3A_684 = tpu.memref_slice %arg8[%dma_start3A_681, %dma_start3A_682, %dma_start3A_683] : memref<8x64x64xf32, #tpu.memory_space<vmem>> -> memref<1x64x64xf32, #tpu.memory_space<vmem>>
      %dma_start3A_685 = tpu.memref_squeeze %dma_start3A_684 : memref<1x64x64xf32, #tpu.memory_space<vmem>> -> memref<64x64xf32, #tpu.memory_space<vmem>>
      %dma_start3A_686 = arith.constant 0 : i32
      %dma_start3A_687 = tpu.memref_slice %arg7[%add3A_669, %dma_start3A_686] : memref<80x64xi32, #tpu.memory_space<vmem>> -> memref<1x64xi32, #tpu.memory_space<vmem>>
      %dma_start3A_688 = tpu.memref_squeeze %dma_start3A_687 : memref<1x64xi32, #tpu.memory_space<vmem>> -> memref<64xi32, #tpu.memory_space<vmem>>
      %dma_start3A_689 = arith.constant 0 : i32
      %dma_start3A_690 = arith.constant 0 : i32
      %dma_start3A_691 = tpu.memref_slice %arg10[%dma_start3A_689, %dma_start3A_690] : memref<10112x64xf32, #tpu.memory_space<vmem_shared>> -> memref<10112x64xf32, #tpu.memory_space<vmem_shared>>
      tpu.enqueue_indirect_dma source(%dma_start3A_685 : memref<64x64xf32, #tpu.memory_space<vmem>>) target(%dma_start3A_691 : memref<10112x64xf32, #tpu.memory_space<vmem_shared>>) offsets(%dma_start3A_688 : memref<64xi32, #tpu.memory_space<vmem>>) semaphore(%arg19 : memref<!tpu.dma_semaphore, #tpu.memory_space<semaphore_mem>>) {add = true}
      %add3A_692 = arith.constant 4 : i32
      %add3A_693 = arith.addi %add3A_669, %add3A_692 : i32
      %lt3A = arith.constant 80 : i32
      %lt3A_694 = arith.cmpi slt, %add3A_693, %lt3A : i32
      %convert_element_type3A = arith.extui %lt3A_694 : i1 to i32
      %cond3A = arith.constant 0 : i32
      %cond3A_695 = arith.cmpi ne, %convert_element_type3A, %cond3A : i32
      scf.if %cond3A_695 {
        %add3A_927 = arith.constant 4 : i32
        %add3A_928 = arith.addi %add3A_669, %add3A_927 : i32
        %ge3A = arith.constant 8 : i32
        %ge3A_929 = arith.cmpi sge, %add3A_928, %ge3A : i32
        %convert_element_type3A_930 = arith.extui %ge3A_929 : i1 to i32
        %cond3A_931 = arith.constant 0 : i32
        %cond3A_932 = arith.cmpi ne, %convert_element_type3A_930, %cond3A_931 : i32
        scf.if %cond3A_932 {
          %dma_wait3A_946 = arith.constant 4 : i32
          %dma_wait3A_947 = arith.constant 0 : i32
          %dma_wait3A_948 = arith.constant 0 : i32
          %dma_wait3A_949 = arith.constant 0 : i32
          %dma_wait3A_950 = tpu.memref_slice %arg8[%dma_wait3A_946, %dma_wait3A_948, %dma_wait3A_949] : memref<8x64x64xf32, #tpu.memory_space<vmem>> -> memref<1x64x64xf32, #tpu.memory_space<vmem>>
          %dma_wait3A_951 = tpu.memref_squeeze %dma_wait3A_950 : memref<1x64x64xf32, #tpu.memory_space<vmem>> -> memref<64x64xf32, #tpu.memory_space<vmem>>
          %dma_wait3A_952 = arith.constant 0 : i32
          %dma_wait3A_953 = tpu.memref_slice %arg7[%dma_wait3A_947, %dma_wait3A_952] : memref<80x64xi32, #tpu.memory_space<vmem>> -> memref<1x64xi32, #tpu.memory_space<vmem>>
          %dma_wait3A_954 = tpu.memref_squeeze %dma_wait3A_953 : memref<1x64xi32, #tpu.memory_space<vmem>> -> memref<64xi32, #tpu.memory_space<vmem>>
          %dma_wait3A_955 = arith.constant 0 : i32
          %dma_wait3A_956 = arith.constant 0 : i32
          %dma_wait3A_957 = tpu.memref_slice %arg10[%dma_wait3A_955, %dma_wait3A_956] : memref<10112x64xf32, #tpu.memory_space<vmem_shared>> -> memref<10112x64xf32, #tpu.memory_space<vmem_shared>>
          tpu.wait_indirect_dma semaphore(%arg23 : memref<!tpu.dma_semaphore, #tpu.memory_space<semaphore_mem>>) src(%dma_wait3A_951 : memref<64x64xf32, #tpu.memory_space<vmem>>) dst(%dma_wait3A_957 : memref<10112x64xf32, #tpu.memory_space<vmem_shared>>)
        } else {
        }
        %add3A_933 = arith.constant 4 : i32
        %add3A_934 = arith.addi %add3A_669, %add3A_933 : i32
        %dma_start3A_935 = arith.constant 4 : i32
        %dma_start3A_936 = arith.constant 0 : i32
        %dma_start3A_937 = arith.constant 0 : i32
        %dma_start3A_938 = tpu.memref_slice %arg8[%dma_start3A_935, %dma_start3A_936, %dma_start3A_937] : memref<8x64x64xf32, #tpu.memory_space<vmem>> -> memref<1x64x64xf32, #tpu.memory_space<vmem>>
        %dma_start3A_939 = tpu.memref_squeeze %dma_start3A_938 : memref<1x64x64xf32, #tpu.memory_space<vmem>> -> memref<64x64xf32, #tpu.memory_space<vmem>>
        %dma_start3A_940 = arith.constant 0 : i32
        %dma_start3A_941 = tpu.memref_slice %arg6[%add3A_934, %dma_start3A_940] : memref<80x64xi32, #tpu.memory_space<vmem>> -> memref<1x64xi32, #tpu.memory_space<vmem>>
        %dma_start3A_942 = tpu.memref_squeeze %dma_start3A_941 : memref<1x64xi32, #tpu.memory_space<vmem>> -> memref<64xi32, #tpu.memory_space<vmem>>
        %dma_start3A_943 = arith.constant 0 : i32
        %dma_start3A_944 = arith.constant 0 : i32
        %dma_start3A_945 = tpu.memref_slice %arg9[%dma_start3A_943, %dma_start3A_944] : memref<10112x64xf32, #tpu.memory_space<vmem_shared>> -> memref<10112x64xf32, #tpu.memory_space<vmem_shared>>
        tpu.enqueue_indirect_dma source(%dma_start3A_945 : memref<10112x64xf32, #tpu.memory_space<vmem_shared>>) target(%dma_start3A_939 : memref<64x64xf32, #tpu.memory_space<vmem>>) offsets(%dma_start3A_942 : memref<64xi32, #tpu.memory_space<vmem>>) semaphore(%arg15 : memref<!tpu.dma_semaphore, #tpu.memory_space<semaphore_mem>>)
      } else {
      }
      %mul3A_696 = arith.constant 8 : i32
      %mul3A_697 = arith.muli %scan3A_665, %mul3A_696 : i32
      %add3A_698 = arith.constant 1 : i32
      %add3A_699 = arith.addi %mul3A_697, %add3A_698 : i32
      %dma_wait3A_700 = arith.constant 1 : i32
      %dma_wait3A_701 = arith.constant 0 : i32
      %dma_wait3A_702 = arith.constant 0 : i32
      %dma_wait3A_703 = tpu.memref_slice %arg8[%dma_wait3A_700, %dma_wait3A_701, %dma_wait3A_702] : memref<8x64x64xf32, #tpu.memory_space<vmem>> -> memref<1x64x64xf32, #tpu.memory_space<vmem>>
      %dma_wait3A_704 = tpu.memref_squeeze %dma_wait3A_703 : memref<1x64x64xf32, #tpu.memory_space<vmem>> -> memref<64x64xf32, #tpu.memory_space<vmem>>
      %dma_wait3A_705 = arith.constant 0 : i32
      %dma_wait3A_706 = tpu.memref_slice %arg6[%add3A_699, %dma_wait3A_705] : memref<80x64xi32, #tpu.memory_space<vmem>> -> memref<1x64xi32, #tpu.memory_space<vmem>>
      %dma_wait3A_707 = tpu.memref_squeeze %dma_wait3A_706 : memref<1x64xi32, #tpu.memory_space<vmem>> -> memref<64xi32, #tpu.memory_space<vmem>>
      %dma_wait3A_708 = arith.constant 0 : i32
      %dma_wait3A_709 = arith.constant 0 : i32
      %dma_wait3A_710 = tpu.memref_slice %arg9[%dma_wait3A_708, %dma_wait3A_709] : memref<10112x64xf32, #tpu.memory_space<vmem_shared>> -> memref<10112x64xf32, #tpu.memory_space<vmem_shared>>
      tpu.wait_indirect_dma semaphore(%arg12 : memref<!tpu.dma_semaphore, #tpu.memory_space<semaphore_mem>>) src(%dma_wait3A_710 : memref<10112x64xf32, #tpu.memory_space<vmem_shared>>) dst(%dma_wait3A_704 : memref<64x64xf32, #tpu.memory_space<vmem>>)
      %dma_start3A_711 = arith.constant 1 : i32
      %dma_start3A_712 = arith.constant 0 : i32
      %dma_start3A_713 = arith.constant 0 : i32
      %dma_start3A_714 = tpu.memref_slice %arg8[%dma_start3A_711, %dma_start3A_712, %dma_start3A_713] : memref<8x64x64xf32, #tpu.memory_space<vmem>> -> memref<1x64x64xf32, #tpu.memory_space<vmem>>
      %dma_start3A_715 = tpu.memref_squeeze %dma_start3A_714 : memref<1x64x64xf32, #tpu.memory_space<vmem>> -> memref<64x64xf32, #tpu.memory_space<vmem>>
      %dma_start3A_716 = arith.constant 0 : i32
      %dma_start3A_717 = tpu.memref_slice %arg7[%add3A_699, %dma_start3A_716] : memref<80x64xi32, #tpu.memory_space<vmem>> -> memref<1x64xi32, #tpu.memory_space<vmem>>
      %dma_start3A_718 = tpu.memref_squeeze %dma_start3A_717 : memref<1x64xi32, #tpu.memory_space<vmem>> -> memref<64xi32, #tpu.memory_space<vmem>>
      %dma_start3A_719 = arith.constant 0 : i32
      %dma_start3A_720 = arith.constant 0 : i32
      %dma_start3A_721 = tpu.memref_slice %arg10[%dma_start3A_719, %dma_start3A_720] : memref<10112x64xf32, #tpu.memory_space<vmem_shared>> -> memref<10112x64xf32, #tpu.memory_space<vmem_shared>>
      tpu.enqueue_indirect_dma source(%dma_start3A_715 : memref<64x64xf32, #tpu.memory_space<vmem>>) target(%dma_start3A_721 : memref<10112x64xf32, #tpu.memory_space<vmem_shared>>) offsets(%dma_start3A_718 : memref<64xi32, #tpu.memory_space<vmem>>) semaphore(%arg20 : memref<!tpu.dma_semaphore, #tpu.memory_space<semaphore_mem>>) {add = true}
      %add3A_722 = arith.constant 4 : i32
      %add3A_723 = arith.addi %add3A_699, %add3A_722 : i32
      %lt3A_724 = arith.constant 80 : i32
      %lt3A_725 = arith.cmpi slt, %add3A_723, %lt3A_724 : i32
      %convert_element_type3A_726 = arith.extui %lt3A_725 : i1 to i32
      %cond3A_727 = arith.constant 0 : i32
      %cond3A_728 = arith.cmpi ne, %convert_element_type3A_726, %cond3A_727 : i32
      scf.if %cond3A_728 {
        %add3A_927 = arith.constant 4 : i32
        %add3A_928 = arith.addi %add3A_699, %add3A_927 : i32
        %ge3A = arith.constant 8 : i32
        %ge3A_929 = arith.cmpi sge, %add3A_928, %ge3A : i32
        %convert_element_type3A_930 = arith.extui %ge3A_929 : i1 to i32
        %cond3A_931 = arith.constant 0 : i32
        %cond3A_932 = arith.cmpi ne, %convert_element_type3A_930, %cond3A_931 : i32
        scf.if %cond3A_932 {
          %dma_wait3A_946 = arith.constant 5 : i32
          %dma_wait3A_947 = arith.constant 0 : i32
          %dma_wait3A_948 = arith.constant 0 : i32
          %dma_wait3A_949 = arith.constant 0 : i32
          %dma_wait3A_950 = tpu.memref_slice %arg8[%dma_wait3A_946, %dma_wait3A_948, %dma_wait3A_949] : memref<8x64x64xf32, #tpu.memory_space<vmem>> -> memref<1x64x64xf32, #tpu.memory_space<vmem>>
          %dma_wait3A_951 = tpu.memref_squeeze %dma_wait3A_950 : memref<1x64x64xf32, #tpu.memory_space<vmem>> -> memref<64x64xf32, #tpu.memory_space<vmem>>
          %dma_wait3A_952 = arith.constant 0 : i32
          %dma_wait3A_953 = tpu.memref_slice %arg7[%dma_wait3A_947, %dma_wait3A_952] : memref<80x64xi32, #tpu.memory_space<vmem>> -> memref<1x64xi32, #tpu.memory_space<vmem>>
          %dma_wait3A_954 = tpu.memref_squeeze %dma_wait3A_953 : memref<1x64xi32, #tpu.memory_space<vmem>> -> memref<64xi32, #tpu.memory_space<vmem>>
          %dma_wait3A_955 = arith.constant 0 : i32
          %dma_wait3A_956 = arith.constant 0 : i32
          %dma_wait3A_957 = tpu.memref_slice %arg10[%dma_wait3A_955, %dma_wait3A_956] : memref<10112x64xf32, #tpu.memory_space<vmem_shared>> -> memref<10112x64xf32, #tpu.memory_space<vmem_shared>>
          tpu.wait_indirect_dma semaphore(%arg24 : memref<!tpu.dma_semaphore, #tpu.memory_space<semaphore_mem>>) src(%dma_wait3A_951 : memref<64x64xf32, #tpu.memory_space<vmem>>) dst(%dma_wait3A_957 : memref<10112x64xf32, #tpu.memory_space<vmem_shared>>)
        } else {
        }
        %add3A_933 = arith.constant 4 : i32
        %add3A_934 = arith.addi %add3A_699, %add3A_933 : i32
        %dma_start3A_935 = arith.constant 5 : i32
        %dma_start3A_936 = arith.constant 0 : i32
        %dma_start3A_937 = arith.constant 0 : i32
        %dma_start3A_938 = tpu.memref_slice %arg8[%dma_start3A_935, %dma_start3A_936, %dma_start3A_937] : memref<8x64x64xf32, #tpu.memory_space<vmem>> -> memref<1x64x64xf32, #tpu.memory_space<vmem>>
        %dma_start3A_939 = tpu.memref_squeeze %dma_start3A_938 : memref<1x64x64xf32, #tpu.memory_space<vmem>> -> memref<64x64xf32, #tpu.memory_space<vmem>>
        %dma_start3A_940 = arith.constant 0 : i32
        %dma_start3A_941 = tpu.memref_slice %arg6[%add3A_934, %dma_start3A_940] : memref<80x64xi32, #tpu.memory_space<vmem>> -> memref<1x64xi32, #tpu.memory_space<vmem>>
        %dma_start3A_942 = tpu.memref_squeeze %dma_start3A_941 : memref<1x64xi32, #tpu.memory_space<vmem>> -> memref<64xi32, #tpu.memory_space<vmem>>
        %dma_start3A_943 = arith.constant 0 : i32
        %dma_start3A_944 = arith.constant 0 : i32
        %dma_start3A_945 = tpu.memref_slice %arg9[%dma_start3A_943, %dma_start3A_944] : memref<10112x64xf32, #tpu.memory_space<vmem_shared>> -> memref<10112x64xf32, #tpu.memory_space<vmem_shared>>
        tpu.enqueue_indirect_dma source(%dma_start3A_945 : memref<10112x64xf32, #tpu.memory_space<vmem_shared>>) target(%dma_start3A_939 : memref<64x64xf32, #tpu.memory_space<vmem>>) offsets(%dma_start3A_942 : memref<64xi32, #tpu.memory_space<vmem>>) semaphore(%arg16 : memref<!tpu.dma_semaphore, #tpu.memory_space<semaphore_mem>>)
      } else {
      }
      %mul3A_729 = arith.constant 8 : i32
      %mul3A_730 = arith.muli %scan3A_665, %mul3A_729 : i32
      %add3A_731 = arith.constant 2 : i32
      %add3A_732 = arith.addi %mul3A_730, %add3A_731 : i32
      %dma_wait3A_733 = arith.constant 2 : i32
      %dma_wait3A_734 = arith.constant 0 : i32
      %dma_wait3A_735 = arith.constant 0 : i32
      %dma_wait3A_736 = tpu.memref_slice %arg8[%dma_wait3A_733, %dma_wait3A_734, %dma_wait3A_735] : memref<8x64x64xf32, #tpu.memory_space<vmem>> -> memref<1x64x64xf32, #tpu.memory_space<vmem>>
      %dma_wait3A_737 = tpu.memref_squeeze %dma_wait3A_736 : memref<1x64x64xf32, #tpu.memory_space<vmem>> -> memref<64x64xf32, #tpu.memory_space<vmem>>
      %dma_wait3A_738 = arith.constant 0 : i32
      %dma_wait3A_739 = tpu.memref_slice %arg6[%add3A_732, %dma_wait3A_738] : memref<80x64xi32, #tpu.memory_space<vmem>> -> memref<1x64xi32, #tpu.memory_space<vmem>>
      %dma_wait3A_740 = tpu.memref_squeeze %dma_wait3A_739 : memref<1x64xi32, #tpu.memory_space<vmem>> -> memref<64xi32, #tpu.memory_space<vmem>>
      %dma_wait3A_741 = arith.constant 0 : i32
      %dma_wait3A_742 = arith.constant 0 : i32
      %dma_wait3A_743 = tpu.memref_slice %arg9[%dma_wait3A_741, %dma_wait3A_742] : memref<10112x64xf32, #tpu.memory_space<vmem_shared>> -> memref<10112x64xf32, #tpu.memory_space<vmem_shared>>
      tpu.wait_indirect_dma semaphore(%arg13 : memref<!tpu.dma_semaphore, #tpu.memory_space<semaphore_mem>>) src(%dma_wait3A_743 : memref<10112x64xf32, #tpu.memory_space<vmem_shared>>) dst(%dma_wait3A_737 : memref<64x64xf32, #tpu.memory_space<vmem>>)
      %dma_start3A_744 = arith.constant 2 : i32
      %dma_start3A_745 = arith.constant 0 : i32
      %dma_start3A_746 = arith.constant 0 : i32
      %dma_start3A_747 = tpu.memref_slice %arg8[%dma_start3A_744, %dma_start3A_745, %dma_start3A_746] : memref<8x64x64xf32, #tpu.memory_space<vmem>> -> memref<1x64x64xf32, #tpu.memory_space<vmem>>
      %dma_start3A_748 = tpu.memref_squeeze %dma_start3A_747 : memref<1x64x64xf32, #tpu.memory_space<vmem>> -> memref<64x64xf32, #tpu.memory_space<vmem>>
      %dma_start3A_749 = arith.constant 0 : i32
      %dma_start3A_750 = tpu.memref_slice %arg7[%add3A_732, %dma_start3A_749] : memref<80x64xi32, #tpu.memory_space<vmem>> -> memref<1x64xi32, #tpu.memory_space<vmem>>
      %dma_start3A_751 = tpu.memref_squeeze %dma_start3A_750 : memref<1x64xi32, #tpu.memory_space<vmem>> -> memref<64xi32, #tpu.memory_space<vmem>>
      %dma_start3A_752 = arith.constant 0 : i32
      %dma_start3A_753 = arith.constant 0 : i32
      %dma_start3A_754 = tpu.memref_slice %arg10[%dma_start3A_752, %dma_start3A_753] : memref<10112x64xf32, #tpu.memory_space<vmem_shared>> -> memref<10112x64xf32, #tpu.memory_space<vmem_shared>>
      tpu.enqueue_indirect_dma source(%dma_start3A_748 : memref<64x64xf32, #tpu.memory_space<vmem>>) target(%dma_start3A_754 : memref<10112x64xf32, #tpu.memory_space<vmem_shared>>) offsets(%dma_start3A_751 : memref<64xi32, #tpu.memory_space<vmem>>) semaphore(%arg21 : memref<!tpu.dma_semaphore, #tpu.memory_space<semaphore_mem>>) {add = true}
      %add3A_755 = arith.constant 4 : i32
      %add3A_756 = arith.addi %add3A_732, %add3A_755 : i32
      %lt3A_757 = arith.constant 80 : i32
      %lt3A_758 = arith.cmpi slt, %add3A_756, %lt3A_757 : i32
      %convert_element_type3A_759 = arith.extui %lt3A_758 : i1 to i32
      %cond3A_760 = arith.constant 0 : i32
      %cond3A_761 = arith.cmpi ne, %convert_element_type3A_759, %cond3A_760 : i32
      scf.if %cond3A_761 {
        %add3A_927 = arith.constant 4 : i32
        %add3A_928 = arith.addi %add3A_732, %add3A_927 : i32
        %ge3A = arith.constant 8 : i32
        %ge3A_929 = arith.cmpi sge, %add3A_928, %ge3A : i32
        %convert_element_type3A_930 = arith.extui %ge3A_929 : i1 to i32
        %cond3A_931 = arith.constant 0 : i32
        %cond3A_932 = arith.cmpi ne, %convert_element_type3A_930, %cond3A_931 : i32
        scf.if %cond3A_932 {
          %dma_wait3A_946 = arith.constant 6 : i32
          %dma_wait3A_947 = arith.constant 0 : i32
          %dma_wait3A_948 = arith.constant 0 : i32
          %dma_wait3A_949 = arith.constant 0 : i32
          %dma_wait3A_950 = tpu.memref_slice %arg8[%dma_wait3A_946, %dma_wait3A_948, %dma_wait3A_949] : memref<8x64x64xf32, #tpu.memory_space<vmem>> -> memref<1x64x64xf32, #tpu.memory_space<vmem>>
          %dma_wait3A_951 = tpu.memref_squeeze %dma_wait3A_950 : memref<1x64x64xf32, #tpu.memory_space<vmem>> -> memref<64x64xf32, #tpu.memory_space<vmem>>
          %dma_wait3A_952 = arith.constant 0 : i32
          %dma_wait3A_953 = tpu.memref_slice %arg7[%dma_wait3A_947, %dma_wait3A_952] : memref<80x64xi32, #tpu.memory_space<vmem>> -> memref<1x64xi32, #tpu.memory_space<vmem>>
          %dma_wait3A_954 = tpu.memref_squeeze %dma_wait3A_953 : memref<1x64xi32, #tpu.memory_space<vmem>> -> memref<64xi32, #tpu.memory_space<vmem>>
          %dma_wait3A_955 = arith.constant 0 : i32
          %dma_wait3A_956 = arith.constant 0 : i32
          %dma_wait3A_957 = tpu.memref_slice %arg10[%dma_wait3A_955, %dma_wait3A_956] : memref<10112x64xf32, #tpu.memory_space<vmem_shared>> -> memref<10112x64xf32, #tpu.memory_space<vmem_shared>>
          tpu.wait_indirect_dma semaphore(%arg25 : memref<!tpu.dma_semaphore, #tpu.memory_space<semaphore_mem>>) src(%dma_wait3A_951 : memref<64x64xf32, #tpu.memory_space<vmem>>) dst(%dma_wait3A_957 : memref<10112x64xf32, #tpu.memory_space<vmem_shared>>)
        } else {
        }
        %add3A_933 = arith.constant 4 : i32
        %add3A_934 = arith.addi %add3A_732, %add3A_933 : i32
        %dma_start3A_935 = arith.constant 6 : i32
        %dma_start3A_936 = arith.constant 0 : i32
        %dma_start3A_937 = arith.constant 0 : i32
        %dma_start3A_938 = tpu.memref_slice %arg8[%dma_start3A_935, %dma_start3A_936, %dma_start3A_937] : memref<8x64x64xf32, #tpu.memory_space<vmem>> -> memref<1x64x64xf32, #tpu.memory_space<vmem>>
        %dma_start3A_939 = tpu.memref_squeeze %dma_start3A_938 : memref<1x64x64xf32, #tpu.memory_space<vmem>> -> memref<64x64xf32, #tpu.memory_space<vmem>>
        %dma_start3A_940 = arith.constant 0 : i32
        %dma_start3A_941 = tpu.memref_slice %arg6[%add3A_934, %dma_start3A_940] : memref<80x64xi32, #tpu.memory_space<vmem>> -> memref<1x64xi32, #tpu.memory_space<vmem>>
        %dma_start3A_942 = tpu.memref_squeeze %dma_start3A_941 : memref<1x64xi32, #tpu.memory_space<vmem>> -> memref<64xi32, #tpu.memory_space<vmem>>
        %dma_start3A_943 = arith.constant 0 : i32
        %dma_start3A_944 = arith.constant 0 : i32
        %dma_start3A_945 = tpu.memref_slice %arg9[%dma_start3A_943, %dma_start3A_944] : memref<10112x64xf32, #tpu.memory_space<vmem_shared>> -> memref<10112x64xf32, #tpu.memory_space<vmem_shared>>
        tpu.enqueue_indirect_dma source(%dma_start3A_945 : memref<10112x64xf32, #tpu.memory_space<vmem_shared>>) target(%dma_start3A_939 : memref<64x64xf32, #tpu.memory_space<vmem>>) offsets(%dma_start3A_942 : memref<64xi32, #tpu.memory_space<vmem>>) semaphore(%arg17 : memref<!tpu.dma_semaphore, #tpu.memory_space<semaphore_mem>>)
      } else {
      }
      %mul3A_762 = arith.constant 8 : i32
      %mul3A_763 = arith.muli %scan3A_665, %mul3A_762 : i32
      %add3A_764 = arith.constant 3 : i32
      %add3A_765 = arith.addi %mul3A_763, %add3A_764 : i32
      %dma_wait3A_766 = arith.constant 3 : i32
      %dma_wait3A_767 = arith.constant 0 : i32
      %dma_wait3A_768 = arith.constant 0 : i32
      %dma_wait3A_769 = tpu.memref_slice %arg8[%dma_wait3A_766, %dma_wait3A_767, %dma_wait3A_768] : memref<8x64x64xf32, #tpu.memory_space<vmem>> -> memref<1x64x64xf32, #tpu.memory_space<vmem>>
      %dma_wait3A_770 = tpu.memref_squeeze %dma_wait3A_769 : memref<1x64x64xf32, #tpu.memory_space<vmem>> -> memref<64x64xf32, #tpu.memory_space<vmem>>
      %dma_wait3A_771 = arith.constant 0 : i32
      %dma_wait3A_772 = tpu.memref_slice %arg6[%add3A_765, %dma_wait3A_771] : memref<80x64xi32, #tpu.memory_space<vmem>> -> memref<1x64xi32, #tpu.memory_space<vmem>>
      %dma_wait3A_773 = tpu.memref_squeeze %dma_wait3A_772 : memref<1x64xi32, #tpu.memory_space<vmem>> -> memref<64xi32, #tpu.memory_space<vmem>>
      %dma_wait3A_774 = arith.constant 0 : i32
      %dma_wait3A_775 = arith.constant 0 : i32
      %dma_wait3A_776 = tpu.memref_slice %arg9[%dma_wait3A_774, %dma_wait3A_775] : memref<10112x64xf32, #tpu.memory_space<vmem_shared>> -> memref<10112x64xf32, #tpu.memory_space<vmem_shared>>
      tpu.wait_indirect_dma semaphore(%arg14 : memref<!tpu.dma_semaphore, #tpu.memory_space<semaphore_mem>>) src(%dma_wait3A_776 : memref<10112x64xf32, #tpu.memory_space<vmem_shared>>) dst(%dma_wait3A_770 : memref<64x64xf32, #tpu.memory_space<vmem>>)
      %dma_start3A_777 = arith.constant 3 : i32
      %dma_start3A_778 = arith.constant 0 : i32
      %dma_start3A_779 = arith.constant 0 : i32
      %dma_start3A_780 = tpu.memref_slice %arg8[%dma_start3A_777, %dma_start3A_778, %dma_start3A_779] : memref<8x64x64xf32, #tpu.memory_space<vmem>> -> memref<1x64x64xf32, #tpu.memory_space<vmem>>
      %dma_start3A_781 = tpu.memref_squeeze %dma_start3A_780 : memref<1x64x64xf32, #tpu.memory_space<vmem>> -> memref<64x64xf32, #tpu.memory_space<vmem>>
      %dma_start3A_782 = arith.constant 0 : i32
      %dma_start3A_783 = tpu.memref_slice %arg7[%add3A_765, %dma_start3A_782] : memref<80x64xi32, #tpu.memory_space<vmem>> -> memref<1x64xi32, #tpu.memory_space<vmem>>
      %dma_start3A_784 = tpu.memref_squeeze %dma_start3A_783 : memref<1x64xi32, #tpu.memory_space<vmem>> -> memref<64xi32, #tpu.memory_space<vmem>>
      %dma_start3A_785 = arith.constant 0 : i32
      %dma_start3A_786 = arith.constant 0 : i32
      %dma_start3A_787 = tpu.memref_slice %arg10[%dma_start3A_785, %dma_start3A_786] : memref<10112x64xf32, #tpu.memory_space<vmem_shared>> -> memref<10112x64xf32, #tpu.memory_space<vmem_shared>>
      tpu.enqueue_indirect_dma source(%dma_start3A_781 : memref<64x64xf32, #tpu.memory_space<vmem>>) target(%dma_start3A_787 : memref<10112x64xf32, #tpu.memory_space<vmem_shared>>) offsets(%dma_start3A_784 : memref<64xi32, #tpu.memory_space<vmem>>) semaphore(%arg22 : memref<!tpu.dma_semaphore, #tpu.memory_space<semaphore_mem>>) {add = true}
      %add3A_788 = arith.constant 4 : i32
      %add3A_789 = arith.addi %add3A_765, %add3A_788 : i32
      %lt3A_790 = arith.constant 80 : i32
      %lt3A_791 = arith.cmpi slt, %add3A_789, %lt3A_790 : i32
      %convert_element_type3A_792 = arith.extui %lt3A_791 : i1 to i32
      %cond3A_793 = arith.constant 0 : i32
      %cond3A_794 = arith.cmpi ne, %convert_element_type3A_792, %cond3A_793 : i32
      scf.if %cond3A_794 {
        %add3A_927 = arith.constant 4 : i32
        %add3A_928 = arith.addi %add3A_765, %add3A_927 : i32
        %ge3A = arith.constant 8 : i32
        %ge3A_929 = arith.cmpi sge, %add3A_928, %ge3A : i32
        %convert_element_type3A_930 = arith.extui %ge3A_929 : i1 to i32
        %cond3A_931 = arith.constant 0 : i32
        %cond3A_932 = arith.cmpi ne, %convert_element_type3A_930, %cond3A_931 : i32
        scf.if %cond3A_932 {
          %dma_wait3A_946 = arith.constant 7 : i32
          %dma_wait3A_947 = arith.constant 0 : i32
          %dma_wait3A_948 = arith.constant 0 : i32
          %dma_wait3A_949 = arith.constant 0 : i32
          %dma_wait3A_950 = tpu.memref_slice %arg8[%dma_wait3A_946, %dma_wait3A_948, %dma_wait3A_949] : memref<8x64x64xf32, #tpu.memory_space<vmem>> -> memref<1x64x64xf32, #tpu.memory_space<vmem>>
          %dma_wait3A_951 = tpu.memref_squeeze %dma_wait3A_950 : memref<1x64x64xf32, #tpu.memory_space<vmem>> -> memref<64x64xf32, #tpu.memory_space<vmem>>
          %dma_wait3A_952 = arith.constant 0 : i32
          %dma_wait3A_953 = tpu.memref_slice %arg7[%dma_wait3A_947, %dma_wait3A_952] : memref<80x64xi32, #tpu.memory_space<vmem>> -> memref<1x64xi32, #tpu.memory_space<vmem>>
          %dma_wait3A_954 = tpu.memref_squeeze %dma_wait3A_953 : memref<1x64xi32, #tpu.memory_space<vmem>> -> memref<64xi32, #tpu.memory_space<vmem>>
          %dma_wait3A_955 = arith.constant 0 : i32
          %dma_wait3A_956 = arith.constant 0 : i32
          %dma_wait3A_957 = tpu.memref_slice %arg10[%dma_wait3A_955, %dma_wait3A_956] : memref<10112x64xf32, #tpu.memory_space<vmem_shared>> -> memref<10112x64xf32, #tpu.memory_space<vmem_shared>>
          tpu.wait_indirect_dma semaphore(%arg26 : memref<!tpu.dma_semaphore, #tpu.memory_space<semaphore_mem>>) src(%dma_wait3A_951 : memref<64x64xf32, #tpu.memory_space<vmem>>) dst(%dma_wait3A_957 : memref<10112x64xf32, #tpu.memory_space<vmem_shared>>)
        } else {
        }
        %add3A_933 = arith.constant 4 : i32
        %add3A_934 = arith.addi %add3A_765, %add3A_933 : i32
        %dma_start3A_935 = arith.constant 7 : i32
        %dma_start3A_936 = arith.constant 0 : i32
        %dma_start3A_937 = arith.constant 0 : i32
        %dma_start3A_938 = tpu.memref_slice %arg8[%dma_start3A_935, %dma_start3A_936, %dma_start3A_937] : memref<8x64x64xf32, #tpu.memory_space<vmem>> -> memref<1x64x64xf32, #tpu.memory_space<vmem>>
        %dma_start3A_939 = tpu.memref_squeeze %dma_start3A_938 : memref<1x64x64xf32, #tpu.memory_space<vmem>> -> memref<64x64xf32, #tpu.memory_space<vmem>>
        %dma_start3A_940 = arith.constant 0 : i32
        %dma_start3A_941 = tpu.memref_slice %arg6[%add3A_934, %dma_start3A_940] : memref<80x64xi32, #tpu.memory_space<vmem>> -> memref<1x64xi32, #tpu.memory_space<vmem>>
        %dma_start3A_942 = tpu.memref_squeeze %dma_start3A_941 : memref<1x64xi32, #tpu.memory_space<vmem>> -> memref<64xi32, #tpu.memory_space<vmem>>
        %dma_start3A_943 = arith.constant 0 : i32
        %dma_start3A_944 = arith.constant 0 : i32
        %dma_start3A_945 = tpu.memref_slice %arg9[%dma_start3A_943, %dma_start3A_944] : memref<10112x64xf32, #tpu.memory_space<vmem_shared>> -> memref<10112x64xf32, #tpu.memory_space<vmem_shared>>
        tpu.enqueue_indirect_dma source(%dma_start3A_945 : memref<10112x64xf32, #tpu.memory_space<vmem_shared>>) target(%dma_start3A_939 : memref<64x64xf32, #tpu.memory_space<vmem>>) offsets(%dma_start3A_942 : memref<64xi32, #tpu.memory_space<vmem>>) semaphore(%arg18 : memref<!tpu.dma_semaphore, #tpu.memory_space<semaphore_mem>>)
      } else {
      }
      %mul3A_795 = arith.constant 8 : i32
      %mul3A_796 = arith.muli %scan3A_665, %mul3A_795 : i32
      %add3A_797 = arith.constant 4 : i32
      %add3A_798 = arith.addi %mul3A_796, %add3A_797 : i32
      %dma_wait3A_799 = arith.constant 4 : i32
      %dma_wait3A_800 = arith.constant 0 : i32
      %dma_wait3A_801 = arith.constant 0 : i32
      %dma_wait3A_802 = tpu.memref_slice %arg8[%dma_wait3A_799, %dma_wait3A_800, %dma_wait3A_801] : memref<8x64x64xf32, #tpu.memory_space<vmem>> -> memref<1x64x64xf32, #tpu.memory_space<vmem>>
      %dma_wait3A_803 = tpu.memref_squeeze %dma_wait3A_802 : memref<1x64x64xf32, #tpu.memory_space<vmem>> -> memref<64x64xf32, #tpu.memory_space<vmem>>
      %dma_wait3A_804 = arith.constant 0 : i32
      %dma_wait3A_805 = tpu.memref_slice %arg6[%add3A_798, %dma_wait3A_804] : memref<80x64xi32, #tpu.memory_space<vmem>> -> memref<1x64xi32, #tpu.memory_space<vmem>>
      %dma_wait3A_806 = tpu.memref_squeeze %dma_wait3A_805 : memref<1x64xi32, #tpu.memory_space<vmem>> -> memref<64xi32, #tpu.memory_space<vmem>>
      %dma_wait3A_807 = arith.constant 0 : i32
      %dma_wait3A_808 = arith.constant 0 : i32
      %dma_wait3A_809 = tpu.memref_slice %arg9[%dma_wait3A_807, %dma_wait3A_808] : memref<10112x64xf32, #tpu.memory_space<vmem_shared>> -> memref<10112x64xf32, #tpu.memory_space<vmem_shared>>
      tpu.wait_indirect_dma semaphore(%arg15 : memref<!tpu.dma_semaphore, #tpu.memory_space<semaphore_mem>>) src(%dma_wait3A_809 : memref<10112x64xf32, #tpu.memory_space<vmem_shared>>) dst(%dma_wait3A_803 : memref<64x64xf32, #tpu.memory_space<vmem>>)
      %dma_start3A_810 = arith.constant 4 : i32
      %dma_start3A_811 = arith.constant 0 : i32
      %dma_start3A_812 = arith.constant 0 : i32
      %dma_start3A_813 = tpu.memref_slice %arg8[%dma_start3A_810, %dma_start3A_811, %dma_start3A_812] : memref<8x64x64xf32, #tpu.memory_space<vmem>> -> memref<1x64x64xf32, #tpu.memory_space<vmem>>
      %dma_start3A_814 = tpu.memref_squeeze %dma_start3A_813 : memref<1x64x64xf32, #tpu.memory_space<vmem>> -> memref<64x64xf32, #tpu.memory_space<vmem>>
      %dma_start3A_815 = arith.constant 0 : i32
      %dma_start3A_816 = tpu.memref_slice %arg7[%add3A_798, %dma_start3A_815] : memref<80x64xi32, #tpu.memory_space<vmem>> -> memref<1x64xi32, #tpu.memory_space<vmem>>
      %dma_start3A_817 = tpu.memref_squeeze %dma_start3A_816 : memref<1x64xi32, #tpu.memory_space<vmem>> -> memref<64xi32, #tpu.memory_space<vmem>>
      %dma_start3A_818 = arith.constant 0 : i32
      %dma_start3A_819 = arith.constant 0 : i32
      %dma_start3A_820 = tpu.memref_slice %arg10[%dma_start3A_818, %dma_start3A_819] : memref<10112x64xf32, #tpu.memory_space<vmem_shared>> -> memref<10112x64xf32, #tpu.memory_space<vmem_shared>>
      tpu.enqueue_indirect_dma source(%dma_start3A_814 : memref<64x64xf32, #tpu.memory_space<vmem>>) target(%dma_start3A_820 : memref<10112x64xf32, #tpu.memory_space<vmem_shared>>) offsets(%dma_start3A_817 : memref<64xi32, #tpu.memory_space<vmem>>) semaphore(%arg23 : memref<!tpu.dma_semaphore, #tpu.memory_space<semaphore_mem>>) {add = true}
      %add3A_821 = arith.constant 4 : i32
      %add3A_822 = arith.addi %add3A_798, %add3A_821 : i32
      %lt3A_823 = arith.constant 80 : i32
      %lt3A_824 = arith.cmpi slt, %add3A_822, %lt3A_823 : i32
      %convert_element_type3A_825 = arith.extui %lt3A_824 : i1 to i32
      %cond3A_826 = arith.constant 0 : i32
      %cond3A_827 = arith.cmpi ne, %convert_element_type3A_825, %cond3A_826 : i32
      scf.if %cond3A_827 {
        %add3A_927 = arith.constant 4 : i32
        %add3A_928 = arith.addi %add3A_798, %add3A_927 : i32
        %ge3A = arith.constant 8 : i32
        %ge3A_929 = arith.cmpi sge, %add3A_928, %ge3A : i32
        %convert_element_type3A_930 = arith.extui %ge3A_929 : i1 to i32
        %cond3A_931 = arith.constant 0 : i32
        %cond3A_932 = arith.cmpi ne, %convert_element_type3A_930, %cond3A_931 : i32
        scf.if %cond3A_932 {
          %dma_wait3A_946 = arith.constant 0 : i32
          %dma_wait3A_947 = arith.constant 0 : i32
          %dma_wait3A_948 = arith.constant 0 : i32
          %dma_wait3A_949 = arith.constant 0 : i32
          %dma_wait3A_950 = tpu.memref_slice %arg8[%dma_wait3A_946, %dma_wait3A_948, %dma_wait3A_949] : memref<8x64x64xf32, #tpu.memory_space<vmem>> -> memref<1x64x64xf32, #tpu.memory_space<vmem>>
          %dma_wait3A_951 = tpu.memref_squeeze %dma_wait3A_950 : memref<1x64x64xf32, #tpu.memory_space<vmem>> -> memref<64x64xf32, #tpu.memory_space<vmem>>
          %dma_wait3A_952 = arith.constant 0 : i32
          %dma_wait3A_953 = tpu.memref_slice %arg7[%dma_wait3A_947, %dma_wait3A_952] : memref<80x64xi32, #tpu.memory_space<vmem>> -> memref<1x64xi32, #tpu.memory_space<vmem>>
          %dma_wait3A_954 = tpu.memref_squeeze %dma_wait3A_953 : memref<1x64xi32, #tpu.memory_space<vmem>> -> memref<64xi32, #tpu.memory_space<vmem>>
          %dma_wait3A_955 = arith.constant 0 : i32
          %dma_wait3A_956 = arith.constant 0 : i32
          %dma_wait3A_957 = tpu.memref_slice %arg10[%dma_wait3A_955, %dma_wait3A_956] : memref<10112x64xf32, #tpu.memory_space<vmem_shared>> -> memref<10112x64xf32, #tpu.memory_space<vmem_shared>>
          tpu.wait_indirect_dma semaphore(%arg19 : memref<!tpu.dma_semaphore, #tpu.memory_space<semaphore_mem>>) src(%dma_wait3A_951 : memref<64x64xf32, #tpu.memory_space<vmem>>) dst(%dma_wait3A_957 : memref<10112x64xf32, #tpu.memory_space<vmem_shared>>)
        } else {
        }
        %add3A_933 = arith.constant 4 : i32
        %add3A_934 = arith.addi %add3A_798, %add3A_933 : i32
        %dma_start3A_935 = arith.constant 0 : i32
        %dma_start3A_936 = arith.constant 0 : i32
        %dma_start3A_937 = arith.constant 0 : i32
        %dma_start3A_938 = tpu.memref_slice %arg8[%dma_start3A_935, %dma_start3A_936, %dma_start3A_937] : memref<8x64x64xf32, #tpu.memory_space<vmem>> -> memref<1x64x64xf32, #tpu.memory_space<vmem>>
        %dma_start3A_939 = tpu.memref_squeeze %dma_start3A_938 : memref<1x64x64xf32, #tpu.memory_space<vmem>> -> memref<64x64xf32, #tpu.memory_space<vmem>>
        %dma_start3A_940 = arith.constant 0 : i32
        %dma_start3A_941 = tpu.memref_slice %arg6[%add3A_934, %dma_start3A_940] : memref<80x64xi32, #tpu.memory_space<vmem>> -> memref<1x64xi32, #tpu.memory_space<vmem>>
        %dma_start3A_942 = tpu.memref_squeeze %dma_start3A_941 : memref<1x64xi32, #tpu.memory_space<vmem>> -> memref<64xi32, #tpu.memory_space<vmem>>
        %dma_start3A_943 = arith.constant 0 : i32
        %dma_start3A_944 = arith.constant 0 : i32
        %dma_start3A_945 = tpu.memref_slice %arg9[%dma_start3A_943, %dma_start3A_944] : memref<10112x64xf32, #tpu.memory_space<vmem_shared>> -> memref<10112x64xf32, #tpu.memory_space<vmem_shared>>
        tpu.enqueue_indirect_dma source(%dma_start3A_945 : memref<10112x64xf32, #tpu.memory_space<vmem_shared>>) target(%dma_start3A_939 : memref<64x64xf32, #tpu.memory_space<vmem>>) offsets(%dma_start3A_942 : memref<64xi32, #tpu.memory_space<vmem>>) semaphore(%arg11 : memref<!tpu.dma_semaphore, #tpu.memory_space<semaphore_mem>>)
      } else {
      }
      %mul3A_828 = arith.constant 8 : i32
      %mul3A_829 = arith.muli %scan3A_665, %mul3A_828 : i32
      %add3A_830 = arith.constant 5 : i32
      %add3A_831 = arith.addi %mul3A_829, %add3A_830 : i32
      %dma_wait3A_832 = arith.constant 5 : i32
      %dma_wait3A_833 = arith.constant 0 : i32
      %dma_wait3A_834 = arith.constant 0 : i32
      %dma_wait3A_835 = tpu.memref_slice %arg8[%dma_wait3A_832, %dma_wait3A_833, %dma_wait3A_834] : memref<8x64x64xf32, #tpu.memory_space<vmem>> -> memref<1x64x64xf32, #tpu.memory_space<vmem>>
      %dma_wait3A_836 = tpu.memref_squeeze %dma_wait3A_835 : memref<1x64x64xf32, #tpu.memory_space<vmem>> -> memref<64x64xf32, #tpu.memory_space<vmem>>
      %dma_wait3A_837 = arith.constant 0 : i32
      %dma_wait3A_838 = tpu.memref_slice %arg6[%add3A_831, %dma_wait3A_837] : memref<80x64xi32, #tpu.memory_space<vmem>> -> memref<1x64xi32, #tpu.memory_space<vmem>>
      %dma_wait3A_839 = tpu.memref_squeeze %dma_wait3A_838 : memref<1x64xi32, #tpu.memory_space<vmem>> -> memref<64xi32, #tpu.memory_space<vmem>>
      %dma_wait3A_840 = arith.constant 0 : i32
      %dma_wait3A_841 = arith.constant 0 : i32
      %dma_wait3A_842 = tpu.memref_slice %arg9[%dma_wait3A_840, %dma_wait3A_841] : memref<10112x64xf32, #tpu.memory_space<vmem_shared>> -> memref<10112x64xf32, #tpu.memory_space<vmem_shared>>
      tpu.wait_indirect_dma semaphore(%arg16 : memref<!tpu.dma_semaphore, #tpu.memory_space<semaphore_mem>>) src(%dma_wait3A_842 : memref<10112x64xf32, #tpu.memory_space<vmem_shared>>) dst(%dma_wait3A_836 : memref<64x64xf32, #tpu.memory_space<vmem>>)
      %dma_start3A_843 = arith.constant 5 : i32
      %dma_start3A_844 = arith.constant 0 : i32
      %dma_start3A_845 = arith.constant 0 : i32
      %dma_start3A_846 = tpu.memref_slice %arg8[%dma_start3A_843, %dma_start3A_844, %dma_start3A_845] : memref<8x64x64xf32, #tpu.memory_space<vmem>> -> memref<1x64x64xf32, #tpu.memory_space<vmem>>
      %dma_start3A_847 = tpu.memref_squeeze %dma_start3A_846 : memref<1x64x64xf32, #tpu.memory_space<vmem>> -> memref<64x64xf32, #tpu.memory_space<vmem>>
      %dma_start3A_848 = arith.constant 0 : i32
      %dma_start3A_849 = tpu.memref_slice %arg7[%add3A_831, %dma_start3A_848] : memref<80x64xi32, #tpu.memory_space<vmem>> -> memref<1x64xi32, #tpu.memory_space<vmem>>
      %dma_start3A_850 = tpu.memref_squeeze %dma_start3A_849 : memref<1x64xi32, #tpu.memory_space<vmem>> -> memref<64xi32, #tpu.memory_space<vmem>>
      %dma_start3A_851 = arith.constant 0 : i32
      %dma_start3A_852 = arith.constant 0 : i32
      %dma_start3A_853 = tpu.memref_slice %arg10[%dma_start3A_851, %dma_start3A_852] : memref<10112x64xf32, #tpu.memory_space<vmem_shared>> -> memref<10112x64xf32, #tpu.memory_space<vmem_shared>>
      tpu.enqueue_indirect_dma source(%dma_start3A_847 : memref<64x64xf32, #tpu.memory_space<vmem>>) target(%dma_start3A_853 : memref<10112x64xf32, #tpu.memory_space<vmem_shared>>) offsets(%dma_start3A_850 : memref<64xi32, #tpu.memory_space<vmem>>) semaphore(%arg24 : memref<!tpu.dma_semaphore, #tpu.memory_space<semaphore_mem>>) {add = true}
      %add3A_854 = arith.constant 4 : i32
      %add3A_855 = arith.addi %add3A_831, %add3A_854 : i32
      %lt3A_856 = arith.constant 80 : i32
      %lt3A_857 = arith.cmpi slt, %add3A_855, %lt3A_856 : i32
      %convert_element_type3A_858 = arith.extui %lt3A_857 : i1 to i32
      %cond3A_859 = arith.constant 0 : i32
      %cond3A_860 = arith.cmpi ne, %convert_element_type3A_858, %cond3A_859 : i32
      scf.if %cond3A_860 {
        %add3A_927 = arith.constant 4 : i32
        %add3A_928 = arith.addi %add3A_831, %add3A_927 : i32
        %ge3A = arith.constant 8 : i32
        %ge3A_929 = arith.cmpi sge, %add3A_928, %ge3A : i32
        %convert_element_type3A_930 = arith.extui %ge3A_929 : i1 to i32
        %cond3A_931 = arith.constant 0 : i32
        %cond3A_932 = arith.cmpi ne, %convert_element_type3A_930, %cond3A_931 : i32
        scf.if %cond3A_932 {
          %dma_wait3A_946 = arith.constant 1 : i32
          %dma_wait3A_947 = arith.constant 0 : i32
          %dma_wait3A_948 = arith.constant 0 : i32
          %dma_wait3A_949 = arith.constant 0 : i32
          %dma_wait3A_950 = tpu.memref_slice %arg8[%dma_wait3A_946, %dma_wait3A_948, %dma_wait3A_949] : memref<8x64x64xf32, #tpu.memory_space<vmem>> -> memref<1x64x64xf32, #tpu.memory_space<vmem>>
          %dma_wait3A_951 = tpu.memref_squeeze %dma_wait3A_950 : memref<1x64x64xf32, #tpu.memory_space<vmem>> -> memref<64x64xf32, #tpu.memory_space<vmem>>
          %dma_wait3A_952 = arith.constant 0 : i32
          %dma_wait3A_953 = tpu.memref_slice %arg7[%dma_wait3A_947, %dma_wait3A_952] : memref<80x64xi32, #tpu.memory_space<vmem>> -> memref<1x64xi32, #tpu.memory_space<vmem>>
          %dma_wait3A_954 = tpu.memref_squeeze %dma_wait3A_953 : memref<1x64xi32, #tpu.memory_space<vmem>> -> memref<64xi32, #tpu.memory_space<vmem>>
          %dma_wait3A_955 = arith.constant 0 : i32
          %dma_wait3A_956 = arith.constant 0 : i32
          %dma_wait3A_957 = tpu.memref_slice %arg10[%dma_wait3A_955, %dma_wait3A_956] : memref<10112x64xf32, #tpu.memory_space<vmem_shared>> -> memref<10112x64xf32, #tpu.memory_space<vmem_shared>>
          tpu.wait_indirect_dma semaphore(%arg20 : memref<!tpu.dma_semaphore, #tpu.memory_space<semaphore_mem>>) src(%dma_wait3A_951 : memref<64x64xf32, #tpu.memory_space<vmem>>) dst(%dma_wait3A_957 : memref<10112x64xf32, #tpu.memory_space<vmem_shared>>)
        } else {
        }
        %add3A_933 = arith.constant 4 : i32
        %add3A_934 = arith.addi %add3A_831, %add3A_933 : i32
        %dma_start3A_935 = arith.constant 1 : i32
        %dma_start3A_936 = arith.constant 0 : i32
        %dma_start3A_937 = arith.constant 0 : i32
        %dma_start3A_938 = tpu.memref_slice %arg8[%dma_start3A_935, %dma_start3A_936, %dma_start3A_937] : memref<8x64x64xf32, #tpu.memory_space<vmem>> -> memref<1x64x64xf32, #tpu.memory_space<vmem>>
        %dma_start3A_939 = tpu.memref_squeeze %dma_start3A_938 : memref<1x64x64xf32, #tpu.memory_space<vmem>> -> memref<64x64xf32, #tpu.memory_space<vmem>>
        %dma_start3A_940 = arith.constant 0 : i32
        %dma_start3A_941 = tpu.memref_slice %arg6[%add3A_934, %dma_start3A_940] : memref<80x64xi32, #tpu.memory_space<vmem>> -> memref<1x64xi32, #tpu.memory_space<vmem>>
        %dma_start3A_942 = tpu.memref_squeeze %dma_start3A_941 : memref<1x64xi32, #tpu.memory_space<vmem>> -> memref<64xi32, #tpu.memory_space<vmem>>
        %dma_start3A_943 = arith.constant 0 : i32
        %dma_start3A_944 = arith.constant 0 : i32
        %dma_start3A_945 = tpu.memref_slice %arg9[%dma_start3A_943, %dma_start3A_944] : memref<10112x64xf32, #tpu.memory_space<vmem_shared>> -> memref<10112x64xf32, #tpu.memory_space<vmem_shared>>
        tpu.enqueue_indirect_dma source(%dma_start3A_945 : memref<10112x64xf32, #tpu.memory_space<vmem_shared>>) target(%dma_start3A_939 : memref<64x64xf32, #tpu.memory_space<vmem>>) offsets(%dma_start3A_942 : memref<64xi32, #tpu.memory_space<vmem>>) semaphore(%arg12 : memref<!tpu.dma_semaphore, #tpu.memory_space<semaphore_mem>>)
      } else {
      }
      %mul3A_861 = arith.constant 8 : i32
      %mul3A_862 = arith.muli %scan3A_665, %mul3A_861 : i32
      %add3A_863 = arith.constant 6 : i32
      %add3A_864 = arith.addi %mul3A_862, %add3A_863 : i32
      %dma_wait3A_865 = arith.constant 6 : i32
      %dma_wait3A_866 = arith.constant 0 : i32
      %dma_wait3A_867 = arith.constant 0 : i32
      %dma_wait3A_868 = tpu.memref_slice %arg8[%dma_wait3A_865, %dma_wait3A_866, %dma_wait3A_867] : memref<8x64x64xf32, #tpu.memory_space<vmem>> -> memref<1x64x64xf32, #tpu.memory_space<vmem>>
      %dma_wait3A_869 = tpu.memref_squeeze %dma_wait3A_868 : memref<1x64x64xf32, #tpu.memory_space<vmem>> -> memref<64x64xf32, #tpu.memory_space<vmem>>
      %dma_wait3A_870 = arith.constant 0 : i32
      %dma_wait3A_871 = tpu.memref_slice %arg6[%add3A_864, %dma_wait3A_870] : memref<80x64xi32, #tpu.memory_space<vmem>> -> memref<1x64xi32, #tpu.memory_space<vmem>>
      %dma_wait3A_872 = tpu.memref_squeeze %dma_wait3A_871 : memref<1x64xi32, #tpu.memory_space<vmem>> -> memref<64xi32, #tpu.memory_space<vmem>>
      %dma_wait3A_873 = arith.constant 0 : i32
      %dma_wait3A_874 = arith.constant 0 : i32
      %dma_wait3A_875 = tpu.memref_slice %arg9[%dma_wait3A_873, %dma_wait3A_874] : memref<10112x64xf32, #tpu.memory_space<vmem_shared>> -> memref<10112x64xf32, #tpu.memory_space<vmem_shared>>
      tpu.wait_indirect_dma semaphore(%arg17 : memref<!tpu.dma_semaphore, #tpu.memory_space<semaphore_mem>>) src(%dma_wait3A_875 : memref<10112x64xf32, #tpu.memory_space<vmem_shared>>) dst(%dma_wait3A_869 : memref<64x64xf32, #tpu.memory_space<vmem>>)
      %dma_start3A_876 = arith.constant 6 : i32
      %dma_start3A_877 = arith.constant 0 : i32
      %dma_start3A_878 = arith.constant 0 : i32
      %dma_start3A_879 = tpu.memref_slice %arg8[%dma_start3A_876, %dma_start3A_877, %dma_start3A_878] : memref<8x64x64xf32, #tpu.memory_space<vmem>> -> memref<1x64x64xf32, #tpu.memory_space<vmem>>
      %dma_start3A_880 = tpu.memref_squeeze %dma_start3A_879 : memref<1x64x64xf32, #tpu.memory_space<vmem>> -> memref<64x64xf32, #tpu.memory_space<vmem>>
      %dma_start3A_881 = arith.constant 0 : i32
      %dma_start3A_882 = tpu.memref_slice %arg7[%add3A_864, %dma_start3A_881] : memref<80x64xi32, #tpu.memory_space<vmem>> -> memref<1x64xi32, #tpu.memory_space<vmem>>
      %dma_start3A_883 = tpu.memref_squeeze %dma_start3A_882 : memref<1x64xi32, #tpu.memory_space<vmem>> -> memref<64xi32, #tpu.memory_space<vmem>>
      %dma_start3A_884 = arith.constant 0 : i32
      %dma_start3A_885 = arith.constant 0 : i32
      %dma_start3A_886 = tpu.memref_slice %arg10[%dma_start3A_884, %dma_start3A_885] : memref<10112x64xf32, #tpu.memory_space<vmem_shared>> -> memref<10112x64xf32, #tpu.memory_space<vmem_shared>>
      tpu.enqueue_indirect_dma source(%dma_start3A_880 : memref<64x64xf32, #tpu.memory_space<vmem>>) target(%dma_start3A_886 : memref<10112x64xf32, #tpu.memory_space<vmem_shared>>) offsets(%dma_start3A_883 : memref<64xi32, #tpu.memory_space<vmem>>) semaphore(%arg25 : memref<!tpu.dma_semaphore, #tpu.memory_space<semaphore_mem>>) {add = true}
      %add3A_887 = arith.constant 4 : i32
      %add3A_888 = arith.addi %add3A_864, %add3A_887 : i32
      %lt3A_889 = arith.constant 80 : i32
      %lt3A_890 = arith.cmpi slt, %add3A_888, %lt3A_889 : i32
      %convert_element_type3A_891 = arith.extui %lt3A_890 : i1 to i32
      %cond3A_892 = arith.constant 0 : i32
      %cond3A_893 = arith.cmpi ne, %convert_element_type3A_891, %cond3A_892 : i32
      scf.if %cond3A_893 {
        %add3A_927 = arith.constant 4 : i32
        %add3A_928 = arith.addi %add3A_864, %add3A_927 : i32
        %ge3A = arith.constant 8 : i32
        %ge3A_929 = arith.cmpi sge, %add3A_928, %ge3A : i32
        %convert_element_type3A_930 = arith.extui %ge3A_929 : i1 to i32
        %cond3A_931 = arith.constant 0 : i32
        %cond3A_932 = arith.cmpi ne, %convert_element_type3A_930, %cond3A_931 : i32
        scf.if %cond3A_932 {
          %dma_wait3A_946 = arith.constant 2 : i32
          %dma_wait3A_947 = arith.constant 0 : i32
          %dma_wait3A_948 = arith.constant 0 : i32
          %dma_wait3A_949 = arith.constant 0 : i32
          %dma_wait3A_950 = tpu.memref_slice %arg8[%dma_wait3A_946, %dma_wait3A_948, %dma_wait3A_949] : memref<8x64x64xf32, #tpu.memory_space<vmem>> -> memref<1x64x64xf32, #tpu.memory_space<vmem>>
          %dma_wait3A_951 = tpu.memref_squeeze %dma_wait3A_950 : memref<1x64x64xf32, #tpu.memory_space<vmem>> -> memref<64x64xf32, #tpu.memory_space<vmem>>
          %dma_wait3A_952 = arith.constant 0 : i32
          %dma_wait3A_953 = tpu.memref_slice %arg7[%dma_wait3A_947, %dma_wait3A_952] : memref<80x64xi32, #tpu.memory_space<vmem>> -> memref<1x64xi32, #tpu.memory_space<vmem>>
          %dma_wait3A_954 = tpu.memref_squeeze %dma_wait3A_953 : memref<1x64xi32, #tpu.memory_space<vmem>> -> memref<64xi32, #tpu.memory_space<vmem>>
          %dma_wait3A_955 = arith.constant 0 : i32
          %dma_wait3A_956 = arith.constant 0 : i32
          %dma_wait3A_957 = tpu.memref_slice %arg10[%dma_wait3A_955, %dma_wait3A_956] : memref<10112x64xf32, #tpu.memory_space<vmem_shared>> -> memref<10112x64xf32, #tpu.memory_space<vmem_shared>>
          tpu.wait_indirect_dma semaphore(%arg21 : memref<!tpu.dma_semaphore, #tpu.memory_space<semaphore_mem>>) src(%dma_wait3A_951 : memref<64x64xf32, #tpu.memory_space<vmem>>) dst(%dma_wait3A_957 : memref<10112x64xf32, #tpu.memory_space<vmem_shared>>)
        } else {
        }
        %add3A_933 = arith.constant 4 : i32
        %add3A_934 = arith.addi %add3A_864, %add3A_933 : i32
        %dma_start3A_935 = arith.constant 2 : i32
        %dma_start3A_936 = arith.constant 0 : i32
        %dma_start3A_937 = arith.constant 0 : i32
        %dma_start3A_938 = tpu.memref_slice %arg8[%dma_start3A_935, %dma_start3A_936, %dma_start3A_937] : memref<8x64x64xf32, #tpu.memory_space<vmem>> -> memref<1x64x64xf32, #tpu.memory_space<vmem>>
        %dma_start3A_939 = tpu.memref_squeeze %dma_start3A_938 : memref<1x64x64xf32, #tpu.memory_space<vmem>> -> memref<64x64xf32, #tpu.memory_space<vmem>>
        %dma_start3A_940 = arith.constant 0 : i32
        %dma_start3A_941 = tpu.memref_slice %arg6[%add3A_934, %dma_start3A_940] : memref<80x64xi32, #tpu.memory_space<vmem>> -> memref<1x64xi32, #tpu.memory_space<vmem>>
        %dma_start3A_942 = tpu.memref_squeeze %dma_start3A_941 : memref<1x64xi32, #tpu.memory_space<vmem>> -> memref<64xi32, #tpu.memory_space<vmem>>
        %dma_start3A_943 = arith.constant 0 : i32
        %dma_start3A_944 = arith.constant 0 : i32
        %dma_start3A_945 = tpu.memref_slice %arg9[%dma_start3A_943, %dma_start3A_944] : memref<10112x64xf32, #tpu.memory_space<vmem_shared>> -> memref<10112x64xf32, #tpu.memory_space<vmem_shared>>
        tpu.enqueue_indirect_dma source(%dma_start3A_945 : memref<10112x64xf32, #tpu.memory_space<vmem_shared>>) target(%dma_start3A_939 : memref<64x64xf32, #tpu.memory_space<vmem>>) offsets(%dma_start3A_942 : memref<64xi32, #tpu.memory_space<vmem>>) semaphore(%arg13 : memref<!tpu.dma_semaphore, #tpu.memory_space<semaphore_mem>>)
      } else {
      }
      %mul3A_894 = arith.constant 8 : i32
      %mul3A_895 = arith.muli %scan3A_665, %mul3A_894 : i32
      %add3A_896 = arith.constant 7 : i32
      %add3A_897 = arith.addi %mul3A_895, %add3A_896 : i32
      %dma_wait3A_898 = arith.constant 7 : i32
      %dma_wait3A_899 = arith.constant 0 : i32
      %dma_wait3A_900 = arith.constant 0 : i32
      %dma_wait3A_901 = tpu.memref_slice %arg8[%dma_wait3A_898, %dma_wait3A_899, %dma_wait3A_900] : memref<8x64x64xf32, #tpu.memory_space<vmem>> -> memref<1x64x64xf32, #tpu.memory_space<vmem>>
      %dma_wait3A_902 = tpu.memref_squeeze %dma_wait3A_901 : memref<1x64x64xf32, #tpu.memory_space<vmem>> -> memref<64x64xf32, #tpu.memory_space<vmem>>
      %dma_wait3A_903 = arith.constant 0 : i32
      %dma_wait3A_904 = tpu.memref_slice %arg6[%add3A_897, %dma_wait3A_903] : memref<80x64xi32, #tpu.memory_space<vmem>> -> memref<1x64xi32, #tpu.memory_space<vmem>>
      %dma_wait3A_905 = tpu.memref_squeeze %dma_wait3A_904 : memref<1x64xi32, #tpu.memory_space<vmem>> -> memref<64xi32, #tpu.memory_space<vmem>>
      %dma_wait3A_906 = arith.constant 0 : i32
      %dma_wait3A_907 = arith.constant 0 : i32
      %dma_wait3A_908 = tpu.memref_slice %arg9[%dma_wait3A_906, %dma_wait3A_907] : memref<10112x64xf32, #tpu.memory_space<vmem_shared>> -> memref<10112x64xf32, #tpu.memory_space<vmem_shared>>
      tpu.wait_indirect_dma semaphore(%arg18 : memref<!tpu.dma_semaphore, #tpu.memory_space<semaphore_mem>>) src(%dma_wait3A_908 : memref<10112x64xf32, #tpu.memory_space<vmem_shared>>) dst(%dma_wait3A_902 : memref<64x64xf32, #tpu.memory_space<vmem>>)
      %dma_start3A_909 = arith.constant 7 : i32
      %dma_start3A_910 = arith.constant 0 : i32
      %dma_start3A_911 = arith.constant 0 : i32
      %dma_start3A_912 = tpu.memref_slice %arg8[%dma_start3A_909, %dma_start3A_910, %dma_start3A_911] : memref<8x64x64xf32, #tpu.memory_space<vmem>> -> memref<1x64x64xf32, #tpu.memory_space<vmem>>
      %dma_start3A_913 = tpu.memref_squeeze %dma_start3A_912 : memref<1x64x64xf32, #tpu.memory_space<vmem>> -> memref<64x64xf32, #tpu.memory_space<vmem>>
      %dma_start3A_914 = arith.constant 0 : i32
      %dma_start3A_915 = tpu.memref_slice %arg7[%add3A_897, %dma_start3A_914] : memref<80x64xi32, #tpu.memory_space<vmem>> -> memref<1x64xi32, #tpu.memory_space<vmem>>
      %dma_start3A_916 = tpu.memref_squeeze %dma_start3A_915 : memref<1x64xi32, #tpu.memory_space<vmem>> -> memref<64xi32, #tpu.memory_space<vmem>>
      %dma_start3A_917 = arith.constant 0 : i32
      %dma_start3A_918 = arith.constant 0 : i32
      %dma_start3A_919 = tpu.memref_slice %arg10[%dma_start3A_917, %dma_start3A_918] : memref<10112x64xf32, #tpu.memory_space<vmem_shared>> -> memref<10112x64xf32, #tpu.memory_space<vmem_shared>>
      tpu.enqueue_indirect_dma source(%dma_start3A_913 : memref<64x64xf32, #tpu.memory_space<vmem>>) target(%dma_start3A_919 : memref<10112x64xf32, #tpu.memory_space<vmem_shared>>) offsets(%dma_start3A_916 : memref<64xi32, #tpu.memory_space<vmem>>) semaphore(%arg26 : memref<!tpu.dma_semaphore, #tpu.memory_space<semaphore_mem>>) {add = true}
      %add3A_920 = arith.constant 4 : i32
      %add3A_921 = arith.addi %add3A_897, %add3A_920 : i32
      %lt3A_922 = arith.constant 80 : i32
      %lt3A_923 = arith.cmpi slt, %add3A_921, %lt3A_922 : i32
      %convert_element_type3A_924 = arith.extui %lt3A_923 : i1 to i32
      %cond3A_925 = arith.constant 0 : i32
      %cond3A_926 = arith.cmpi ne, %convert_element_type3A_924, %cond3A_925 : i32
      scf.if %cond3A_926 {
        %add3A_927 = arith.constant 4 : i32
        %add3A_928 = arith.addi %add3A_897, %add3A_927 : i32
        %ge3A = arith.constant 8 : i32
        %ge3A_929 = arith.cmpi sge, %add3A_928, %ge3A : i32
        %convert_element_type3A_930 = arith.extui %ge3A_929 : i1 to i32
        %cond3A_931 = arith.constant 0 : i32
        %cond3A_932 = arith.cmpi ne, %convert_element_type3A_930, %cond3A_931 : i32
        scf.if %cond3A_932 {
          %dma_wait3A_946 = arith.constant 3 : i32
          %dma_wait3A_947 = arith.constant 0 : i32
          %dma_wait3A_948 = arith.constant 0 : i32
          %dma_wait3A_949 = arith.constant 0 : i32
          %dma_wait3A_950 = tpu.memref_slice %arg8[%dma_wait3A_946, %dma_wait3A_948, %dma_wait3A_949] : memref<8x64x64xf32, #tpu.memory_space<vmem>> -> memref<1x64x64xf32, #tpu.memory_space<vmem>>
          %dma_wait3A_951 = tpu.memref_squeeze %dma_wait3A_950 : memref<1x64x64xf32, #tpu.memory_space<vmem>> -> memref<64x64xf32, #tpu.memory_space<vmem>>
          %dma_wait3A_952 = arith.constant 0 : i32
          %dma_wait3A_953 = tpu.memref_slice %arg7[%dma_wait3A_947, %dma_wait3A_952] : memref<80x64xi32, #tpu.memory_space<vmem>> -> memref<1x64xi32, #tpu.memory_space<vmem>>
          %dma_wait3A_954 = tpu.memref_squeeze %dma_wait3A_953 : memref<1x64xi32, #tpu.memory_space<vmem>> -> memref<64xi32, #tpu.memory_space<vmem>>
          %dma_wait3A_955 = arith.constant 0 : i32
          %dma_wait3A_956 = arith.constant 0 : i32
          %dma_wait3A_957 = tpu.memref_slice %arg10[%dma_wait3A_955, %dma_wait3A_956] : memref<10112x64xf32, #tpu.memory_space<vmem_shared>> -> memref<10112x64xf32, #tpu.memory_space<vmem_shared>>
          tpu.wait_indirect_dma semaphore(%arg22 : memref<!tpu.dma_semaphore, #tpu.memory_space<semaphore_mem>>) src(%dma_wait3A_951 : memref<64x64xf32, #tpu.memory_space<vmem>>) dst(%dma_wait3A_957 : memref<10112x64xf32, #tpu.memory_space<vmem_shared>>)
        } else {
        }
        %add3A_933 = arith.constant 4 : i32
        %add3A_934 = arith.addi %add3A_897, %add3A_933 : i32
        %dma_start3A_935 = arith.constant 3 : i32
        %dma_start3A_936 = arith.constant 0 : i32
        %dma_start3A_937 = arith.constant 0 : i32
        %dma_start3A_938 = tpu.memref_slice %arg8[%dma_start3A_935, %dma_start3A_936, %dma_start3A_937] : memref<8x64x64xf32, #tpu.memory_space<vmem>> -> memref<1x64x64xf32, #tpu.memory_space<vmem>>
        %dma_start3A_939 = tpu.memref_squeeze %dma_start3A_938 : memref<1x64x64xf32, #tpu.memory_space<vmem>> -> memref<64x64xf32, #tpu.memory_space<vmem>>
        %dma_start3A_940 = arith.constant 0 : i32
        %dma_start3A_941 = tpu.memref_slice %arg6[%add3A_934, %dma_start3A_940] : memref<80x64xi32, #tpu.memory_space<vmem>> -> memref<1x64xi32, #tpu.memory_space<vmem>>
        %dma_start3A_942 = tpu.memref_squeeze %dma_start3A_941 : memref<1x64xi32, #tpu.memory_space<vmem>> -> memref<64xi32, #tpu.memory_space<vmem>>
        %dma_start3A_943 = arith.constant 0 : i32
        %dma_start3A_944 = arith.constant 0 : i32
        %dma_start3A_945 = tpu.memref_slice %arg9[%dma_start3A_943, %dma_start3A_944] : memref<10112x64xf32, #tpu.memory_space<vmem_shared>> -> memref<10112x64xf32, #tpu.memory_space<vmem_shared>>
        tpu.enqueue_indirect_dma source(%dma_start3A_945 : memref<10112x64xf32, #tpu.memory_space<vmem_shared>>) target(%dma_start3A_939 : memref<64x64xf32, #tpu.memory_space<vmem>>) offsets(%dma_start3A_942 : memref<64xi32, #tpu.memory_space<vmem>>) semaphore(%arg14 : memref<!tpu.dma_semaphore, #tpu.memory_space<semaphore_mem>>)
      } else {
      }
    }
    %scan3A_417 = arith.constant 10 : i32
    %dma_wait3A_418 = arith.constant 0 : i32
    %dma_wait3A_419 = arith.constant 0 : i32
    %dma_wait3A_420 = arith.constant 0 : i32
    %dma_wait3A_421 = arith.constant 0 : i32
    %dma_wait3A_422 = tpu.memref_slice %arg8[%dma_wait3A_418, %dma_wait3A_420, %dma_wait3A_421] : memref<8x64x64xf32, #tpu.memory_space<vmem>> -> memref<1x64x64xf32, #tpu.memory_space<vmem>>
    %dma_wait3A_423 = tpu.memref_squeeze %dma_wait3A_422 : memref<1x64x64xf32, #tpu.memory_space<vmem>> -> memref<64x64xf32, #tpu.memory_space<vmem>>
    %dma_wait3A_424 = arith.constant 0 : i32
    %dma_wait3A_425 = tpu.memref_slice %arg7[%dma_wait3A_419, %dma_wait3A_424] : memref<80x64xi32, #tpu.memory_space<vmem>> -> memref<1x64xi32, #tpu.memory_space<vmem>>
    %dma_wait3A_426 = tpu.memref_squeeze %dma_wait3A_425 : memref<1x64xi32, #tpu.memory_space<vmem>> -> memref<64xi32, #tpu.memory_space<vmem>>
    %dma_wait3A_427 = arith.constant 0 : i32
    %dma_wait3A_428 = arith.constant 0 : i32
    %dma_wait3A_429 = tpu.memref_slice %arg10[%dma_wait3A_427, %dma_wait3A_428] : memref<10112x64xf32, #tpu.memory_space<vmem_shared>> -> memref<10112x64xf32, #tpu.memory_space<vmem_shared>>
    tpu.wait_indirect_dma semaphore(%arg19 : memref<!tpu.dma_semaphore, #tpu.memory_space<semaphore_mem>>) src(%dma_wait3A_423 : memref<64x64xf32, #tpu.memory_space<vmem>>) dst(%dma_wait3A_429 : memref<10112x64xf32, #tpu.memory_space<vmem_shared>>)
    %dma_wait3A_430 = arith.constant 1 : i32
    %dma_wait3A_431 = arith.constant 0 : i32
    %dma_wait3A_432 = arith.constant 0 : i32
    %dma_wait3A_433 = arith.constant 0 : i32
    %dma_wait3A_434 = tpu.memref_slice %arg8[%dma_wait3A_430, %dma_wait3A_432, %dma_wait3A_433] : memref<8x64x64xf32, #tpu.memory_space<vmem>> -> memref<1x64x64xf32, #tpu.memory_space<vmem>>
    %dma_wait3A_435 = tpu.memref_squeeze %dma_wait3A_434 : memref<1x64x64xf32, #tpu.memory_space<vmem>> -> memref<64x64xf32, #tpu.memory_space<vmem>>
    %dma_wait3A_436 = arith.constant 0 : i32
    %dma_wait3A_437 = tpu.memref_slice %arg7[%dma_wait3A_431, %dma_wait3A_436] : memref<80x64xi32, #tpu.memory_space<vmem>> -> memref<1x64xi32, #tpu.memory_space<vmem>>
    %dma_wait3A_438 = tpu.memref_squeeze %dma_wait3A_437 : memref<1x64xi32, #tpu.memory_space<vmem>> -> memref<64xi32, #tpu.memory_space<vmem>>
    %dma_wait3A_439 = arith.constant 0 : i32
    %dma_wait3A_440 = arith.constant 0 : i32
    %dma_wait3A_441 = tpu.memref_slice %arg10[%dma_wait3A_439, %dma_wait3A_440] : memref<10112x64xf32, #tpu.memory_space<vmem_shared>> -> memref<10112x64xf32, #tpu.memory_space<vmem_shared>>
    tpu.wait_indirect_dma semaphore(%arg20 : memref<!tpu.dma_semaphore, #tpu.memory_space<semaphore_mem>>) src(%dma_wait3A_435 : memref<64x64xf32, #tpu.memory_space<vmem>>) dst(%dma_wait3A_441 : memref<10112x64xf32, #tpu.memory_space<vmem_shared>>)
    %dma_wait3A_442 = arith.constant 2 : i32
    %dma_wait3A_443 = arith.constant 0 : i32
    %dma_wait3A_444 = arith.constant 0 : i32
    %dma_wait3A_445 = arith.constant 0 : i32
    %dma_wait3A_446 = tpu.memref_slice %arg8[%dma_wait3A_442, %dma_wait3A_444, %dma_wait3A_445] : memref<8x64x64xf32, #tpu.memory_space<vmem>> -> memref<1x64x64xf32, #tpu.memory_space<vmem>>
    %dma_wait3A_447 = tpu.memref_squeeze %dma_wait3A_446 : memref<1x64x64xf32, #tpu.memory_space<vmem>> -> memref<64x64xf32, #tpu.memory_space<vmem>>
    %dma_wait3A_448 = arith.constant 0 : i32
    %dma_wait3A_449 = tpu.memref_slice %arg7[%dma_wait3A_443, %dma_wait3A_448] : memref<80x64xi32, #tpu.memory_space<vmem>> -> memref<1x64xi32, #tpu.memory_space<vmem>>
    %dma_wait3A_450 = tpu.memref_squeeze %dma_wait3A_449 : memref<1x64xi32, #tpu.memory_space<vmem>> -> memref<64xi32, #tpu.memory_space<vmem>>
    %dma_wait3A_451 = arith.constant 0 : i32
    %dma_wait3A_452 = arith.constant 0 : i32
    %dma_wait3A_453 = tpu.memref_slice %arg10[%dma_wait3A_451, %dma_wait3A_452] : memref<10112x64xf32, #tpu.memory_space<vmem_shared>> -> memref<10112x64xf32, #tpu.memory_space<vmem_shared>>
    tpu.wait_indirect_dma semaphore(%arg21 : memref<!tpu.dma_semaphore, #tpu.memory_space<semaphore_mem>>) src(%dma_wait3A_447 : memref<64x64xf32, #tpu.memory_space<vmem>>) dst(%dma_wait3A_453 : memref<10112x64xf32, #tpu.memory_space<vmem_shared>>)
    %dma_wait3A_454 = arith.constant 3 : i32
    %dma_wait3A_455 = arith.constant 0 : i32
    %dma_wait3A_456 = arith.constant 0 : i32
    %dma_wait3A_457 = arith.constant 0 : i32
    %dma_wait3A_458 = tpu.memref_slice %arg8[%dma_wait3A_454, %dma_wait3A_456, %dma_wait3A_457] : memref<8x64x64xf32, #tpu.memory_space<vmem>> -> memref<1x64x64xf32, #tpu.memory_space<vmem>>
    %dma_wait3A_459 = tpu.memref_squeeze %dma_wait3A_458 : memref<1x64x64xf32, #tpu.memory_space<vmem>> -> memref<64x64xf32, #tpu.memory_space<vmem>>
    %dma_wait3A_460 = arith.constant 0 : i32
    %dma_wait3A_461 = tpu.memref_slice %arg7[%dma_wait3A_455, %dma_wait3A_460] : memref<80x64xi32, #tpu.memory_space<vmem>> -> memref<1x64xi32, #tpu.memory_space<vmem>>
    %dma_wait3A_462 = tpu.memref_squeeze %dma_wait3A_461 : memref<1x64xi32, #tpu.memory_space<vmem>> -> memref<64xi32, #tpu.memory_space<vmem>>
    %dma_wait3A_463 = arith.constant 0 : i32
    %dma_wait3A_464 = arith.constant 0 : i32
    %dma_wait3A_465 = tpu.memref_slice %arg10[%dma_wait3A_463, %dma_wait3A_464] : memref<10112x64xf32, #tpu.memory_space<vmem_shared>> -> memref<10112x64xf32, #tpu.memory_space<vmem_shared>>
    tpu.wait_indirect_dma semaphore(%arg22 : memref<!tpu.dma_semaphore, #tpu.memory_space<semaphore_mem>>) src(%dma_wait3A_459 : memref<64x64xf32, #tpu.memory_space<vmem>>) dst(%dma_wait3A_465 : memref<10112x64xf32, #tpu.memory_space<vmem_shared>>)
    %dma_wait3A_466 = arith.constant 4 : i32
    %dma_wait3A_467 = arith.constant 0 : i32
    %dma_wait3A_468 = arith.constant 0 : i32
    %dma_wait3A_469 = arith.constant 0 : i32
    %dma_wait3A_470 = tpu.memref_slice %arg8[%dma_wait3A_466, %dma_wait3A_468, %dma_wait3A_469] : memref<8x64x64xf32, #tpu.memory_space<vmem>> -> memref<1x64x64xf32, #tpu.memory_space<vmem>>
    %dma_wait3A_471 = tpu.memref_squeeze %dma_wait3A_470 : memref<1x64x64xf32, #tpu.memory_space<vmem>> -> memref<64x64xf32, #tpu.memory_space<vmem>>
    %dma_wait3A_472 = arith.constant 0 : i32
    %dma_wait3A_473 = tpu.memref_slice %arg7[%dma_wait3A_467, %dma_wait3A_472] : memref<80x64xi32, #tpu.memory_space<vmem>> -> memref<1x64xi32, #tpu.memory_space<vmem>>
    %dma_wait3A_474 = tpu.memref_squeeze %dma_wait3A_473 : memref<1x64xi32, #tpu.memory_space<vmem>> -> memref<64xi32, #tpu.memory_space<vmem>>
    %dma_wait3A_475 = arith.constant 0 : i32
    %dma_wait3A_476 = arith.constant 0 : i32
    %dma_wait3A_477 = tpu.memref_slice %arg10[%dma_wait3A_475, %dma_wait3A_476] : memref<10112x64xf32, #tpu.memory_space<vmem_shared>> -> memref<10112x64xf32, #tpu.memory_space<vmem_shared>>
    tpu.wait_indirect_dma semaphore(%arg23 : memref<!tpu.dma_semaphore, #tpu.memory_space<semaphore_mem>>) src(%dma_wait3A_471 : memref<64x64xf32, #tpu.memory_space<vmem>>) dst(%dma_wait3A_477 : memref<10112x64xf32, #tpu.memory_space<vmem_shared>>)
    %dma_wait3A_478 = arith.constant 5 : i32
    %dma_wait3A_479 = arith.constant 0 : i32
    %dma_wait3A_480 = arith.constant 0 : i32
    %dma_wait3A_481 = arith.constant 0 : i32
    %dma_wait3A_482 = tpu.memref_slice %arg8[%dma_wait3A_478, %dma_wait3A_480, %dma_wait3A_481] : memref<8x64x64xf32, #tpu.memory_space<vmem>> -> memref<1x64x64xf32, #tpu.memory_space<vmem>>
    %dma_wait3A_483 = tpu.memref_squeeze %dma_wait3A_482 : memref<1x64x64xf32, #tpu.memory_space<vmem>> -> memref<64x64xf32, #tpu.memory_space<vmem>>
    %dma_wait3A_484 = arith.constant 0 : i32
    %dma_wait3A_485 = tpu.memref_slice %arg7[%dma_wait3A_479, %dma_wait3A_484] : memref<80x64xi32, #tpu.memory_space<vmem>> -> memref<1x64xi32, #tpu.memory_space<vmem>>
    %dma_wait3A_486 = tpu.memref_squeeze %dma_wait3A_485 : memref<1x64xi32, #tpu.memory_space<vmem>> -> memref<64xi32, #tpu.memory_space<vmem>>
    %dma_wait3A_487 = arith.constant 0 : i32
    %dma_wait3A_488 = arith.constant 0 : i32
    %dma_wait3A_489 = tpu.memref_slice %arg10[%dma_wait3A_487, %dma_wait3A_488] : memref<10112x64xf32, #tpu.memory_space<vmem_shared>> -> memref<10112x64xf32, #tpu.memory_space<vmem_shared>>
    tpu.wait_indirect_dma semaphore(%arg24 : memref<!tpu.dma_semaphore, #tpu.memory_space<semaphore_mem>>) src(%dma_wait3A_483 : memref<64x64xf32, #tpu.memory_space<vmem>>) dst(%dma_wait3A_489 : memref<10112x64xf32, #tpu.memory_space<vmem_shared>>)
    %dma_wait3A_490 = arith.constant 6 : i32
    %dma_wait3A_491 = arith.constant 0 : i32
    %dma_wait3A_492 = arith.constant 0 : i32
    %dma_wait3A_493 = arith.constant 0 : i32
    %dma_wait3A_494 = tpu.memref_slice %arg8[%dma_wait3A_490, %dma_wait3A_492, %dma_wait3A_493] : memref<8x64x64xf32, #tpu.memory_space<vmem>> -> memref<1x64x64xf32, #tpu.memory_space<vmem>>
    %dma_wait3A_495 = tpu.memref_squeeze %dma_wait3A_494 : memref<1x64x64xf32, #tpu.memory_space<vmem>> -> memref<64x64xf32, #tpu.memory_space<vmem>>
    %dma_wait3A_496 = arith.constant 0 : i32
    %dma_wait3A_497 = tpu.memref_slice %arg7[%dma_wait3A_491, %dma_wait3A_496] : memref<80x64xi32, #tpu.memory_space<vmem>> -> memref<1x64xi32, #tpu.memory_space<vmem>>
    %dma_wait3A_498 = tpu.memref_squeeze %dma_wait3A_497 : memref<1x64xi32, #tpu.memory_space<vmem>> -> memref<64xi32, #tpu.memory_space<vmem>>
    %dma_wait3A_499 = arith.constant 0 : i32
    %dma_wait3A_500 = arith.constant 0 : i32
    %dma_wait3A_501 = tpu.memref_slice %arg10[%dma_wait3A_499, %dma_wait3A_500] : memref<10112x64xf32, #tpu.memory_space<vmem_shared>> -> memref<10112x64xf32, #tpu.memory_space<vmem_shared>>
    tpu.wait_indirect_dma semaphore(%arg25 : memref<!tpu.dma_semaphore, #tpu.memory_space<semaphore_mem>>) src(%dma_wait3A_495 : memref<64x64xf32, #tpu.memory_space<vmem>>) dst(%dma_wait3A_501 : memref<10112x64xf32, #tpu.memory_space<vmem_shared>>)
    %dma_wait3A_502 = arith.constant 7 : i32
    %dma_wait3A_503 = arith.constant 0 : i32
    %dma_wait3A_504 = arith.constant 0 : i32
    %dma_wait3A_505 = arith.constant 0 : i32
    %dma_wait3A_506 = tpu.memref_slice %arg8[%dma_wait3A_502, %dma_wait3A_504, %dma_wait3A_505] : memref<8x64x64xf32, #tpu.memory_space<vmem>> -> memref<1x64x64xf32, #tpu.memory_space<vmem>>
    %dma_wait3A_507 = tpu.memref_squeeze %dma_wait3A_506 : memref<1x64x64xf32, #tpu.memory_space<vmem>> -> memref<64x64xf32, #tpu.memory_space<vmem>>
    %dma_wait3A_508 = arith.constant 0 : i32
    %dma_wait3A_509 = tpu.memref_slice %arg7[%dma_wait3A_503, %dma_wait3A_508] : memref<80x64xi32, #tpu.memory_space<vmem>> -> memref<1x64xi32, #tpu.memory_space<vmem>>
    %dma_wait3A_510 = tpu.memref_squeeze %dma_wait3A_509 : memref<1x64xi32, #tpu.memory_space<vmem>> -> memref<64xi32, #tpu.memory_space<vmem>>
    %dma_wait3A_511 = arith.constant 0 : i32
    %dma_wait3A_512 = arith.constant 0 : i32
    %dma_wait3A_513 = tpu.memref_slice %arg10[%dma_wait3A_511, %dma_wait3A_512] : memref<10112x64xf32, #tpu.memory_space<vmem_shared>> -> memref<10112x64xf32, #tpu.memory_space<vmem_shared>>
    tpu.wait_indirect_dma semaphore(%arg26 : memref<!tpu.dma_semaphore, #tpu.memory_space<semaphore_mem>>) src(%dma_wait3A_507 : memref<64x64xf32, #tpu.memory_space<vmem>>) dst(%dma_wait3A_513 : memref<10112x64xf32, #tpu.memory_space<vmem_shared>>)
    "tpu.region"() ({
      %run_scoped3A_665 = tpu.sem_alloc : memref<!tpu.dma_semaphore, #tpu.memory_space<semaphore_mem>>
      %dma_start3A_666 = arith.constant 240 : i32
      %dma_start3A_667 = arith.constant 0 : i32
      %dma_start3A_668 = tpu.memref_slice %arg3[%arg1, %dma_start3A_666, %dma_start3A_667] : memref<16x320x64xi32, #tpu.memory_space<hbm>> -> memref<1x80x64xi32, #tpu.memory_space<hbm>>
      %dma_start3A_669 = tpu.memref_squeeze %dma_start3A_668 : memref<1x80x64xi32, #tpu.memory_space<hbm>> -> memref<80x64xi32, #tpu.memory_space<hbm>>
      %dma_start3A_670 = arith.constant 240 : i32
      %dma_start3A_671 = arith.constant 0 : i32
      %dma_start3A_672 = tpu.memref_slice %arg3[%arg1, %dma_start3A_670, %dma_start3A_671] : memref<16x320x64xi32, #tpu.memory_space<hbm>> -> memref<1x80x64xi32, #tpu.memory_space<hbm>>
      %dma_start3A_673 = tpu.memref_squeeze %dma_start3A_672 : memref<1x80x64xi32, #tpu.memory_space<hbm>> -> memref<80x64xi32, #tpu.memory_space<hbm>>
      tpu.enqueue_dma source(%dma_start3A_673 : memref<80x64xi32, #tpu.memory_space<hbm>>) target(%arg6 : memref<80x64xi32, #tpu.memory_space<vmem>>) target_semaphore(%run_scoped3A_665 : memref<!tpu.dma_semaphore, #tpu.memory_space<semaphore_mem>>)
      %dma_wait3A_674 = arith.constant 240 : i32
      %dma_wait3A_675 = arith.constant 0 : i32
      %dma_wait3A_676 = tpu.memref_slice %arg3[%arg1, %dma_wait3A_674, %dma_wait3A_675] : memref<16x320x64xi32, #tpu.memory_space<hbm>> -> memref<1x80x64xi32, #tpu.memory_space<hbm>>
      %dma_wait3A_677 = tpu.memref_squeeze %dma_wait3A_676 : memref<1x80x64xi32, #tpu.memory_space<hbm>> -> memref<80x64xi32, #tpu.memory_space<hbm>>
      %dma_wait3A_678 = arith.constant 240 : i32
      %dma_wait3A_679 = arith.constant 0 : i32
      %dma_wait3A_680 = tpu.memref_slice %arg3[%arg1, %dma_wait3A_678, %dma_wait3A_679] : memref<16x320x64xi32, #tpu.memory_space<hbm>> -> memref<1x80x64xi32, #tpu.memory_space<hbm>>
      %dma_wait3A_681 = tpu.memref_squeeze %dma_wait3A_680 : memref<1x80x64xi32, #tpu.memory_space<hbm>> -> memref<80x64xi32, #tpu.memory_space<hbm>>
      tpu.wait_dma2 semaphore(%run_scoped3A_665 : memref<!tpu.dma_semaphore, #tpu.memory_space<semaphore_mem>>) src(%dma_wait3A_681 : memref<80x64xi32, #tpu.memory_space<hbm>>) dst(%arg6 : memref<80x64xi32, #tpu.memory_space<vmem>>)
      tpu.yield
    }) : () -> ()
    "tpu.region"() ({
      %run_scoped3A_665 = tpu.sem_alloc : memref<!tpu.dma_semaphore, #tpu.memory_space<semaphore_mem>>
      %dma_start3A_666 = arith.constant 240 : i32
      %dma_start3A_667 = arith.constant 0 : i32
      %dma_start3A_668 = tpu.memref_slice %arg4[%arg1, %dma_start3A_666, %dma_start3A_667] : memref<16x320x64xi32, #tpu.memory_space<hbm>> -> memref<1x80x64xi32, #tpu.memory_space<hbm>>
      %dma_start3A_669 = tpu.memref_squeeze %dma_start3A_668 : memref<1x80x64xi32, #tpu.memory_space<hbm>> -> memref<80x64xi32, #tpu.memory_space<hbm>>
      %dma_start3A_670 = arith.constant 240 : i32
      %dma_start3A_671 = arith.constant 0 : i32
      %dma_start3A_672 = tpu.memref_slice %arg4[%arg1, %dma_start3A_670, %dma_start3A_671] : memref<16x320x64xi32, #tpu.memory_space<hbm>> -> memref<1x80x64xi32, #tpu.memory_space<hbm>>
      %dma_start3A_673 = tpu.memref_squeeze %dma_start3A_672 : memref<1x80x64xi32, #tpu.memory_space<hbm>> -> memref<80x64xi32, #tpu.memory_space<hbm>>
      tpu.enqueue_dma source(%dma_start3A_673 : memref<80x64xi32, #tpu.memory_space<hbm>>) target(%arg7 : memref<80x64xi32, #tpu.memory_space<vmem>>) target_semaphore(%run_scoped3A_665 : memref<!tpu.dma_semaphore, #tpu.memory_space<semaphore_mem>>)
      %dma_wait3A_674 = arith.constant 240 : i32
      %dma_wait3A_675 = arith.constant 0 : i32
      %dma_wait3A_676 = tpu.memref_slice %arg4[%arg1, %dma_wait3A_674, %dma_wait3A_675] : memref<16x320x64xi32, #tpu.memory_space<hbm>> -> memref<1x80x64xi32, #tpu.memory_space<hbm>>
      %dma_wait3A_677 = tpu.memref_squeeze %dma_wait3A_676 : memref<1x80x64xi32, #tpu.memory_space<hbm>> -> memref<80x64xi32, #tpu.memory_space<hbm>>
      %dma_wait3A_678 = arith.constant 240 : i32
      %dma_wait3A_679 = arith.constant 0 : i32
      %dma_wait3A_680 = tpu.memref_slice %arg4[%arg1, %dma_wait3A_678, %dma_wait3A_679] : memref<16x320x64xi32, #tpu.memory_space<hbm>> -> memref<1x80x64xi32, #tpu.memory_space<hbm>>
      %dma_wait3A_681 = tpu.memref_squeeze %dma_wait3A_680 : memref<1x80x64xi32, #tpu.memory_space<hbm>> -> memref<80x64xi32, #tpu.memory_space<hbm>>
      tpu.wait_dma2 semaphore(%run_scoped3A_665 : memref<!tpu.dma_semaphore, #tpu.memory_space<semaphore_mem>>) src(%dma_wait3A_681 : memref<80x64xi32, #tpu.memory_space<hbm>>) dst(%arg7 : memref<80x64xi32, #tpu.memory_space<vmem>>)
      tpu.yield
    }) : () -> ()
    %dma_start3A_514 = arith.constant 0 : i32
    %dma_start3A_515 = arith.constant 0 : i32
    %dma_start3A_516 = arith.constant 0 : i32
    %dma_start3A_517 = arith.constant 0 : i32
    %dma_start3A_518 = tpu.memref_slice %arg8[%dma_start3A_515, %dma_start3A_516, %dma_start3A_517] : memref<8x64x64xf32, #tpu.memory_space<vmem>> -> memref<1x64x64xf32, #tpu.memory_space<vmem>>
    %dma_start3A_519 = tpu.memref_squeeze %dma_start3A_518 : memref<1x64x64xf32, #tpu.memory_space<vmem>> -> memref<64x64xf32, #tpu.memory_space<vmem>>
    %dma_start3A_520 = arith.constant 0 : i32
    %dma_start3A_521 = tpu.memref_slice %arg6[%dma_start3A_514, %dma_start3A_520] : memref<80x64xi32, #tpu.memory_space<vmem>> -> memref<1x64xi32, #tpu.memory_space<vmem>>
    %dma_start3A_522 = tpu.memref_squeeze %dma_start3A_521 : memref<1x64xi32, #tpu.memory_space<vmem>> -> memref<64xi32, #tpu.memory_space<vmem>>
    %dma_start3A_523 = arith.constant 0 : i32
    %dma_start3A_524 = arith.constant 0 : i32
    %dma_start3A_525 = tpu.memref_slice %arg9[%dma_start3A_523, %dma_start3A_524] : memref<10112x64xf32, #tpu.memory_space<vmem_shared>> -> memref<10112x64xf32, #tpu.memory_space<vmem_shared>>
    tpu.enqueue_indirect_dma source(%dma_start3A_525 : memref<10112x64xf32, #tpu.memory_space<vmem_shared>>) target(%dma_start3A_519 : memref<64x64xf32, #tpu.memory_space<vmem>>) offsets(%dma_start3A_522 : memref<64xi32, #tpu.memory_space<vmem>>) semaphore(%arg11 : memref<!tpu.dma_semaphore, #tpu.memory_space<semaphore_mem>>)
    %dma_start3A_526 = arith.constant 1 : i32
    %dma_start3A_527 = arith.constant 1 : i32
    %dma_start3A_528 = arith.constant 0 : i32
    %dma_start3A_529 = arith.constant 0 : i32
    %dma_start3A_530 = tpu.memref_slice %arg8[%dma_start3A_527, %dma_start3A_528, %dma_start3A_529] : memref<8x64x64xf32, #tpu.memory_space<vmem>> -> memref<1x64x64xf32, #tpu.memory_space<vmem>>
    %dma_start3A_531 = tpu.memref_squeeze %dma_start3A_530 : memref<1x64x64xf32, #tpu.memory_space<vmem>> -> memref<64x64xf32, #tpu.memory_space<vmem>>
    %dma_start3A_532 = arith.constant 0 : i32
    %dma_start3A_533 = tpu.memref_slice %arg6[%dma_start3A_526, %dma_start3A_532] : memref<80x64xi32, #tpu.memory_space<vmem>> -> memref<1x64xi32, #tpu.memory_space<vmem>>
    %dma_start3A_534 = tpu.memref_squeeze %dma_start3A_533 : memref<1x64xi32, #tpu.memory_space<vmem>> -> memref<64xi32, #tpu.memory_space<vmem>>
    %dma_start3A_535 = arith.constant 0 : i32
    %dma_start3A_536 = arith.constant 0 : i32
    %dma_start3A_537 = tpu.memref_slice %arg9[%dma_start3A_535, %dma_start3A_536] : memref<10112x64xf32, #tpu.memory_space<vmem_shared>> -> memref<10112x64xf32, #tpu.memory_space<vmem_shared>>
    tpu.enqueue_indirect_dma source(%dma_start3A_537 : memref<10112x64xf32, #tpu.memory_space<vmem_shared>>) target(%dma_start3A_531 : memref<64x64xf32, #tpu.memory_space<vmem>>) offsets(%dma_start3A_534 : memref<64xi32, #tpu.memory_space<vmem>>) semaphore(%arg12 : memref<!tpu.dma_semaphore, #tpu.memory_space<semaphore_mem>>)
    %dma_start3A_538 = arith.constant 2 : i32
    %dma_start3A_539 = arith.constant 2 : i32
    %dma_start3A_540 = arith.constant 0 : i32
    %dma_start3A_541 = arith.constant 0 : i32
    %dma_start3A_542 = tpu.memref_slice %arg8[%dma_start3A_539, %dma_start3A_540, %dma_start3A_541] : memref<8x64x64xf32, #tpu.memory_space<vmem>> -> memref<1x64x64xf32, #tpu.memory_space<vmem>>
    %dma_start3A_543 = tpu.memref_squeeze %dma_start3A_542 : memref<1x64x64xf32, #tpu.memory_space<vmem>> -> memref<64x64xf32, #tpu.memory_space<vmem>>
    %dma_start3A_544 = arith.constant 0 : i32
    %dma_start3A_545 = tpu.memref_slice %arg6[%dma_start3A_538, %dma_start3A_544] : memref<80x64xi32, #tpu.memory_space<vmem>> -> memref<1x64xi32, #tpu.memory_space<vmem>>
    %dma_start3A_546 = tpu.memref_squeeze %dma_start3A_545 : memref<1x64xi32, #tpu.memory_space<vmem>> -> memref<64xi32, #tpu.memory_space<vmem>>
    %dma_start3A_547 = arith.constant 0 : i32
    %dma_start3A_548 = arith.constant 0 : i32
    %dma_start3A_549 = tpu.memref_slice %arg9[%dma_start3A_547, %dma_start3A_548] : memref<10112x64xf32, #tpu.memory_space<vmem_shared>> -> memref<10112x64xf32, #tpu.memory_space<vmem_shared>>
    tpu.enqueue_indirect_dma source(%dma_start3A_549 : memref<10112x64xf32, #tpu.memory_space<vmem_shared>>) target(%dma_start3A_543 : memref<64x64xf32, #tpu.memory_space<vmem>>) offsets(%dma_start3A_546 : memref<64xi32, #tpu.memory_space<vmem>>) semaphore(%arg13 : memref<!tpu.dma_semaphore, #tpu.memory_space<semaphore_mem>>)
    %dma_start3A_550 = arith.constant 3 : i32
    %dma_start3A_551 = arith.constant 3 : i32
    %dma_start3A_552 = arith.constant 0 : i32
    %dma_start3A_553 = arith.constant 0 : i32
    %dma_start3A_554 = tpu.memref_slice %arg8[%dma_start3A_551, %dma_start3A_552, %dma_start3A_553] : memref<8x64x64xf32, #tpu.memory_space<vmem>> -> memref<1x64x64xf32, #tpu.memory_space<vmem>>
    %dma_start3A_555 = tpu.memref_squeeze %dma_start3A_554 : memref<1x64x64xf32, #tpu.memory_space<vmem>> -> memref<64x64xf32, #tpu.memory_space<vmem>>
    %dma_start3A_556 = arith.constant 0 : i32
    %dma_start3A_557 = tpu.memref_slice %arg6[%dma_start3A_550, %dma_start3A_556] : memref<80x64xi32, #tpu.memory_space<vmem>> -> memref<1x64xi32, #tpu.memory_space<vmem>>
    %dma_start3A_558 = tpu.memref_squeeze %dma_start3A_557 : memref<1x64xi32, #tpu.memory_space<vmem>> -> memref<64xi32, #tpu.memory_space<vmem>>
    %dma_start3A_559 = arith.constant 0 : i32
    %dma_start3A_560 = arith.constant 0 : i32
    %dma_start3A_561 = tpu.memref_slice %arg9[%dma_start3A_559, %dma_start3A_560] : memref<10112x64xf32, #tpu.memory_space<vmem_shared>> -> memref<10112x64xf32, #tpu.memory_space<vmem_shared>>
    tpu.enqueue_indirect_dma source(%dma_start3A_561 : memref<10112x64xf32, #tpu.memory_space<vmem_shared>>) target(%dma_start3A_555 : memref<64x64xf32, #tpu.memory_space<vmem>>) offsets(%dma_start3A_558 : memref<64xi32, #tpu.memory_space<vmem>>) semaphore(%arg14 : memref<!tpu.dma_semaphore, #tpu.memory_space<semaphore_mem>>)
    %scan3A_562 = arith.constant 0 : i32
    %scan3A_563 = arith.constant 0 : i32
    %scan3A_564 = arith.constant 10 : i32
    %scan3A_565 = arith.addi %scan3A_563, %scan3A_564 : i32
    %scan3A_566 = arith.constant 1 : i32
    scf.for %scan3A_665 = %scan3A_563 to %scan3A_565 step %scan3A_566  : i32 {
      %mul3A_666 = arith.constant 8 : i32
      %mul3A_667 = arith.muli %scan3A_665, %mul3A_666 : i32
      %add3A_668 = arith.constant 0 : i32
      %add3A_669 = arith.addi %mul3A_667, %add3A_668 : i32
      %dma_wait3A_670 = arith.constant 0 : i32
      %dma_wait3A_671 = arith.constant 0 : i32
      %dma_wait3A_672 = arith.constant 0 : i32
      %dma_wait3A_673 = tpu.memref_slice %arg8[%dma_wait3A_670, %dma_wait3A_671, %dma_wait3A_672] : memref<8x64x64xf32, #tpu.memory_space<vmem>> -> memref<1x64x64xf32, #tpu.memory_space<vmem>>
      %dma_wait3A_674 = tpu.memref_squeeze %dma_wait3A_673 : memref<1x64x64xf32, #tpu.memory_space<vmem>> -> memref<64x64xf32, #tpu.memory_space<vmem>>
      %dma_wait3A_675 = arith.constant 0 : i32
      %dma_wait3A_676 = tpu.memref_slice %arg6[%add3A_669, %dma_wait3A_675] : memref<80x64xi32, #tpu.memory_space<vmem>> -> memref<1x64xi32, #tpu.memory_space<vmem>>
      %dma_wait3A_677 = tpu.memref_squeeze %dma_wait3A_676 : memref<1x64xi32, #tpu.memory_space<vmem>> -> memref<64xi32, #tpu.memory_space<vmem>>
      %dma_wait3A_678 = arith.constant 0 : i32
      %dma_wait3A_679 = arith.constant 0 : i32
      %dma_wait3A_680 = tpu.memref_slice %arg9[%dma_wait3A_678, %dma_wait3A_679] : memref<10112x64xf32, #tpu.memory_space<vmem_shared>> -> memref<10112x64xf32, #tpu.memory_space<vmem_shared>>
      tpu.wait_indirect_dma semaphore(%arg11 : memref<!tpu.dma_semaphore, #tpu.memory_space<semaphore_mem>>) src(%dma_wait3A_680 : memref<10112x64xf32, #tpu.memory_space<vmem_shared>>) dst(%dma_wait3A_674 : memref<64x64xf32, #tpu.memory_space<vmem>>)
      %dma_start3A_681 = arith.constant 0 : i32
      %dma_start3A_682 = arith.constant 0 : i32
      %dma_start3A_683 = arith.constant 0 : i32
      %dma_start3A_684 = tpu.memref_slice %arg8[%dma_start3A_681, %dma_start3A_682, %dma_start3A_683] : memref<8x64x64xf32, #tpu.memory_space<vmem>> -> memref<1x64x64xf32, #tpu.memory_space<vmem>>
      %dma_start3A_685 = tpu.memref_squeeze %dma_start3A_684 : memref<1x64x64xf32, #tpu.memory_space<vmem>> -> memref<64x64xf32, #tpu.memory_space<vmem>>
      %dma_start3A_686 = arith.constant 0 : i32
      %dma_start3A_687 = tpu.memref_slice %arg7[%add3A_669, %dma_start3A_686] : memref<80x64xi32, #tpu.memory_space<vmem>> -> memref<1x64xi32, #tpu.memory_space<vmem>>
      %dma_start3A_688 = tpu.memref_squeeze %dma_start3A_687 : memref<1x64xi32, #tpu.memory_space<vmem>> -> memref<64xi32, #tpu.memory_space<vmem>>
      %dma_start3A_689 = arith.constant 0 : i32
      %dma_start3A_690 = arith.constant 0 : i32
      %dma_start3A_691 = tpu.memref_slice %arg10[%dma_start3A_689, %dma_start3A_690] : memref<10112x64xf32, #tpu.memory_space<vmem_shared>> -> memref<10112x64xf32, #tpu.memory_space<vmem_shared>>
      tpu.enqueue_indirect_dma source(%dma_start3A_685 : memref<64x64xf32, #tpu.memory_space<vmem>>) target(%dma_start3A_691 : memref<10112x64xf32, #tpu.memory_space<vmem_shared>>) offsets(%dma_start3A_688 : memref<64xi32, #tpu.memory_space<vmem>>) semaphore(%arg19 : memref<!tpu.dma_semaphore, #tpu.memory_space<semaphore_mem>>) {add = true}
      %add3A_692 = arith.constant 4 : i32
      %add3A_693 = arith.addi %add3A_669, %add3A_692 : i32
      %lt3A = arith.constant 80 : i32
      %lt3A_694 = arith.cmpi slt, %add3A_693, %lt3A : i32
      %convert_element_type3A = arith.extui %lt3A_694 : i1 to i32
      %cond3A = arith.constant 0 : i32
      %cond3A_695 = arith.cmpi ne, %convert_element_type3A, %cond3A : i32
      scf.if %cond3A_695 {
        %add3A_927 = arith.constant 4 : i32
        %add3A_928 = arith.addi %add3A_669, %add3A_927 : i32
        %ge3A = arith.constant 8 : i32
        %ge3A_929 = arith.cmpi sge, %add3A_928, %ge3A : i32
        %convert_element_type3A_930 = arith.extui %ge3A_929 : i1 to i32
        %cond3A_931 = arith.constant 0 : i32
        %cond3A_932 = arith.cmpi ne, %convert_element_type3A_930, %cond3A_931 : i32
        scf.if %cond3A_932 {
          %dma_wait3A_946 = arith.constant 4 : i32
          %dma_wait3A_947 = arith.constant 0 : i32
          %dma_wait3A_948 = arith.constant 0 : i32
          %dma_wait3A_949 = arith.constant 0 : i32
          %dma_wait3A_950 = tpu.memref_slice %arg8[%dma_wait3A_946, %dma_wait3A_948, %dma_wait3A_949] : memref<8x64x64xf32, #tpu.memory_space<vmem>> -> memref<1x64x64xf32, #tpu.memory_space<vmem>>
          %dma_wait3A_951 = tpu.memref_squeeze %dma_wait3A_950 : memref<1x64x64xf32, #tpu.memory_space<vmem>> -> memref<64x64xf32, #tpu.memory_space<vmem>>
          %dma_wait3A_952 = arith.constant 0 : i32
          %dma_wait3A_953 = tpu.memref_slice %arg7[%dma_wait3A_947, %dma_wait3A_952] : memref<80x64xi32, #tpu.memory_space<vmem>> -> memref<1x64xi32, #tpu.memory_space<vmem>>
          %dma_wait3A_954 = tpu.memref_squeeze %dma_wait3A_953 : memref<1x64xi32, #tpu.memory_space<vmem>> -> memref<64xi32, #tpu.memory_space<vmem>>
          %dma_wait3A_955 = arith.constant 0 : i32
          %dma_wait3A_956 = arith.constant 0 : i32
          %dma_wait3A_957 = tpu.memref_slice %arg10[%dma_wait3A_955, %dma_wait3A_956] : memref<10112x64xf32, #tpu.memory_space<vmem_shared>> -> memref<10112x64xf32, #tpu.memory_space<vmem_shared>>
          tpu.wait_indirect_dma semaphore(%arg23 : memref<!tpu.dma_semaphore, #tpu.memory_space<semaphore_mem>>) src(%dma_wait3A_951 : memref<64x64xf32, #tpu.memory_space<vmem>>) dst(%dma_wait3A_957 : memref<10112x64xf32, #tpu.memory_space<vmem_shared>>)
        } else {
        }
        %add3A_933 = arith.constant 4 : i32
        %add3A_934 = arith.addi %add3A_669, %add3A_933 : i32
        %dma_start3A_935 = arith.constant 4 : i32
        %dma_start3A_936 = arith.constant 0 : i32
        %dma_start3A_937 = arith.constant 0 : i32
        %dma_start3A_938 = tpu.memref_slice %arg8[%dma_start3A_935, %dma_start3A_936, %dma_start3A_937] : memref<8x64x64xf32, #tpu.memory_space<vmem>> -> memref<1x64x64xf32, #tpu.memory_space<vmem>>
        %dma_start3A_939 = tpu.memref_squeeze %dma_start3A_938 : memref<1x64x64xf32, #tpu.memory_space<vmem>> -> memref<64x64xf32, #tpu.memory_space<vmem>>
        %dma_start3A_940 = arith.constant 0 : i32
        %dma_start3A_941 = tpu.memref_slice %arg6[%add3A_934, %dma_start3A_940] : memref<80x64xi32, #tpu.memory_space<vmem>> -> memref<1x64xi32, #tpu.memory_space<vmem>>
        %dma_start3A_942 = tpu.memref_squeeze %dma_start3A_941 : memref<1x64xi32, #tpu.memory_space<vmem>> -> memref<64xi32, #tpu.memory_space<vmem>>
        %dma_start3A_943 = arith.constant 0 : i32
        %dma_start3A_944 = arith.constant 0 : i32
        %dma_start3A_945 = tpu.memref_slice %arg9[%dma_start3A_943, %dma_start3A_944] : memref<10112x64xf32, #tpu.memory_space<vmem_shared>> -> memref<10112x64xf32, #tpu.memory_space<vmem_shared>>
        tpu.enqueue_indirect_dma source(%dma_start3A_945 : memref<10112x64xf32, #tpu.memory_space<vmem_shared>>) target(%dma_start3A_939 : memref<64x64xf32, #tpu.memory_space<vmem>>) offsets(%dma_start3A_942 : memref<64xi32, #tpu.memory_space<vmem>>) semaphore(%arg15 : memref<!tpu.dma_semaphore, #tpu.memory_space<semaphore_mem>>)
      } else {
      }
      %mul3A_696 = arith.constant 8 : i32
      %mul3A_697 = arith.muli %scan3A_665, %mul3A_696 : i32
      %add3A_698 = arith.constant 1 : i32
      %add3A_699 = arith.addi %mul3A_697, %add3A_698 : i32
      %dma_wait3A_700 = arith.constant 1 : i32
      %dma_wait3A_701 = arith.constant 0 : i32
      %dma_wait3A_702 = arith.constant 0 : i32
      %dma_wait3A_703 = tpu.memref_slice %arg8[%dma_wait3A_700, %dma_wait3A_701, %dma_wait3A_702] : memref<8x64x64xf32, #tpu.memory_space<vmem>> -> memref<1x64x64xf32, #tpu.memory_space<vmem>>
      %dma_wait3A_704 = tpu.memref_squeeze %dma_wait3A_703 : memref<1x64x64xf32, #tpu.memory_space<vmem>> -> memref<64x64xf32, #tpu.memory_space<vmem>>
      %dma_wait3A_705 = arith.constant 0 : i32
      %dma_wait3A_706 = tpu.memref_slice %arg6[%add3A_699, %dma_wait3A_705] : memref<80x64xi32, #tpu.memory_space<vmem>> -> memref<1x64xi32, #tpu.memory_space<vmem>>
      %dma_wait3A_707 = tpu.memref_squeeze %dma_wait3A_706 : memref<1x64xi32, #tpu.memory_space<vmem>> -> memref<64xi32, #tpu.memory_space<vmem>>
      %dma_wait3A_708 = arith.constant 0 : i32
      %dma_wait3A_709 = arith.constant 0 : i32
      %dma_wait3A_710 = tpu.memref_slice %arg9[%dma_wait3A_708, %dma_wait3A_709] : memref<10112x64xf32, #tpu.memory_space<vmem_shared>> -> memref<10112x64xf32, #tpu.memory_space<vmem_shared>>
      tpu.wait_indirect_dma semaphore(%arg12 : memref<!tpu.dma_semaphore, #tpu.memory_space<semaphore_mem>>) src(%dma_wait3A_710 : memref<10112x64xf32, #tpu.memory_space<vmem_shared>>) dst(%dma_wait3A_704 : memref<64x64xf32, #tpu.memory_space<vmem>>)
      %dma_start3A_711 = arith.constant 1 : i32
      %dma_start3A_712 = arith.constant 0 : i32
      %dma_start3A_713 = arith.constant 0 : i32
      %dma_start3A_714 = tpu.memref_slice %arg8[%dma_start3A_711, %dma_start3A_712, %dma_start3A_713] : memref<8x64x64xf32, #tpu.memory_space<vmem>> -> memref<1x64x64xf32, #tpu.memory_space<vmem>>
      %dma_start3A_715 = tpu.memref_squeeze %dma_start3A_714 : memref<1x64x64xf32, #tpu.memory_space<vmem>> -> memref<64x64xf32, #tpu.memory_space<vmem>>
      %dma_start3A_716 = arith.constant 0 : i32
      %dma_start3A_717 = tpu.memref_slice %arg7[%add3A_699, %dma_start3A_716] : memref<80x64xi32, #tpu.memory_space<vmem>> -> memref<1x64xi32, #tpu.memory_space<vmem>>
      %dma_start3A_718 = tpu.memref_squeeze %dma_start3A_717 : memref<1x64xi32, #tpu.memory_space<vmem>> -> memref<64xi32, #tpu.memory_space<vmem>>
      %dma_start3A_719 = arith.constant 0 : i32
      %dma_start3A_720 = arith.constant 0 : i32
      %dma_start3A_721 = tpu.memref_slice %arg10[%dma_start3A_719, %dma_start3A_720] : memref<10112x64xf32, #tpu.memory_space<vmem_shared>> -> memref<10112x64xf32, #tpu.memory_space<vmem_shared>>
      tpu.enqueue_indirect_dma source(%dma_start3A_715 : memref<64x64xf32, #tpu.memory_space<vmem>>) target(%dma_start3A_721 : memref<10112x64xf32, #tpu.memory_space<vmem_shared>>) offsets(%dma_start3A_718 : memref<64xi32, #tpu.memory_space<vmem>>) semaphore(%arg20 : memref<!tpu.dma_semaphore, #tpu.memory_space<semaphore_mem>>) {add = true}
      %add3A_722 = arith.constant 4 : i32
      %add3A_723 = arith.addi %add3A_699, %add3A_722 : i32
      %lt3A_724 = arith.constant 80 : i32
      %lt3A_725 = arith.cmpi slt, %add3A_723, %lt3A_724 : i32
      %convert_element_type3A_726 = arith.extui %lt3A_725 : i1 to i32
      %cond3A_727 = arith.constant 0 : i32
      %cond3A_728 = arith.cmpi ne, %convert_element_type3A_726, %cond3A_727 : i32
      scf.if %cond3A_728 {
        %add3A_927 = arith.constant 4 : i32
        %add3A_928 = arith.addi %add3A_699, %add3A_927 : i32
        %ge3A = arith.constant 8 : i32
        %ge3A_929 = arith.cmpi sge, %add3A_928, %ge3A : i32
        %convert_element_type3A_930 = arith.extui %ge3A_929 : i1 to i32
        %cond3A_931 = arith.constant 0 : i32
        %cond3A_932 = arith.cmpi ne, %convert_element_type3A_930, %cond3A_931 : i32
        scf.if %cond3A_932 {
          %dma_wait3A_946 = arith.constant 5 : i32
          %dma_wait3A_947 = arith.constant 0 : i32
          %dma_wait3A_948 = arith.constant 0 : i32
          %dma_wait3A_949 = arith.constant 0 : i32
          %dma_wait3A_950 = tpu.memref_slice %arg8[%dma_wait3A_946, %dma_wait3A_948, %dma_wait3A_949] : memref<8x64x64xf32, #tpu.memory_space<vmem>> -> memref<1x64x64xf32, #tpu.memory_space<vmem>>
          %dma_wait3A_951 = tpu.memref_squeeze %dma_wait3A_950 : memref<1x64x64xf32, #tpu.memory_space<vmem>> -> memref<64x64xf32, #tpu.memory_space<vmem>>
          %dma_wait3A_952 = arith.constant 0 : i32
          %dma_wait3A_953 = tpu.memref_slice %arg7[%dma_wait3A_947, %dma_wait3A_952] : memref<80x64xi32, #tpu.memory_space<vmem>> -> memref<1x64xi32, #tpu.memory_space<vmem>>
          %dma_wait3A_954 = tpu.memref_squeeze %dma_wait3A_953 : memref<1x64xi32, #tpu.memory_space<vmem>> -> memref<64xi32, #tpu.memory_space<vmem>>
          %dma_wait3A_955 = arith.constant 0 : i32
          %dma_wait3A_956 = arith.constant 0 : i32
          %dma_wait3A_957 = tpu.memref_slice %arg10[%dma_wait3A_955, %dma_wait3A_956] : memref<10112x64xf32, #tpu.memory_space<vmem_shared>> -> memref<10112x64xf32, #tpu.memory_space<vmem_shared>>
          tpu.wait_indirect_dma semaphore(%arg24 : memref<!tpu.dma_semaphore, #tpu.memory_space<semaphore_mem>>) src(%dma_wait3A_951 : memref<64x64xf32, #tpu.memory_space<vmem>>) dst(%dma_wait3A_957 : memref<10112x64xf32, #tpu.memory_space<vmem_shared>>)
        } else {
        }
        %add3A_933 = arith.constant 4 : i32
        %add3A_934 = arith.addi %add3A_699, %add3A_933 : i32
        %dma_start3A_935 = arith.constant 5 : i32
        %dma_start3A_936 = arith.constant 0 : i32
        %dma_start3A_937 = arith.constant 0 : i32
        %dma_start3A_938 = tpu.memref_slice %arg8[%dma_start3A_935, %dma_start3A_936, %dma_start3A_937] : memref<8x64x64xf32, #tpu.memory_space<vmem>> -> memref<1x64x64xf32, #tpu.memory_space<vmem>>
        %dma_start3A_939 = tpu.memref_squeeze %dma_start3A_938 : memref<1x64x64xf32, #tpu.memory_space<vmem>> -> memref<64x64xf32, #tpu.memory_space<vmem>>
        %dma_start3A_940 = arith.constant 0 : i32
        %dma_start3A_941 = tpu.memref_slice %arg6[%add3A_934, %dma_start3A_940] : memref<80x64xi32, #tpu.memory_space<vmem>> -> memref<1x64xi32, #tpu.memory_space<vmem>>
        %dma_start3A_942 = tpu.memref_squeeze %dma_start3A_941 : memref<1x64xi32, #tpu.memory_space<vmem>> -> memref<64xi32, #tpu.memory_space<vmem>>
        %dma_start3A_943 = arith.constant 0 : i32
        %dma_start3A_944 = arith.constant 0 : i32
        %dma_start3A_945 = tpu.memref_slice %arg9[%dma_start3A_943, %dma_start3A_944] : memref<10112x64xf32, #tpu.memory_space<vmem_shared>> -> memref<10112x64xf32, #tpu.memory_space<vmem_shared>>
        tpu.enqueue_indirect_dma source(%dma_start3A_945 : memref<10112x64xf32, #tpu.memory_space<vmem_shared>>) target(%dma_start3A_939 : memref<64x64xf32, #tpu.memory_space<vmem>>) offsets(%dma_start3A_942 : memref<64xi32, #tpu.memory_space<vmem>>) semaphore(%arg16 : memref<!tpu.dma_semaphore, #tpu.memory_space<semaphore_mem>>)
      } else {
      }
      %mul3A_729 = arith.constant 8 : i32
      %mul3A_730 = arith.muli %scan3A_665, %mul3A_729 : i32
      %add3A_731 = arith.constant 2 : i32
      %add3A_732 = arith.addi %mul3A_730, %add3A_731 : i32
      %dma_wait3A_733 = arith.constant 2 : i32
      %dma_wait3A_734 = arith.constant 0 : i32
      %dma_wait3A_735 = arith.constant 0 : i32
      %dma_wait3A_736 = tpu.memref_slice %arg8[%dma_wait3A_733, %dma_wait3A_734, %dma_wait3A_735] : memref<8x64x64xf32, #tpu.memory_space<vmem>> -> memref<1x64x64xf32, #tpu.memory_space<vmem>>
      %dma_wait3A_737 = tpu.memref_squeeze %dma_wait3A_736 : memref<1x64x64xf32, #tpu.memory_space<vmem>> -> memref<64x64xf32, #tpu.memory_space<vmem>>
      %dma_wait3A_738 = arith.constant 0 : i32
      %dma_wait3A_739 = tpu.memref_slice %arg6[%add3A_732, %dma_wait3A_738] : memref<80x64xi32, #tpu.memory_space<vmem>> -> memref<1x64xi32, #tpu.memory_space<vmem>>
      %dma_wait3A_740 = tpu.memref_squeeze %dma_wait3A_739 : memref<1x64xi32, #tpu.memory_space<vmem>> -> memref<64xi32, #tpu.memory_space<vmem>>
      %dma_wait3A_741 = arith.constant 0 : i32
      %dma_wait3A_742 = arith.constant 0 : i32
      %dma_wait3A_743 = tpu.memref_slice %arg9[%dma_wait3A_741, %dma_wait3A_742] : memref<10112x64xf32, #tpu.memory_space<vmem_shared>> -> memref<10112x64xf32, #tpu.memory_space<vmem_shared>>
      tpu.wait_indirect_dma semaphore(%arg13 : memref<!tpu.dma_semaphore, #tpu.memory_space<semaphore_mem>>) src(%dma_wait3A_743 : memref<10112x64xf32, #tpu.memory_space<vmem_shared>>) dst(%dma_wait3A_737 : memref<64x64xf32, #tpu.memory_space<vmem>>)
      %dma_start3A_744 = arith.constant 2 : i32
      %dma_start3A_745 = arith.constant 0 : i32
      %dma_start3A_746 = arith.constant 0 : i32
      %dma_start3A_747 = tpu.memref_slice %arg8[%dma_start3A_744, %dma_start3A_745, %dma_start3A_746] : memref<8x64x64xf32, #tpu.memory_space<vmem>> -> memref<1x64x64xf32, #tpu.memory_space<vmem>>
      %dma_start3A_748 = tpu.memref_squeeze %dma_start3A_747 : memref<1x64x64xf32, #tpu.memory_space<vmem>> -> memref<64x64xf32, #tpu.memory_space<vmem>>
      %dma_start3A_749 = arith.constant 0 : i32
      %dma_start3A_750 = tpu.memref_slice %arg7[%add3A_732, %dma_start3A_749] : memref<80x64xi32, #tpu.memory_space<vmem>> -> memref<1x64xi32, #tpu.memory_space<vmem>>
      %dma_start3A_751 = tpu.memref_squeeze %dma_start3A_750 : memref<1x64xi32, #tpu.memory_space<vmem>> -> memref<64xi32, #tpu.memory_space<vmem>>
      %dma_start3A_752 = arith.constant 0 : i32
      %dma_start3A_753 = arith.constant 0 : i32
      %dma_start3A_754 = tpu.memref_slice %arg10[%dma_start3A_752, %dma_start3A_753] : memref<10112x64xf32, #tpu.memory_space<vmem_shared>> -> memref<10112x64xf32, #tpu.memory_space<vmem_shared>>
      tpu.enqueue_indirect_dma source(%dma_start3A_748 : memref<64x64xf32, #tpu.memory_space<vmem>>) target(%dma_start3A_754 : memref<10112x64xf32, #tpu.memory_space<vmem_shared>>) offsets(%dma_start3A_751 : memref<64xi32, #tpu.memory_space<vmem>>) semaphore(%arg21 : memref<!tpu.dma_semaphore, #tpu.memory_space<semaphore_mem>>) {add = true}
      %add3A_755 = arith.constant 4 : i32
      %add3A_756 = arith.addi %add3A_732, %add3A_755 : i32
      %lt3A_757 = arith.constant 80 : i32
      %lt3A_758 = arith.cmpi slt, %add3A_756, %lt3A_757 : i32
      %convert_element_type3A_759 = arith.extui %lt3A_758 : i1 to i32
      %cond3A_760 = arith.constant 0 : i32
      %cond3A_761 = arith.cmpi ne, %convert_element_type3A_759, %cond3A_760 : i32
      scf.if %cond3A_761 {
        %add3A_927 = arith.constant 4 : i32
        %add3A_928 = arith.addi %add3A_732, %add3A_927 : i32
        %ge3A = arith.constant 8 : i32
        %ge3A_929 = arith.cmpi sge, %add3A_928, %ge3A : i32
        %convert_element_type3A_930 = arith.extui %ge3A_929 : i1 to i32
        %cond3A_931 = arith.constant 0 : i32
        %cond3A_932 = arith.cmpi ne, %convert_element_type3A_930, %cond3A_931 : i32
        scf.if %cond3A_932 {
          %dma_wait3A_946 = arith.constant 6 : i32
          %dma_wait3A_947 = arith.constant 0 : i32
          %dma_wait3A_948 = arith.constant 0 : i32
          %dma_wait3A_949 = arith.constant 0 : i32
          %dma_wait3A_950 = tpu.memref_slice %arg8[%dma_wait3A_946, %dma_wait3A_948, %dma_wait3A_949] : memref<8x64x64xf32, #tpu.memory_space<vmem>> -> memref<1x64x64xf32, #tpu.memory_space<vmem>>
          %dma_wait3A_951 = tpu.memref_squeeze %dma_wait3A_950 : memref<1x64x64xf32, #tpu.memory_space<vmem>> -> memref<64x64xf32, #tpu.memory_space<vmem>>
          %dma_wait3A_952 = arith.constant 0 : i32
          %dma_wait3A_953 = tpu.memref_slice %arg7[%dma_wait3A_947, %dma_wait3A_952] : memref<80x64xi32, #tpu.memory_space<vmem>> -> memref<1x64xi32, #tpu.memory_space<vmem>>
          %dma_wait3A_954 = tpu.memref_squeeze %dma_wait3A_953 : memref<1x64xi32, #tpu.memory_space<vmem>> -> memref<64xi32, #tpu.memory_space<vmem>>
          %dma_wait3A_955 = arith.constant 0 : i32
          %dma_wait3A_956 = arith.constant 0 : i32
          %dma_wait3A_957 = tpu.memref_slice %arg10[%dma_wait3A_955, %dma_wait3A_956] : memref<10112x64xf32, #tpu.memory_space<vmem_shared>> -> memref<10112x64xf32, #tpu.memory_space<vmem_shared>>
          tpu.wait_indirect_dma semaphore(%arg25 : memref<!tpu.dma_semaphore, #tpu.memory_space<semaphore_mem>>) src(%dma_wait3A_951 : memref<64x64xf32, #tpu.memory_space<vmem>>) dst(%dma_wait3A_957 : memref<10112x64xf32, #tpu.memory_space<vmem_shared>>)
        } else {
        }
        %add3A_933 = arith.constant 4 : i32
        %add3A_934 = arith.addi %add3A_732, %add3A_933 : i32
        %dma_start3A_935 = arith.constant 6 : i32
        %dma_start3A_936 = arith.constant 0 : i32
        %dma_start3A_937 = arith.constant 0 : i32
        %dma_start3A_938 = tpu.memref_slice %arg8[%dma_start3A_935, %dma_start3A_936, %dma_start3A_937] : memref<8x64x64xf32, #tpu.memory_space<vmem>> -> memref<1x64x64xf32, #tpu.memory_space<vmem>>
        %dma_start3A_939 = tpu.memref_squeeze %dma_start3A_938 : memref<1x64x64xf32, #tpu.memory_space<vmem>> -> memref<64x64xf32, #tpu.memory_space<vmem>>
        %dma_start3A_940 = arith.constant 0 : i32
        %dma_start3A_941 = tpu.memref_slice %arg6[%add3A_934, %dma_start3A_940] : memref<80x64xi32, #tpu.memory_space<vmem>> -> memref<1x64xi32, #tpu.memory_space<vmem>>
        %dma_start3A_942 = tpu.memref_squeeze %dma_start3A_941 : memref<1x64xi32, #tpu.memory_space<vmem>> -> memref<64xi32, #tpu.memory_space<vmem>>
        %dma_start3A_943 = arith.constant 0 : i32
        %dma_start3A_944 = arith.constant 0 : i32
        %dma_start3A_945 = tpu.memref_slice %arg9[%dma_start3A_943, %dma_start3A_944] : memref<10112x64xf32, #tpu.memory_space<vmem_shared>> -> memref<10112x64xf32, #tpu.memory_space<vmem_shared>>
        tpu.enqueue_indirect_dma source(%dma_start3A_945 : memref<10112x64xf32, #tpu.memory_space<vmem_shared>>) target(%dma_start3A_939 : memref<64x64xf32, #tpu.memory_space<vmem>>) offsets(%dma_start3A_942 : memref<64xi32, #tpu.memory_space<vmem>>) semaphore(%arg17 : memref<!tpu.dma_semaphore, #tpu.memory_space<semaphore_mem>>)
      } else {
      }
      %mul3A_762 = arith.constant 8 : i32
      %mul3A_763 = arith.muli %scan3A_665, %mul3A_762 : i32
      %add3A_764 = arith.constant 3 : i32
      %add3A_765 = arith.addi %mul3A_763, %add3A_764 : i32
      %dma_wait3A_766 = arith.constant 3 : i32
      %dma_wait3A_767 = arith.constant 0 : i32
      %dma_wait3A_768 = arith.constant 0 : i32
      %dma_wait3A_769 = tpu.memref_slice %arg8[%dma_wait3A_766, %dma_wait3A_767, %dma_wait3A_768] : memref<8x64x64xf32, #tpu.memory_space<vmem>> -> memref<1x64x64xf32, #tpu.memory_space<vmem>>
      %dma_wait3A_770 = tpu.memref_squeeze %dma_wait3A_769 : memref<1x64x64xf32, #tpu.memory_space<vmem>> -> memref<64x64xf32, #tpu.memory_space<vmem>>
      %dma_wait3A_771 = arith.constant 0 : i32
      %dma_wait3A_772 = tpu.memref_slice %arg6[%add3A_765, %dma_wait3A_771] : memref<80x64xi32, #tpu.memory_space<vmem>> -> memref<1x64xi32, #tpu.memory_space<vmem>>
      %dma_wait3A_773 = tpu.memref_squeeze %dma_wait3A_772 : memref<1x64xi32, #tpu.memory_space<vmem>> -> memref<64xi32, #tpu.memory_space<vmem>>
      %dma_wait3A_774 = arith.constant 0 : i32
      %dma_wait3A_775 = arith.constant 0 : i32
      %dma_wait3A_776 = tpu.memref_slice %arg9[%dma_wait3A_774, %dma_wait3A_775] : memref<10112x64xf32, #tpu.memory_space<vmem_shared>> -> memref<10112x64xf32, #tpu.memory_space<vmem_shared>>
      tpu.wait_indirect_dma semaphore(%arg14 : memref<!tpu.dma_semaphore, #tpu.memory_space<semaphore_mem>>) src(%dma_wait3A_776 : memref<10112x64xf32, #tpu.memory_space<vmem_shared>>) dst(%dma_wait3A_770 : memref<64x64xf32, #tpu.memory_space<vmem>>)
      %dma_start3A_777 = arith.constant 3 : i32
      %dma_start3A_778 = arith.constant 0 : i32
      %dma_start3A_779 = arith.constant 0 : i32
      %dma_start3A_780 = tpu.memref_slice %arg8[%dma_start3A_777, %dma_start3A_778, %dma_start3A_779] : memref<8x64x64xf32, #tpu.memory_space<vmem>> -> memref<1x64x64xf32, #tpu.memory_space<vmem>>
      %dma_start3A_781 = tpu.memref_squeeze %dma_start3A_780 : memref<1x64x64xf32, #tpu.memory_space<vmem>> -> memref<64x64xf32, #tpu.memory_space<vmem>>
      %dma_start3A_782 = arith.constant 0 : i32
      %dma_start3A_783 = tpu.memref_slice %arg7[%add3A_765, %dma_start3A_782] : memref<80x64xi32, #tpu.memory_space<vmem>> -> memref<1x64xi32, #tpu.memory_space<vmem>>
      %dma_start3A_784 = tpu.memref_squeeze %dma_start3A_783 : memref<1x64xi32, #tpu.memory_space<vmem>> -> memref<64xi32, #tpu.memory_space<vmem>>
      %dma_start3A_785 = arith.constant 0 : i32
      %dma_start3A_786 = arith.constant 0 : i32
      %dma_start3A_787 = tpu.memref_slice %arg10[%dma_start3A_785, %dma_start3A_786] : memref<10112x64xf32, #tpu.memory_space<vmem_shared>> -> memref<10112x64xf32, #tpu.memory_space<vmem_shared>>
      tpu.enqueue_indirect_dma source(%dma_start3A_781 : memref<64x64xf32, #tpu.memory_space<vmem>>) target(%dma_start3A_787 : memref<10112x64xf32, #tpu.memory_space<vmem_shared>>) offsets(%dma_start3A_784 : memref<64xi32, #tpu.memory_space<vmem>>) semaphore(%arg22 : memref<!tpu.dma_semaphore, #tpu.memory_space<semaphore_mem>>) {add = true}
      %add3A_788 = arith.constant 4 : i32
      %add3A_789 = arith.addi %add3A_765, %add3A_788 : i32
      %lt3A_790 = arith.constant 80 : i32
      %lt3A_791 = arith.cmpi slt, %add3A_789, %lt3A_790 : i32
      %convert_element_type3A_792 = arith.extui %lt3A_791 : i1 to i32
      %cond3A_793 = arith.constant 0 : i32
      %cond3A_794 = arith.cmpi ne, %convert_element_type3A_792, %cond3A_793 : i32
      scf.if %cond3A_794 {
        %add3A_927 = arith.constant 4 : i32
        %add3A_928 = arith.addi %add3A_765, %add3A_927 : i32
        %ge3A = arith.constant 8 : i32
        %ge3A_929 = arith.cmpi sge, %add3A_928, %ge3A : i32
        %convert_element_type3A_930 = arith.extui %ge3A_929 : i1 to i32
        %cond3A_931 = arith.constant 0 : i32
        %cond3A_932 = arith.cmpi ne, %convert_element_type3A_930, %cond3A_931 : i32
        scf.if %cond3A_932 {
          %dma_wait3A_946 = arith.constant 7 : i32
          %dma_wait3A_947 = arith.constant 0 : i32
          %dma_wait3A_948 = arith.constant 0 : i32
          %dma_wait3A_949 = arith.constant 0 : i32
          %dma_wait3A_950 = tpu.memref_slice %arg8[%dma_wait3A_946, %dma_wait3A_948, %dma_wait3A_949] : memref<8x64x64xf32, #tpu.memory_space<vmem>> -> memref<1x64x64xf32, #tpu.memory_space<vmem>>
          %dma_wait3A_951 = tpu.memref_squeeze %dma_wait3A_950 : memref<1x64x64xf32, #tpu.memory_space<vmem>> -> memref<64x64xf32, #tpu.memory_space<vmem>>
          %dma_wait3A_952 = arith.constant 0 : i32
          %dma_wait3A_953 = tpu.memref_slice %arg7[%dma_wait3A_947, %dma_wait3A_952] : memref<80x64xi32, #tpu.memory_space<vmem>> -> memref<1x64xi32, #tpu.memory_space<vmem>>
          %dma_wait3A_954 = tpu.memref_squeeze %dma_wait3A_953 : memref<1x64xi32, #tpu.memory_space<vmem>> -> memref<64xi32, #tpu.memory_space<vmem>>
          %dma_wait3A_955 = arith.constant 0 : i32
          %dma_wait3A_956 = arith.constant 0 : i32
          %dma_wait3A_957 = tpu.memref_slice %arg10[%dma_wait3A_955, %dma_wait3A_956] : memref<10112x64xf32, #tpu.memory_space<vmem_shared>> -> memref<10112x64xf32, #tpu.memory_space<vmem_shared>>
          tpu.wait_indirect_dma semaphore(%arg26 : memref<!tpu.dma_semaphore, #tpu.memory_space<semaphore_mem>>) src(%dma_wait3A_951 : memref<64x64xf32, #tpu.memory_space<vmem>>) dst(%dma_wait3A_957 : memref<10112x64xf32, #tpu.memory_space<vmem_shared>>)
        } else {
        }
        %add3A_933 = arith.constant 4 : i32
        %add3A_934 = arith.addi %add3A_765, %add3A_933 : i32
        %dma_start3A_935 = arith.constant 7 : i32
        %dma_start3A_936 = arith.constant 0 : i32
        %dma_start3A_937 = arith.constant 0 : i32
        %dma_start3A_938 = tpu.memref_slice %arg8[%dma_start3A_935, %dma_start3A_936, %dma_start3A_937] : memref<8x64x64xf32, #tpu.memory_space<vmem>> -> memref<1x64x64xf32, #tpu.memory_space<vmem>>
        %dma_start3A_939 = tpu.memref_squeeze %dma_start3A_938 : memref<1x64x64xf32, #tpu.memory_space<vmem>> -> memref<64x64xf32, #tpu.memory_space<vmem>>
        %dma_start3A_940 = arith.constant 0 : i32
        %dma_start3A_941 = tpu.memref_slice %arg6[%add3A_934, %dma_start3A_940] : memref<80x64xi32, #tpu.memory_space<vmem>> -> memref<1x64xi32, #tpu.memory_space<vmem>>
        %dma_start3A_942 = tpu.memref_squeeze %dma_start3A_941 : memref<1x64xi32, #tpu.memory_space<vmem>> -> memref<64xi32, #tpu.memory_space<vmem>>
        %dma_start3A_943 = arith.constant 0 : i32
        %dma_start3A_944 = arith.constant 0 : i32
        %dma_start3A_945 = tpu.memref_slice %arg9[%dma_start3A_943, %dma_start3A_944] : memref<10112x64xf32, #tpu.memory_space<vmem_shared>> -> memref<10112x64xf32, #tpu.memory_space<vmem_shared>>
        tpu.enqueue_indirect_dma source(%dma_start3A_945 : memref<10112x64xf32, #tpu.memory_space<vmem_shared>>) target(%dma_start3A_939 : memref<64x64xf32, #tpu.memory_space<vmem>>) offsets(%dma_start3A_942 : memref<64xi32, #tpu.memory_space<vmem>>) semaphore(%arg18 : memref<!tpu.dma_semaphore, #tpu.memory_space<semaphore_mem>>)
      } else {
      }
      %mul3A_795 = arith.constant 8 : i32
      %mul3A_796 = arith.muli %scan3A_665, %mul3A_795 : i32
      %add3A_797 = arith.constant 4 : i32
      %add3A_798 = arith.addi %mul3A_796, %add3A_797 : i32
      %dma_wait3A_799 = arith.constant 4 : i32
      %dma_wait3A_800 = arith.constant 0 : i32
      %dma_wait3A_801 = arith.constant 0 : i32
      %dma_wait3A_802 = tpu.memref_slice %arg8[%dma_wait3A_799, %dma_wait3A_800, %dma_wait3A_801] : memref<8x64x64xf32, #tpu.memory_space<vmem>> -> memref<1x64x64xf32, #tpu.memory_space<vmem>>
      %dma_wait3A_803 = tpu.memref_squeeze %dma_wait3A_802 : memref<1x64x64xf32, #tpu.memory_space<vmem>> -> memref<64x64xf32, #tpu.memory_space<vmem>>
      %dma_wait3A_804 = arith.constant 0 : i32
      %dma_wait3A_805 = tpu.memref_slice %arg6[%add3A_798, %dma_wait3A_804] : memref<80x64xi32, #tpu.memory_space<vmem>> -> memref<1x64xi32, #tpu.memory_space<vmem>>
      %dma_wait3A_806 = tpu.memref_squeeze %dma_wait3A_805 : memref<1x64xi32, #tpu.memory_space<vmem>> -> memref<64xi32, #tpu.memory_space<vmem>>
      %dma_wait3A_807 = arith.constant 0 : i32
      %dma_wait3A_808 = arith.constant 0 : i32
      %dma_wait3A_809 = tpu.memref_slice %arg9[%dma_wait3A_807, %dma_wait3A_808] : memref<10112x64xf32, #tpu.memory_space<vmem_shared>> -> memref<10112x64xf32, #tpu.memory_space<vmem_shared>>
      tpu.wait_indirect_dma semaphore(%arg15 : memref<!tpu.dma_semaphore, #tpu.memory_space<semaphore_mem>>) src(%dma_wait3A_809 : memref<10112x64xf32, #tpu.memory_space<vmem_shared>>) dst(%dma_wait3A_803 : memref<64x64xf32, #tpu.memory_space<vmem>>)
      %dma_start3A_810 = arith.constant 4 : i32
      %dma_start3A_811 = arith.constant 0 : i32
      %dma_start3A_812 = arith.constant 0 : i32
      %dma_start3A_813 = tpu.memref_slice %arg8[%dma_start3A_810, %dma_start3A_811, %dma_start3A_812] : memref<8x64x64xf32, #tpu.memory_space<vmem>> -> memref<1x64x64xf32, #tpu.memory_space<vmem>>
      %dma_start3A_814 = tpu.memref_squeeze %dma_start3A_813 : memref<1x64x64xf32, #tpu.memory_space<vmem>> -> memref<64x64xf32, #tpu.memory_space<vmem>>
      %dma_start3A_815 = arith.constant 0 : i32
      %dma_start3A_816 = tpu.memref_slice %arg7[%add3A_798, %dma_start3A_815] : memref<80x64xi32, #tpu.memory_space<vmem>> -> memref<1x64xi32, #tpu.memory_space<vmem>>
      %dma_start3A_817 = tpu.memref_squeeze %dma_start3A_816 : memref<1x64xi32, #tpu.memory_space<vmem>> -> memref<64xi32, #tpu.memory_space<vmem>>
      %dma_start3A_818 = arith.constant 0 : i32
      %dma_start3A_819 = arith.constant 0 : i32
      %dma_start3A_820 = tpu.memref_slice %arg10[%dma_start3A_818, %dma_start3A_819] : memref<10112x64xf32, #tpu.memory_space<vmem_shared>> -> memref<10112x64xf32, #tpu.memory_space<vmem_shared>>
      tpu.enqueue_indirect_dma source(%dma_start3A_814 : memref<64x64xf32, #tpu.memory_space<vmem>>) target(%dma_start3A_820 : memref<10112x64xf32, #tpu.memory_space<vmem_shared>>) offsets(%dma_start3A_817 : memref<64xi32, #tpu.memory_space<vmem>>) semaphore(%arg23 : memref<!tpu.dma_semaphore, #tpu.memory_space<semaphore_mem>>) {add = true}
      %add3A_821 = arith.constant 4 : i32
      %add3A_822 = arith.addi %add3A_798, %add3A_821 : i32
      %lt3A_823 = arith.constant 80 : i32
      %lt3A_824 = arith.cmpi slt, %add3A_822, %lt3A_823 : i32
      %convert_element_type3A_825 = arith.extui %lt3A_824 : i1 to i32
      %cond3A_826 = arith.constant 0 : i32
      %cond3A_827 = arith.cmpi ne, %convert_element_type3A_825, %cond3A_826 : i32
      scf.if %cond3A_827 {
        %add3A_927 = arith.constant 4 : i32
        %add3A_928 = arith.addi %add3A_798, %add3A_927 : i32
        %ge3A = arith.constant 8 : i32
        %ge3A_929 = arith.cmpi sge, %add3A_928, %ge3A : i32
        %convert_element_type3A_930 = arith.extui %ge3A_929 : i1 to i32
        %cond3A_931 = arith.constant 0 : i32
        %cond3A_932 = arith.cmpi ne, %convert_element_type3A_930, %cond3A_931 : i32
        scf.if %cond3A_932 {
          %dma_wait3A_946 = arith.constant 0 : i32
          %dma_wait3A_947 = arith.constant 0 : i32
          %dma_wait3A_948 = arith.constant 0 : i32
          %dma_wait3A_949 = arith.constant 0 : i32
          %dma_wait3A_950 = tpu.memref_slice %arg8[%dma_wait3A_946, %dma_wait3A_948, %dma_wait3A_949] : memref<8x64x64xf32, #tpu.memory_space<vmem>> -> memref<1x64x64xf32, #tpu.memory_space<vmem>>
          %dma_wait3A_951 = tpu.memref_squeeze %dma_wait3A_950 : memref<1x64x64xf32, #tpu.memory_space<vmem>> -> memref<64x64xf32, #tpu.memory_space<vmem>>
          %dma_wait3A_952 = arith.constant 0 : i32
          %dma_wait3A_953 = tpu.memref_slice %arg7[%dma_wait3A_947, %dma_wait3A_952] : memref<80x64xi32, #tpu.memory_space<vmem>> -> memref<1x64xi32, #tpu.memory_space<vmem>>
          %dma_wait3A_954 = tpu.memref_squeeze %dma_wait3A_953 : memref<1x64xi32, #tpu.memory_space<vmem>> -> memref<64xi32, #tpu.memory_space<vmem>>
          %dma_wait3A_955 = arith.constant 0 : i32
          %dma_wait3A_956 = arith.constant 0 : i32
          %dma_wait3A_957 = tpu.memref_slice %arg10[%dma_wait3A_955, %dma_wait3A_956] : memref<10112x64xf32, #tpu.memory_space<vmem_shared>> -> memref<10112x64xf32, #tpu.memory_space<vmem_shared>>
          tpu.wait_indirect_dma semaphore(%arg19 : memref<!tpu.dma_semaphore, #tpu.memory_space<semaphore_mem>>) src(%dma_wait3A_951 : memref<64x64xf32, #tpu.memory_space<vmem>>) dst(%dma_wait3A_957 : memref<10112x64xf32, #tpu.memory_space<vmem_shared>>)
        } else {
        }
        %add3A_933 = arith.constant 4 : i32
        %add3A_934 = arith.addi %add3A_798, %add3A_933 : i32
        %dma_start3A_935 = arith.constant 0 : i32
        %dma_start3A_936 = arith.constant 0 : i32
        %dma_start3A_937 = arith.constant 0 : i32
        %dma_start3A_938 = tpu.memref_slice %arg8[%dma_start3A_935, %dma_start3A_936, %dma_start3A_937] : memref<8x64x64xf32, #tpu.memory_space<vmem>> -> memref<1x64x64xf32, #tpu.memory_space<vmem>>
        %dma_start3A_939 = tpu.memref_squeeze %dma_start3A_938 : memref<1x64x64xf32, #tpu.memory_space<vmem>> -> memref<64x64xf32, #tpu.memory_space<vmem>>
        %dma_start3A_940 = arith.constant 0 : i32
        %dma_start3A_941 = tpu.memref_slice %arg6[%add3A_934, %dma_start3A_940] : memref<80x64xi32, #tpu.memory_space<vmem>> -> memref<1x64xi32, #tpu.memory_space<vmem>>
        %dma_start3A_942 = tpu.memref_squeeze %dma_start3A_941 : memref<1x64xi32, #tpu.memory_space<vmem>> -> memref<64xi32, #tpu.memory_space<vmem>>
        %dma_start3A_943 = arith.constant 0 : i32
        %dma_start3A_944 = arith.constant 0 : i32
        %dma_start3A_945 = tpu.memref_slice %arg9[%dma_start3A_943, %dma_start3A_944] : memref<10112x64xf32, #tpu.memory_space<vmem_shared>> -> memref<10112x64xf32, #tpu.memory_space<vmem_shared>>
        tpu.enqueue_indirect_dma source(%dma_start3A_945 : memref<10112x64xf32, #tpu.memory_space<vmem_shared>>) target(%dma_start3A_939 : memref<64x64xf32, #tpu.memory_space<vmem>>) offsets(%dma_start3A_942 : memref<64xi32, #tpu.memory_space<vmem>>) semaphore(%arg11 : memref<!tpu.dma_semaphore, #tpu.memory_space<semaphore_mem>>)
      } else {
      }
      %mul3A_828 = arith.constant 8 : i32
      %mul3A_829 = arith.muli %scan3A_665, %mul3A_828 : i32
      %add3A_830 = arith.constant 5 : i32
      %add3A_831 = arith.addi %mul3A_829, %add3A_830 : i32
      %dma_wait3A_832 = arith.constant 5 : i32
      %dma_wait3A_833 = arith.constant 0 : i32
      %dma_wait3A_834 = arith.constant 0 : i32
      %dma_wait3A_835 = tpu.memref_slice %arg8[%dma_wait3A_832, %dma_wait3A_833, %dma_wait3A_834] : memref<8x64x64xf32, #tpu.memory_space<vmem>> -> memref<1x64x64xf32, #tpu.memory_space<vmem>>
      %dma_wait3A_836 = tpu.memref_squeeze %dma_wait3A_835 : memref<1x64x64xf32, #tpu.memory_space<vmem>> -> memref<64x64xf32, #tpu.memory_space<vmem>>
      %dma_wait3A_837 = arith.constant 0 : i32
      %dma_wait3A_838 = tpu.memref_slice %arg6[%add3A_831, %dma_wait3A_837] : memref<80x64xi32, #tpu.memory_space<vmem>> -> memref<1x64xi32, #tpu.memory_space<vmem>>
      %dma_wait3A_839 = tpu.memref_squeeze %dma_wait3A_838 : memref<1x64xi32, #tpu.memory_space<vmem>> -> memref<64xi32, #tpu.memory_space<vmem>>
      %dma_wait3A_840 = arith.constant 0 : i32
      %dma_wait3A_841 = arith.constant 0 : i32
      %dma_wait3A_842 = tpu.memref_slice %arg9[%dma_wait3A_840, %dma_wait3A_841] : memref<10112x64xf32, #tpu.memory_space<vmem_shared>> -> memref<10112x64xf32, #tpu.memory_space<vmem_shared>>
      tpu.wait_indirect_dma semaphore(%arg16 : memref<!tpu.dma_semaphore, #tpu.memory_space<semaphore_mem>>) src(%dma_wait3A_842 : memref<10112x64xf32, #tpu.memory_space<vmem_shared>>) dst(%dma_wait3A_836 : memref<64x64xf32, #tpu.memory_space<vmem>>)
      %dma_start3A_843 = arith.constant 5 : i32
      %dma_start3A_844 = arith.constant 0 : i32
      %dma_start3A_845 = arith.constant 0 : i32
      %dma_start3A_846 = tpu.memref_slice %arg8[%dma_start3A_843, %dma_start3A_844, %dma_start3A_845] : memref<8x64x64xf32, #tpu.memory_space<vmem>> -> memref<1x64x64xf32, #tpu.memory_space<vmem>>
      %dma_start3A_847 = tpu.memref_squeeze %dma_start3A_846 : memref<1x64x64xf32, #tpu.memory_space<vmem>> -> memref<64x64xf32, #tpu.memory_space<vmem>>
      %dma_start3A_848 = arith.constant 0 : i32
      %dma_start3A_849 = tpu.memref_slice %arg7[%add3A_831, %dma_start3A_848] : memref<80x64xi32, #tpu.memory_space<vmem>> -> memref<1x64xi32, #tpu.memory_space<vmem>>
      %dma_start3A_850 = tpu.memref_squeeze %dma_start3A_849 : memref<1x64xi32, #tpu.memory_space<vmem>> -> memref<64xi32, #tpu.memory_space<vmem>>
      %dma_start3A_851 = arith.constant 0 : i32
      %dma_start3A_852 = arith.constant 0 : i32
      %dma_start3A_853 = tpu.memref_slice %arg10[%dma_start3A_851, %dma_start3A_852] : memref<10112x64xf32, #tpu.memory_space<vmem_shared>> -> memref<10112x64xf32, #tpu.memory_space<vmem_shared>>
      tpu.enqueue_indirect_dma source(%dma_start3A_847 : memref<64x64xf32, #tpu.memory_space<vmem>>) target(%dma_start3A_853 : memref<10112x64xf32, #tpu.memory_space<vmem_shared>>) offsets(%dma_start3A_850 : memref<64xi32, #tpu.memory_space<vmem>>) semaphore(%arg24 : memref<!tpu.dma_semaphore, #tpu.memory_space<semaphore_mem>>) {add = true}
      %add3A_854 = arith.constant 4 : i32
      %add3A_855 = arith.addi %add3A_831, %add3A_854 : i32
      %lt3A_856 = arith.constant 80 : i32
      %lt3A_857 = arith.cmpi slt, %add3A_855, %lt3A_856 : i32
      %convert_element_type3A_858 = arith.extui %lt3A_857 : i1 to i32
      %cond3A_859 = arith.constant 0 : i32
      %cond3A_860 = arith.cmpi ne, %convert_element_type3A_858, %cond3A_859 : i32
      scf.if %cond3A_860 {
        %add3A_927 = arith.constant 4 : i32
        %add3A_928 = arith.addi %add3A_831, %add3A_927 : i32
        %ge3A = arith.constant 8 : i32
        %ge3A_929 = arith.cmpi sge, %add3A_928, %ge3A : i32
        %convert_element_type3A_930 = arith.extui %ge3A_929 : i1 to i32
        %cond3A_931 = arith.constant 0 : i32
        %cond3A_932 = arith.cmpi ne, %convert_element_type3A_930, %cond3A_931 : i32
        scf.if %cond3A_932 {
          %dma_wait3A_946 = arith.constant 1 : i32
          %dma_wait3A_947 = arith.constant 0 : i32
          %dma_wait3A_948 = arith.constant 0 : i32
          %dma_wait3A_949 = arith.constant 0 : i32
          %dma_wait3A_950 = tpu.memref_slice %arg8[%dma_wait3A_946, %dma_wait3A_948, %dma_wait3A_949] : memref<8x64x64xf32, #tpu.memory_space<vmem>> -> memref<1x64x64xf32, #tpu.memory_space<vmem>>
          %dma_wait3A_951 = tpu.memref_squeeze %dma_wait3A_950 : memref<1x64x64xf32, #tpu.memory_space<vmem>> -> memref<64x64xf32, #tpu.memory_space<vmem>>
          %dma_wait3A_952 = arith.constant 0 : i32
          %dma_wait3A_953 = tpu.memref_slice %arg7[%dma_wait3A_947, %dma_wait3A_952] : memref<80x64xi32, #tpu.memory_space<vmem>> -> memref<1x64xi32, #tpu.memory_space<vmem>>
          %dma_wait3A_954 = tpu.memref_squeeze %dma_wait3A_953 : memref<1x64xi32, #tpu.memory_space<vmem>> -> memref<64xi32, #tpu.memory_space<vmem>>
          %dma_wait3A_955 = arith.constant 0 : i32
          %dma_wait3A_956 = arith.constant 0 : i32
          %dma_wait3A_957 = tpu.memref_slice %arg10[%dma_wait3A_955, %dma_wait3A_956] : memref<10112x64xf32, #tpu.memory_space<vmem_shared>> -> memref<10112x64xf32, #tpu.memory_space<vmem_shared>>
          tpu.wait_indirect_dma semaphore(%arg20 : memref<!tpu.dma_semaphore, #tpu.memory_space<semaphore_mem>>) src(%dma_wait3A_951 : memref<64x64xf32, #tpu.memory_space<vmem>>) dst(%dma_wait3A_957 : memref<10112x64xf32, #tpu.memory_space<vmem_shared>>)
        } else {
        }
        %add3A_933 = arith.constant 4 : i32
        %add3A_934 = arith.addi %add3A_831, %add3A_933 : i32
        %dma_start3A_935 = arith.constant 1 : i32
        %dma_start3A_936 = arith.constant 0 : i32
        %dma_start3A_937 = arith.constant 0 : i32
        %dma_start3A_938 = tpu.memref_slice %arg8[%dma_start3A_935, %dma_start3A_936, %dma_start3A_937] : memref<8x64x64xf32, #tpu.memory_space<vmem>> -> memref<1x64x64xf32, #tpu.memory_space<vmem>>
        %dma_start3A_939 = tpu.memref_squeeze %dma_start3A_938 : memref<1x64x64xf32, #tpu.memory_space<vmem>> -> memref<64x64xf32, #tpu.memory_space<vmem>>
        %dma_start3A_940 = arith.constant 0 : i32
        %dma_start3A_941 = tpu.memref_slice %arg6[%add3A_934, %dma_start3A_940] : memref<80x64xi32, #tpu.memory_space<vmem>> -> memref<1x64xi32, #tpu.memory_space<vmem>>
        %dma_start3A_942 = tpu.memref_squeeze %dma_start3A_941 : memref<1x64xi32, #tpu.memory_space<vmem>> -> memref<64xi32, #tpu.memory_space<vmem>>
        %dma_start3A_943 = arith.constant 0 : i32
        %dma_start3A_944 = arith.constant 0 : i32
        %dma_start3A_945 = tpu.memref_slice %arg9[%dma_start3A_943, %dma_start3A_944] : memref<10112x64xf32, #tpu.memory_space<vmem_shared>> -> memref<10112x64xf32, #tpu.memory_space<vmem_shared>>
        tpu.enqueue_indirect_dma source(%dma_start3A_945 : memref<10112x64xf32, #tpu.memory_space<vmem_shared>>) target(%dma_start3A_939 : memref<64x64xf32, #tpu.memory_space<vmem>>) offsets(%dma_start3A_942 : memref<64xi32, #tpu.memory_space<vmem>>) semaphore(%arg12 : memref<!tpu.dma_semaphore, #tpu.memory_space<semaphore_mem>>)
      } else {
      }
      %mul3A_861 = arith.constant 8 : i32
      %mul3A_862 = arith.muli %scan3A_665, %mul3A_861 : i32
      %add3A_863 = arith.constant 6 : i32
      %add3A_864 = arith.addi %mul3A_862, %add3A_863 : i32
      %dma_wait3A_865 = arith.constant 6 : i32
      %dma_wait3A_866 = arith.constant 0 : i32
      %dma_wait3A_867 = arith.constant 0 : i32
      %dma_wait3A_868 = tpu.memref_slice %arg8[%dma_wait3A_865, %dma_wait3A_866, %dma_wait3A_867] : memref<8x64x64xf32, #tpu.memory_space<vmem>> -> memref<1x64x64xf32, #tpu.memory_space<vmem>>
      %dma_wait3A_869 = tpu.memref_squeeze %dma_wait3A_868 : memref<1x64x64xf32, #tpu.memory_space<vmem>> -> memref<64x64xf32, #tpu.memory_space<vmem>>
      %dma_wait3A_870 = arith.constant 0 : i32
      %dma_wait3A_871 = tpu.memref_slice %arg6[%add3A_864, %dma_wait3A_870] : memref<80x64xi32, #tpu.memory_space<vmem>> -> memref<1x64xi32, #tpu.memory_space<vmem>>
      %dma_wait3A_872 = tpu.memref_squeeze %dma_wait3A_871 : memref<1x64xi32, #tpu.memory_space<vmem>> -> memref<64xi32, #tpu.memory_space<vmem>>
      %dma_wait3A_873 = arith.constant 0 : i32
      %dma_wait3A_874 = arith.constant 0 : i32
      %dma_wait3A_875 = tpu.memref_slice %arg9[%dma_wait3A_873, %dma_wait3A_874] : memref<10112x64xf32, #tpu.memory_space<vmem_shared>> -> memref<10112x64xf32, #tpu.memory_space<vmem_shared>>
      tpu.wait_indirect_dma semaphore(%arg17 : memref<!tpu.dma_semaphore, #tpu.memory_space<semaphore_mem>>) src(%dma_wait3A_875 : memref<10112x64xf32, #tpu.memory_space<vmem_shared>>) dst(%dma_wait3A_869 : memref<64x64xf32, #tpu.memory_space<vmem>>)
      %dma_start3A_876 = arith.constant 6 : i32
      %dma_start3A_877 = arith.constant 0 : i32
      %dma_start3A_878 = arith.constant 0 : i32
      %dma_start3A_879 = tpu.memref_slice %arg8[%dma_start3A_876, %dma_start3A_877, %dma_start3A_878] : memref<8x64x64xf32, #tpu.memory_space<vmem>> -> memref<1x64x64xf32, #tpu.memory_space<vmem>>
      %dma_start3A_880 = tpu.memref_squeeze %dma_start3A_879 : memref<1x64x64xf32, #tpu.memory_space<vmem>> -> memref<64x64xf32, #tpu.memory_space<vmem>>
      %dma_start3A_881 = arith.constant 0 : i32
      %dma_start3A_882 = tpu.memref_slice %arg7[%add3A_864, %dma_start3A_881] : memref<80x64xi32, #tpu.memory_space<vmem>> -> memref<1x64xi32, #tpu.memory_space<vmem>>
      %dma_start3A_883 = tpu.memref_squeeze %dma_start3A_882 : memref<1x64xi32, #tpu.memory_space<vmem>> -> memref<64xi32, #tpu.memory_space<vmem>>
      %dma_start3A_884 = arith.constant 0 : i32
      %dma_start3A_885 = arith.constant 0 : i32
      %dma_start3A_886 = tpu.memref_slice %arg10[%dma_start3A_884, %dma_start3A_885] : memref<10112x64xf32, #tpu.memory_space<vmem_shared>> -> memref<10112x64xf32, #tpu.memory_space<vmem_shared>>
      tpu.enqueue_indirect_dma source(%dma_start3A_880 : memref<64x64xf32, #tpu.memory_space<vmem>>) target(%dma_start3A_886 : memref<10112x64xf32, #tpu.memory_space<vmem_shared>>) offsets(%dma_start3A_883 : memref<64xi32, #tpu.memory_space<vmem>>) semaphore(%arg25 : memref<!tpu.dma_semaphore, #tpu.memory_space<semaphore_mem>>) {add = true}
      %add3A_887 = arith.constant 4 : i32
      %add3A_888 = arith.addi %add3A_864, %add3A_887 : i32
      %lt3A_889 = arith.constant 80 : i32
      %lt3A_890 = arith.cmpi slt, %add3A_888, %lt3A_889 : i32
      %convert_element_type3A_891 = arith.extui %lt3A_890 : i1 to i32
      %cond3A_892 = arith.constant 0 : i32
      %cond3A_893 = arith.cmpi ne, %convert_element_type3A_891, %cond3A_892 : i32
      scf.if %cond3A_893 {
        %add3A_927 = arith.constant 4 : i32
        %add3A_928 = arith.addi %add3A_864, %add3A_927 : i32
        %ge3A = arith.constant 8 : i32
        %ge3A_929 = arith.cmpi sge, %add3A_928, %ge3A : i32
        %convert_element_type3A_930 = arith.extui %ge3A_929 : i1 to i32
        %cond3A_931 = arith.constant 0 : i32
        %cond3A_932 = arith.cmpi ne, %convert_element_type3A_930, %cond3A_931 : i32
        scf.if %cond3A_932 {
          %dma_wait3A_946 = arith.constant 2 : i32
          %dma_wait3A_947 = arith.constant 0 : i32
          %dma_wait3A_948 = arith.constant 0 : i32
          %dma_wait3A_949 = arith.constant 0 : i32
          %dma_wait3A_950 = tpu.memref_slice %arg8[%dma_wait3A_946, %dma_wait3A_948, %dma_wait3A_949] : memref<8x64x64xf32, #tpu.memory_space<vmem>> -> memref<1x64x64xf32, #tpu.memory_space<vmem>>
          %dma_wait3A_951 = tpu.memref_squeeze %dma_wait3A_950 : memref<1x64x64xf32, #tpu.memory_space<vmem>> -> memref<64x64xf32, #tpu.memory_space<vmem>>
          %dma_wait3A_952 = arith.constant 0 : i32
          %dma_wait3A_953 = tpu.memref_slice %arg7[%dma_wait3A_947, %dma_wait3A_952] : memref<80x64xi32, #tpu.memory_space<vmem>> -> memref<1x64xi32, #tpu.memory_space<vmem>>
          %dma_wait3A_954 = tpu.memref_squeeze %dma_wait3A_953 : memref<1x64xi32, #tpu.memory_space<vmem>> -> memref<64xi32, #tpu.memory_space<vmem>>
          %dma_wait3A_955 = arith.constant 0 : i32
          %dma_wait3A_956 = arith.constant 0 : i32
          %dma_wait3A_957 = tpu.memref_slice %arg10[%dma_wait3A_955, %dma_wait3A_956] : memref<10112x64xf32, #tpu.memory_space<vmem_shared>> -> memref<10112x64xf32, #tpu.memory_space<vmem_shared>>
          tpu.wait_indirect_dma semaphore(%arg21 : memref<!tpu.dma_semaphore, #tpu.memory_space<semaphore_mem>>) src(%dma_wait3A_951 : memref<64x64xf32, #tpu.memory_space<vmem>>) dst(%dma_wait3A_957 : memref<10112x64xf32, #tpu.memory_space<vmem_shared>>)
        } else {
        }
        %add3A_933 = arith.constant 4 : i32
        %add3A_934 = arith.addi %add3A_864, %add3A_933 : i32
        %dma_start3A_935 = arith.constant 2 : i32
        %dma_start3A_936 = arith.constant 0 : i32
        %dma_start3A_937 = arith.constant 0 : i32
        %dma_start3A_938 = tpu.memref_slice %arg8[%dma_start3A_935, %dma_start3A_936, %dma_start3A_937] : memref<8x64x64xf32, #tpu.memory_space<vmem>> -> memref<1x64x64xf32, #tpu.memory_space<vmem>>
        %dma_start3A_939 = tpu.memref_squeeze %dma_start3A_938 : memref<1x64x64xf32, #tpu.memory_space<vmem>> -> memref<64x64xf32, #tpu.memory_space<vmem>>
        %dma_start3A_940 = arith.constant 0 : i32
        %dma_start3A_941 = tpu.memref_slice %arg6[%add3A_934, %dma_start3A_940] : memref<80x64xi32, #tpu.memory_space<vmem>> -> memref<1x64xi32, #tpu.memory_space<vmem>>
        %dma_start3A_942 = tpu.memref_squeeze %dma_start3A_941 : memref<1x64xi32, #tpu.memory_space<vmem>> -> memref<64xi32, #tpu.memory_space<vmem>>
        %dma_start3A_943 = arith.constant 0 : i32
        %dma_start3A_944 = arith.constant 0 : i32
        %dma_start3A_945 = tpu.memref_slice %arg9[%dma_start3A_943, %dma_start3A_944] : memref<10112x64xf32, #tpu.memory_space<vmem_shared>> -> memref<10112x64xf32, #tpu.memory_space<vmem_shared>>
        tpu.enqueue_indirect_dma source(%dma_start3A_945 : memref<10112x64xf32, #tpu.memory_space<vmem_shared>>) target(%dma_start3A_939 : memref<64x64xf32, #tpu.memory_space<vmem>>) offsets(%dma_start3A_942 : memref<64xi32, #tpu.memory_space<vmem>>) semaphore(%arg13 : memref<!tpu.dma_semaphore, #tpu.memory_space<semaphore_mem>>)
      } else {
      }
      %mul3A_894 = arith.constant 8 : i32
      %mul3A_895 = arith.muli %scan3A_665, %mul3A_894 : i32
      %add3A_896 = arith.constant 7 : i32
      %add3A_897 = arith.addi %mul3A_895, %add3A_896 : i32
      %dma_wait3A_898 = arith.constant 7 : i32
      %dma_wait3A_899 = arith.constant 0 : i32
      %dma_wait3A_900 = arith.constant 0 : i32
      %dma_wait3A_901 = tpu.memref_slice %arg8[%dma_wait3A_898, %dma_wait3A_899, %dma_wait3A_900] : memref<8x64x64xf32, #tpu.memory_space<vmem>> -> memref<1x64x64xf32, #tpu.memory_space<vmem>>
      %dma_wait3A_902 = tpu.memref_squeeze %dma_wait3A_901 : memref<1x64x64xf32, #tpu.memory_space<vmem>> -> memref<64x64xf32, #tpu.memory_space<vmem>>
      %dma_wait3A_903 = arith.constant 0 : i32
      %dma_wait3A_904 = tpu.memref_slice %arg6[%add3A_897, %dma_wait3A_903] : memref<80x64xi32, #tpu.memory_space<vmem>> -> memref<1x64xi32, #tpu.memory_space<vmem>>
      %dma_wait3A_905 = tpu.memref_squeeze %dma_wait3A_904 : memref<1x64xi32, #tpu.memory_space<vmem>> -> memref<64xi32, #tpu.memory_space<vmem>>
      %dma_wait3A_906 = arith.constant 0 : i32
      %dma_wait3A_907 = arith.constant 0 : i32
      %dma_wait3A_908 = tpu.memref_slice %arg9[%dma_wait3A_906, %dma_wait3A_907] : memref<10112x64xf32, #tpu.memory_space<vmem_shared>> -> memref<10112x64xf32, #tpu.memory_space<vmem_shared>>
      tpu.wait_indirect_dma semaphore(%arg18 : memref<!tpu.dma_semaphore, #tpu.memory_space<semaphore_mem>>) src(%dma_wait3A_908 : memref<10112x64xf32, #tpu.memory_space<vmem_shared>>) dst(%dma_wait3A_902 : memref<64x64xf32, #tpu.memory_space<vmem>>)
      %dma_start3A_909 = arith.constant 7 : i32
      %dma_start3A_910 = arith.constant 0 : i32
      %dma_start3A_911 = arith.constant 0 : i32
      %dma_start3A_912 = tpu.memref_slice %arg8[%dma_start3A_909, %dma_start3A_910, %dma_start3A_911] : memref<8x64x64xf32, #tpu.memory_space<vmem>> -> memref<1x64x64xf32, #tpu.memory_space<vmem>>
      %dma_start3A_913 = tpu.memref_squeeze %dma_start3A_912 : memref<1x64x64xf32, #tpu.memory_space<vmem>> -> memref<64x64xf32, #tpu.memory_space<vmem>>
      %dma_start3A_914 = arith.constant 0 : i32
      %dma_start3A_915 = tpu.memref_slice %arg7[%add3A_897, %dma_start3A_914] : memref<80x64xi32, #tpu.memory_space<vmem>> -> memref<1x64xi32, #tpu.memory_space<vmem>>
      %dma_start3A_916 = tpu.memref_squeeze %dma_start3A_915 : memref<1x64xi32, #tpu.memory_space<vmem>> -> memref<64xi32, #tpu.memory_space<vmem>>
      %dma_start3A_917 = arith.constant 0 : i32
      %dma_start3A_918 = arith.constant 0 : i32
      %dma_start3A_919 = tpu.memref_slice %arg10[%dma_start3A_917, %dma_start3A_918] : memref<10112x64xf32, #tpu.memory_space<vmem_shared>> -> memref<10112x64xf32, #tpu.memory_space<vmem_shared>>
      tpu.enqueue_indirect_dma source(%dma_start3A_913 : memref<64x64xf32, #tpu.memory_space<vmem>>) target(%dma_start3A_919 : memref<10112x64xf32, #tpu.memory_space<vmem_shared>>) offsets(%dma_start3A_916 : memref<64xi32, #tpu.memory_space<vmem>>) semaphore(%arg26 : memref<!tpu.dma_semaphore, #tpu.memory_space<semaphore_mem>>) {add = true}
      %add3A_920 = arith.constant 4 : i32
      %add3A_921 = arith.addi %add3A_897, %add3A_920 : i32
      %lt3A_922 = arith.constant 80 : i32
      %lt3A_923 = arith.cmpi slt, %add3A_921, %lt3A_922 : i32
      %convert_element_type3A_924 = arith.extui %lt3A_923 : i1 to i32
      %cond3A_925 = arith.constant 0 : i32
      %cond3A_926 = arith.cmpi ne, %convert_element_type3A_924, %cond3A_925 : i32
      scf.if %cond3A_926 {
        %add3A_927 = arith.constant 4 : i32
        %add3A_928 = arith.addi %add3A_897, %add3A_927 : i32
        %ge3A = arith.constant 8 : i32
        %ge3A_929 = arith.cmpi sge, %add3A_928, %ge3A : i32
        %convert_element_type3A_930 = arith.extui %ge3A_929 : i1 to i32
        %cond3A_931 = arith.constant 0 : i32
        %cond3A_932 = arith.cmpi ne, %convert_element_type3A_930, %cond3A_931 : i32
        scf.if %cond3A_932 {
          %dma_wait3A_946 = arith.constant 3 : i32
          %dma_wait3A_947 = arith.constant 0 : i32
          %dma_wait3A_948 = arith.constant 0 : i32
          %dma_wait3A_949 = arith.constant 0 : i32
          %dma_wait3A_950 = tpu.memref_slice %arg8[%dma_wait3A_946, %dma_wait3A_948, %dma_wait3A_949] : memref<8x64x64xf32, #tpu.memory_space<vmem>> -> memref<1x64x64xf32, #tpu.memory_space<vmem>>
          %dma_wait3A_951 = tpu.memref_squeeze %dma_wait3A_950 : memref<1x64x64xf32, #tpu.memory_space<vmem>> -> memref<64x64xf32, #tpu.memory_space<vmem>>
          %dma_wait3A_952 = arith.constant 0 : i32
          %dma_wait3A_953 = tpu.memref_slice %arg7[%dma_wait3A_947, %dma_wait3A_952] : memref<80x64xi32, #tpu.memory_space<vmem>> -> memref<1x64xi32, #tpu.memory_space<vmem>>
          %dma_wait3A_954 = tpu.memref_squeeze %dma_wait3A_953 : memref<1x64xi32, #tpu.memory_space<vmem>> -> memref<64xi32, #tpu.memory_space<vmem>>
          %dma_wait3A_955 = arith.constant 0 : i32
          %dma_wait3A_956 = arith.constant 0 : i32
          %dma_wait3A_957 = tpu.memref_slice %arg10[%dma_wait3A_955, %dma_wait3A_956] : memref<10112x64xf32, #tpu.memory_space<vmem_shared>> -> memref<10112x64xf32, #tpu.memory_space<vmem_shared>>
          tpu.wait_indirect_dma semaphore(%arg22 : memref<!tpu.dma_semaphore, #tpu.memory_space<semaphore_mem>>) src(%dma_wait3A_951 : memref<64x64xf32, #tpu.memory_space<vmem>>) dst(%dma_wait3A_957 : memref<10112x64xf32, #tpu.memory_space<vmem_shared>>)
        } else {
        }
        %add3A_933 = arith.constant 4 : i32
        %add3A_934 = arith.addi %add3A_897, %add3A_933 : i32
        %dma_start3A_935 = arith.constant 3 : i32
        %dma_start3A_936 = arith.constant 0 : i32
        %dma_start3A_937 = arith.constant 0 : i32
        %dma_start3A_938 = tpu.memref_slice %arg8[%dma_start3A_935, %dma_start3A_936, %dma_start3A_937] : memref<8x64x64xf32, #tpu.memory_space<vmem>> -> memref<1x64x64xf32, #tpu.memory_space<vmem>>
        %dma_start3A_939 = tpu.memref_squeeze %dma_start3A_938 : memref<1x64x64xf32, #tpu.memory_space<vmem>> -> memref<64x64xf32, #tpu.memory_space<vmem>>
        %dma_start3A_940 = arith.constant 0 : i32
        %dma_start3A_941 = tpu.memref_slice %arg6[%add3A_934, %dma_start3A_940] : memref<80x64xi32, #tpu.memory_space<vmem>> -> memref<1x64xi32, #tpu.memory_space<vmem>>
        %dma_start3A_942 = tpu.memref_squeeze %dma_start3A_941 : memref<1x64xi32, #tpu.memory_space<vmem>> -> memref<64xi32, #tpu.memory_space<vmem>>
        %dma_start3A_943 = arith.constant 0 : i32
        %dma_start3A_944 = arith.constant 0 : i32
        %dma_start3A_945 = tpu.memref_slice %arg9[%dma_start3A_943, %dma_start3A_944] : memref<10112x64xf32, #tpu.memory_space<vmem_shared>> -> memref<10112x64xf32, #tpu.memory_space<vmem_shared>>
        tpu.enqueue_indirect_dma source(%dma_start3A_945 : memref<10112x64xf32, #tpu.memory_space<vmem_shared>>) target(%dma_start3A_939 : memref<64x64xf32, #tpu.memory_space<vmem>>) offsets(%dma_start3A_942 : memref<64xi32, #tpu.memory_space<vmem>>) semaphore(%arg14 : memref<!tpu.dma_semaphore, #tpu.memory_space<semaphore_mem>>)
      } else {
      }
    }
    %scan3A_567 = arith.constant 10 : i32
    %dma_wait3A_568 = arith.constant 0 : i32
    %dma_wait3A_569 = arith.constant 0 : i32
    %dma_wait3A_570 = arith.constant 0 : i32
    %dma_wait3A_571 = arith.constant 0 : i32
    %dma_wait3A_572 = tpu.memref_slice %arg8[%dma_wait3A_568, %dma_wait3A_570, %dma_wait3A_571] : memref<8x64x64xf32, #tpu.memory_space<vmem>> -> memref<1x64x64xf32, #tpu.memory_space<vmem>>
    %dma_wait3A_573 = tpu.memref_squeeze %dma_wait3A_572 : memref<1x64x64xf32, #tpu.memory_space<vmem>> -> memref<64x64xf32, #tpu.memory_space<vmem>>
    %dma_wait3A_574 = arith.constant 0 : i32
    %dma_wait3A_575 = tpu.memref_slice %arg7[%dma_wait3A_569, %dma_wait3A_574] : memref<80x64xi32, #tpu.memory_space<vmem>> -> memref<1x64xi32, #tpu.memory_space<vmem>>
    %dma_wait3A_576 = tpu.memref_squeeze %dma_wait3A_575 : memref<1x64xi32, #tpu.memory_space<vmem>> -> memref<64xi32, #tpu.memory_space<vmem>>
    %dma_wait3A_577 = arith.constant 0 : i32
    %dma_wait3A_578 = arith.constant 0 : i32
    %dma_wait3A_579 = tpu.memref_slice %arg10[%dma_wait3A_577, %dma_wait3A_578] : memref<10112x64xf32, #tpu.memory_space<vmem_shared>> -> memref<10112x64xf32, #tpu.memory_space<vmem_shared>>
    tpu.wait_indirect_dma semaphore(%arg19 : memref<!tpu.dma_semaphore, #tpu.memory_space<semaphore_mem>>) src(%dma_wait3A_573 : memref<64x64xf32, #tpu.memory_space<vmem>>) dst(%dma_wait3A_579 : memref<10112x64xf32, #tpu.memory_space<vmem_shared>>)
    %dma_wait3A_580 = arith.constant 1 : i32
    %dma_wait3A_581 = arith.constant 0 : i32
    %dma_wait3A_582 = arith.constant 0 : i32
    %dma_wait3A_583 = arith.constant 0 : i32
    %dma_wait3A_584 = tpu.memref_slice %arg8[%dma_wait3A_580, %dma_wait3A_582, %dma_wait3A_583] : memref<8x64x64xf32, #tpu.memory_space<vmem>> -> memref<1x64x64xf32, #tpu.memory_space<vmem>>
    %dma_wait3A_585 = tpu.memref_squeeze %dma_wait3A_584 : memref<1x64x64xf32, #tpu.memory_space<vmem>> -> memref<64x64xf32, #tpu.memory_space<vmem>>
    %dma_wait3A_586 = arith.constant 0 : i32
    %dma_wait3A_587 = tpu.memref_slice %arg7[%dma_wait3A_581, %dma_wait3A_586] : memref<80x64xi32, #tpu.memory_space<vmem>> -> memref<1x64xi32, #tpu.memory_space<vmem>>
    %dma_wait3A_588 = tpu.memref_squeeze %dma_wait3A_587 : memref<1x64xi32, #tpu.memory_space<vmem>> -> memref<64xi32, #tpu.memory_space<vmem>>
    %dma_wait3A_589 = arith.constant 0 : i32
    %dma_wait3A_590 = arith.constant 0 : i32
    %dma_wait3A_591 = tpu.memref_slice %arg10[%dma_wait3A_589, %dma_wait3A_590] : memref<10112x64xf32, #tpu.memory_space<vmem_shared>> -> memref<10112x64xf32, #tpu.memory_space<vmem_shared>>
    tpu.wait_indirect_dma semaphore(%arg20 : memref<!tpu.dma_semaphore, #tpu.memory_space<semaphore_mem>>) src(%dma_wait3A_585 : memref<64x64xf32, #tpu.memory_space<vmem>>) dst(%dma_wait3A_591 : memref<10112x64xf32, #tpu.memory_space<vmem_shared>>)
    %dma_wait3A_592 = arith.constant 2 : i32
    %dma_wait3A_593 = arith.constant 0 : i32
    %dma_wait3A_594 = arith.constant 0 : i32
    %dma_wait3A_595 = arith.constant 0 : i32
    %dma_wait3A_596 = tpu.memref_slice %arg8[%dma_wait3A_592, %dma_wait3A_594, %dma_wait3A_595] : memref<8x64x64xf32, #tpu.memory_space<vmem>> -> memref<1x64x64xf32, #tpu.memory_space<vmem>>
    %dma_wait3A_597 = tpu.memref_squeeze %dma_wait3A_596 : memref<1x64x64xf32, #tpu.memory_space<vmem>> -> memref<64x64xf32, #tpu.memory_space<vmem>>
    %dma_wait3A_598 = arith.constant 0 : i32
    %dma_wait3A_599 = tpu.memref_slice %arg7[%dma_wait3A_593, %dma_wait3A_598] : memref<80x64xi32, #tpu.memory_space<vmem>> -> memref<1x64xi32, #tpu.memory_space<vmem>>
    %dma_wait3A_600 = tpu.memref_squeeze %dma_wait3A_599 : memref<1x64xi32, #tpu.memory_space<vmem>> -> memref<64xi32, #tpu.memory_space<vmem>>
    %dma_wait3A_601 = arith.constant 0 : i32
    %dma_wait3A_602 = arith.constant 0 : i32
    %dma_wait3A_603 = tpu.memref_slice %arg10[%dma_wait3A_601, %dma_wait3A_602] : memref<10112x64xf32, #tpu.memory_space<vmem_shared>> -> memref<10112x64xf32, #tpu.memory_space<vmem_shared>>
    tpu.wait_indirect_dma semaphore(%arg21 : memref<!tpu.dma_semaphore, #tpu.memory_space<semaphore_mem>>) src(%dma_wait3A_597 : memref<64x64xf32, #tpu.memory_space<vmem>>) dst(%dma_wait3A_603 : memref<10112x64xf32, #tpu.memory_space<vmem_shared>>)
    %dma_wait3A_604 = arith.constant 3 : i32
    %dma_wait3A_605 = arith.constant 0 : i32
    %dma_wait3A_606 = arith.constant 0 : i32
    %dma_wait3A_607 = arith.constant 0 : i32
    %dma_wait3A_608 = tpu.memref_slice %arg8[%dma_wait3A_604, %dma_wait3A_606, %dma_wait3A_607] : memref<8x64x64xf32, #tpu.memory_space<vmem>> -> memref<1x64x64xf32, #tpu.memory_space<vmem>>
    %dma_wait3A_609 = tpu.memref_squeeze %dma_wait3A_608 : memref<1x64x64xf32, #tpu.memory_space<vmem>> -> memref<64x64xf32, #tpu.memory_space<vmem>>
    %dma_wait3A_610 = arith.constant 0 : i32
    %dma_wait3A_611 = tpu.memref_slice %arg7[%dma_wait3A_605, %dma_wait3A_610] : memref<80x64xi32, #tpu.memory_space<vmem>> -> memref<1x64xi32, #tpu.memory_space<vmem>>
    %dma_wait3A_612 = tpu.memref_squeeze %dma_wait3A_611 : memref<1x64xi32, #tpu.memory_space<vmem>> -> memref<64xi32, #tpu.memory_space<vmem>>
    %dma_wait3A_613 = arith.constant 0 : i32
    %dma_wait3A_614 = arith.constant 0 : i32
    %dma_wait3A_615 = tpu.memref_slice %arg10[%dma_wait3A_613, %dma_wait3A_614] : memref<10112x64xf32, #tpu.memory_space<vmem_shared>> -> memref<10112x64xf32, #tpu.memory_space<vmem_shared>>
    tpu.wait_indirect_dma semaphore(%arg22 : memref<!tpu.dma_semaphore, #tpu.memory_space<semaphore_mem>>) src(%dma_wait3A_609 : memref<64x64xf32, #tpu.memory_space<vmem>>) dst(%dma_wait3A_615 : memref<10112x64xf32, #tpu.memory_space<vmem_shared>>)
    %dma_wait3A_616 = arith.constant 4 : i32
    %dma_wait3A_617 = arith.constant 0 : i32
    %dma_wait3A_618 = arith.constant 0 : i32
    %dma_wait3A_619 = arith.constant 0 : i32
    %dma_wait3A_620 = tpu.memref_slice %arg8[%dma_wait3A_616, %dma_wait3A_618, %dma_wait3A_619] : memref<8x64x64xf32, #tpu.memory_space<vmem>> -> memref<1x64x64xf32, #tpu.memory_space<vmem>>
    %dma_wait3A_621 = tpu.memref_squeeze %dma_wait3A_620 : memref<1x64x64xf32, #tpu.memory_space<vmem>> -> memref<64x64xf32, #tpu.memory_space<vmem>>
    %dma_wait3A_622 = arith.constant 0 : i32
    %dma_wait3A_623 = tpu.memref_slice %arg7[%dma_wait3A_617, %dma_wait3A_622] : memref<80x64xi32, #tpu.memory_space<vmem>> -> memref<1x64xi32, #tpu.memory_space<vmem>>
    %dma_wait3A_624 = tpu.memref_squeeze %dma_wait3A_623 : memref<1x64xi32, #tpu.memory_space<vmem>> -> memref<64xi32, #tpu.memory_space<vmem>>
    %dma_wait3A_625 = arith.constant 0 : i32
    %dma_wait3A_626 = arith.constant 0 : i32
    %dma_wait3A_627 = tpu.memref_slice %arg10[%dma_wait3A_625, %dma_wait3A_626] : memref<10112x64xf32, #tpu.memory_space<vmem_shared>> -> memref<10112x64xf32, #tpu.memory_space<vmem_shared>>
    tpu.wait_indirect_dma semaphore(%arg23 : memref<!tpu.dma_semaphore, #tpu.memory_space<semaphore_mem>>) src(%dma_wait3A_621 : memref<64x64xf32, #tpu.memory_space<vmem>>) dst(%dma_wait3A_627 : memref<10112x64xf32, #tpu.memory_space<vmem_shared>>)
    %dma_wait3A_628 = arith.constant 5 : i32
    %dma_wait3A_629 = arith.constant 0 : i32
    %dma_wait3A_630 = arith.constant 0 : i32
    %dma_wait3A_631 = arith.constant 0 : i32
    %dma_wait3A_632 = tpu.memref_slice %arg8[%dma_wait3A_628, %dma_wait3A_630, %dma_wait3A_631] : memref<8x64x64xf32, #tpu.memory_space<vmem>> -> memref<1x64x64xf32, #tpu.memory_space<vmem>>
    %dma_wait3A_633 = tpu.memref_squeeze %dma_wait3A_632 : memref<1x64x64xf32, #tpu.memory_space<vmem>> -> memref<64x64xf32, #tpu.memory_space<vmem>>
    %dma_wait3A_634 = arith.constant 0 : i32
    %dma_wait3A_635 = tpu.memref_slice %arg7[%dma_wait3A_629, %dma_wait3A_634] : memref<80x64xi32, #tpu.memory_space<vmem>> -> memref<1x64xi32, #tpu.memory_space<vmem>>
    %dma_wait3A_636 = tpu.memref_squeeze %dma_wait3A_635 : memref<1x64xi32, #tpu.memory_space<vmem>> -> memref<64xi32, #tpu.memory_space<vmem>>
    %dma_wait3A_637 = arith.constant 0 : i32
    %dma_wait3A_638 = arith.constant 0 : i32
    %dma_wait3A_639 = tpu.memref_slice %arg10[%dma_wait3A_637, %dma_wait3A_638] : memref<10112x64xf32, #tpu.memory_space<vmem_shared>> -> memref<10112x64xf32, #tpu.memory_space<vmem_shared>>
    tpu.wait_indirect_dma semaphore(%arg24 : memref<!tpu.dma_semaphore, #tpu.memory_space<semaphore_mem>>) src(%dma_wait3A_633 : memref<64x64xf32, #tpu.memory_space<vmem>>) dst(%dma_wait3A_639 : memref<10112x64xf32, #tpu.memory_space<vmem_shared>>)
    %dma_wait3A_640 = arith.constant 6 : i32
    %dma_wait3A_641 = arith.constant 0 : i32
    %dma_wait3A_642 = arith.constant 0 : i32
    %dma_wait3A_643 = arith.constant 0 : i32
    %dma_wait3A_644 = tpu.memref_slice %arg8[%dma_wait3A_640, %dma_wait3A_642, %dma_wait3A_643] : memref<8x64x64xf32, #tpu.memory_space<vmem>> -> memref<1x64x64xf32, #tpu.memory_space<vmem>>
    %dma_wait3A_645 = tpu.memref_squeeze %dma_wait3A_644 : memref<1x64x64xf32, #tpu.memory_space<vmem>> -> memref<64x64xf32, #tpu.memory_space<vmem>>
    %dma_wait3A_646 = arith.constant 0 : i32
    %dma_wait3A_647 = tpu.memref_slice %arg7[%dma_wait3A_641, %dma_wait3A_646] : memref<80x64xi32, #tpu.memory_space<vmem>> -> memref<1x64xi32, #tpu.memory_space<vmem>>
    %dma_wait3A_648 = tpu.memref_squeeze %dma_wait3A_647 : memref<1x64xi32, #tpu.memory_space<vmem>> -> memref<64xi32, #tpu.memory_space<vmem>>
    %dma_wait3A_649 = arith.constant 0 : i32
    %dma_wait3A_650 = arith.constant 0 : i32
    %dma_wait3A_651 = tpu.memref_slice %arg10[%dma_wait3A_649, %dma_wait3A_650] : memref<10112x64xf32, #tpu.memory_space<vmem_shared>> -> memref<10112x64xf32, #tpu.memory_space<vmem_shared>>
    tpu.wait_indirect_dma semaphore(%arg25 : memref<!tpu.dma_semaphore, #tpu.memory_space<semaphore_mem>>) src(%dma_wait3A_645 : memref<64x64xf32, #tpu.memory_space<vmem>>) dst(%dma_wait3A_651 : memref<10112x64xf32, #tpu.memory_space<vmem_shared>>)
    %dma_wait3A_652 = arith.constant 7 : i32
    %dma_wait3A_653 = arith.constant 0 : i32
    %dma_wait3A_654 = arith.constant 0 : i32
    %dma_wait3A_655 = arith.constant 0 : i32
    %dma_wait3A_656 = tpu.memref_slice %arg8[%dma_wait3A_652, %dma_wait3A_654, %dma_wait3A_655] : memref<8x64x64xf32, #tpu.memory_space<vmem>> -> memref<1x64x64xf32, #tpu.memory_space<vmem>>
    %dma_wait3A_657 = tpu.memref_squeeze %dma_wait3A_656 : memref<1x64x64xf32, #tpu.memory_space<vmem>> -> memref<64x64xf32, #tpu.memory_space<vmem>>
    %dma_wait3A_658 = arith.constant 0 : i32
    %dma_wait3A_659 = tpu.memref_slice %arg7[%dma_wait3A_653, %dma_wait3A_658] : memref<80x64xi32, #tpu.memory_space<vmem>> -> memref<1x64xi32, #tpu.memory_space<vmem>>
    %dma_wait3A_660 = tpu.memref_squeeze %dma_wait3A_659 : memref<1x64xi32, #tpu.memory_space<vmem>> -> memref<64xi32, #tpu.memory_space<vmem>>
    %dma_wait3A_661 = arith.constant 0 : i32
    %dma_wait3A_662 = arith.constant 0 : i32
    %dma_wait3A_663 = tpu.memref_slice %arg10[%dma_wait3A_661, %dma_wait3A_662] : memref<10112x64xf32, #tpu.memory_space<vmem_shared>> -> memref<10112x64xf32, #tpu.memory_space<vmem_shared>>
    tpu.wait_indirect_dma semaphore(%arg26 : memref<!tpu.dma_semaphore, #tpu.memory_space<semaphore_mem>>) src(%dma_wait3A_657 : memref<64x64xf32, #tpu.memory_space<vmem>>) dst(%dma_wait3A_663 : memref<10112x64xf32, #tpu.memory_space<vmem_shared>>)
    %barrier3A_664 = arith.constant 0 : index
    tpu.barrier barrier_id(%barrier3A_664)
    "tpu.region"() ({
      %run_scoped3A_665 = tpu.sem_alloc : memref<!tpu.dma_semaphore, #tpu.memory_space<semaphore_mem>>
      %dma_start3A_666 = tpu.memref_slice %arg5[%mul3A_0, %mul3A_2] : memref<10112x128xf32, #tpu.memory_space<hbm>> -> memref<632x64xf32, #tpu.memory_space<hbm>>
      %dma_start3A_667 = arith.constant 0 : i32
      %dma_start3A_668 = tpu.memref_slice %arg10[%mul3A_0, %dma_start3A_667] : memref<10112x64xf32, #tpu.memory_space<vmem_shared>> -> memref<632x64xf32, #tpu.memory_space<vmem_shared>>
      tpu.enqueue_dma source(%dma_start3A_668 : memref<632x64xf32, #tpu.memory_space<vmem_shared>>) target(%dma_start3A_666 : memref<632x64xf32, #tpu.memory_space<hbm>>) target_semaphore(%run_scoped3A_665 : memref<!tpu.dma_semaphore, #tpu.memory_space<semaphore_mem>>)
      %dma_wait3A_669 = tpu.memref_slice %arg5[%mul3A_0, %mul3A_2] : memref<10112x128xf32, #tpu.memory_space<hbm>> -> memref<632x64xf32, #tpu.memory_space<hbm>>
      %dma_wait3A_670 = arith.constant 0 : i32
      %dma_wait3A_671 = tpu.memref_slice %arg10[%mul3A_0, %dma_wait3A_670] : memref<10112x64xf32, #tpu.memory_space<vmem_shared>> -> memref<632x64xf32, #tpu.memory_space<vmem_shared>>
      tpu.wait_dma2 semaphore(%run_scoped3A_665 : memref<!tpu.dma_semaphore, #tpu.memory_space<semaphore_mem>>) src(%dma_wait3A_671 : memref<632x64xf32, #tpu.memory_space<vmem_shared>>) dst(%dma_wait3A_669 : memref<632x64xf32, #tpu.memory_space<hbm>>)
      tpu.yield
    }) : () -> ()
    return
  }
}

module attributes {stable_mosaic.version = 14 : i64} {
  func.func @_mm_body(%arg0: i32, %arg1: memref<1000x128xf32, #tpu.memory_space<vmem>>, %arg2: memref<128x128xf32, #tpu.memory_space<vmem>>, %arg3: memref<1000x128xf32, #tpu.memory_space<vmem>>) attributes {dimension_semantics = [#tpu.dimension_semantics<arbitrary>], iteration_bounds = array<i64: 10>, scalar_prefetch = 0 : i64, scratch_operands = 0 : i64, tpu.core_type = #tpu.core_type<tc>, window_params = [{transform_indices = @transform_0, window_bounds = array<i64: 1000, 128>}, {pipeline_mode = #tpu.pipeline_mode<synchronous>, transform_indices = @transform_1, window_bounds = array<i64: 128, 128>}, {transform_indices = @transform_2, window_bounds = array<i64: 1000, 128>}]} {
    %get3A = arith.constant 0 : index
    %get3A_0 = arith.constant 0 : index
    %get3A_1 = vector.load %arg1[%get3A, %get3A_0] : memref<1000x128xf32, #tpu.memory_space<vmem>>, vector<1000x128xf32>
    %get3A_2 = arith.constant 0 : index
    %get3A_3 = arith.constant 0 : index
    %get3A_4 = vector.load %arg2[%get3A_2, %get3A_3] : memref<128x128xf32, #tpu.memory_space<vmem>>, vector<128x128xf32>
    %dot_general3A = arith.constant dense<0.000000e+00> : vector<1000x128xf32>
    %dot_general3A_5 = tpu.matmul %get3A_1, %get3A_4, %dot_general3A {dimension_numbers = #tpu.dot_dimension_numbers<[1], [0], [0], [1], [0, 0, 1, 1], [], []>, transpose_lhs_hint = false} : vector<1000x128xf32>, vector<128x128xf32>, vector<1000x128xf32> -> vector<1000x128xf32>
    %swap3A = arith.constant 0 : index
    %swap3A_6 = arith.constant 0 : index
    %swap3A_7 = vector.load %arg3[%swap3A, %swap3A_6] : memref<1000x128xf32, #tpu.memory_space<vmem>>, vector<1000x128xf32>
    tpu.vector_store %arg3[%swap3A, %swap3A_6], %dot_general3A_5 {strides = array<i32>} : memref<1000x128xf32, #tpu.memory_space<vmem>>, vector<1000x128xf32>,
    return
  }
  func.func @transform_0(%arg0: i32) -> (i32, i32) {
    %c0_i32 = arith.constant 0 : i32
    %c0_i32_0 = arith.constant 0 : i32
    return %arg0, %c0_i32 : i32, i32
  }
  func.func @transform_1(%arg0: i32) -> (i32, i32) {
    %c0_i32 = arith.constant 0 : i32
    %c0_i32_0 = arith.constant 0 : i32
    %c0_i32_1 = arith.constant 0 : i32
    return %c0_i32, %c0_i32_0 : i32, i32
  }
  func.func @transform_2(%arg0: i32) -> (i32, i32) {
    %c0_i32 = arith.constant 0 : i32
    %c0_i32_0 = arith.constant 0 : i32
    return %arg0, %c0_i32 : i32, i32
  }
}

</mosaic_0001>

<sc_bundles>
// kernel: kernel.4.cloned.1.call-start
scs
__scs_entry_jumppad:
0x0: {  	(pc) =	sbr.rel $0x88, $3  }
0x1: {  	(tag) =	ssettag $0x0;
	lr =	simm.s32 $0x1  }
0x2: {  	[smem:$0x3F9E] =	sst lr;
	_ =	strace $0xD0000000  }
0x3: {  	_ = 	snop  }
0x4: {  	_ = 	snop  }
0x5: {  	_ = 	snop  }
0x6: {  	_ = 	snop  }
0x7: {  	_ = 	snop  }
__scs_overlays_trampoline_lowered:
0x8: {  	[smem:$0x3FAD] =	sst s0  }
0x9: {  	[smem:$0x3FAE] =	sst s1  }
0xa: {  	[smem:$0x3FAF] =	sst s2  }
0xb: {  	[smem:$0x3FB0] =	sst s3  }
0xc: {  	[smem:$0x3FB1] =	sst s4  }
0xd: {  	[smem:$0x3FB2] =	sst s5  }
0xe: {  	[smem:$0x3FB3] =	sst s6  }
0xf: {  	[smem:$0x3FB4] =	sst s7  }
0x10: {  	[smem:$0x3FB5] =	sst s8  }
0x11: {  	[smem:$0x3FB6] =	sst s9;
	s0 =	simm.s32 @!p0 $0x0  }
0x12: {  	s1 =	sld [smem:$0x3F9C];
	s0 =	simm.s32 @p0 $0x1  }
0x13: {  	[smem:$0x3FB7] =	sst s0;
	s0 =	simm.s32 @!p1 $0x0  }
0x14: {  	s2 =	sld [smem:$0x3F9B];
	s0 =	simm.s32 @p1 $0x1  }
0x15: {  	[smem:$0x3FB8] =	sst s0;
	s0 =	simm.s32 @!p2 $0x0  }
0x16: {  	s3 =	sld [smem:$0x3FDB];
	s0 =	simm.s32 @p2 $0x1  }
0x17: {  	s4 =	simm.s32 $0x1BF5;
	[smem:$0x3FBA] =	sst s0  }
0x18: {  	s0 =	sld [smem:$0x3F9D];
	_ =	swait.ge [sflag:s4], $0x0  }
0x19: {  	s7 =	sld [smem:$0x3F9E]  }
0x1a: {  	s8 =	sadd.s32 $0xFFFFE003, lr  }
0x1b: {  	s9 =	sadd.s32 $0xFFFFFEF7, lr;
	s5 =	simm.s32 $0xFFFFFFFF;
	p2 =	slt.u32 s8, $0xFFFFF086  }
0x1c: {  	p1 =	slt.u32 s9, $0xF7A;
	s5 =	simm.s32 @!p2 $0x0  }
0x1d: {  	s5 =	simm.s32 @p1 $0x1;
	p0 =	seq.s32 s7, s2  }
0x1e: {  	s7 =	smul.u32 @!p0 $0xF7A, s2;
	p2 =	seq.s32 @!p0 s5, $0x0  }
0x1f: {  	s9 =	smul.u32 $0xF7A, s1;
	s8 =	simm.s32 @!p0 $0x1BF5;
	p2 =	por !p2, p0  }
0x20: {  	[sflag:s8] =	ssyncset.s32 @!p0 $0xFFFFF086;
	s6 =	sadd.s32 @!p0 s3, s7;
	s7 =	simm.s32 @!p0 $0x108  }
0x21: {  	s3 =	sadd.s32 s3, s9;
	s6 =	sadd.s32 @!p0 $0x88, s6;
	s7 =	simm.s32 @p2 $0x1082  }
0x22: {  	[simem:s7], [sflag:s8] =	dma.local @!p0 [hbm:s6], $0xF7A  }
0x23: {  	s9 =	sor.u32 $0xD0000000, s2;
	s6 =	simm.s32 $0x108;
	_ =	swait.ge @!p0 [sflag:s8], $0x0  }
0x24: {  	s3 =	sadd.s32 $0x88, s3;
	s6 =	simm.s32 @!p1 $0x1082;
	[sflag:s4] =	ssyncset.s32 $0xFFFFF086  }
0x25: {  	[simem:s6], [sflag:s4] =	dma.local [hbm:s3], $0xF7A  }
0x26: {  	[smem:$0x3F9E] =	sst s1;
	(tag) =	ssettag s2;
	_ =	strace s9  }
0x27: {  	s1 =	sld [smem:$0x3FAE]  }
0x28: {  	s2 =	sld [smem:$0x3FAF]  }
0x29: {  	s4 =	sld [smem:$0x3FB1]  }
0x2a: {  	p0 =	seq.s32 s5, $0x0;
	s5 =	sld [smem:$0x3FB2]  }
0x2b: {  	s6 =	sld [smem:$0x3FB3]  }
0x2c: {  	s7 =	sld [smem:$0x3FB4]  }
0x2d: {  	s3 =	simm.s32 $0x108;
	s8 =	sld [smem:$0x3FB5]  }
0x2e: {  	s3 =	simm.s32 @!p0 $0x1082;
	s9 =	sld [smem:$0x3FB6]  }
0x2f: {  	lr =	sadd.s32 s0, s3;
	s0 =	sld [smem:$0x3FAD]  }
0x30: {  	s3 =	sld [smem:$0x3FB0]  }
0x31: {  	[smem:$0x3FB9] =	sst s10  }
0x32: {  	s10 =	sld [smem:$0x3FB7];
	_ =	sdelay $0x3  }
0x33: {  	p0 =	seq.s32 s10, $0x1;
	s10 =	sld [smem:$0x3FB9];
	_ =	sdelay $0x3  }
0x34: {  	[smem:$0x3FB9] =	sst s10  }
0x35: {  	s10 =	sld [smem:$0x3FB8];
	_ =	sdelay $0x3  }
0x36: {  	p1 =	seq.s32 s10, $0x1;
	s10 =	sld [smem:$0x3FB9];
	_ =	sdelay $0x3  }
0x37: {  	[smem:$0x3FB9] =	sst s10  }
0x38: {  	s10 =	sld [smem:$0x3FBA]  }
0x39: {  	_ = 	snop;
	(pc) =	sbr.ind lr, $3  }
0x3a: {  	_ = 	snop  }
0x3b: {  	_ = 	snop  }
0x3c: {  	p2 =	seq.s32 s10, $0x1;
	s10 =	sld [smem:$0x3FB9]  }
0x3d: {  	_ =	shalt  }
0x3e: {  	_ =	shalt  }
0x3f: {  	_ =	shalt  }
0x40: {  	_ =	shalt  }
0x41: {  	_ =	shalt  }
0x42: {  	_ =	shalt  }
0x43: {  	_ =	shalt  }
0x44: {  	_ =	shalt  }
0x45: {  	_ =	shalt  }
0x46: {  	_ =	shalt  }
0x47: {  	_ =	shalt  }
0x48: {  	_ =	shalt  }
0x49: {  	_ =	shalt  }
0x4a: {  	_ =	shalt  }
0x4b: {  	_ =	shalt  }
0x4c: {  	_ =	shalt  }
0x4d: {  	_ =	shalt  }
0x4e: {  	_ =	shalt  }
0x4f: {  	_ =	shalt  }
0x50: {  	_ =	shalt  }
0x51: {  	_ =	shalt  }
0x52: {  	_ =	shalt  }
0x53: {  	_ =	shalt  }
0x54: {  	_ =	shalt  }
0x55: {  	_ =	shalt  }
0x56: {  	_ =	shalt  }
0x57: {  	_ =	shalt  }
0x58: {  	_ =	shalt  }
0x59: {  	_ =	shalt  }
0x5a: {  	_ =	shalt  }
0x5b: {  	_ =	shalt  }
0x5c: {  	_ =	shalt  }
0x5d: {  	_ =	shalt  }
0x5e: {  	_ =	shalt  }
0x5f: {  	_ =	shalt  }
0x60: {  	_ =	shalt  }
0x61: {  	_ =	shalt  }
0x62: {  	_ =	shalt  }
0x63: {  	_ =	shalt  }
0x64: {  	_ =	shalt  }
0x65: {  	_ =	shalt  }
0x66: {  	_ =	shalt  }
0x67: {  	_ =	shalt  }
0x68: {  	_ =	shalt  }
0x69: {  	_ =	shalt  }
0x6a: {  	_ =	shalt  }
0x6b: {  	_ =	shalt  }
0x6c: {  	_ =	shalt  }
0x6d: {  	_ =	shalt  }
0x6e: {  	_ =	shalt  }
0x6f: {  	_ =	shalt  }
0x70: {  	_ =	shalt  }
0x71: {  	_ =	shalt  }
0x72: {  	_ =	shalt  }
0x73: {  	_ =	shalt  }
0x74: {  	_ =	shalt  }
0x75: {  	_ =	shalt  }
0x76: {  	_ =	shalt  }
0x77: {  	_ =	shalt  }
0x78: {  	_ =	shalt  }
0x79: {  	_ =	shalt  }
0x7a: {  	_ =	shalt  }
0x7b: {  	_ =	shalt  }
0x7c: {  	_ =	shalt  }
0x7d: {  	_ =	shalt  }
0x7e: {  	_ =	shalt  }
0x7f: {  	_ =	shalt  }
0x80: {  	_ =	shalt  }
0x81: {  	_ =	shalt  }
0x82: {  	_ =	shalt  }
0x83: {  	_ =	shalt  }
0x84: {  	_ =	shalt  }
0x85: {  	_ =	shalt  }
0x86: {  	_ =	shalt  }
0x87: {  	_ =	shalt  }
.Lfunc_end0:
.L_simem_size_0:
called_computation_lowered:
.L_overlay_start_0:
0x88: {  	s2 =	sld [smem:$0x3FD9]  }
0x89: {  	s3 =	sld [smem:$0x3FFE];
	_ =	sdelay $0x1  }
0x8a: {  	s1 =	srdreg.scid  }
0x8b: {  	s0 =	sand.u32 $0x1, s1  }
0x8c: {  	s17 =	sshll.u32 s0, $0xA;
	s2 =	sadd.s32 s3, s2  }
0x8d: {  	s2 =	sadd.s32 s2, s17  }
0x8e: {  	[smem:$0x3FC5] =	sst s2  }
0x8f: {  	_ = 	snop  }
0x90: {  	s2 =	sld [smem:$0x3FC9]  }
0x91: {  	s18 =	sld [smem:$0x3FD0];
	(tm) =	ssettm $0x1  }
0x92: {  	s4 =	sld [smem:$0x3FFB];
	_ =	sdelay $0x3  }
0x93: {  	_ =	strace s4  }
0x94: {  	s4 =	sld [smem:$0x3FFC];
	_ =	sdelay $0x3  }
0x95: {  	_ =	strace s4  }
0x96: {  	s4 =	sld [smem:$0x3FFD];
	_ =	sdelay $0x3  }
0x97: {  	_ =	strace s4  }
0x98: {  	_ =	strace $0x8FFFFFFF  }
0x99: {  	s19 =	sld [smem:$0x3FDB];
	_ =	sdelay $0x1  }
0x9a: {  	s5 =	simm.s32 $_scs_section_size  }
0x9b: {  	s6 =	simm.s32 $_size__tile_overlayer_lowered;
	s7 =	simm.s32 $_tile_overlayer_lowered  }
0x9c: {  	s22 =	simm.s32 $0x1BFF;
	s21 =	sshll.u32 s7, $0x1;
	s4 =	sadd.s32 s5, s19  }
0x9d: {  	s8 =	simm.s32 $0x0;
	s20 =	sshll.u32 s6, $0x1;
	s6 =	sadd.s32 s21, s4  }
0x9e: {  	[timem:s8], [sflag:s22] =	dma.local [hbm:s6], s20  }
0x9f: {  	_ =	swait.ge [sflag:s22], s20  }
0xa0: {  	s5 =	ssub.s32 $0x0, s20;
	[sflag:s22] =	ssyncset.done $0x0  }
0xa1: {  	[sflag:s22] =	ssyncadd.s32 s5;
	_ =	sdelay $0x1  }
0xa2: {  	s23 =	simm.s32 $0x1B8B  }
0xa3: {  	_ =	swait.ge [sflag:s23], $0x1  }
0xa4: {  	[sflag:s23] =	ssyncset.done $0x0  }
0xa5: {  	s25 =	simm.s32 $0x1B8E;
	s24 =	sld [smem:$0x3FFE];
	[sflag:s23] =	ssyncadd.s32 $0xFFFFFFFF  }
0xa6: {  	s26 =	simm.s32 $execute0_lowered;
	[smem:$0x3FD2] =	sst s25  }
0xa7: {  	s6 =	sshll.u32 s26, $0x1;
	_ =	strace $0x80000046;
	[dreg:$0x1] =	wrdreg $0xFFFFFFFF  }
0xa8: {  	s28 =	simm.s32 $_size_execute0_lowered;
	s4 =	sadd.s32 s4, s6;
	[dreg:$0x0] =	wrdreg $0x0  }
0xa9: {  	s6 =	sshll.u32 s28, $0x1;
	[dreg:$0x2] =	wrdreg s4  }
0xaa: {  	[dreg:$0x3] =	wrdreg s6  }
0xab: {  	[dreg:$0x4] =	wrdreg $0xC0  }
0xac: {  	_ =	task [dreg:s8], $0x5FFFF  }
0xad: {  	[dreg:$0x1] =	wrdreg $0xFFFFFFFF  }
0xae: {  	[dreg:$0x0] =	wrdreg $0x60  }
0xaf: {  	[dreg:$0x2] =	wrdreg s2  }
0xb0: {  	[dreg:$0x3] =	wrdreg s18  }
0xb1: {  	[dreg:$0x4] =	wrdreg s24  }
0xb2: {  	[dreg:$0x5] =	wrdreg $0xA8000  }
0xb3: {  	[dreg:$0x6] =	wrdreg $0x146000  }
0xb4: {  	[dreg:$0x7] =	wrdreg $0x9  }
0xb5: {  	_ =	task.clear_ibuf [dreg:s8], $0x8FFFF;
	_ =	strace $0x90000046  }
0xb6: {  	s29 =	simm.s32 $0x9;
	_ =	strace $0x80000048  }
0xb7: {  	_ =	swait.ge [sflag:s29], $0x1  }
0xb8: {  	[sflag:s29] =	ssyncadd.s32 $0xFFFFFFFF  }
0xb9: {  	_ =	strace $0x90000048  }
0xba: {  	_ =	sfence  }
0xbb: {  	s30 =	sld [smem:$0x0];
	_ =	sdelay $0x2  }
0xbc: {  	s31 =	sshll.u32 s1, $0xD;
	s1 =	sshrl.u32 s1, $0x2  }
0xbd: {  	s3 =	sand.u32 $0x4000, s31;
	s1 =	sadd.s32 s1, s30  }
0xbe: {  	s0 =	sor.u32 s3, s0;
	s1 =	sshll.u32 s1, $0x11  }
0xbf: {  	s0 =	sor.u32 s1, s0  }
0xc0: {  	s0 =	sadd.s32 $0x8F2B, s0  }
0xc1: {  	[sflag:s0] =	ssyncadd.remote.s32 $0x1  }
0xc2: {  	_ =	sfence.sel $0xFFFF  }
0xc3: {  	[dreg:$0x0] =	wrdreg $0xFFFFFFFF;
	(pc) =	sbr.abs _section_cstart, $3  }
0xc4: {  	[dreg:$0x1] =	wrdreg $0xFFFFFFFF  }
0xc5: {  	_ =	task.clear_ibuf [dreg:s8], $0x2FFFF;
	_ =	strace $0x9FFFFFFF  }
0xc6: {  	(tm) =	ssettm $0x7FFFFFFF  }
0xc7: {  	_ =	shalt  }
tec
execute0_lowered:
.L_overlay_start_1:
0x0: {  	(tag) =	ssettag $0x1  }
0x1: {  	s0 =	rddreg [dreg:$0x0]  }
0x2: {  	s1 =	rddreg [dreg:$0x1]  }
0x3: {  	s5 =	rddreg [dreg:$0x2]  }
0x4: {  	s2 =	rddreg [dreg:$0x3];
	s13 =	stileid.u32  }
0x5: {  	s3 =	rddreg [dreg:$0x4];
	s7 =	smul.u32 $0x13C00, s13  }
0x6: {  	s6 =	srdreg.scid;
	s4 =	simm.s32 $0x0;
	s9 =	smul.u32 $0x13880, s13  }
0x7: {  	s30 =	simm.s32 $0x1;
	s31 =	simm.s32 $0x8;
	s10 =	smul.u32 $0x27100, s13  }
0x8: {  	s6 =	sand.u32 $0x1, s6;
	[smem:$0x7FF] =	sst s4;
	s12 =	smul.u32 $0x27800, s13  }
0x9: {  	s24 =	sshll.u32 s13, $0x6;
	s25 =	smul.u32 $0x5000, s13;
	s8 =	sshll.u32 s6, $0x6  }
0xa: {  	_ =	strace $0x80000047;
	[dreg:$0x6] =	wrdreg s24;
	s26 =	sor.u32 $0x1C01, s24  }
0xb: {  	s7 =	sor.u32 s8, s7;
	s23 =	sshrl.u32 s12, $0x2;
	s12 =	sshrl.u32 s25, $0x3  }
0xc: {  	s22 =	sshrl.u32 s10, $0x2;
	[dreg:$0x9] =	wrdreg s26;
	s10 =	sadd.s32 s1, s12  }
0xd: {  	s8 =	sor.u32 s8, s9;
	s16 =	sadd.s32 s5, s12;
	[dreg:$0xf] =	wrdreg s10  }
0xe: {  	s8 =	sshrl.u32 s8, $0x3;
	s23 =	sadd.s32 s23, s3;
	[dreg:$0x10] =	wrdreg s16  }
0xf: {  	s29 =	simm.s32 $0xE;
	s0 =	sadd.s32 s0, s8;
	[dreg:$0x7] =	wrdreg s23  }
0x10: {  	s6 =	ssub.s32 $0x2, s6;
	s28 =	sadd.s32 $0x1000, s23;
	[dreg:$0x8] =	wrdreg s0  }
0x11: {  	s11 =	sshrl.u32 s6, $0x1;
	s8 =	sadd.s32 $0x2000, s23;
	[dreg:$0xa] =	wrdreg s28  }
0x12: {  	s6 =	ssub.s32 s6, s11;
	s11 =	sadd.s32 $0x3000, s23;
	[dreg:$0xb] =	wrdreg s8  }
0x13: {  	s7 =	sshrl.u32 s7, $0x3;
	s13 =	sadd.s32 $0x4000, s23;
	[dreg:$0xc] =	wrdreg s11  }
0x14: {  	s15 =	sadd.s32 $0x280, s12;
	s14 =	sadd.s32 $0x5000, s23;
	[dreg:$0xd] =	wrdreg s13  }
0x15: {  	s18 =	sadd.s32 $0x500, s12;
	s17 =	sadd.s32 s1, s15;
	[dreg:$0xe] =	wrdreg s14  }
0x16: {  	s9 =	sadd.s32 s22, s2;
	s19 =	sadd.s32 s1, s18;
	[dreg:$0x11] =	wrdreg s17  }
0x17: {  	s7 =	sadd.s32 s7, s5;
	s20 =	sadd.s32 $0x6000, s23;
	[dreg:$0x13] =	wrdreg s19  }
0x18: {  	s22 =	smax.u32 s6, $0x1;
	s24 =	sshrl.u32 s9, $0x3;
	[dreg:$0x17] =	wrdreg s20  }
0x19: {  	s25 =	sadd.s32 $0x7000, s23;
	s26 =	sadd.s32 $0x8000, s23;
	[dreg:$0x19] =	wrdreg s22  }
0x1a: {  	s9 =	simm.s32 $0x40;
	s10 =	simm.s32 $0x3800;
	[dreg:$0x1a] =	wrdreg s24  }
0x1b: {  	s16 =	simm.s32 $0x2;
	s8 =	sadd.s32 s5, s15;
	[dreg:$0x1b] =	wrdreg s25  }
0x1c: {  	s0 =	sadd.s32 $0x780, s12;
	s21 =	sadd.s32 $0xA000, s7;
	[dreg:$0x1c] =	wrdreg s26  }
0x1d: {  	s28 =	sadd.s32 $0x9000, s23;
	s7 =	simm.s32 $0x11;
	s12 =	simm.s32 $0x4800  }
0x1e: {  	s14 =	simm.s32 $0x5800;
	s15 =	simm.s32 $0x6800;
	s17 =	simm.s32 $0x7800  }
0x1f: {  	s19 =	simm.s32 $0x8800;
	s20 =	simm.s32 $0x4;
	[dreg:$0x12] =	wrdreg s8  }
0x20: {  	s22 =	simm.s32 $0x5;
	s25 =	simm.s32 $0xB;
	[dreg:$0x18] =	wrdreg s21  }
.Ltmp0:
0x21: {  	s8 =	sadd.s32 s5, s18;
	[dreg:$0x1d] =	wrdreg s28;
	(pc) =	sbr.rel .LBB2_1-.Ltmp0, $4  }
0x22: {  	s26 =	simm.s32 $0xC;
	s1 =	sadd.s32 s1, s0;
	[dreg:$0x14] =	wrdreg s8  }
0x23: {  	s0 =	sadd.s32 s5, s0;
	s18 =	simm.s32 $0x3;
	[dreg:$0x15] =	wrdreg s1  }
0x24: {  	s21 =	simm.s32 $0x9800;
	s5 =	simm.s32 $0x7;
	[dreg:$0x16] =	wrdreg s0  }
0x25: {  	v0 =	vimm.f32 $0.0e+00;
	s0 =	simm.s32 $0x10;
	s1 =	simm.s32 $0x2800;
	s8 =	simm.s32 $0xF  }
.LBB2_15:
0x26: {  	_ =	swait.ge [sflag:s31], $0x1000  }
0x27: {  	[sflag:s31] =	ssyncset.done $0x0  }
0x28: {  	s11 =	simm.s32 $0x9;
	[sflag:s31] =	ssyncadd.s32 $0xFFFFF000  }
0x29: {  	[spmem:s3] =	stream.indirect.scatter.add.f32 [tilespmem:s21], [sflag:$0x10], $0x40, s6, s9, $0xb8;
	[tilespmem:$0x1E400] =	vst v63  }
0x2a: {  	_ =	swait.ge [sflag:s11], $0x1000  }
0x2b: {  	[sflag:s11] =	ssyncset.done $0x0  }
0x2c: {  	s13 =	simm.s32 $0xA;
	[sflag:s11] =	ssyncadd.s32 $0xFFFFF000  }
0x2d: {  	_ =	swait.ge [sflag:s13], $0x1000  }
0x2e: {  	[sflag:s13] =	ssyncset.done $0x0  }
0x2f: {  	[sflag:s13] =	ssyncadd.s32 $0xFFFFF000  }
0x30: {  	_ =	swait.ge [sflag:s25], $0x1000  }
0x31: {  	[sflag:s25] =	ssyncset.done $0x0  }
0x32: {  	[sflag:s25] =	ssyncadd.s32 $0xFFFFF000  }
0x33: {  	_ =	swait.ge [sflag:s26], $0x1000  }
0x34: {  	[sflag:s26] =	ssyncset.done $0x0  }
0x35: {  	s23 =	simm.s32 $0xD;
	[sflag:s26] =	ssyncadd.s32 $0xFFFFF000  }
0x36: {  	_ =	swait.ge [sflag:s23], $0x1000  }
0x37: {  	[sflag:s23] =	ssyncset.done $0x0  }
0x38: {  	[sflag:s23] =	ssyncadd.s32 $0xFFFFF000  }
0x39: {  	_ =	swait.ge [sflag:s29], $0x1000  }
0x3a: {  	[sflag:s29] =	ssyncset.done $0x0  }
0x3b: {  	[sflag:s29] =	ssyncadd.s32 $0xFFFFF000  }
0x3c: {  	_ =	swait.ge [sflag:s8], $0x1000  }
0x3d: {  	[sflag:s8] =	ssyncset.done $0x0  }
0x3e: {  	[sflag:s8] =	ssyncadd.s32 $0xFFFFF000  }
0x3f: {  	_ =	swait.ge [sflag:s0], $0x1000  }
0x40: {  	[sflag:s0] =	ssyncset.done $0x0  }
0x41: {  	[sflag:s0] =	ssyncadd.s32 $0xFFFFF000  }
0x42: {  	[bflag:$0x0] =	sbarrier.arrive $0xFFFF  }
0x43: {  	s24 =	rddreg [dreg:$0x6]  }
0x44: {  	s23 =	rddreg [dreg:$0x7]  }
0x45: {  	s13 =	rddreg [dreg:$0x18];
	s6 =	sor.u32 $0x1C11, s24;
	s11 =	sshrl.u32 s23, $0x3  }
0x46: {  	[hbm:s13@s0], [sflag:s6] =	dma.strided [spmem:s11@s31], $0x13C0, s30, $0x8   }
0x47: {  	_ =	swait.ge [sflag:s7], $0x13C0  }
0x48: {  	s4 =	sadd.s32 $0x1, s4;
	s28 =	rddreg [dreg:$0x19]  }
0x49: {  	p0 =	sne.s32 s4, s28  }
.Ltmp1:
0x4a: {  	_ = 	snop;
	(pc) =	sbr.rel @!p0 .LBB2_16-.Ltmp1, $3  }
0x4b: {  	_ =	sdelay $0x1  }
0x4c: {  	[sflag:s7] =	ssyncset.done $0x0  }
0x4d: {  	[sflag:s7] =	ssyncadd.s32 $0xFFFFEC40  }
.LBB2_1:
0x4e: {  	s6 =	rddreg [dreg:$0x8]  }
0x4f: {  	s11 =	rddreg [dreg:$0x9]  }
0x50: {  	s13 =	rddreg [dreg:$0x1a]  }
0x51: {  	[spmem:s13@s31], [sflag:s11] =	dma.strided [hbm:s6@s0], $0x1388, s30, $0x8   }
0x52: {  	s13 =	simm.s32 $0x100;
	s11 =	simm.s32 $0x0  }
.LBB2_2:
0x53: {  	p0 =	sne.s32 s13, $0x3F00;
	[tilespmem:s11+$0x2830] =	vst v0;
	s6 =	smov.u32 s13;
	s13 =	sadd.s32 $0x100, s13  }
.Ltmp2:
0x54: {  	[tilespmem:s11+$0x2820] =	vst v0;
	(pc) =	sbr.rel @p0 .LBB2_2-.Ltmp2, $3  }
0x55: {  	[tilespmem:s11+$0x2800] =	vst v0  }
0x56: {  	[tilespmem:s11+$0x2810] =	vst v0;
	_ =	sdelay $0x1  }
0x57: {  	s11 =	sshra.s32 s6, $0x2  }
0x58: {  	[tilespmem:s11+$0x2830] =	vst v0  }
0x59: {  	[tilespmem:s11+$0x2820] =	vst v0  }
0x5a: {  	[tilespmem:s11+$0x2800] =	vst v0  }
0x5b: {  	[tilespmem:s11+$0x2810] =	vst v0  }
0x5c: {  	[spmem:s23] =	stream.linear.scatter [tilespmem:s1], [sflag:$0x11], $0x1000, $0x38;
	[tilespmem:$0x1E400] =	vst v63  }
0x5d: {  	_ =	swait.ge [sflag:s7], $0x1000  }
0x5e: {  	[sflag:s7] =	ssyncset.done $0x0  }
0x5f: {  	s6 =	rddreg [dreg:$0xa];
	[sflag:s7] =	ssyncadd.s32 $0xFFFFF000  }
0x60: {  	[spmem:s6] =	stream.linear.scatter [tilespmem:s1], [sflag:$0x11], $0x1000, $0x38;
	[tilespmem:$0x1E400] =	vst v63  }
0x61: {  	_ =	swait.ge [sflag:s7], $0x1000  }
0x62: {  	[sflag:s7] =	ssyncset.done $0x0  }
0x63: {  	s24 =	rddreg [dreg:$0xb];
	[sflag:s7] =	ssyncadd.s32 $0xFFFFF000  }
0x64: {  	[spmem:s24] =	stream.linear.scatter [tilespmem:s1], [sflag:$0x11], $0x1000, $0x38;
	[tilespmem:$0x1E400] =	vst v63  }
0x65: {  	_ =	swait.ge [sflag:s7], $0x1000  }
0x66: {  	[sflag:s7] =	ssyncset.done $0x0  }
0x67: {  	s28 =	rddreg [dreg:$0xc];
	[sflag:s7] =	ssyncadd.s32 $0xFFFFF000  }
0x68: {  	[spmem:s28] =	stream.linear.scatter [tilespmem:s1], [sflag:$0x11], $0x1000, $0x38;
	[tilespmem:$0x1E400] =	vst v63  }
0x69: {  	_ =	swait.ge [sflag:s7], $0x1000  }
0x6a: {  	[sflag:s7] =	ssyncset.done $0x0  }
0x6b: {  	s11 =	rddreg [dreg:$0xd];
	[sflag:s7] =	ssyncadd.s32 $0xFFFFF000  }
0x6c: {  	[spmem:s11] =	stream.linear.scatter [tilespmem:s1], [sflag:$0x11], $0x1000, $0x38;
	[tilespmem:$0x1E400] =	vst v63  }
0x6d: {  	_ =	swait.ge [sflag:s7], $0x1000  }
0x6e: {  	[sflag:s7] =	ssyncset.done $0x0  }
0x6f: {  	s13 =	rddreg [dreg:$0xe];
	[sflag:s7] =	ssyncadd.s32 $0xFFFFF000  }
0x70: {  	[spmem:s13] =	stream.linear.scatter [tilespmem:s1], [sflag:$0x11], $0x1000, $0x38;
	[tilespmem:$0x1E400] =	vst v63  }
0x71: {  	_ =	swait.ge [sflag:s7], $0x1000  }
0x72: {  	[sflag:s7] =	ssyncset.done $0x0  }
0x73: {  	s23 =	rddreg [dreg:$0x17];
	[sflag:s7] =	ssyncadd.s32 $0xFFFFF000  }
0x74: {  	[spmem:s23] =	stream.linear.scatter [tilespmem:s1], [sflag:$0x11], $0x1000, $0x38;
	[tilespmem:$0x1E400] =	vst v63  }
0x75: {  	_ =	swait.ge [sflag:s7], $0x1000  }
0x76: {  	[sflag:s7] =	ssyncset.done $0x0  }
0x77: {  	s24 =	rddreg [dreg:$0x1b];
	[sflag:s7] =	ssyncadd.s32 $0xFFFFF000  }
0x78: {  	[spmem:s24] =	stream.linear.scatter [tilespmem:s1], [sflag:$0x11], $0x1000, $0x38;
	[tilespmem:$0x1E400] =	vst v63  }
0x79: {  	_ =	swait.ge [sflag:s7], $0x1000  }
0x7a: {  	[sflag:s7] =	ssyncset.done $0x0  }
0x7b: {  	s28 =	rddreg [dreg:$0x1c];
	[sflag:s7] =	ssyncadd.s32 $0xFFFFF000  }
0x7c: {  	[spmem:s28] =	stream.linear.scatter [tilespmem:s1], [sflag:$0x11], $0x1000, $0x38;
	[tilespmem:$0x1E400] =	vst v63  }
0x7d: {  	_ =	swait.ge [sflag:s7], $0x1000  }
0x7e: {  	[sflag:s7] =	ssyncset.done $0x0  }
0x7f: {  	s11 =	rddreg [dreg:$0x1d];
	[sflag:s7] =	ssyncadd.s32 $0xFFFFF000  }
0x80: {  	[spmem:s11] =	stream.linear.scatter [tilespmem:s1], [sflag:$0x11], $0xE00, $0x38;
	[tilespmem:$0x1E400] =	vst v63  }
0x81: {  	_ =	swait.ge [sflag:s7], $0xE00  }
0x82: {  	[sflag:s7] =	ssyncset.done $0x0  }
0x83: {  	[sflag:s7] =	ssyncadd.s32 $0xFFFFF200  }
0x84: {  	_ =	swait.ge [sflag:s30], $0x1388  }
0x85: {  	[sflag:s30] =	ssyncset.done $0x0  }
0x86: {  	[sflag:s30] =	ssyncadd.s32 $0xFFFFEC78  }
0x87: {  	[bflag:$0x0] =	sbarrier.arrive $0xFFFF  }
0x88: {  	s11 =	simm.s32 $0x0;
	s13 =	rddreg [dreg:$0xf]  }
0x89: {  	[tilespmem:s11], [sflag:$0x11] =	stream.linear.gather [hbm4b:s13+s11], $0x1400, $0x38;
	[tilespmem:$0x1E400] =	vst v63  }
0x8a: {  	_ =	swait.ge [sflag:s7], $0x1400  }
0x8b: {  	[sflag:s7] =	ssyncset.done $0x0  }
0x8c: {  	s13 =	simm.s32 $0x1400;
	s23 =	rddreg [dreg:$0x10];
	[sflag:s7] =	ssyncadd.s32 $0xFFFFEC00  }
0x8d: {  	[tilespmem:s13], [sflag:$0x11] =	stream.linear.gather [hbm4b:s23+s11], $0x1400, $0x38;
	[tilespmem:$0x1E400] =	vst v63  }
0x8e: {  	_ =	swait.ge [sflag:s7], $0x1400  }
0x8f: {  	[sflag:s7] =	ssyncset.done $0x0  }
0x90: {  	[sflag:s7] =	ssyncadd.s32 $0xFFFFEC00  }
0x91: {  	[tilespmem:s1], [sflag:$0x1] =	stream.indirect.gather [spmem:s2], $0x40, s11, s9, $0xb8;
	[tilespmem:$0x1E400] =	vst v63  }
0x92: {  	_ = 	snop  }
0x93: {  	[tilespmem:s10], [sflag:$0x2] =	stream.indirect.gather [spmem:s2], $0x40, s9, s9, $0xb8;
	[tilespmem:$0x1E400] =	vst v63  }
0x94: {  	s24 =	simm.s32 $0x80  }
0x95: {  	[tilespmem:s12], [sflag:$0x3] =	stream.indirect.gather [spmem:s2], $0x40, s24, s9, $0xb8;
	[tilespmem:$0x1E400] =	vst v63  }
0x96: {  	s28 =	simm.s32 $0xC0  }
0x97: {  	[tilespmem:s14], [sflag:$0x4] =	stream.indirect.gather [spmem:s2], $0x40, s28, s9, $0xb8;
	[tilespmem:$0x1E400] =	vst v63  }
.LBB2_4:
0x98: {  	_ =	swait.ge [sflag:s30], $0x1000  }
0x99: {  	s13 =	sshra.s32 s11, $0x2;
	[sflag:s30] =	ssyncset.done $0x0  }
0x9a: {  	p0 =	seq.s32 s11, $0x0;
	s6 =	sadd.s32 $0x1400, s13;
	[sflag:s30] =	ssyncadd.s32 $0xFFFFF000  }
0x9b: {  	[spmem:s3] =	stream.indirect.scatter.add.f32 [tilespmem:s1], [sflag:$0x9], $0x40, s6, s9, $0xb8;
	[tilespmem:$0x1E400] =	vst v63  }
0x9c: {  	s6 =	simm.s32 @!p0 $0xD  }
0x9d: {  	_ =	swait.ge @!p0 [sflag:s6], $0x1000  }
0x9e: {  	[sflag:s6] =	ssyncset.done @!p0 $0x0  }
0x9f: {  	s23 =	sadd.s32 $0x100, s13;
	[sflag:s6] =	ssyncadd.s32 @!p0 $0xFFFFF000  }
0xa0: {  	[tilespmem:s15], [sflag:$0x5] =	stream.indirect.gather [spmem:s2], $0x40, s23, s9, $0xb8;
	[tilespmem:$0x1E400] =	vst v63  }
0xa1: {  	_ =	swait.ge [sflag:s16], $0x1000  }
0xa2: {  	[sflag:s16] =	ssyncset.done $0x0  }
0xa3: {  	s24 =	sadd.s32 $0x1440, s13;
	s6 =	simm.s32 @!p0 $0xE;
	[sflag:s16] =	ssyncadd.s32 $0xFFFFF000  }
0xa4: {  	[spmem:s3] =	stream.indirect.scatter.add.f32 [tilespmem:s10], [sflag:$0xA], $0x40, s24, s9, $0xb8;
	[tilespmem:$0x1E400] =	vst v63  }
0xa5: {  	_ =	swait.ge @!p0 [sflag:s6], $0x1000  }
0xa6: {  	[sflag:s6] =	ssyncset.done @!p0 $0x0  }
0xa7: {  	s28 =	sadd.s32 $0x140, s13;
	[sflag:s6] =	ssyncadd.s32 @!p0 $0xFFFFF000  }
0xa8: {  	[tilespmem:s17], [sflag:$0x6] =	stream.indirect.gather [spmem:s2], $0x40, s28, s9, $0xb8;
	[tilespmem:$0x1E400] =	vst v63  }
0xa9: {  	_ =	swait.ge [sflag:s18], $0x1000  }
0xaa: {  	[sflag:s18] =	ssyncset.done $0x0  }
0xab: {  	s23 =	sadd.s32 $0x1480, s13;
	s6 =	simm.s32 @!p0 $0xF;
	[sflag:s18] =	ssyncadd.s32 $0xFFFFF000  }
0xac: {  	[spmem:s3] =	stream.indirect.scatter.add.f32 [tilespmem:s12], [sflag:$0xB], $0x40, s23, s9, $0xb8;
	[tilespmem:$0x1E400] =	vst v63  }
0xad: {  	_ =	swait.ge @!p0 [sflag:s6], $0x1000  }
0xae: {  	[sflag:s6] =	ssyncset.done @!p0 $0x0  }
0xaf: {  	s24 =	sadd.s32 $0x180, s13;
	[sflag:s6] =	ssyncadd.s32 @!p0 $0xFFFFF000  }
0xb0: {  	[tilespmem:s19], [sflag:$0x7] =	stream.indirect.gather [spmem:s2], $0x40, s24, s9, $0xb8;
	[tilespmem:$0x1E400] =	vst v63  }
0xb1: {  	_ =	swait.ge [sflag:s20], $0x1000  }
0xb2: {  	[sflag:s20] =	ssyncset.done $0x0  }
0xb3: {  	s28 =	sadd.s32 $0x14C0, s13;
	s6 =	simm.s32 @!p0 $0x10;
	[sflag:s20] =	ssyncadd.s32 $0xFFFFF000  }
0xb4: {  	[spmem:s3] =	stream.indirect.scatter.add.f32 [tilespmem:s14], [sflag:$0xC], $0x40, s28, s9, $0xb8;
	[tilespmem:$0x1E400] =	vst v63  }
0xb5: {  	_ =	swait.ge @!p0 [sflag:s6], $0x1000  }
0xb6: {  	[sflag:s6] =	ssyncset.done @!p0 $0x0  }
0xb7: {  	s23 =	sadd.s32 $0x1C0, s13;
	[sflag:s6] =	ssyncadd.s32 @!p0 $0xFFFFF000  }
0xb8: {  	[tilespmem:s21], [sflag:$0x8] =	stream.indirect.gather [spmem:s2], $0x40, s23, s9, $0xb8;
	[tilespmem:$0x1E400] =	vst v63  }
0xb9: {  	_ =	swait.ge [sflag:s22], $0x1000  }
0xba: {  	p0 =	seq.s32 s11, $0x4800;
	[sflag:s22] =	ssyncset.done $0x0  }
0xbb: {  	s24 =	sadd.s32 $0x1500, s13;
	s6 =	simm.s32 @p0 $0x6;
	[sflag:s22] =	ssyncadd.s32 $0xFFFFF000  }
0xbc: {  	[spmem:s3] =	stream.indirect.scatter.add.f32 [tilespmem:s15], [sflag:$0xD], $0x40, s24, s9, $0xb8;
	[tilespmem:$0x1E400] =	vst v63  }
0xbd: {  	_ =	swait.ge @p0 [sflag:s6], $0x1000  }
0xbe: {  	[sflag:s6] =	ssyncset.done @p0 $0x0  }
0xbf: {  	[sflag:s6] =	ssyncadd.s32 @p0 $0xFFFFF000;
	s6 =	sshra.s32 @p0 s11, $0x2  }
0xc0: {  	s23 =	simm.s32 @p0 $0x40;
	s24 =	simm.s32 @p0 $0x7800;
	s6 =	sadd.s32 @p0 $0x1540, s6  }
0xc1: {  	[spmem:s3] =	stream.indirect.scatter.add.f32 @p0 [tilespmem:s24], [sflag:$0xE], $0x40, s6, s23, $0xb8;
	[tilespmem:$0x1E400] =	vst v63  }
0xc2: {  	s6 =	simm.s32 @!p0 $0x9  }
0xc3: {  	_ =	swait.ge @!p0 [sflag:s6], $0x1000  }
0xc4: {  	[sflag:s6] =	ssyncset.done @!p0 $0x0  }
0xc5: {  	[sflag:s6] =	ssyncadd.s32 @!p0 $0xFFFFF000;
	s6 =	sshra.s32 @!p0 s11, $0x2  }
0xc6: {  	s28 =	simm.s32 @!p0 $0x2800;
	s24 =	simm.s32 @!p0 $0x40;
	s23 =	sadd.s32 @!p0 $0x200, s6  }
0xc7: {  	[tilespmem:s28], [sflag:$0x1] =	stream.indirect.gather @!p0 [spmem:s2], $0x40, s23, s24, $0xb8;
	[tilespmem:$0x1E400] =	vst v63  }
0xc8: {  	s23 =	simm.s32 @!p0 $0x6  }
0xc9: {  	_ =	swait.ge @!p0 [sflag:s23], $0x1000  }
0xca: {  	[sflag:s23] =	ssyncset.done @!p0 $0x0  }
0xcb: {  	s28 =	simm.s32 @!p0 $0x7800;
	[sflag:s23] =	ssyncadd.s32 @!p0 $0xFFFFF000;
	s23 =	sadd.s32 @!p0 $0x1540, s6  }
0xcc: {  	[spmem:s3] =	stream.indirect.scatter.add.f32 @!p0 [tilespmem:s28], [sflag:$0xE], $0x40, s23, s24, $0xb8;
	[tilespmem:$0x1E400] =	vst v63  }
0xcd: {  	s23 =	simm.s32 @!p0 $0xA  }
0xce: {  	_ =	swait.ge @!p0 [sflag:s23], $0x1000  }
0xcf: {  	[sflag:s23] =	ssyncset.done @!p0 $0x0  }
0xd0: {  	s6 =	sadd.s32 @!p0 $0x240, s6;
	[sflag:s23] =	ssyncadd.s32 @!p0 $0xFFFFF000;
	s23 =	simm.s32 @!p0 $0x3800  }
0xd1: {  	[tilespmem:s23], [sflag:$0x2] =	stream.indirect.gather @!p0 [spmem:s2], $0x40, s6, s24, $0xb8;
	[tilespmem:$0x1E400] =	vst v63  }
.Ltmp3:
0xd2: {  	_ = 	snop;
	(pc) =	sbr.rel @p0 .LBB2_6-.Ltmp3, $4  }
0xd3: {  	_ =	swait.ge [sflag:s5], $0x1000  }
0xd4: {  	[sflag:s5] =	ssyncset.done $0x0  }
0xd5: {  	s28 =	sadd.s32 $0x1580, s13;
	s6 =	sadd.s32 $0x15C0, s13;
	[sflag:s5] =	ssyncadd.s32 $0xFFFFF000  }
0xd6: {  	[spmem:s3] =	stream.indirect.scatter.add.f32 [tilespmem:s19], [sflag:$0xF], $0x40, s28, s9, $0xb8;
	[tilespmem:$0x1E400] =	vst v63  }
0xd7: {  	_ =	swait.ge [sflag:s25], $0x1000  }
0xd8: {  	[sflag:s25] =	ssyncset.done $0x0  }
0xd9: {  	s23 =	sadd.s32 $0x280, s13;
	[sflag:s25] =	ssyncadd.s32 $0xFFFFF000  }
0xda: {  	[tilespmem:s12], [sflag:$0x3] =	stream.indirect.gather [spmem:s2], $0x40, s23, s9, $0xb8;
	[tilespmem:$0x1E400] =	vst v63  }
0xdb: {  	_ =	swait.ge [sflag:s31], $0x1000  }
0xdc: {  	[sflag:s31] =	ssyncset.done $0x0  }
0xdd: {  	[sflag:s31] =	ssyncadd.s32 $0xFFFFF000  }
0xde: {  	[spmem:s3] =	stream.indirect.scatter.add.f32 [tilespmem:s21], [sflag:$0x10], $0x40, s6, s9, $0xb8;
	[tilespmem:$0x1E400] =	vst v63  }
.Ltmp4:
0xdf: {  	_ = 	snop;
	(pc) =	sbr.rel .LBB2_4-.Ltmp4, $4  }
0xe0: {  	_ =	swait.ge [sflag:s26], $0x1000  }
0xe1: {  	[sflag:s26] =	ssyncset.done $0x0  }
0xe2: {  	s28 =	sadd.s32 $0x2C0, s13;
	s11 =	sadd.s32 $0x800, s11;
	[sflag:s26] =	ssyncadd.s32 $0xFFFFF000  }
0xe3: {  	[tilespmem:s14], [sflag:$0x4] =	stream.indirect.gather [spmem:s2], $0x40, s28, s9, $0xb8;
	[tilespmem:$0x1E400] =	vst v63  }
.LBB2_6:
0xe4: {  	_ =	swait.ge [sflag:s31], $0x1000  }
0xe5: {  	[sflag:s31] =	ssyncset.done $0x0  }
0xe6: {  	s24 =	simm.s32 $0x9;
	[sflag:s31] =	ssyncadd.s32 $0xFFFFF000  }
0xe7: {  	[spmem:s3] =	stream.indirect.scatter.add.f32 [tilespmem:s21], [sflag:$0x10], $0x40, s6, s9, $0xb8;
	[tilespmem:$0x1E400] =	vst v63  }
0xe8: {  	_ =	swait.ge [sflag:s24], $0x1000  }
0xe9: {  	[sflag:s24] =	ssyncset.done $0x0  }
0xea: {  	s28 =	simm.s32 $0xA;
	[sflag:s24] =	ssyncadd.s32 $0xFFFFF000  }
0xeb: {  	_ =	swait.ge [sflag:s28], $0x1000  }
0xec: {  	[sflag:s28] =	ssyncset.done $0x0  }
0xed: {  	[sflag:s28] =	ssyncadd.s32 $0xFFFFF000  }
0xee: {  	_ =	swait.ge [sflag:s25], $0x1000  }
0xef: {  	[sflag:s25] =	ssyncset.done $0x0  }
0xf0: {  	[sflag:s25] =	ssyncadd.s32 $0xFFFFF000  }
0xf1: {  	_ =	swait.ge [sflag:s26], $0x1000  }
0xf2: {  	[sflag:s26] =	ssyncset.done $0x0  }
0xf3: {  	s11 =	simm.s32 $0xD;
	[sflag:s26] =	ssyncadd.s32 $0xFFFFF000  }
0xf4: {  	_ =	swait.ge [sflag:s11], $0x1000  }
0xf5: {  	[sflag:s11] =	ssyncset.done $0x0  }
0xf6: {  	[sflag:s11] =	ssyncadd.s32 $0xFFFFF000  }
0xf7: {  	_ =	swait.ge [sflag:s29], $0x1000  }
0xf8: {  	[sflag:s29] =	ssyncset.done $0x0  }
0xf9: {  	[sflag:s29] =	ssyncadd.s32 $0xFFFFF000  }
0xfa: {  	_ =	swait.ge [sflag:s8], $0x1000  }
0xfb: {  	[sflag:s8] =	ssyncset.done $0x0  }
0xfc: {  	[sflag:s8] =	ssyncadd.s32 $0xFFFFF000  }
0xfd: {  	_ =	swait.ge [sflag:s0], $0x1000  }
0xfe: {  	[sflag:s0] =	ssyncset.done $0x0  }
0xff: {  	s11 =	simm.s32 $0x0;
	s13 =	rddreg [dreg:$0x11];
	[sflag:s0] =	ssyncadd.s32 $0xFFFFF000  }
0x100: {  	[tilespmem:s11], [sflag:$0x11] =	stream.linear.gather [hbm4b:s13+s11], $0x1400, $0x38;
	[tilespmem:$0x1E400] =	vst v63  }
0x101: {  	_ =	swait.ge [sflag:s7], $0x1400  }
0x102: {  	[sflag:s7] =	ssyncset.done $0x0  }
0x103: {  	s13 =	simm.s32 $0x1400;
	s23 =	rddreg [dreg:$0x12];
	[sflag:s7] =	ssyncadd.s32 $0xFFFFEC00  }
0x104: {  	[tilespmem:s13], [sflag:$0x11] =	stream.linear.gather [hbm4b:s23+s11], $0x1400, $0x38;
	[tilespmem:$0x1E400] =	vst v63  }
0x105: {  	_ =	swait.ge [sflag:s7], $0x1400  }
0x106: {  	[sflag:s7] =	ssyncset.done $0x0  }
0x107: {  	[sflag:s7] =	ssyncadd.s32 $0xFFFFEC00  }
0x108: {  	[tilespmem:s1], [sflag:$0x1] =	stream.indirect.gather [spmem:s2], $0x40, s11, s9, $0xb8;
	[tilespmem:$0x1E400] =	vst v63  }
0x109: {  	_ = 	snop  }
0x10a: {  	[tilespmem:s10], [sflag:$0x2] =	stream.indirect.gather [spmem:s2], $0x40, s9, s9, $0xb8;
	[tilespmem:$0x1E400] =	vst v63  }
0x10b: {  	s24 =	simm.s32 $0x80  }
0x10c: {  	[tilespmem:s12], [sflag:$0x3] =	stream.indirect.gather [spmem:s2], $0x40, s24, s9, $0xb8;
	[tilespmem:$0x1E400] =	vst v63  }
0x10d: {  	s28 =	simm.s32 $0xC0  }
0x10e: {  	[tilespmem:s14], [sflag:$0x4] =	stream.indirect.gather [spmem:s2], $0x40, s28, s9, $0xb8;
	[tilespmem:$0x1E400] =	vst v63  }
.LBB2_7:
0x10f: {  	_ =	swait.ge [sflag:s30], $0x1000  }
0x110: {  	s13 =	sshra.s32 s11, $0x2;
	[sflag:s30] =	ssyncset.done $0x0  }
0x111: {  	p0 =	seq.s32 s11, $0x0;
	s6 =	sadd.s32 $0x1400, s13;
	[sflag:s30] =	ssyncadd.s32 $0xFFFFF000  }
0x112: {  	[spmem:s3] =	stream.indirect.scatter.add.f32 [tilespmem:s1], [sflag:$0x9], $0x40, s6, s9, $0xb8;
	[tilespmem:$0x1E400] =	vst v63  }
0x113: {  	s6 =	simm.s32 @!p0 $0xD  }
0x114: {  	_ =	swait.ge @!p0 [sflag:s6], $0x1000  }
0x115: {  	[sflag:s6] =	ssyncset.done @!p0 $0x0  }
0x116: {  	s23 =	sadd.s32 $0x100, s13;
	[sflag:s6] =	ssyncadd.s32 @!p0 $0xFFFFF000  }
0x117: {  	[tilespmem:s15], [sflag:$0x5] =	stream.indirect.gather [spmem:s2], $0x40, s23, s9, $0xb8;
	[tilespmem:$0x1E400] =	vst v63  }
0x118: {  	_ =	swait.ge [sflag:s16], $0x1000  }
0x119: {  	[sflag:s16] =	ssyncset.done $0x0  }
0x11a: {  	s24 =	sadd.s32 $0x1440, s13;
	s6 =	simm.s32 @!p0 $0xE;
	[sflag:s16] =	ssyncadd.s32 $0xFFFFF000  }
0x11b: {  	[spmem:s3] =	stream.indirect.scatter.add.f32 [tilespmem:s10], [sflag:$0xA], $0x40, s24, s9, $0xb8;
	[tilespmem:$0x1E400] =	vst v63  }
0x11c: {  	_ =	swait.ge @!p0 [sflag:s6], $0x1000  }
0x11d: {  	[sflag:s6] =	ssyncset.done @!p0 $0x0  }
0x11e: {  	s28 =	sadd.s32 $0x140, s13;
	[sflag:s6] =	ssyncadd.s32 @!p0 $0xFFFFF000  }
0x11f: {  	[tilespmem:s17], [sflag:$0x6] =	stream.indirect.gather [spmem:s2], $0x40, s28, s9, $0xb8;
	[tilespmem:$0x1E400] =	vst v63  }
0x120: {  	_ =	swait.ge [sflag:s18], $0x1000  }
0x121: {  	[sflag:s18] =	ssyncset.done $0x0  }
0x122: {  	s23 =	sadd.s32 $0x1480, s13;
	s6 =	simm.s32 @!p0 $0xF;
	[sflag:s18] =	ssyncadd.s32 $0xFFFFF000  }
0x123: {  	[spmem:s3] =	stream.indirect.scatter.add.f32 [tilespmem:s12], [sflag:$0xB], $0x40, s23, s9, $0xb8;
	[tilespmem:$0x1E400] =	vst v63  }
0x124: {  	_ =	swait.ge @!p0 [sflag:s6], $0x1000  }
0x125: {  	[sflag:s6] =	ssyncset.done @!p0 $0x0  }
0x126: {  	s24 =	sadd.s32 $0x180, s13;
	[sflag:s6] =	ssyncadd.s32 @!p0 $0xFFFFF000  }
0x127: {  	[tilespmem:s19], [sflag:$0x7] =	stream.indirect.gather [spmem:s2], $0x40, s24, s9, $0xb8;
	[tilespmem:$0x1E400] =	vst v63  }
0x128: {  	_ =	swait.ge [sflag:s20], $0x1000  }
0x129: {  	[sflag:s20] =	ssyncset.done $0x0  }
0x12a: {  	s28 =	sadd.s32 $0x14C0, s13;
	s6 =	simm.s32 @!p0 $0x10;
	[sflag:s20] =	ssyncadd.s32 $0xFFFFF000  }
0x12b: {  	[spmem:s3] =	stream.indirect.scatter.add.f32 [tilespmem:s14], [sflag:$0xC], $0x40, s28, s9, $0xb8;
	[tilespmem:$0x1E400] =	vst v63  }
0x12c: {  	_ =	swait.ge @!p0 [sflag:s6], $0x1000  }
0x12d: {  	[sflag:s6] =	ssyncset.done @!p0 $0x0  }
0x12e: {  	s23 =	sadd.s32 $0x1C0, s13;
	[sflag:s6] =	ssyncadd.s32 @!p0 $0xFFFFF000  }
0x12f: {  	[tilespmem:s21], [sflag:$0x8] =	stream.indirect.gather [spmem:s2], $0x40, s23, s9, $0xb8;
	[tilespmem:$0x1E400] =	vst v63  }
0x130: {  	_ =	swait.ge [sflag:s22], $0x1000  }
0x131: {  	p0 =	seq.s32 s11, $0x4800;
	[sflag:s22] =	ssyncset.done $0x0  }
0x132: {  	s24 =	sadd.s32 $0x1500, s13;
	s6 =	simm.s32 @p0 $0x6;
	[sflag:s22] =	ssyncadd.s32 $0xFFFFF000  }
0x133: {  	[spmem:s3] =	stream.indirect.scatter.add.f32 [tilespmem:s15], [sflag:$0xD], $0x40, s24, s9, $0xb8;
	[tilespmem:$0x1E400] =	vst v63  }
0x134: {  	_ =	swait.ge @p0 [sflag:s6], $0x1000  }
0x135: {  	[sflag:s6] =	ssyncset.done @p0 $0x0  }
0x136: {  	[sflag:s6] =	ssyncadd.s32 @p0 $0xFFFFF000;
	s6 =	sshra.s32 @p0 s11, $0x2  }
0x137: {  	s23 =	simm.s32 @p0 $0x40;
	s24 =	simm.s32 @p0 $0x7800;
	s6 =	sadd.s32 @p0 $0x1540, s6  }
0x138: {  	[spmem:s3] =	stream.indirect.scatter.add.f32 @p0 [tilespmem:s24], [sflag:$0xE], $0x40, s6, s23, $0xb8;
	[tilespmem:$0x1E400] =	vst v63  }
0x139: {  	s6 =	simm.s32 @!p0 $0x9  }
0x13a: {  	_ =	swait.ge @!p0 [sflag:s6], $0x1000  }
0x13b: {  	[sflag:s6] =	ssyncset.done @!p0 $0x0  }
0x13c: {  	[sflag:s6] =	ssyncadd.s32 @!p0 $0xFFFFF000;
	s6 =	sshra.s32 @!p0 s11, $0x2  }
0x13d: {  	s28 =	simm.s32 @!p0 $0x2800;
	s24 =	simm.s32 @!p0 $0x40;
	s23 =	sadd.s32 @!p0 $0x200, s6  }
0x13e: {  	[tilespmem:s28], [sflag:$0x1] =	stream.indirect.gather @!p0 [spmem:s2], $0x40, s23, s24, $0xb8;
	[tilespmem:$0x1E400] =	vst v63  }
0x13f: {  	s23 =	simm.s32 @!p0 $0x6  }
0x140: {  	_ =	swait.ge @!p0 [sflag:s23], $0x1000  }
0x141: {  	[sflag:s23] =	ssyncset.done @!p0 $0x0  }
0x142: {  	s28 =	simm.s32 @!p0 $0x7800;
	[sflag:s23] =	ssyncadd.s32 @!p0 $0xFFFFF000;
	s23 =	sadd.s32 @!p0 $0x1540, s6  }
0x143: {  	[spmem:s3] =	stream.indirect.scatter.add.f32 @!p0 [tilespmem:s28], [sflag:$0xE], $0x40, s23, s24, $0xb8;
	[tilespmem:$0x1E400] =	vst v63  }
0x144: {  	s23 =	simm.s32 @!p0 $0xA  }
0x145: {  	_ =	swait.ge @!p0 [sflag:s23], $0x1000  }
0x146: {  	[sflag:s23] =	ssyncset.done @!p0 $0x0  }
0x147: {  	s6 =	sadd.s32 @!p0 $0x240, s6;
	[sflag:s23] =	ssyncadd.s32 @!p0 $0xFFFFF000;
	s23 =	simm.s32 @!p0 $0x3800  }
0x148: {  	[tilespmem:s23], [sflag:$0x2] =	stream.indirect.gather @!p0 [spmem:s2], $0x40, s6, s24, $0xb8;
	[tilespmem:$0x1E400] =	vst v63  }
.Ltmp5:
0x149: {  	_ = 	snop;
	(pc) =	sbr.rel @p0 .LBB2_9-.Ltmp5, $4  }
0x14a: {  	_ =	swait.ge [sflag:s5], $0x1000  }
0x14b: {  	[sflag:s5] =	ssyncset.done $0x0  }
0x14c: {  	s28 =	sadd.s32 $0x1580, s13;
	s6 =	sadd.s32 $0x15C0, s13;
	[sflag:s5] =	ssyncadd.s32 $0xFFFFF000  }
0x14d: {  	[spmem:s3] =	stream.indirect.scatter.add.f32 [tilespmem:s19], [sflag:$0xF], $0x40, s28, s9, $0xb8;
	[tilespmem:$0x1E400] =	vst v63  }
0x14e: {  	_ =	swait.ge [sflag:s25], $0x1000  }
0x14f: {  	[sflag:s25] =	ssyncset.done $0x0  }
0x150: {  	s23 =	sadd.s32 $0x280, s13;
	[sflag:s25] =	ssyncadd.s32 $0xFFFFF000  }
0x151: {  	[tilespmem:s12], [sflag:$0x3] =	stream.indirect.gather [spmem:s2], $0x40, s23, s9, $0xb8;
	[tilespmem:$0x1E400] =	vst v63  }
0x152: {  	_ =	swait.ge [sflag:s31], $0x1000  }
0x153: {  	[sflag:s31] =	ssyncset.done $0x0  }
0x154: {  	[sflag:s31] =	ssyncadd.s32 $0xFFFFF000  }
0x155: {  	[spmem:s3] =	stream.indirect.scatter.add.f32 [tilespmem:s21], [sflag:$0x10], $0x40, s6, s9, $0xb8;
	[tilespmem:$0x1E400] =	vst v63  }
.Ltmp6:
0x156: {  	_ = 	snop;
	(pc) =	sbr.rel .LBB2_7-.Ltmp6, $4  }
0x157: {  	_ =	swait.ge [sflag:s26], $0x1000  }
0x158: {  	[sflag:s26] =	ssyncset.done $0x0  }
0x159: {  	s28 =	sadd.s32 $0x2C0, s13;
	s11 =	sadd.s32 $0x800, s11;
	[sflag:s26] =	ssyncadd.s32 $0xFFFFF000  }
0x15a: {  	[tilespmem:s14], [sflag:$0x4] =	stream.indirect.gather [spmem:s2], $0x40, s28, s9, $0xb8;
	[tilespmem:$0x1E400] =	vst v63  }
.LBB2_9:
0x15b: {  	_ =	swait.ge [sflag:s31], $0x1000  }
0x15c: {  	[sflag:s31] =	ssyncset.done $0x0  }
0x15d: {  	s24 =	simm.s32 $0x9;
	[sflag:s31] =	ssyncadd.s32 $0xFFFFF000  }
0x15e: {  	[spmem:s3] =	stream.indirect.scatter.add.f32 [tilespmem:s21], [sflag:$0x10], $0x40, s6, s9, $0xb8;
	[tilespmem:$0x1E400] =	vst v63  }
0x15f: {  	_ =	swait.ge [sflag:s24], $0x1000  }
0x160: {  	[sflag:s24] =	ssyncset.done $0x0  }
0x161: {  	s28 =	simm.s32 $0xA;
	[sflag:s24] =	ssyncadd.s32 $0xFFFFF000  }
0x162: {  	_ =	swait.ge [sflag:s28], $0x1000  }
0x163: {  	[sflag:s28] =	ssyncset.done $0x0  }
0x164: {  	[sflag:s28] =	ssyncadd.s32 $0xFFFFF000  }
0x165: {  	_ =	swait.ge [sflag:s25], $0x1000  }
0x166: {  	[sflag:s25] =	ssyncset.done $0x0  }
0x167: {  	[sflag:s25] =	ssyncadd.s32 $0xFFFFF000  }
0x168: {  	_ =	swait.ge [sflag:s26], $0x1000  }
0x169: {  	[sflag:s26] =	ssyncset.done $0x0  }
0x16a: {  	s11 =	simm.s32 $0xD;
	[sflag:s26] =	ssyncadd.s32 $0xFFFFF000  }
0x16b: {  	_ =	swait.ge [sflag:s11], $0x1000  }
0x16c: {  	[sflag:s11] =	ssyncset.done $0x0  }
0x16d: {  	[sflag:s11] =	ssyncadd.s32 $0xFFFFF000  }
0x16e: {  	_ =	swait.ge [sflag:s29], $0x1000  }
0x16f: {  	[sflag:s29] =	ssyncset.done $0x0  }
0x170: {  	[sflag:s29] =	ssyncadd.s32 $0xFFFFF000  }
0x171: {  	_ =	swait.ge [sflag:s8], $0x1000  }
0x172: {  	[sflag:s8] =	ssyncset.done $0x0  }
0x173: {  	[sflag:s8] =	ssyncadd.s32 $0xFFFFF000  }
0x174: {  	_ =	swait.ge [sflag:s0], $0x1000  }
0x175: {  	[sflag:s0] =	ssyncset.done $0x0  }
0x176: {  	s11 =	simm.s32 $0x0;
	s13 =	rddreg [dreg:$0x13];
	[sflag:s0] =	ssyncadd.s32 $0xFFFFF000  }
0x177: {  	[tilespmem:s11], [sflag:$0x11] =	stream.linear.gather [hbm4b:s13+s11], $0x1400, $0x38;
	[tilespmem:$0x1E400] =	vst v63  }
0x178: {  	_ =	swait.ge [sflag:s7], $0x1400  }
0x179: {  	[sflag:s7] =	ssyncset.done $0x0  }
0x17a: {  	s13 =	simm.s32 $0x1400;
	s23 =	rddreg [dreg:$0x14];
	[sflag:s7] =	ssyncadd.s32 $0xFFFFEC00  }
0x17b: {  	[tilespmem:s13], [sflag:$0x11] =	stream.linear.gather [hbm4b:s23+s11], $0x1400, $0x38;
	[tilespmem:$0x1E400] =	vst v63  }
0x17c: {  	_ =	swait.ge [sflag:s7], $0x1400  }
0x17d: {  	[sflag:s7] =	ssyncset.done $0x0  }
0x17e: {  	[sflag:s7] =	ssyncadd.s32 $0xFFFFEC00  }
0x17f: {  	[tilespmem:s1], [sflag:$0x1] =	stream.indirect.gather [spmem:s2], $0x40, s11, s9, $0xb8;
	[tilespmem:$0x1E400] =	vst v63  }
0x180: {  	_ = 	snop  }
0x181: {  	[tilespmem:s10], [sflag:$0x2] =	stream.indirect.gather [spmem:s2], $0x40, s9, s9, $0xb8;
	[tilespmem:$0x1E400] =	vst v63  }
0x182: {  	s24 =	simm.s32 $0x80  }
0x183: {  	[tilespmem:s12], [sflag:$0x3] =	stream.indirect.gather [spmem:s2], $0x40, s24, s9, $0xb8;
	[tilespmem:$0x1E400] =	vst v63  }
0x184: {  	s28 =	simm.s32 $0xC0  }
0x185: {  	[tilespmem:s14], [sflag:$0x4] =	stream.indirect.gather [spmem:s2], $0x40, s28, s9, $0xb8;
	[tilespmem:$0x1E400] =	vst v63  }
.LBB2_10:
0x186: {  	_ =	swait.ge [sflag:s30], $0x1000  }
0x187: {  	s13 =	sshra.s32 s11, $0x2;
	[sflag:s30] =	ssyncset.done $0x0  }
0x188: {  	p0 =	seq.s32 s11, $0x0;
	s6 =	sadd.s32 $0x1400, s13;
	[sflag:s30] =	ssyncadd.s32 $0xFFFFF000  }
0x189: {  	[spmem:s3] =	stream.indirect.scatter.add.f32 [tilespmem:s1], [sflag:$0x9], $0x40, s6, s9, $0xb8;
	[tilespmem:$0x1E400] =	vst v63  }
0x18a: {  	s6 =	simm.s32 @!p0 $0xD  }
0x18b: {  	_ =	swait.ge @!p0 [sflag:s6], $0x1000  }
0x18c: {  	[sflag:s6] =	ssyncset.done @!p0 $0x0  }
0x18d: {  	s23 =	sadd.s32 $0x100, s13;
	[sflag:s6] =	ssyncadd.s32 @!p0 $0xFFFFF000  }
0x18e: {  	[tilespmem:s15], [sflag:$0x5] =	stream.indirect.gather [spmem:s2], $0x40, s23, s9, $0xb8;
	[tilespmem:$0x1E400] =	vst v63  }
0x18f: {  	_ =	swait.ge [sflag:s16], $0x1000  }
0x190: {  	[sflag:s16] =	ssyncset.done $0x0  }
0x191: {  	s24 =	sadd.s32 $0x1440, s13;
	s6 =	simm.s32 @!p0 $0xE;
	[sflag:s16] =	ssyncadd.s32 $0xFFFFF000  }
0x192: {  	[spmem:s3] =	stream.indirect.scatter.add.f32 [tilespmem:s10], [sflag:$0xA], $0x40, s24, s9, $0xb8;
	[tilespmem:$0x1E400] =	vst v63  }
0x193: {  	_ =	swait.ge @!p0 [sflag:s6], $0x1000  }
0x194: {  	[sflag:s6] =	ssyncset.done @!p0 $0x0  }
0x195: {  	s28 =	sadd.s32 $0x140, s13;
	[sflag:s6] =	ssyncadd.s32 @!p0 $0xFFFFF000  }
0x196: {  	[tilespmem:s17], [sflag:$0x6] =	stream.indirect.gather [spmem:s2], $0x40, s28, s9, $0xb8;
	[tilespmem:$0x1E400] =	vst v63  }
0x197: {  	_ =	swait.ge [sflag:s18], $0x1000  }
0x198: {  	[sflag:s18] =	ssyncset.done $0x0  }
0x199: {  	s23 =	sadd.s32 $0x1480, s13;
	s6 =	simm.s32 @!p0 $0xF;
	[sflag:s18] =	ssyncadd.s32 $0xFFFFF000  }
0x19a: {  	[spmem:s3] =	stream.indirect.scatter.add.f32 [tilespmem:s12], [sflag:$0xB], $0x40, s23, s9, $0xb8;
	[tilespmem:$0x1E400] =	vst v63  }
0x19b: {  	_ =	swait.ge @!p0 [sflag:s6], $0x1000  }
0x19c: {  	[sflag:s6] =	ssyncset.done @!p0 $0x0  }
0x19d: {  	s24 =	sadd.s32 $0x180, s13;
	[sflag:s6] =	ssyncadd.s32 @!p0 $0xFFFFF000  }
0x19e: {  	[tilespmem:s19], [sflag:$0x7] =	stream.indirect.gather [spmem:s2], $0x40, s24, s9, $0xb8;
	[tilespmem:$0x1E400] =	vst v63  }
0x19f: {  	_ =	swait.ge [sflag:s20], $0x1000  }
0x1a0: {  	[sflag:s20] =	ssyncset.done $0x0  }
0x1a1: {  	s28 =	sadd.s32 $0x14C0, s13;
	s6 =	simm.s32 @!p0 $0x10;
	[sflag:s20] =	ssyncadd.s32 $0xFFFFF000  }
0x1a2: {  	[spmem:s3] =	stream.indirect.scatter.add.f32 [tilespmem:s14], [sflag:$0xC], $0x40, s28, s9, $0xb8;
	[tilespmem:$0x1E400] =	vst v63  }
0x1a3: {  	_ =	swait.ge @!p0 [sflag:s6], $0x1000  }
0x1a4: {  	[sflag:s6] =	ssyncset.done @!p0 $0x0  }
0x1a5: {  	s23 =	sadd.s32 $0x1C0, s13;
	[sflag:s6] =	ssyncadd.s32 @!p0 $0xFFFFF000  }
0x1a6: {  	[tilespmem:s21], [sflag:$0x8] =	stream.indirect.gather [spmem:s2], $0x40, s23, s9, $0xb8;
	[tilespmem:$0x1E400] =	vst v63  }
0x1a7: {  	_ =	swait.ge [sflag:s22], $0x1000  }
0x1a8: {  	p0 =	seq.s32 s11, $0x4800;
	[sflag:s22] =	ssyncset.done $0x0  }
0x1a9: {  	s24 =	sadd.s32 $0x1500, s13;
	s6 =	simm.s32 @p0 $0x6;
	[sflag:s22] =	ssyncadd.s32 $0xFFFFF000  }
0x1aa: {  	[spmem:s3] =	stream.indirect.scatter.add.f32 [tilespmem:s15], [sflag:$0xD], $0x40, s24, s9, $0xb8;
	[tilespmem:$0x1E400] =	vst v63  }
0x1ab: {  	_ =	swait.ge @p0 [sflag:s6], $0x1000  }
0x1ac: {  	[sflag:s6] =	ssyncset.done @p0 $0x0  }
0x1ad: {  	[sflag:s6] =	ssyncadd.s32 @p0 $0xFFFFF000;
	s6 =	sshra.s32 @p0 s11, $0x2  }
0x1ae: {  	s23 =	simm.s32 @p0 $0x40;
	s24 =	simm.s32 @p0 $0x7800;
	s6 =	sadd.s32 @p0 $0x1540, s6  }
0x1af: {  	[spmem:s3] =	stream.indirect.scatter.add.f32 @p0 [tilespmem:s24], [sflag:$0xE], $0x40, s6, s23, $0xb8;
	[tilespmem:$0x1E400] =	vst v63  }
0x1b0: {  	s6 =	simm.s32 @!p0 $0x9  }
0x1b1: {  	_ =	swait.ge @!p0 [sflag:s6], $0x1000  }
0x1b2: {  	[sflag:s6] =	ssyncset.done @!p0 $0x0  }
0x1b3: {  	[sflag:s6] =	ssyncadd.s32 @!p0 $0xFFFFF000;
	s6 =	sshra.s32 @!p0 s11, $0x2  }
0x1b4: {  	s28 =	simm.s32 @!p0 $0x2800;
	s24 =	simm.s32 @!p0 $0x40;
	s23 =	sadd.s32 @!p0 $0x200, s6  }
0x1b5: {  	[tilespmem:s28], [sflag:$0x1] =	stream.indirect.gather @!p0 [spmem:s2], $0x40, s23, s24, $0xb8;
	[tilespmem:$0x1E400] =	vst v63  }
0x1b6: {  	s23 =	simm.s32 @!p0 $0x6  }
0x1b7: {  	_ =	swait.ge @!p0 [sflag:s23], $0x1000  }
0x1b8: {  	[sflag:s23] =	ssyncset.done @!p0 $0x0  }
0x1b9: {  	s28 =	simm.s32 @!p0 $0x7800;
	[sflag:s23] =	ssyncadd.s32 @!p0 $0xFFFFF000;
	s23 =	sadd.s32 @!p0 $0x1540, s6  }
0x1ba: {  	[spmem:s3] =	stream.indirect.scatter.add.f32 @!p0 [tilespmem:s28], [sflag:$0xE], $0x40, s23, s24, $0xb8;
	[tilespmem:$0x1E400] =	vst v63  }
0x1bb: {  	s23 =	simm.s32 @!p0 $0xA  }
0x1bc: {  	_ =	swait.ge @!p0 [sflag:s23], $0x1000  }
0x1bd: {  	[sflag:s23] =	ssyncset.done @!p0 $0x0  }
0x1be: {  	s6 =	sadd.s32 @!p0 $0x240, s6;
	[sflag:s23] =	ssyncadd.s32 @!p0 $0xFFFFF000;
	s23 =	simm.s32 @!p0 $0x3800  }
0x1bf: {  	[tilespmem:s23], [sflag:$0x2] =	stream.indirect.gather @!p0 [spmem:s2], $0x40, s6, s24, $0xb8;
	[tilespmem:$0x1E400] =	vst v63  }
.Ltmp7:
0x1c0: {  	_ = 	snop;
	(pc) =	sbr.rel @p0 .LBB2_12-.Ltmp7, $4  }
0x1c1: {  	_ =	swait.ge [sflag:s5], $0x1000  }
0x1c2: {  	[sflag:s5] =	ssyncset.done $0x0  }
0x1c3: {  	s28 =	sadd.s32 $0x1580, s13;
	s6 =	sadd.s32 $0x15C0, s13;
	[sflag:s5] =	ssyncadd.s32 $0xFFFFF000  }
0x1c4: {  	[spmem:s3] =	stream.indirect.scatter.add.f32 [tilespmem:s19], [sflag:$0xF], $0x40, s28, s9, $0xb8;
	[tilespmem:$0x1E400] =	vst v63  }
0x1c5: {  	_ =	swait.ge [sflag:s25], $0x1000  }
0x1c6: {  	[sflag:s25] =	ssyncset.done $0x0  }
0x1c7: {  	s23 =	sadd.s32 $0x280, s13;
	[sflag:s25] =	ssyncadd.s32 $0xFFFFF000  }
0x1c8: {  	[tilespmem:s12], [sflag:$0x3] =	stream.indirect.gather [spmem:s2], $0x40, s23, s9, $0xb8;
	[tilespmem:$0x1E400] =	vst v63  }
0x1c9: {  	_ =	swait.ge [sflag:s31], $0x1000  }
0x1ca: {  	[sflag:s31] =	ssyncset.done $0x0  }
0x1cb: {  	[sflag:s31] =	ssyncadd.s32 $0xFFFFF000  }
0x1cc: {  	[spmem:s3] =	stream.indirect.scatter.add.f32 [tilespmem:s21], [sflag:$0x10], $0x40, s6, s9, $0xb8;
	[tilespmem:$0x1E400] =	vst v63  }
.Ltmp8:
0x1cd: {  	_ = 	snop;
	(pc) =	sbr.rel .LBB2_10-.Ltmp8, $4  }
0x1ce: {  	_ =	swait.ge [sflag:s26], $0x1000  }
0x1cf: {  	[sflag:s26] =	ssyncset.done $0x0  }
0x1d0: {  	s28 =	sadd.s32 $0x2C0, s13;
	s11 =	sadd.s32 $0x800, s11;
	[sflag:s26] =	ssyncadd.s32 $0xFFFFF000  }
0x1d1: {  	[tilespmem:s14], [sflag:$0x4] =	stream.indirect.gather [spmem:s2], $0x40, s28, s9, $0xb8;
	[tilespmem:$0x1E400] =	vst v63  }
.LBB2_12:
0x1d2: {  	_ =	swait.ge [sflag:s31], $0x1000  }
0x1d3: {  	[sflag:s31] =	ssyncset.done $0x0  }
0x1d4: {  	s24 =	simm.s32 $0x9;
	[sflag:s31] =	ssyncadd.s32 $0xFFFFF000  }
0x1d5: {  	[spmem:s3] =	stream.indirect.scatter.add.f32 [tilespmem:s21], [sflag:$0x10], $0x40, s6, s9, $0xb8;
	[tilespmem:$0x1E400] =	vst v63  }
0x1d6: {  	_ =	swait.ge [sflag:s24], $0x1000  }
0x1d7: {  	[sflag:s24] =	ssyncset.done $0x0  }
0x1d8: {  	s28 =	simm.s32 $0xA;
	[sflag:s24] =	ssyncadd.s32 $0xFFFFF000  }
0x1d9: {  	_ =	swait.ge [sflag:s28], $0x1000  }
0x1da: {  	[sflag:s28] =	ssyncset.done $0x0  }
0x1db: {  	[sflag:s28] =	ssyncadd.s32 $0xFFFFF000  }
0x1dc: {  	_ =	swait.ge [sflag:s25], $0x1000  }
0x1dd: {  	[sflag:s25] =	ssyncset.done $0x0  }
0x1de: {  	[sflag:s25] =	ssyncadd.s32 $0xFFFFF000  }
0x1df: {  	_ =	swait.ge [sflag:s26], $0x1000  }
0x1e0: {  	[sflag:s26] =	ssyncset.done $0x0  }
0x1e1: {  	s11 =	simm.s32 $0xD;
	[sflag:s26] =	ssyncadd.s32 $0xFFFFF000  }
0x1e2: {  	_ =	swait.ge [sflag:s11], $0x1000  }
0x1e3: {  	[sflag:s11] =	ssyncset.done $0x0  }
0x1e4: {  	[sflag:s11] =	ssyncadd.s32 $0xFFFFF000  }
0x1e5: {  	_ =	swait.ge [sflag:s29], $0x1000  }
0x1e6: {  	[sflag:s29] =	ssyncset.done $0x0  }
0x1e7: {  	[sflag:s29] =	ssyncadd.s32 $0xFFFFF000  }
0x1e8: {  	_ =	swait.ge [sflag:s8], $0x1000  }
0x1e9: {  	[sflag:s8] =	ssyncset.done $0x0  }
0x1ea: {  	[sflag:s8] =	ssyncadd.s32 $0xFFFFF000  }
0x1eb: {  	_ =	swait.ge [sflag:s0], $0x1000  }
0x1ec: {  	[sflag:s0] =	ssyncset.done $0x0  }
0x1ed: {  	s11 =	simm.s32 $0x0;
	s13 =	rddreg [dreg:$0x15];
	[sflag:s0] =	ssyncadd.s32 $0xFFFFF000  }
0x1ee: {  	[tilespmem:s11], [sflag:$0x11] =	stream.linear.gather [hbm4b:s13+s11], $0x1400, $0x38;
	[tilespmem:$0x1E400] =	vst v63  }
0x1ef: {  	_ =	swait.ge [sflag:s7], $0x1400  }
0x1f0: {  	[sflag:s7] =	ssyncset.done $0x0  }
0x1f1: {  	s13 =	simm.s32 $0x1400;
	s23 =	rddreg [dreg:$0x16];
	[sflag:s7] =	ssyncadd.s32 $0xFFFFEC00  }
0x1f2: {  	[tilespmem:s13], [sflag:$0x11] =	stream.linear.gather [hbm4b:s23+s11], $0x1400, $0x38;
	[tilespmem:$0x1E400] =	vst v63  }
0x1f3: {  	_ =	swait.ge [sflag:s7], $0x1400  }
0x1f4: {  	[sflag:s7] =	ssyncset.done $0x0  }
0x1f5: {  	[sflag:s7] =	ssyncadd.s32 $0xFFFFEC00  }
0x1f6: {  	[tilespmem:s1], [sflag:$0x1] =	stream.indirect.gather [spmem:s2], $0x40, s11, s9, $0xb8;
	[tilespmem:$0x1E400] =	vst v63  }
0x1f7: {  	_ = 	snop  }
0x1f8: {  	[tilespmem:s10], [sflag:$0x2] =	stream.indirect.gather [spmem:s2], $0x40, s9, s9, $0xb8;
	[tilespmem:$0x1E400] =	vst v63  }
0x1f9: {  	s24 =	simm.s32 $0x80  }
0x1fa: {  	[tilespmem:s12], [sflag:$0x3] =	stream.indirect.gather [spmem:s2], $0x40, s24, s9, $0xb8;
	[tilespmem:$0x1E400] =	vst v63  }
0x1fb: {  	s28 =	simm.s32 $0xC0  }
0x1fc: {  	[tilespmem:s14], [sflag:$0x4] =	stream.indirect.gather [spmem:s2], $0x40, s28, s9, $0xb8;
	[tilespmem:$0x1E400] =	vst v63  }
.LBB2_13:
0x1fd: {  	_ =	swait.ge [sflag:s30], $0x1000  }
0x1fe: {  	s13 =	sshra.s32 s11, $0x2;
	[sflag:s30] =	ssyncset.done $0x0  }
0x1ff: {  	p0 =	seq.s32 s11, $0x0;
	s6 =	sadd.s32 $0x1400, s13;
	[sflag:s30] =	ssyncadd.s32 $0xFFFFF000  }
0x200: {  	[spmem:s3] =	stream.indirect.scatter.add.f32 [tilespmem:s1], [sflag:$0x9], $0x40, s6, s9, $0xb8;
	[tilespmem:$0x1E400] =	vst v63  }
0x201: {  	s6 =	simm.s32 @!p0 $0xD  }
0x202: {  	_ =	swait.ge @!p0 [sflag:s6], $0x1000  }
0x203: {  	[sflag:s6] =	ssyncset.done @!p0 $0x0  }
0x204: {  	s23 =	sadd.s32 $0x100, s13;
	[sflag:s6] =	ssyncadd.s32 @!p0 $0xFFFFF000  }
0x205: {  	[tilespmem:s15], [sflag:$0x5] =	stream.indirect.gather [spmem:s2], $0x40, s23, s9, $0xb8;
	[tilespmem:$0x1E400] =	vst v63  }
0x206: {  	_ =	swait.ge [sflag:s16], $0x1000  }
0x207: {  	[sflag:s16] =	ssyncset.done $0x0  }
0x208: {  	s24 =	sadd.s32 $0x1440, s13;
	s6 =	simm.s32 @!p0 $0xE;
	[sflag:s16] =	ssyncadd.s32 $0xFFFFF000  }
0x209: {  	[spmem:s3] =	stream.indirect.scatter.add.f32 [tilespmem:s10], [sflag:$0xA], $0x40, s24, s9, $0xb8;
	[tilespmem:$0x1E400] =	vst v63  }
0x20a: {  	_ =	swait.ge @!p0 [sflag:s6], $0x1000  }
0x20b: {  	[sflag:s6] =	ssyncset.done @!p0 $0x0  }
0x20c: {  	s28 =	sadd.s32 $0x140, s13;
	[sflag:s6] =	ssyncadd.s32 @!p0 $0xFFFFF000  }
0x20d: {  	[tilespmem:s17], [sflag:$0x6] =	stream.indirect.gather [spmem:s2], $0x40, s28, s9, $0xb8;
	[tilespmem:$0x1E400] =	vst v63  }
0x20e: {  	_ =	swait.ge [sflag:s18], $0x1000  }
0x20f: {  	[sflag:s18] =	ssyncset.done $0x0  }
0x210: {  	s23 =	sadd.s32 $0x1480, s13;
	s6 =	simm.s32 @!p0 $0xF;
	[sflag:s18] =	ssyncadd.s32 $0xFFFFF000  }
0x211: {  	[spmem:s3] =	stream.indirect.scatter.add.f32 [tilespmem:s12], [sflag:$0xB], $0x40, s23, s9, $0xb8;
	[tilespmem:$0x1E400] =	vst v63  }
0x212: {  	_ =	swait.ge @!p0 [sflag:s6], $0x1000  }
0x213: {  	[sflag:s6] =	ssyncset.done @!p0 $0x0  }
0x214: {  	s24 =	sadd.s32 $0x180, s13;
	[sflag:s6] =	ssyncadd.s32 @!p0 $0xFFFFF000  }
0x215: {  	[tilespmem:s19], [sflag:$0x7] =	stream.indirect.gather [spmem:s2], $0x40, s24, s9, $0xb8;
	[tilespmem:$0x1E400] =	vst v63  }
0x216: {  	_ =	swait.ge [sflag:s20], $0x1000  }
0x217: {  	[sflag:s20] =	ssyncset.done $0x0  }
0x218: {  	s28 =	sadd.s32 $0x14C0, s13;
	s6 =	simm.s32 @!p0 $0x10;
	[sflag:s20] =	ssyncadd.s32 $0xFFFFF000  }
0x219: {  	[spmem:s3] =	stream.indirect.scatter.add.f32 [tilespmem:s14], [sflag:$0xC], $0x40, s28, s9, $0xb8;
	[tilespmem:$0x1E400] =	vst v63  }
0x21a: {  	_ =	swait.ge @!p0 [sflag:s6], $0x1000  }
0x21b: {  	[sflag:s6] =	ssyncset.done @!p0 $0x0  }
0x21c: {  	s23 =	sadd.s32 $0x1C0, s13;
	[sflag:s6] =	ssyncadd.s32 @!p0 $0xFFFFF000  }
0x21d: {  	[tilespmem:s21], [sflag:$0x8] =	stream.indirect.gather [spmem:s2], $0x40, s23, s9, $0xb8;
	[tilespmem:$0x1E400] =	vst v63  }
0x21e: {  	_ =	swait.ge [sflag:s22], $0x1000  }
0x21f: {  	p0 =	seq.s32 s11, $0x4800;
	[sflag:s22] =	ssyncset.done $0x0  }
0x220: {  	s24 =	sadd.s32 $0x1500, s13;
	s6 =	simm.s32 @p0 $0x6;
	[sflag:s22] =	ssyncadd.s32 $0xFFFFF000  }
0x221: {  	[spmem:s3] =	stream.indirect.scatter.add.f32 [tilespmem:s15], [sflag:$0xD], $0x40, s24, s9, $0xb8;
	[tilespmem:$0x1E400] =	vst v63  }
0x222: {  	_ =	swait.ge @p0 [sflag:s6], $0x1000  }
0x223: {  	[sflag:s6] =	ssyncset.done @p0 $0x0  }
0x224: {  	[sflag:s6] =	ssyncadd.s32 @p0 $0xFFFFF000;
	s6 =	sshra.s32 @p0 s11, $0x2  }
0x225: {  	s23 =	simm.s32 @p0 $0x40;
	s24 =	simm.s32 @p0 $0x7800;
	s6 =	sadd.s32 @p0 $0x1540, s6  }
0x226: {  	[spmem:s3] =	stream.indirect.scatter.add.f32 @p0 [tilespmem:s24], [sflag:$0xE], $0x40, s6, s23, $0xb8;
	[tilespmem:$0x1E400] =	vst v63  }
0x227: {  	s6 =	simm.s32 @!p0 $0x9  }
0x228: {  	_ =	swait.ge @!p0 [sflag:s6], $0x1000  }
0x229: {  	[sflag:s6] =	ssyncset.done @!p0 $0x0  }
0x22a: {  	[sflag:s6] =	ssyncadd.s32 @!p0 $0xFFFFF000;
	s6 =	sshra.s32 @!p0 s11, $0x2  }
0x22b: {  	s28 =	simm.s32 @!p0 $0x2800;
	s24 =	simm.s32 @!p0 $0x40;
	s23 =	sadd.s32 @!p0 $0x200, s6  }
0x22c: {  	[tilespmem:s28], [sflag:$0x1] =	stream.indirect.gather @!p0 [spmem:s2], $0x40, s23, s24, $0xb8;
	[tilespmem:$0x1E400] =	vst v63  }
0x22d: {  	s23 =	simm.s32 @!p0 $0x6  }
0x22e: {  	_ =	swait.ge @!p0 [sflag:s23], $0x1000  }
0x22f: {  	[sflag:s23] =	ssyncset.done @!p0 $0x0  }
0x230: {  	s28 =	simm.s32 @!p0 $0x7800;
	[sflag:s23] =	ssyncadd.s32 @!p0 $0xFFFFF000;
	s23 =	sadd.s32 @!p0 $0x1540, s6  }
0x231: {  	[spmem:s3] =	stream.indirect.scatter.add.f32 @!p0 [tilespmem:s28], [sflag:$0xE], $0x40, s23, s24, $0xb8;
	[tilespmem:$0x1E400] =	vst v63  }
0x232: {  	s23 =	simm.s32 @!p0 $0xA  }
0x233: {  	_ =	swait.ge @!p0 [sflag:s23], $0x1000  }
0x234: {  	[sflag:s23] =	ssyncset.done @!p0 $0x0  }
0x235: {  	s6 =	sadd.s32 @!p0 $0x240, s6;
	[sflag:s23] =	ssyncadd.s32 @!p0 $0xFFFFF000;
	s23 =	simm.s32 @!p0 $0x3800  }
0x236: {  	[tilespmem:s23], [sflag:$0x2] =	stream.indirect.gather @!p0 [spmem:s2], $0x40, s6, s24, $0xb8;
	[tilespmem:$0x1E400] =	vst v63  }
.Ltmp9:
0x237: {  	_ = 	snop;
	(pc) =	sbr.rel @p0 .LBB2_15-.Ltmp9, $4  }
0x238: {  	_ =	swait.ge [sflag:s5], $0x1000  }
0x239: {  	[sflag:s5] =	ssyncset.done $0x0  }
0x23a: {  	s28 =	sadd.s32 $0x1580, s13;
	s6 =	sadd.s32 $0x15C0, s13;
	[sflag:s5] =	ssyncadd.s32 $0xFFFFF000  }
0x23b: {  	[spmem:s3] =	stream.indirect.scatter.add.f32 [tilespmem:s19], [sflag:$0xF], $0x40, s28, s9, $0xb8;
	[tilespmem:$0x1E400] =	vst v63  }
0x23c: {  	_ =	swait.ge [sflag:s25], $0x1000  }
0x23d: {  	[sflag:s25] =	ssyncset.done $0x0  }
0x23e: {  	s23 =	sadd.s32 $0x280, s13;
	[sflag:s25] =	ssyncadd.s32 $0xFFFFF000  }
0x23f: {  	[tilespmem:s12], [sflag:$0x3] =	stream.indirect.gather [spmem:s2], $0x40, s23, s9, $0xb8;
	[tilespmem:$0x1E400] =	vst v63  }
0x240: {  	_ =	swait.ge [sflag:s31], $0x1000  }
0x241: {  	[sflag:s31] =	ssyncset.done $0x0  }
0x242: {  	[sflag:s31] =	ssyncadd.s32 $0xFFFFF000  }
0x243: {  	[spmem:s3] =	stream.indirect.scatter.add.f32 [tilespmem:s21], [sflag:$0x10], $0x40, s6, s9, $0xb8;
	[tilespmem:$0x1E400] =	vst v63  }
.Ltmp10:
0x244: {  	_ = 	snop;
	(pc) =	sbr.rel .LBB2_13-.Ltmp10, $4  }
0x245: {  	_ =	swait.ge [sflag:s26], $0x1000  }
0x246: {  	[sflag:s26] =	ssyncset.done $0x0  }
0x247: {  	s28 =	sadd.s32 $0x2C0, s13;
	s11 =	sadd.s32 $0x800, s11;
	[sflag:s26] =	ssyncadd.s32 $0xFFFFF000  }
0x248: {  	[tilespmem:s14], [sflag:$0x4] =	stream.indirect.gather [spmem:s2], $0x40, s28, s9, $0xb8;
	[tilespmem:$0x1E400] =	vst v63  }
.LBB2_16:
0x249: {  	_ =	sfence.sel $0x180000  }
0x24a: {  	[bflag:$0x0] =	sbarrier.arrive $0xFFFF  }
0x24b: {  	_ =	strace $0x90000047  }
0x24c: {  	s0 =	stileid.u32;
	[bflag:$0x2] =	sbarrier.arrive $0xFFFF  }
0x24d: {  	p0 =	sne.s32 s0, $0x0;
	s0 =	rddreg [dreg:$0x5]  }
0x24e: {  	s0 =	sadd.s32 @!p0 $0x100000, s0  }
0x24f: {  	[sflag:s0] =	ssyncadd.tile.s32 @!p0 $0x1;
	_ =	shalt  }
.Lfunc_end2:
_tile_overlayer_lowered:
.L_overlay_start_2:
0x250: {  	(tag) =	ssettag $0x2  }
0x251: {  	s0 =	rddreg [dreg:$0x0];
	s2 =	stileid.u32  }
0x252: {  	s1 =	rddreg [dreg:$0x1];
	p0 =	sne.s32 s2, $0x0  }
0x253: {  	s3 =	rddreg [dreg:$0x2];
	[bflag:$0x3] =	sbarrier.arrive $0xFFFF;
	s2 =	simm.s32 @!p0 $0x1C11  }
0x254: {  	[timem:s3], [sflag:s2] =	dma.local @!p0 [hbm:s0], s1  }
0x255: {  	s0 =	simm.s32 @!p0 $0x11  }
0x256: {  	_ =	swait.ge @!p0 [sflag:s0], s1  }
0x257: {  	s1 =	ssub.s32 @!p0 $0x0, s1;
	[sflag:s0] =	ssyncset.done @!p0 $0x0  }
0x258: {  	[sflag:s0] =	ssyncadd.s32 @!p0 s1  }
0x259: {  	[bflag:$0x3] =	sbarrier.arrive $0xFFFF  }
0x25a: {  	_ =	shalt  }

</sc_bundles>
